<compile_context>
chip_gen: v7x
topology: tpu7x:2x2x1
jax: 0.10.2.dev20260603
libtpu: 0.0.44.dev20260713+nightly
codegen_flags: <defaults>
</compile_context>

<pallas_src>
import functools

import jax
import jax.numpy as jnp
from jax import lax
from jax.experimental import pallas as pl
from jax.experimental.pallas import tpu as pltpu
from jax.experimental.pallas import tpu_sc as plsc

N = 10000
D_IN = 128
HID = 128
D_OUT = 64
K = 10
ALPHA = 0.1

NC = 2
NS = 16
NW = NC * NS
C = 128

NP = 10240
STRIPE = NP // NS
B = 1024
NBUF = 4
NB = NP // B

_mesh = plsc.VectorSubcoreMesh(
    core_axis_name="c", subcore_axis_name="s", num_cores=NC, num_subcores=NS)

_sc_params = pltpu.CompilerParams(use_tc_tiling_on_sc=False)


def _deg_body(cpt, cols_hbm, zeros_hbm, ones_hbm, degp_hbm,
              idxc, ones_v, acc, sem):
    c = lax.axis_index("c")
    s = lax.axis_index("s")
    wid = c * NS + s
    st = pl.ds(s * STRIPE, STRIPE)
    pltpu.sync_copy(cols_hbm.at[wid], idxc)
    pltpu.sync_copy(ones_hbm, ones_v)
    pltpu.sync_copy(zeros_hbm.at[st], acc.at[st])
    plsc.subcore_barrier()

    for j0 in range(3):
        pltpu.async_copy(ones_v, acc.at[idxc.at[j0]], sem, add=True)

    def body(j, carry):
        @pl.when(j + 3 < cpt)
        def _():
            pltpu.async_copy(ones_v, acc.at[idxc.at[j + 3]], sem, add=True)

        pltpu.make_async_copy(ones_v, acc.at[idxc.at[j]], sem).wait()
        return carry

    lax.fori_loop(0, cpt, body, 0)
    plsc.subcore_barrier()
    pltpu.sync_copy(acc.at[st], degp_hbm.at[c, st])


def _make_deg_kernel(cpt):
    return pl.kernel(
        functools.partial(_deg_body, cpt),
        out_type=jax.ShapeDtypeStruct((NC, NP), jnp.float32),
        mesh=_mesh,
        compiler_params=_sc_params,
        scratch_types=[
            pltpu.VMEM((cpt, C), jnp.int32),
            pltpu.VMEM((C,), jnp.float32),
            pltpu.VMEM_SHARED((NP,), jnp.float32),
            pltpu.SemaphoreType.DMA,
        ],
    )


def _mega_body(cpt, w0_hbm, hb_hbm, sm_hbm, rows_hbm, cols_hbm,
               p_hbm, wown_hbm, idxr, idxc, buf, acc, sem, bsem):
    c = lax.axis_index("c")
    s = lax.axis_index("s")
    wid = c * NS + s
    st = pl.ds(s * STRIPE, STRIPE)
    pltpu.sync_copy(rows_hbm.at[wid], idxr)
    pltpu.sync_copy(cols_hbm.at[wid], idxc)

    def xbarrier():
        plsc.subcore_barrier()

        @pl.when(s == 0)
        def _():
            pltpu.core_barrier(bsem, core_axis_name="c")

        plsc.subcore_barrier()

    pltpu.sync_copy(w0_hbm.at[st], wown_hbm.at[c, st])

    @pl.when(c == 0)
    def _():
        pltpu.sync_copy(w0_hbm.at[st], acc.at[st])

    @pl.when(c == 1)
    def _():
        pltpu.sync_copy(hb_hbm.at[st], acc.at[st])

    plsc.subcore_barrier()

    def step(k, carry):
        for j0 in range(NBUF - 1):
            pltpu.async_copy(wown_hbm.at[c].at[idxr.at[j0]], buf.at[j0], sem)

        def body(j, carry2):
            b = lax.rem(j, NBUF)
            fb = lax.rem(j + NBUF - 1, NBUF)

            @pl.when(j + NBUF - 1 < cpt)
            def _():
                pltpu.async_copy(
                    wown_hbm.at[c].at[idxr.at[j + NBUF - 1]], buf.at[fb], sem)

            pltpu.make_async_copy(
                wown_hbm.at[c].at[idxr.at[j]], buf.at[b], sem).wait()
            pltpu.sync_copy(buf.at[b], acc.at[idxc.at[j]], add=True)
            return carry2

        lax.fori_loop(0, cpt, body, 0)
        plsc.subcore_barrier()

        pltpu.sync_copy(acc.at[st], p_hbm.at[c, st])
        xbarrier()

        @pl.when(k < K - 1)
        def _():
            _combine_phase()

        return carry

    def _combine_phase():
        oc = 1 - c
        nq = STRIPE // C
        pltpu.async_copy(
            p_hbm.at[oc, pl.ds(s * STRIPE, C)], buf.at[0], sem)
        pltpu.async_copy(
            sm_hbm.at[0, pl.ds(s * STRIPE, C)], buf.at[4], sem)
        for q in range(nq):
            qs = pl.ds(s * STRIPE + q * C, C)
            pb = q % 2
            sb = 4 + q % 2
            if q + 1 < nq:
                nxt = pl.ds(s * STRIPE + (q + 1) * C, C)
                pltpu.async_copy(p_hbm.at[oc, nxt], buf.at[(q + 1) % 2], sem)
                pltpu.async_copy(sm_hbm.at[0, nxt], buf.at[4 + (q + 1) % 2], sem)
            pltpu.sync_copy(acc.at[qs], buf.at[2])
            pltpu.make_async_copy(p_hbm.at[oc, qs], buf.at[pb], sem).wait()
            pltpu.make_async_copy(sm_hbm.at[0, qs], buf.at[sb], sem).wait()

            def cbody(r, carry3, _pb=pb, _sb=sb):
                for u in range(2):
                    for t in range(4):
                        ts = pl.ds(t * 16, 16)
                        buf[3, 2 * r + u, ts] = buf[_sb, 2 * r + u, ts] * (
                            buf[2, 2 * r + u, ts] + buf[_pb, 2 * r + u, ts])
                return carry3

            lax.fori_loop(0, C // 2, cbody, 0)
            pltpu.sync_copy(buf.at[3], wown_hbm.at[c, qs])

            @pl.when(c == 0)
            def _():
                pltpu.sync_copy(buf.at[3], acc.at[qs])

        @pl.when(c == 1)
        def _():
            pltpu.sync_copy(hb_hbm.at[st], acc.at[st])

        xbarrier()

    lax.fori_loop(0, K, step, 0)


def _make_mega_kernel(cpt):
    return pl.kernel(
        functools.partial(_mega_body, cpt),
        out_type=(
            jax.ShapeDtypeStruct((NC, NP, D_OUT), jnp.float32),
            jax.ShapeDtypeStruct((NC, NP, D_OUT), jnp.float32),
        ),
        mesh=_mesh,
        compiler_params=_sc_params,
        scratch_types=[
            pltpu.VMEM((cpt, C), jnp.int32),
            pltpu.VMEM((cpt, C), jnp.int32),
            pltpu.VMEM((NBUF + 2, C, D_OUT), jnp.float32),
            pltpu.VMEM_SHARED((NP, D_OUT), jnp.float32),
            pltpu.SemaphoreType.DMA,
            pltpu.SemaphoreType.REGULAR,
        ],
    )


def _mlp_block(x_ref, w1_ref, b1_ref, w2_ref, b2_ref, h_ref):
    h = jnp.dot(x_ref[...], w1_ref[...], preferred_element_type=jnp.float32)
    h = jnp.maximum(h + b1_ref[...], 0.0)
    h = jnp.dot(h, w2_ref[...], preferred_element_type=jnp.float32)
    h_ref[...] = h + b2_ref[...]


_mlp_kernel = pl.pallas_call(
    _mlp_block,
    grid=(NB,),
    in_specs=[
        pl.BlockSpec((B, D_IN), lambda i: (i, 0)),
        pl.BlockSpec((D_IN, HID), lambda i: (0, 0)),
        pl.BlockSpec((1, HID), lambda i: (0, 0)),
        pl.BlockSpec((HID, D_OUT), lambda i: (0, 0)),
        pl.BlockSpec((1, D_OUT), lambda i: (0, 0)),
    ],
    out_specs=pl.BlockSpec((B, D_OUT), lambda i: (i, 0)),
    out_shape=jax.ShapeDtypeStruct((NP, D_OUT), jnp.float32),
)


def _prep_block(h_ref, deg_ref, w0_ref, hb_ref, sm_ref, sf_ref):
    dr = deg_ref[...]
    deg = jnp.maximum(dr[0] + dr[1] + 1.0, 1.0)
    dis = lax.rsqrt(deg)
    dinv = 1.0 / deg
    h = h_ref[...]
    w0_ref[...] = dis[:, None] * h
    hb_ref[...] = (ALPHA / (1.0 - ALPHA)) * (deg * dis)[:, None] * h
    sm_ref[...] = jnp.broadcast_to(((1.0 - ALPHA) * dinv)[:, None], (B, D_OUT))
    sf_ref[...] = ((1.0 - ALPHA) * dis)[:, None]


_prep_kernel = pl.pallas_call(
    _prep_block,
    grid=(NB,),
    in_specs=[
        pl.BlockSpec((B, D_OUT), lambda i: (i, 0)),
        pl.BlockSpec((NC, B), lambda i: (0, i)),
    ],
    out_specs=[
        pl.BlockSpec((B, D_OUT), lambda i: (i, 0)),
        pl.BlockSpec((B, D_OUT), lambda i: (i, 0)),
        pl.BlockSpec((B, D_OUT), lambda i: (i, 0)),
        pl.BlockSpec((B, 1), lambda i: (i, 0)),
    ],
    out_shape=[
        jax.ShapeDtypeStruct((NP, D_OUT), jnp.float32),
        jax.ShapeDtypeStruct((NP, D_OUT), jnp.float32),
        jax.ShapeDtypeStruct((NP, D_OUT), jnp.float32),
        jax.ShapeDtypeStruct((NP, 1), jnp.float32),
    ],
)


def _combine_block(p_ref, s_ref, w_ref):
    w_ref[...] = s_ref[...] * (p_ref[0] + p_ref[1])


_combine_kernel = pl.pallas_call(
    _combine_block,
    grid=(NB,),
    in_specs=[
        pl.BlockSpec((NC, B, D_OUT), lambda i: (0, i, 0)),
        pl.BlockSpec((B, 1), lambda i: (i, 0)),
    ],
    out_specs=pl.BlockSpec((B, D_OUT), lambda i: (i, 0)),
    out_shape=jax.ShapeDtypeStruct((NP, D_OUT), jnp.float32),
)


def kernel(x, edge_index, W1, b1, W2, b2):
    E = edge_index.shape[1]
    cpt = -(-E // (NW * C))
    epad = NW * cpt * C
    pad = epad - E

    row = edge_index[0]
    col = edge_index[1]
    if pad:
        pr = jnp.arange(pad, dtype=jnp.int32) % N
        pc = N + jnp.arange(pad, dtype=jnp.int32) % (NP - N)
        row = jnp.concatenate([row, pr])
        col = jnp.concatenate([col, pc])
    rows3 = row.reshape(NW, cpt, C)
    cols3 = col.reshape(NW, cpt, C)

    zeros_np = jnp.zeros((NP,), jnp.float32)
    ones_c = jnp.ones((C,), jnp.float32)
    degp = _make_deg_kernel(cpt)(cols3, zeros_np, ones_c)

    xp = jnp.pad(x, ((0, NP - N), (0, 0)))
    h = _mlp_kernel(xp, W1, b1.reshape(1, HID), W2, b2.reshape(1, D_OUT))
    w0, hbv, smid, sfin = _prep_kernel(h, degp)
    scales = smid.reshape(1, NP, D_OUT)

    p, _ = _make_mega_kernel(cpt)(w0, hbv, scales, rows3, cols3)
    w = _combine_kernel(p, sfin)
    return w[:N]

# --- scband reference (transcript-rebuilt; emitter-appended) ---
"""Pipeline reference for scband-appnp-43611097924209 (READ-ONLY COPY).

The authoritative reference and input builder live on the scoring server;
editing this copy changes nothing except your own understanding.
"""

import jax, jax.numpy as jnp
import numpy as np

N = 10000
E = 640000
D_IN = 128
HID = 128
D_OUT = 64
K = 10
ALPHA = 0.1


def setup_inputs(seed: int = 0) -> dict:
    key = jax.random.key(seed)
    k1, k2, k3, k4, k5, k6 = jax.random.split(key, 6)
    x = jax.random.normal(k1, (N, D_IN), dtype=jnp.float32)
    edge_index = jax.random.randint(k2, (2, E), 0, N, dtype=jnp.int32)
    s1 = float(np.sqrt(2.0 / (D_IN + HID)))
    s2 = float(np.sqrt(2.0 / (HID + D_OUT)))
    W1 = jax.random.normal(k3, (D_IN, HID), dtype=jnp.float32) * s1
    b1 = jnp.zeros((HID,), dtype=jnp.float32)
    W2 = jax.random.normal(k4, (HID, D_OUT), dtype=jnp.float32) * s2
    b2 = jnp.zeros((D_OUT,), dtype=jnp.float32)
    return {"x": x, "edge_index": edge_index, "W1": W1, "b1": b1, "W2": W2, "b2": b2}


def reference(x, edge_index, W1, b1, W2, b2):
    # MLP head (dropout p=0.0 / eval mode -> identity)
    h = jax.nn.relu(jnp.dot(x, W1) + b1)
    h = jnp.dot(h, W2) + b2
    # GCN normalization with self-loops (PyG APPNP default)
    loop = jnp.arange(N, dtype=edge_index.dtype)
    row = jnp.concatenate([edge_index[0], loop])
    col = jnp.concatenate([edge_index[1], loop])
    w = jnp.ones(row.shape[0], dtype=jnp.float32)
    deg = jax.ops.segment_sum(w, col, num_segments=N)
    deg_inv_sqrt = jnp.where(deg > 0, jax.lax.rsqrt(jnp.maximum(deg, 1e-12)), 0.0)
    norm = deg_inv_sqrt[row] * deg_inv_sqrt[col]
    # APPNP propagation: x_{k+1} = (1-alpha) * A_hat x_k + alpha * h
    out = h
    for _ in range(K):
        msg = norm[:, None] * jnp.take(out, row, axis=0)
        agg = jax.ops.segment_sum(msg, col, num_segments=N)
        out = (1.0 - ALPHA) * agg + ALPHA * h
    return out

if __name__ == "__main__":
    import jax
    _d = setup_inputs()
    print(jax.jit(kernel)(*tuple(_d.values())))

</pallas_src>

<mosaic_0001>
#map = affine_map<(d0, d1) -> (0, 0, 0)>
#map1 = affine_map<(d0, d1) -> (0)>
#map2 = affine_map<(d0, d1) -> (0, 0)>
module attributes {stable_mosaic.version = 14 : i64} {
  func.func @_deg_body(%arg0: i32, %arg1: i32, %arg2: memref<32x157x128xi32, #tpu.memory_space<hbm>>, %arg3: memref<10240xf32, #tpu.memory_space<hbm>>, %arg4: memref<128xf32, #tpu.memory_space<hbm>>, %arg5: memref<2x10240xf32, #tpu.memory_space<hbm>>, %arg6: memref<157x128xi32, #tpu.memory_space<vmem>>, %arg7: memref<128xf32, #tpu.memory_space<vmem>>, %arg8: memref<10240xf32, #tpu.memory_space<vmem_shared>>, %arg9: memref<!tpu.dma_semaphore, #tpu.memory_space<semaphore_mem>>) attributes {dimension_semantics = [#tpu.dimension_semantics<core_parallel>, #tpu.dimension_semantics<subcore_parallel>], iteration_bounds = array<i64: 2, 16>, scalar_prefetch = 0 : i64, scratch_operands = 4 : i64, tpu.core_type = #tpu.core_type<sc_vector_subcore>, window_params = [{transform_indices = #map}, {transform_indices = #map1}, {transform_indices = #map1}, {transform_indices = #map2}]} {
    %mul3A = arith.constant 16 : i32
    %mul3A_0 = arith.muli %arg0, %mul3A : i32
    %add3A = arith.addi %mul3A_0, %arg1 : i32
    %mul3A_1 = arith.constant 640 : i32
    %mul3A_2 = arith.muli %arg1, %mul3A_1 : i32
    "tpu.region"() ({
      %run_scoped3A = tpu.sem_alloc : memref<!tpu.dma_semaphore, #tpu.memory_space<semaphore_mem>>
      %dma_start3A_26 = arith.constant 0 : i32
      %dma_start3A_27 = arith.constant 0 : i32
      %dma_start3A_28 = tpu.memref_slice %arg2[%add3A, %dma_start3A_26, %dma_start3A_27] : memref<32x157x128xi32, #tpu.memory_space<hbm>> -> memref<1x157x128xi32, #tpu.memory_space<hbm>>
      %dma_start3A_29 = tpu.memref_squeeze %dma_start3A_28 : memref<1x157x128xi32, #tpu.memory_space<hbm>> -> memref<157x128xi32, #tpu.memory_space<hbm>>
      %dma_start3A_30 = arith.constant 0 : i32
      %dma_start3A_31 = arith.constant 0 : i32
      %dma_start3A_32 = tpu.memref_slice %arg2[%add3A, %dma_start3A_30, %dma_start3A_31] : memref<32x157x128xi32, #tpu.memory_space<hbm>> -> memref<1x157x128xi32, #tpu.memory_space<hbm>>
      %dma_start3A_33 = tpu.memref_squeeze %dma_start3A_32 : memref<1x157x128xi32, #tpu.memory_space<hbm>> -> memref<157x128xi32, #tpu.memory_space<hbm>>
      tpu.enqueue_dma source(%dma_start3A_33 : memref<157x128xi32, #tpu.memory_space<hbm>>) target(%arg6 : memref<157x128xi32, #tpu.memory_space<vmem>>) target_semaphore(%run_scoped3A : memref<!tpu.dma_semaphore, #tpu.memory_space<semaphore_mem>>)
      %dma_wait3A = arith.constant 0 : i32
      %dma_wait3A_34 = arith.constant 0 : i32
      %dma_wait3A_35 = tpu.memref_slice %arg2[%add3A, %dma_wait3A, %dma_wait3A_34] : memref<32x157x128xi32, #tpu.memory_space<hbm>> -> memref<1x157x128xi32, #tpu.memory_space<hbm>>
      %dma_wait3A_36 = tpu.memref_squeeze %dma_wait3A_35 : memref<1x157x128xi32, #tpu.memory_space<hbm>> -> memref<157x128xi32, #tpu.memory_space<hbm>>
      %dma_wait3A_37 = arith.constant 0 : i32
      %dma_wait3A_38 = arith.constant 0 : i32
      %dma_wait3A_39 = tpu.memref_slice %arg2[%add3A, %dma_wait3A_37, %dma_wait3A_38] : memref<32x157x128xi32, #tpu.memory_space<hbm>> -> memref<1x157x128xi32, #tpu.memory_space<hbm>>
      %dma_wait3A_40 = tpu.memref_squeeze %dma_wait3A_39 : memref<1x157x128xi32, #tpu.memory_space<hbm>> -> memref<157x128xi32, #tpu.memory_space<hbm>>
      tpu.wait_dma2 semaphore(%run_scoped3A : memref<!tpu.dma_semaphore, #tpu.memory_space<semaphore_mem>>) src(%dma_wait3A_40 : memref<157x128xi32, #tpu.memory_space<hbm>>) dst(%arg6 : memref<157x128xi32, #tpu.memory_space<vmem>>)
      tpu.yield
    }) : () -> ()
    "tpu.region"() ({
      %run_scoped3A = tpu.sem_alloc : memref<!tpu.dma_semaphore, #tpu.memory_space<semaphore_mem>>
      tpu.enqueue_dma source(%arg4 : memref<128xf32, #tpu.memory_space<hbm>>) target(%arg7 : memref<128xf32, #tpu.memory_space<vmem>>) target_semaphore(%run_scoped3A : memref<!tpu.dma_semaphore, #tpu.memory_space<semaphore_mem>>)
      tpu.wait_dma2 semaphore(%run_scoped3A : memref<!tpu.dma_semaphore, #tpu.memory_space<semaphore_mem>>) src(%arg4 : memref<128xf32, #tpu.memory_space<hbm>>) dst(%arg7 : memref<128xf32, #tpu.memory_space<vmem>>)
      tpu.yield
    }) : () -> ()
    "tpu.region"() ({
      %run_scoped3A = tpu.sem_alloc : memref<!tpu.dma_semaphore, #tpu.memory_space<semaphore_mem>>
      %dma_start3A_26 = tpu.memref_slice %arg8[%mul3A_2] : memref<10240xf32, #tpu.memory_space<vmem_shared>> -> memref<640xf32, #tpu.memory_space<vmem_shared>>
      %dma_start3A_27 = tpu.memref_slice %arg3[%mul3A_2] : memref<10240xf32, #tpu.memory_space<hbm>> -> memref<640xf32, #tpu.memory_space<hbm>>
      tpu.enqueue_dma source(%dma_start3A_27 : memref<640xf32, #tpu.memory_space<hbm>>) target(%dma_start3A_26 : memref<640xf32, #tpu.memory_space<vmem_shared>>) target_semaphore(%run_scoped3A : memref<!tpu.dma_semaphore, #tpu.memory_space<semaphore_mem>>)
      %dma_wait3A = tpu.memref_slice %arg8[%mul3A_2] : memref<10240xf32, #tpu.memory_space<vmem_shared>> -> memref<640xf32, #tpu.memory_space<vmem_shared>>
      %dma_wait3A_28 = tpu.memref_slice %arg3[%mul3A_2] : memref<10240xf32, #tpu.memory_space<hbm>> -> memref<640xf32, #tpu.memory_space<hbm>>
      tpu.wait_dma2 semaphore(%run_scoped3A : memref<!tpu.dma_semaphore, #tpu.memory_space<semaphore_mem>>) src(%dma_wait3A_28 : memref<640xf32, #tpu.memory_space<hbm>>) dst(%dma_wait3A : memref<640xf32, #tpu.memory_space<vmem_shared>>)
      tpu.yield
    }) : () -> ()
    %barrier3A = arith.constant 0 : index
    tpu.barrier barrier_id(%barrier3A)
    %dma_start3A = arith.constant 0 : i32
    %dma_start3A_3 = arith.constant 0 : i32
    %dma_start3A_4 = tpu.memref_slice %arg6[%dma_start3A, %dma_start3A_3] : memref<157x128xi32, #tpu.memory_space<vmem>> -> memref<1x128xi32, #tpu.memory_space<vmem>>
    %dma_start3A_5 = tpu.memref_squeeze %dma_start3A_4 : memref<1x128xi32, #tpu.memory_space<vmem>> -> memref<128xi32, #tpu.memory_space<vmem>>
    %dma_start3A_6 = arith.constant 0 : i32
    %dma_start3A_7 = tpu.memref_slice %arg8[%dma_start3A_6] : memref<10240xf32, #tpu.memory_space<vmem_shared>> -> memref<10240xf32, #tpu.memory_space<vmem_shared>>
    tpu.enqueue_indirect_dma source(%arg7 : memref<128xf32, #tpu.memory_space<vmem>>) target(%dma_start3A_7 : memref<10240xf32, #tpu.memory_space<vmem_shared>>) offsets(%dma_start3A_5 : memref<128xi32, #tpu.memory_space<vmem>>) semaphore(%arg9 : memref<!tpu.dma_semaphore, #tpu.memory_space<semaphore_mem>>) {add = true}
    %dma_start3A_8 = arith.constant 1 : i32
    %dma_start3A_9 = arith.constant 0 : i32
    %dma_start3A_10 = tpu.memref_slice %arg6[%dma_start3A_8, %dma_start3A_9] : memref<157x128xi32, #tpu.memory_space<vmem>> -> memref<1x128xi32, #tpu.memory_space<vmem>>
    %dma_start3A_11 = tpu.memref_squeeze %dma_start3A_10 : memref<1x128xi32, #tpu.memory_space<vmem>> -> memref<128xi32, #tpu.memory_space<vmem>>
    %dma_start3A_12 = arith.constant 0 : i32
    %dma_start3A_13 = tpu.memref_slice %arg8[%dma_start3A_12] : memref<10240xf32, #tpu.memory_space<vmem_shared>> -> memref<10240xf32, #tpu.memory_space<vmem_shared>>
    tpu.enqueue_indirect_dma source(%arg7 : memref<128xf32, #tpu.memory_space<vmem>>) target(%dma_start3A_13 : memref<10240xf32, #tpu.memory_space<vmem_shared>>) offsets(%dma_start3A_11 : memref<128xi32, #tpu.memory_space<vmem>>) semaphore(%arg9 : memref<!tpu.dma_semaphore, #tpu.memory_space<semaphore_mem>>) {add = true}
    %dma_start3A_14 = arith.constant 2 : i32
    %dma_start3A_15 = arith.constant 0 : i32
    %dma_start3A_16 = tpu.memref_slice %arg6[%dma_start3A_14, %dma_start3A_15] : memref<157x128xi32, #tpu.memory_space<vmem>> -> memref<1x128xi32, #tpu.memory_space<vmem>>
    %dma_start3A_17 = tpu.memref_squeeze %dma_start3A_16 : memref<1x128xi32, #tpu.memory_space<vmem>> -> memref<128xi32, #tpu.memory_space<vmem>>
    %dma_start3A_18 = arith.constant 0 : i32
    %dma_start3A_19 = tpu.memref_slice %arg8[%dma_start3A_18] : memref<10240xf32, #tpu.memory_space<vmem_shared>> -> memref<10240xf32, #tpu.memory_space<vmem_shared>>
    tpu.enqueue_indirect_dma source(%arg7 : memref<128xf32, #tpu.memory_space<vmem>>) target(%dma_start3A_19 : memref<10240xf32, #tpu.memory_space<vmem_shared>>) offsets(%dma_start3A_17 : memref<128xi32, #tpu.memory_space<vmem>>) semaphore(%arg9 : memref<!tpu.dma_semaphore, #tpu.memory_space<semaphore_mem>>) {add = true}
    %scan3A = arith.constant 0 : i32
    %scan3A_20 = arith.constant 0 : i32
    %scan3A_21 = arith.constant 157 : i32
    %scan3A_22 = arith.addi %scan3A_20, %scan3A_21 : i32
    %scan3A_23 = arith.constant 1 : i32
    scf.for %scan3A_26 = %scan3A_20 to %scan3A_22 step %scan3A_23  : i32 {
      %add3A_27 = arith.constant 3 : i32
      %add3A_28 = arith.addi %scan3A_26, %add3A_27 : i32
      %lt3A = arith.constant 157 : i32
      %lt3A_29 = arith.cmpi slt, %add3A_28, %lt3A : i32
      %convert_element_type3A = arith.extui %lt3A_29 : i1 to i32
      %cond3A = arith.constant 0 : i32
      %cond3A_30 = arith.cmpi ne, %convert_element_type3A, %cond3A : i32
      scf.if %cond3A_30 {
        %add3A_35 = arith.constant 3 : i32
        %add3A_36 = arith.addi %scan3A_26, %add3A_35 : i32
        %dma_start3A_37 = arith.constant 0 : i32
        %dma_start3A_38 = tpu.memref_slice %arg6[%add3A_36, %dma_start3A_37] : memref<157x128xi32, #tpu.memory_space<vmem>> -> memref<1x128xi32, #tpu.memory_space<vmem>>
        %dma_start3A_39 = tpu.memref_squeeze %dma_start3A_38 : memref<1x128xi32, #tpu.memory_space<vmem>> -> memref<128xi32, #tpu.memory_space<vmem>>
        %dma_start3A_40 = arith.constant 0 : i32
        %dma_start3A_41 = tpu.memref_slice %arg8[%dma_start3A_40] : memref<10240xf32, #tpu.memory_space<vmem_shared>> -> memref<10240xf32, #tpu.memory_space<vmem_shared>>
        tpu.enqueue_indirect_dma source(%arg7 : memref<128xf32, #tpu.memory_space<vmem>>) target(%dma_start3A_41 : memref<10240xf32, #tpu.memory_space<vmem_shared>>) offsets(%dma_start3A_39 : memref<128xi32, #tpu.memory_space<vmem>>) semaphore(%arg9 : memref<!tpu.dma_semaphore, #tpu.memory_space<semaphore_mem>>) {add = true}
      } else {
      }
      %dma_wait3A = arith.constant 0 : i32
      %dma_wait3A_31 = tpu.memref_slice %arg6[%scan3A_26, %dma_wait3A] : memref<157x128xi32, #tpu.memory_space<vmem>> -> memref<1x128xi32, #tpu.memory_space<vmem>>
      %dma_wait3A_32 = tpu.memref_squeeze %dma_wait3A_31 : memref<1x128xi32, #tpu.memory_space<vmem>> -> memref<128xi32, #tpu.memory_space<vmem>>
      %dma_wait3A_33 = arith.constant 0 : i32
      %dma_wait3A_34 = tpu.memref_slice %arg8[%dma_wait3A_33] : memref<10240xf32, #tpu.memory_space<vmem_shared>> -> memref<10240xf32, #tpu.memory_space<vmem_shared>>
      tpu.wait_indirect_dma semaphore(%arg9 : memref<!tpu.dma_semaphore, #tpu.memory_space<semaphore_mem>>) src(%arg7 : memref<128xf32, #tpu.memory_space<vmem>>) dst(%dma_wait3A_34 : memref<10240xf32, #tpu.memory_space<vmem_shared>>)
    }
    %scan3A_24 = arith.constant 157 : i32
    %barrier3A_25 = arith.constant 0 : index
    tpu.barrier barrier_id(%barrier3A_25)
    "tpu.region"() ({
      %run_scoped3A = tpu.sem_alloc : memref<!tpu.dma_semaphore, #tpu.memory_space<semaphore_mem>>
      %dma_start3A_26 = tpu.memref_slice %arg5[%arg0, %mul3A_2] : memref<2x10240xf32, #tpu.memory_space<hbm>> -> memref<1x640xf32, #tpu.memory_space<hbm>>
      %dma_start3A_27 = tpu.memref_squeeze %dma_start3A_26 : memref<1x640xf32, #tpu.memory_space<hbm>> -> memref<640xf32, #tpu.memory_space<hbm>>
      %dma_start3A_28 = tpu.memref_slice %arg8[%mul3A_2] : memref<10240xf32, #tpu.memory_space<vmem_shared>> -> memref<640xf32, #tpu.memory_space<vmem_shared>>
      tpu.enqueue_dma source(%dma_start3A_28 : memref<640xf32, #tpu.memory_space<vmem_shared>>) target(%dma_start3A_27 : memref<640xf32, #tpu.memory_space<hbm>>) target_semaphore(%run_scoped3A : memref<!tpu.dma_semaphore, #tpu.memory_space<semaphore_mem>>)
      %dma_wait3A = tpu.memref_slice %arg5[%arg0, %mul3A_2] : memref<2x10240xf32, #tpu.memory_space<hbm>> -> memref<1x640xf32, #tpu.memory_space<hbm>>
      %dma_wait3A_29 = tpu.memref_squeeze %dma_wait3A : memref<1x640xf32, #tpu.memory_space<hbm>> -> memref<640xf32, #tpu.memory_space<hbm>>
      %dma_wait3A_30 = tpu.memref_slice %arg8[%mul3A_2] : memref<10240xf32, #tpu.memory_space<vmem_shared>> -> memref<640xf32, #tpu.memory_space<vmem_shared>>
      tpu.wait_dma2 semaphore(%run_scoped3A : memref<!tpu.dma_semaphore, #tpu.memory_space<semaphore_mem>>) src(%dma_wait3A_30 : memref<640xf32, #tpu.memory_space<vmem_shared>>) dst(%dma_wait3A_29 : memref<640xf32, #tpu.memory_space<hbm>>)
      tpu.yield
    }) : () -> ()
    return
  }
}

#map = affine_map<(d0, d1) -> (0, 0)>
#map1 = affine_map<(d0, d1) -> (0, 0, 0)>
module attributes {stable_mosaic.version = 14 : i64} {
  func.func @_mega_body(%arg0: i32, %arg1: i32, %arg2: memref<10240x64xf32, #tpu.memory_space<hbm>>, %arg3: memref<10240x64xf32, #tpu.memory_space<hbm>>, %arg4: memref<1x10240x64xf32, #tpu.memory_space<hbm>>, %arg5: memref<32x157x128xi32, #tpu.memory_space<hbm>>, %arg6: memref<32x157x128xi32, #tpu.memory_space<hbm>>, %arg7: memref<2x10240x64xf32, #tpu.memory_space<hbm>>, %arg8: memref<2x10240x64xf32, #tpu.memory_space<hbm>>, %arg9: memref<157x128xi32, #tpu.memory_space<vmem>>, %arg10: memref<157x128xi32, #tpu.memory_space<vmem>>, %arg11: memref<6x128x64xf32, #tpu.memory_space<vmem>>, %arg12: memref<10240x64xf32, #tpu.memory_space<vmem_shared>>, %arg13: memref<!tpu.dma_semaphore, #tpu.memory_space<semaphore_mem>>, %arg14: memref<!tpu.semaphore, #tpu.memory_space<semaphore_mem>>) attributes {dimension_semantics = [#tpu.dimension_semantics<core_parallel>, #tpu.dimension_semantics<subcore_parallel>], iteration_bounds = array<i64: 2, 16>, scalar_prefetch = 0 : i64, scratch_operands = 6 : i64, tpu.core_type = #tpu.core_type<sc_vector_subcore>, window_params = [{transform_indices = #map}, {transform_indices = #map}, {transform_indices = #map1}, {transform_indices = #map1}, {transform_indices = #map1}, {transform_indices = #map1}, {transform_indices = #map1}]} {
    %mul3A = arith.constant 16 : i32
    %mul3A_0 = arith.muli %arg0, %mul3A : i32
    %add3A = arith.addi %mul3A_0, %arg1 : i32
    %mul3A_1 = arith.constant 640 : i32
    %mul3A_2 = arith.muli %arg1, %mul3A_1 : i32
    "tpu.region"() ({
      %run_scoped3A = tpu.sem_alloc : memref<!tpu.dma_semaphore, #tpu.memory_space<semaphore_mem>>
      %dma_start3A = arith.constant 0 : i32
      %dma_start3A_15 = arith.constant 0 : i32
      %dma_start3A_16 = tpu.memref_slice %arg5[%add3A, %dma_start3A, %dma_start3A_15] : memref<32x157x128xi32, #tpu.memory_space<hbm>> -> memref<1x157x128xi32, #tpu.memory_space<hbm>>
      %dma_start3A_17 = tpu.memref_squeeze %dma_start3A_16 : memref<1x157x128xi32, #tpu.memory_space<hbm>> -> memref<157x128xi32, #tpu.memory_space<hbm>>
      %dma_start3A_18 = arith.constant 0 : i32
      %dma_start3A_19 = arith.constant 0 : i32
      %dma_start3A_20 = tpu.memref_slice %arg5[%add3A, %dma_start3A_18, %dma_start3A_19] : memref<32x157x128xi32, #tpu.memory_space<hbm>> -> memref<1x157x128xi32, #tpu.memory_space<hbm>>
      %dma_start3A_21 = tpu.memref_squeeze %dma_start3A_20 : memref<1x157x128xi32, #tpu.memory_space<hbm>> -> memref<157x128xi32, #tpu.memory_space<hbm>>
      tpu.enqueue_dma source(%dma_start3A_21 : memref<157x128xi32, #tpu.memory_space<hbm>>) target(%arg9 : memref<157x128xi32, #tpu.memory_space<vmem>>) target_semaphore(%run_scoped3A : memref<!tpu.dma_semaphore, #tpu.memory_space<semaphore_mem>>)
      %dma_wait3A = arith.constant 0 : i32
      %dma_wait3A_22 = arith.constant 0 : i32
      %dma_wait3A_23 = tpu.memref_slice %arg5[%add3A, %dma_wait3A, %dma_wait3A_22] : memref<32x157x128xi32, #tpu.memory_space<hbm>> -> memref<1x157x128xi32, #tpu.memory_space<hbm>>
      %dma_wait3A_24 = tpu.memref_squeeze %dma_wait3A_23 : memref<1x157x128xi32, #tpu.memory_space<hbm>> -> memref<157x128xi32, #tpu.memory_space<hbm>>
      %dma_wait3A_25 = arith.constant 0 : i32
      %dma_wait3A_26 = arith.constant 0 : i32
      %dma_wait3A_27 = tpu.memref_slice %arg5[%add3A, %dma_wait3A_25, %dma_wait3A_26] : memref<32x157x128xi32, #tpu.memory_space<hbm>> -> memref<1x157x128xi32, #tpu.memory_space<hbm>>
      %dma_wait3A_28 = tpu.memref_squeeze %dma_wait3A_27 : memref<1x157x128xi32, #tpu.memory_space<hbm>> -> memref<157x128xi32, #tpu.memory_space<hbm>>
      tpu.wait_dma2 semaphore(%run_scoped3A : memref<!tpu.dma_semaphore, #tpu.memory_space<semaphore_mem>>) src(%dma_wait3A_28 : memref<157x128xi32, #tpu.memory_space<hbm>>) dst(%arg9 : memref<157x128xi32, #tpu.memory_space<vmem>>)
      tpu.yield
    }) : () -> ()
    "tpu.region"() ({
      %run_scoped3A = tpu.sem_alloc : memref<!tpu.dma_semaphore, #tpu.memory_space<semaphore_mem>>
      %dma_start3A = arith.constant 0 : i32
      %dma_start3A_15 = arith.constant 0 : i32
      %dma_start3A_16 = tpu.memref_slice %arg6[%add3A, %dma_start3A, %dma_start3A_15] : memref<32x157x128xi32, #tpu.memory_space<hbm>> -> memref<1x157x128xi32, #tpu.memory_space<hbm>>
      %dma_start3A_17 = tpu.memref_squeeze %dma_start3A_16 : memref<1x157x128xi32, #tpu.memory_space<hbm>> -> memref<157x128xi32, #tpu.memory_space<hbm>>
      %dma_start3A_18 = arith.constant 0 : i32
      %dma_start3A_19 = arith.constant 0 : i32
      %dma_start3A_20 = tpu.memref_slice %arg6[%add3A, %dma_start3A_18, %dma_start3A_19] : memref<32x157x128xi32, #tpu.memory_space<hbm>> -> memref<1x157x128xi32, #tpu.memory_space<hbm>>
      %dma_start3A_21 = tpu.memref_squeeze %dma_start3A_20 : memref<1x157x128xi32, #tpu.memory_space<hbm>> -> memref<157x128xi32, #tpu.memory_space<hbm>>
      tpu.enqueue_dma source(%dma_start3A_21 : memref<157x128xi32, #tpu.memory_space<hbm>>) target(%arg10 : memref<157x128xi32, #tpu.memory_space<vmem>>) target_semaphore(%run_scoped3A : memref<!tpu.dma_semaphore, #tpu.memory_space<semaphore_mem>>)
      %dma_wait3A = arith.constant 0 : i32
      %dma_wait3A_22 = arith.constant 0 : i32
      %dma_wait3A_23 = tpu.memref_slice %arg6[%add3A, %dma_wait3A, %dma_wait3A_22] : memref<32x157x128xi32, #tpu.memory_space<hbm>> -> memref<1x157x128xi32, #tpu.memory_space<hbm>>
      %dma_wait3A_24 = tpu.memref_squeeze %dma_wait3A_23 : memref<1x157x128xi32, #tpu.memory_space<hbm>> -> memref<157x128xi32, #tpu.memory_space<hbm>>
      %dma_wait3A_25 = arith.constant 0 : i32
      %dma_wait3A_26 = arith.constant 0 : i32
      %dma_wait3A_27 = tpu.memref_slice %arg6[%add3A, %dma_wait3A_25, %dma_wait3A_26] : memref<32x157x128xi32, #tpu.memory_space<hbm>> -> memref<1x157x128xi32, #tpu.memory_space<hbm>>
      %dma_wait3A_28 = tpu.memref_squeeze %dma_wait3A_27 : memref<1x157x128xi32, #tpu.memory_space<hbm>> -> memref<157x128xi32, #tpu.memory_space<hbm>>
      tpu.wait_dma2 semaphore(%run_scoped3A : memref<!tpu.dma_semaphore, #tpu.memory_space<semaphore_mem>>) src(%dma_wait3A_28 : memref<157x128xi32, #tpu.memory_space<hbm>>) dst(%arg10 : memref<157x128xi32, #tpu.memory_space<vmem>>)
      tpu.yield
    }) : () -> ()
    "tpu.region"() ({
      %run_scoped3A = tpu.sem_alloc : memref<!tpu.dma_semaphore, #tpu.memory_space<semaphore_mem>>
      %dma_start3A = arith.constant 0 : i32
      %dma_start3A_15 = tpu.memref_slice %arg8[%arg0, %mul3A_2, %dma_start3A] : memref<2x10240x64xf32, #tpu.memory_space<hbm>> -> memref<1x640x64xf32, #tpu.memory_space<hbm>>
      %dma_start3A_16 = tpu.memref_squeeze %dma_start3A_15 : memref<1x640x64xf32, #tpu.memory_space<hbm>> -> memref<640x64xf32, #tpu.memory_space<hbm>>
      %dma_start3A_17 = arith.constant 0 : i32
      %dma_start3A_18 = tpu.memref_slice %arg2[%mul3A_2, %dma_start3A_17] : memref<10240x64xf32, #tpu.memory_space<hbm>> -> memref<640x64xf32, #tpu.memory_space<hbm>>
      tpu.enqueue_dma source(%dma_start3A_18 : memref<640x64xf32, #tpu.memory_space<hbm>>) target(%dma_start3A_16 : memref<640x64xf32, #tpu.memory_space<hbm>>) target_semaphore(%run_scoped3A : memref<!tpu.dma_semaphore, #tpu.memory_space<semaphore_mem>>)
      %dma_wait3A = arith.constant 0 : i32
      %dma_wait3A_19 = tpu.memref_slice %arg8[%arg0, %mul3A_2, %dma_wait3A] : memref<2x10240x64xf32, #tpu.memory_space<hbm>> -> memref<1x640x64xf32, #tpu.memory_space<hbm>>
      %dma_wait3A_20 = tpu.memref_squeeze %dma_wait3A_19 : memref<1x640x64xf32, #tpu.memory_space<hbm>> -> memref<640x64xf32, #tpu.memory_space<hbm>>
      %dma_wait3A_21 = arith.constant 0 : i32
      %dma_wait3A_22 = tpu.memref_slice %arg2[%mul3A_2, %dma_wait3A_21] : memref<10240x64xf32, #tpu.memory_space<hbm>> -> memref<640x64xf32, #tpu.memory_space<hbm>>
      tpu.wait_dma2 semaphore(%run_scoped3A : memref<!tpu.dma_semaphore, #tpu.memory_space<semaphore_mem>>) src(%dma_wait3A_22 : memref<640x64xf32, #tpu.memory_space<hbm>>) dst(%dma_wait3A_20 : memref<640x64xf32, #tpu.memory_space<hbm>>)
      tpu.yield
    }) : () -> ()
    %eq3A = arith.constant 0 : i32
    %eq3A_3 = arith.cmpi eq, %arg0, %eq3A : i32
    %convert_element_type3A = arith.extui %eq3A_3 : i1 to i32
    %cond3A = arith.constant 0 : i32
    %cond3A_4 = arith.cmpi ne, %convert_element_type3A, %cond3A : i32
    scf.if %cond3A_4 {
      "tpu.region"() ({
        %run_scoped3A = tpu.sem_alloc : memref<!tpu.dma_semaphore, #tpu.memory_space<semaphore_mem>>
        %dma_start3A = arith.constant 0 : i32
        %dma_start3A_15 = tpu.memref_slice %arg12[%mul3A_2, %dma_start3A] : memref<10240x64xf32, #tpu.memory_space<vmem_shared>> -> memref<640x64xf32, #tpu.memory_space<vmem_shared>>
        %dma_start3A_16 = arith.constant 0 : i32
        %dma_start3A_17 = tpu.memref_slice %arg2[%mul3A_2, %dma_start3A_16] : memref<10240x64xf32, #tpu.memory_space<hbm>> -> memref<640x64xf32, #tpu.memory_space<hbm>>
        tpu.enqueue_dma source(%dma_start3A_17 : memref<640x64xf32, #tpu.memory_space<hbm>>) target(%dma_start3A_15 : memref<640x64xf32, #tpu.memory_space<vmem_shared>>) target_semaphore(%run_scoped3A : memref<!tpu.dma_semaphore, #tpu.memory_space<semaphore_mem>>)
        %dma_wait3A = arith.constant 0 : i32
        %dma_wait3A_18 = tpu.memref_slice %arg12[%mul3A_2, %dma_wait3A] : memref<10240x64xf32, #tpu.memory_space<vmem_shared>> -> memref<640x64xf32, #tpu.memory_space<vmem_shared>>
        %dma_wait3A_19 = arith.constant 0 : i32
        %dma_wait3A_20 = tpu.memref_slice %arg2[%mul3A_2, %dma_wait3A_19] : memref<10240x64xf32, #tpu.memory_space<hbm>> -> memref<640x64xf32, #tpu.memory_space<hbm>>
        tpu.wait_dma2 semaphore(%run_scoped3A : memref<!tpu.dma_semaphore, #tpu.memory_space<semaphore_mem>>) src(%dma_wait3A_20 : memref<640x64xf32, #tpu.memory_space<hbm>>) dst(%dma_wait3A_18 : memref<640x64xf32, #tpu.memory_space<vmem_shared>>)
        tpu.yield
      }) : () -> ()
    } else {
    }
    %eq3A_5 = arith.constant 1 : i32
    %eq3A_6 = arith.cmpi eq, %arg0, %eq3A_5 : i32
    %convert_element_type3A_7 = arith.extui %eq3A_6 : i1 to i32
    %cond3A_8 = arith.constant 0 : i32
    %cond3A_9 = arith.cmpi ne, %convert_element_type3A_7, %cond3A_8 : i32
    scf.if %cond3A_9 {
      "tpu.region"() ({
        %run_scoped3A = tpu.sem_alloc : memref<!tpu.dma_semaphore, #tpu.memory_space<semaphore_mem>>
        %dma_start3A = arith.constant 0 : i32
        %dma_start3A_15 = tpu.memref_slice %arg12[%mul3A_2, %dma_start3A] : memref<10240x64xf32, #tpu.memory_space<vmem_shared>> -> memref<640x64xf32, #tpu.memory_space<vmem_shared>>
        %dma_start3A_16 = arith.constant 0 : i32
        %dma_start3A_17 = tpu.memref_slice %arg3[%mul3A_2, %dma_start3A_16] : memref<10240x64xf32, #tpu.memory_space<hbm>> -> memref<640x64xf32, #tpu.memory_space<hbm>>
        tpu.enqueue_dma source(%dma_start3A_17 : memref<640x64xf32, #tpu.memory_space<hbm>>) target(%dma_start3A_15 : memref<640x64xf32, #tpu.memory_space<vmem_shared>>) target_semaphore(%run_scoped3A : memref<!tpu.dma_semaphore, #tpu.memory_space<semaphore_mem>>)
        %dma_wait3A = arith.constant 0 : i32
        %dma_wait3A_18 = tpu.memref_slice %arg12[%mul3A_2, %dma_wait3A] : memref<10240x64xf32, #tpu.memory_space<vmem_shared>> -> memref<640x64xf32, #tpu.memory_space<vmem_shared>>
        %dma_wait3A_19 = arith.constant 0 : i32
        %dma_wait3A_20 = tpu.memref_slice %arg3[%mul3A_2, %dma_wait3A_19] : memref<10240x64xf32, #tpu.memory_space<hbm>> -> memref<640x64xf32, #tpu.memory_space<hbm>>
        tpu.wait_dma2 semaphore(%run_scoped3A : memref<!tpu.dma_semaphore, #tpu.memory_space<semaphore_mem>>) src(%dma_wait3A_20 : memref<640x64xf32, #tpu.memory_space<hbm>>) dst(%dma_wait3A_18 : memref<640x64xf32, #tpu.memory_space<vmem_shared>>)
        tpu.yield
      }) : () -> ()
    } else {
    }
    %barrier3A = arith.constant 0 : index
    tpu.barrier barrier_id(%barrier3A)
    %scan3A = arith.constant 0 : i32
    %scan3A_10 = arith.constant 0 : i32
    %scan3A_11 = arith.constant 10 : i32
    %scan3A_12 = arith.addi %scan3A_10, %scan3A_11 : i32
    %scan3A_13 = arith.constant 1 : i32
    scf.for %scan3A_15 = %scan3A_10 to %scan3A_12 step %scan3A_13  : i32 {
      %dma_start3A = arith.constant 0 : i32
      %dma_start3A_16 = arith.constant 0 : i32
      %dma_start3A_17 = arith.constant 0 : i32
      %dma_start3A_18 = arith.constant 0 : i32
      %dma_start3A_19 = tpu.memref_slice %arg11[%dma_start3A_16, %dma_start3A_17, %dma_start3A_18] : memref<6x128x64xf32, #tpu.memory_space<vmem>> -> memref<1x128x64xf32, #tpu.memory_space<vmem>>
      %dma_start3A_20 = tpu.memref_squeeze %dma_start3A_19 : memref<1x128x64xf32, #tpu.memory_space<vmem>> -> memref<128x64xf32, #tpu.memory_space<vmem>>
      %dma_start3A_21 = arith.constant 0 : i32
      %dma_start3A_22 = tpu.memref_slice %arg9[%dma_start3A, %dma_start3A_21] : memref<157x128xi32, #tpu.memory_space<vmem>> -> memref<1x128xi32, #tpu.memory_space<vmem>>
      %dma_start3A_23 = tpu.memref_squeeze %dma_start3A_22 : memref<1x128xi32, #tpu.memory_space<vmem>> -> memref<128xi32, #tpu.memory_space<vmem>>
      %dma_start3A_24 = arith.constant 0 : i32
      %dma_start3A_25 = arith.constant 0 : i32
      %dma_start3A_26 = tpu.memref_slice %arg8[%arg0, %dma_start3A_24, %dma_start3A_25] : memref<2x10240x64xf32, #tpu.memory_space<hbm>> -> memref<1x10240x64xf32, #tpu.memory_space<hbm>>
      %dma_start3A_27 = tpu.memref_squeeze %dma_start3A_26 : memref<1x10240x64xf32, #tpu.memory_space<hbm>> -> memref<10240x64xf32, #tpu.memory_space<hbm>>
      %dma_start3A_28 = arith.constant 0 : i32
      %dma_start3A_29 = arith.constant 0 : i32
      %dma_start3A_30 = tpu.memref_slice %dma_start3A_27[%dma_start3A_28, %dma_start3A_29] : memref<10240x64xf32, #tpu.memory_space<hbm>> -> memref<10240x64xf32, #tpu.memory_space<hbm>>
      tpu.enqueue_indirect_dma source(%dma_start3A_30 : memref<10240x64xf32, #tpu.memory_space<hbm>>) target(%dma_start3A_20 : memref<128x64xf32, #tpu.memory_space<vmem>>) offsets(%dma_start3A_23 : memref<128xi32, #tpu.memory_space<vmem>>) semaphore(%arg13 : memref<!tpu.dma_semaphore, #tpu.memory_space<semaphore_mem>>)
      %dma_start3A_31 = arith.constant 1 : i32
      %dma_start3A_32 = arith.constant 1 : i32
      %dma_start3A_33 = arith.constant 0 : i32
      %dma_start3A_34 = arith.constant 0 : i32
      %dma_start3A_35 = tpu.memref_slice %arg11[%dma_start3A_32, %dma_start3A_33, %dma_start3A_34] : memref<6x128x64xf32, #tpu.memory_space<vmem>> -> memref<1x128x64xf32, #tpu.memory_space<vmem>>
      %dma_start3A_36 = tpu.memref_squeeze %dma_start3A_35 : memref<1x128x64xf32, #tpu.memory_space<vmem>> -> memref<128x64xf32, #tpu.memory_space<vmem>>
      %dma_start3A_37 = arith.constant 0 : i32
      %dma_start3A_38 = tpu.memref_slice %arg9[%dma_start3A_31, %dma_start3A_37] : memref<157x128xi32, #tpu.memory_space<vmem>> -> memref<1x128xi32, #tpu.memory_space<vmem>>
      %dma_start3A_39 = tpu.memref_squeeze %dma_start3A_38 : memref<1x128xi32, #tpu.memory_space<vmem>> -> memref<128xi32, #tpu.memory_space<vmem>>
      %dma_start3A_40 = arith.constant 0 : i32
      %dma_start3A_41 = arith.constant 0 : i32
      %dma_start3A_42 = tpu.memref_slice %arg8[%arg0, %dma_start3A_40, %dma_start3A_41] : memref<2x10240x64xf32, #tpu.memory_space<hbm>> -> memref<1x10240x64xf32, #tpu.memory_space<hbm>>
      %dma_start3A_43 = tpu.memref_squeeze %dma_start3A_42 : memref<1x10240x64xf32, #tpu.memory_space<hbm>> -> memref<10240x64xf32, #tpu.memory_space<hbm>>
      %dma_start3A_44 = arith.constant 0 : i32
      %dma_start3A_45 = arith.constant 0 : i32
      %dma_start3A_46 = tpu.memref_slice %dma_start3A_43[%dma_start3A_44, %dma_start3A_45] : memref<10240x64xf32, #tpu.memory_space<hbm>> -> memref<10240x64xf32, #tpu.memory_space<hbm>>
      tpu.enqueue_indirect_dma source(%dma_start3A_46 : memref<10240x64xf32, #tpu.memory_space<hbm>>) target(%dma_start3A_36 : memref<128x64xf32, #tpu.memory_space<vmem>>) offsets(%dma_start3A_39 : memref<128xi32, #tpu.memory_space<vmem>>) semaphore(%arg13 : memref<!tpu.dma_semaphore, #tpu.memory_space<semaphore_mem>>)
      %dma_start3A_47 = arith.constant 2 : i32
      %dma_start3A_48 = arith.constant 2 : i32
      %dma_start3A_49 = arith.constant 0 : i32
      %dma_start3A_50 = arith.constant 0 : i32
      %dma_start3A_51 = tpu.memref_slice %arg11[%dma_start3A_48, %dma_start3A_49, %dma_start3A_50] : memref<6x128x64xf32, #tpu.memory_space<vmem>> -> memref<1x128x64xf32, #tpu.memory_space<vmem>>
      %dma_start3A_52 = tpu.memref_squeeze %dma_start3A_51 : memref<1x128x64xf32, #tpu.memory_space<vmem>> -> memref<128x64xf32, #tpu.memory_space<vmem>>
      %dma_start3A_53 = arith.constant 0 : i32
      %dma_start3A_54 = tpu.memref_slice %arg9[%dma_start3A_47, %dma_start3A_53] : memref<157x128xi32, #tpu.memory_space<vmem>> -> memref<1x128xi32, #tpu.memory_space<vmem>>
      %dma_start3A_55 = tpu.memref_squeeze %dma_start3A_54 : memref<1x128xi32, #tpu.memory_space<vmem>> -> memref<128xi32, #tpu.memory_space<vmem>>
      %dma_start3A_56 = arith.constant 0 : i32
      %dma_start3A_57 = arith.constant 0 : i32
      %dma_start3A_58 = tpu.memref_slice %arg8[%arg0, %dma_start3A_56, %dma_start3A_57] : memref<2x10240x64xf32, #tpu.memory_space<hbm>> -> memref<1x10240x64xf32, #tpu.memory_space<hbm>>
      %dma_start3A_59 = tpu.memref_squeeze %dma_start3A_58 : memref<1x10240x64xf32, #tpu.memory_space<hbm>> -> memref<10240x64xf32, #tpu.memory_space<hbm>>
      %dma_start3A_60 = arith.constant 0 : i32
      %dma_start3A_61 = arith.constant 0 : i32
      %dma_start3A_62 = tpu.memref_slice %dma_start3A_59[%dma_start3A_60, %dma_start3A_61] : memref<10240x64xf32, #tpu.memory_space<hbm>> -> memref<10240x64xf32, #tpu.memory_space<hbm>>
      tpu.enqueue_indirect_dma source(%dma_start3A_62 : memref<10240x64xf32, #tpu.memory_space<hbm>>) target(%dma_start3A_52 : memref<128x64xf32, #tpu.memory_space<vmem>>) offsets(%dma_start3A_55 : memref<128xi32, #tpu.memory_space<vmem>>) semaphore(%arg13 : memref<!tpu.dma_semaphore, #tpu.memory_space<semaphore_mem>>)
      %scan3A_63 = arith.constant 0 : i32
      %scan3A_64 = arith.constant 0 : i32
      %scan3A_65 = arith.constant 157 : i32
      %scan3A_66 = arith.addi %scan3A_64, %scan3A_65 : i32
      %scan3A_67 = arith.constant 1 : i32
      scf.for %scan3A_81 = %scan3A_64 to %scan3A_66 step %scan3A_67  : i32 {
        %rem3A = arith.constant 4 : i32
        %rem3A_82 = arith.remsi %scan3A_81, %rem3A : i32
        %add3A_83 = arith.constant 4 : i32
        %add3A_84 = arith.addi %scan3A_81, %add3A_83 : i32
        %sub3A = arith.constant 1 : i32
        %sub3A_85 = arith.subi %add3A_84, %sub3A : i32
        %rem3A_86 = arith.constant 4 : i32
        %rem3A_87 = arith.remsi %sub3A_85, %rem3A_86 : i32
        %add3A_88 = arith.constant 4 : i32
        %add3A_89 = arith.addi %scan3A_81, %add3A_88 : i32
        %sub3A_90 = arith.constant 1 : i32
        %sub3A_91 = arith.subi %add3A_89, %sub3A_90 : i32
        %lt3A_92 = arith.constant 157 : i32
        %lt3A_93 = arith.cmpi slt, %sub3A_91, %lt3A_92 : i32
        %convert_element_type3A_94 = arith.extui %lt3A_93 : i1 to i32
        %cond3A_95 = arith.constant 0 : i32
        %cond3A_96 = arith.cmpi ne, %convert_element_type3A_94, %cond3A_95 : i32
        scf.if %cond3A_96 {
          %add3A_110 = arith.constant 4 : i32
          %add3A_111 = arith.addi %scan3A_81, %add3A_110 : i32
          %sub3A_112 = arith.constant 1 : i32
          %sub3A_113 = arith.subi %add3A_111, %sub3A_112 : i32
          %dma_start3A_114 = arith.constant 0 : i32
          %dma_start3A_115 = arith.constant 0 : i32
          %dma_start3A_116 = tpu.memref_slice %arg11[%rem3A_87, %dma_start3A_114, %dma_start3A_115] : memref<6x128x64xf32, #tpu.memory_space<vmem>> -> memref<1x128x64xf32, #tpu.memory_space<vmem>>
          %dma_start3A_117 = tpu.memref_squeeze %dma_start3A_116 : memref<1x128x64xf32, #tpu.memory_space<vmem>> -> memref<128x64xf32, #tpu.memory_space<vmem>>
          %dma_start3A_118 = arith.constant 0 : i32
          %dma_start3A_119 = tpu.memref_slice %arg9[%sub3A_113, %dma_start3A_118] : memref<157x128xi32, #tpu.memory_space<vmem>> -> memref<1x128xi32, #tpu.memory_space<vmem>>
          %dma_start3A_120 = tpu.memref_squeeze %dma_start3A_119 : memref<1x128xi32, #tpu.memory_space<vmem>> -> memref<128xi32, #tpu.memory_space<vmem>>
          %dma_start3A_121 = arith.constant 0 : i32
          %dma_start3A_122 = arith.constant 0 : i32
          %dma_start3A_123 = tpu.memref_slice %arg8[%arg0, %dma_start3A_121, %dma_start3A_122] : memref<2x10240x64xf32, #tpu.memory_space<hbm>> -> memref<1x10240x64xf32, #tpu.memory_space<hbm>>
          %dma_start3A_124 = tpu.memref_squeeze %dma_start3A_123 : memref<1x10240x64xf32, #tpu.memory_space<hbm>> -> memref<10240x64xf32, #tpu.memory_space<hbm>>
          %dma_start3A_125 = arith.constant 0 : i32
          %dma_start3A_126 = arith.constant 0 : i32
          %dma_start3A_127 = tpu.memref_slice %dma_start3A_124[%dma_start3A_125, %dma_start3A_126] : memref<10240x64xf32, #tpu.memory_space<hbm>> -> memref<10240x64xf32, #tpu.memory_space<hbm>>
          tpu.enqueue_indirect_dma source(%dma_start3A_127 : memref<10240x64xf32, #tpu.memory_space<hbm>>) target(%dma_start3A_117 : memref<128x64xf32, #tpu.memory_space<vmem>>) offsets(%dma_start3A_120 : memref<128xi32, #tpu.memory_space<vmem>>) semaphore(%arg13 : memref<!tpu.dma_semaphore, #tpu.memory_space<semaphore_mem>>)
        } else {
        }
        %dma_wait3A = arith.constant 0 : i32
        %dma_wait3A_97 = arith.constant 0 : i32
        %dma_wait3A_98 = tpu.memref_slice %arg11[%rem3A_82, %dma_wait3A, %dma_wait3A_97] : memref<6x128x64xf32, #tpu.memory_space<vmem>> -> memref<1x128x64xf32, #tpu.memory_space<vmem>>
        %dma_wait3A_99 = tpu.memref_squeeze %dma_wait3A_98 : memref<1x128x64xf32, #tpu.memory_space<vmem>> -> memref<128x64xf32, #tpu.memory_space<vmem>>
        %dma_wait3A_100 = arith.constant 0 : i32
        %dma_wait3A_101 = tpu.memref_slice %arg9[%scan3A_81, %dma_wait3A_100] : memref<157x128xi32, #tpu.memory_space<vmem>> -> memref<1x128xi32, #tpu.memory_space<vmem>>
        %dma_wait3A_102 = tpu.memref_squeeze %dma_wait3A_101 : memref<1x128xi32, #tpu.memory_space<vmem>> -> memref<128xi32, #tpu.memory_space<vmem>>
        %dma_wait3A_103 = arith.constant 0 : i32
        %dma_wait3A_104 = arith.constant 0 : i32
        %dma_wait3A_105 = tpu.memref_slice %arg8[%arg0, %dma_wait3A_103, %dma_wait3A_104] : memref<2x10240x64xf32, #tpu.memory_space<hbm>> -> memref<1x10240x64xf32, #tpu.memory_space<hbm>>
        %dma_wait3A_106 = tpu.memref_squeeze %dma_wait3A_105 : memref<1x10240x64xf32, #tpu.memory_space<hbm>> -> memref<10240x64xf32, #tpu.memory_space<hbm>>
        %dma_wait3A_107 = arith.constant 0 : i32
        %dma_wait3A_108 = arith.constant 0 : i32
        %dma_wait3A_109 = tpu.memref_slice %dma_wait3A_106[%dma_wait3A_107, %dma_wait3A_108] : memref<10240x64xf32, #tpu.memory_space<hbm>> -> memref<10240x64xf32, #tpu.memory_space<hbm>>
        tpu.wait_indirect_dma semaphore(%arg13 : memref<!tpu.dma_semaphore, #tpu.memory_space<semaphore_mem>>) src(%dma_wait3A_109 : memref<10240x64xf32, #tpu.memory_space<hbm>>) dst(%dma_wait3A_99 : memref<128x64xf32, #tpu.memory_space<vmem>>)
        "tpu.region"() ({
          %run_scoped3A = tpu.sem_alloc : memref<!tpu.dma_semaphore, #tpu.memory_space<semaphore_mem>>
          %dma_start3A_110 = arith.constant 0 : i32
          %dma_start3A_111 = arith.constant 0 : i32
          %dma_start3A_112 = tpu.memref_slice %arg11[%rem3A_82, %dma_start3A_110, %dma_start3A_111] : memref<6x128x64xf32, #tpu.memory_space<vmem>> -> memref<1x128x64xf32, #tpu.memory_space<vmem>>
          %dma_start3A_113 = tpu.memref_squeeze %dma_start3A_112 : memref<1x128x64xf32, #tpu.memory_space<vmem>> -> memref<128x64xf32, #tpu.memory_space<vmem>>
          %dma_start3A_114 = arith.constant 0 : i32
          %dma_start3A_115 = tpu.memref_slice %arg10[%scan3A_81, %dma_start3A_114] : memref<157x128xi32, #tpu.memory_space<vmem>> -> memref<1x128xi32, #tpu.memory_space<vmem>>
          %dma_start3A_116 = tpu.memref_squeeze %dma_start3A_115 : memref<1x128xi32, #tpu.memory_space<vmem>> -> memref<128xi32, #tpu.memory_space<vmem>>
          %dma_start3A_117 = arith.constant 0 : i32
          %dma_start3A_118 = arith.constant 0 : i32
          %dma_start3A_119 = tpu.memref_slice %arg12[%dma_start3A_117, %dma_start3A_118] : memref<10240x64xf32, #tpu.memory_space<vmem_shared>> -> memref<10240x64xf32, #tpu.memory_space<vmem_shared>>
          tpu.enqueue_indirect_dma source(%dma_start3A_113 : memref<128x64xf32, #tpu.memory_space<vmem>>) target(%dma_start3A_119 : memref<10240x64xf32, #tpu.memory_space<vmem_shared>>) offsets(%dma_start3A_116 : memref<128xi32, #tpu.memory_space<vmem>>) semaphore(%run_scoped3A : memref<!tpu.dma_semaphore, #tpu.memory_space<semaphore_mem>>) {add = true}
          %dma_wait3A_120 = arith.constant 0 : i32
          %dma_wait3A_121 = arith.constant 0 : i32
          %dma_wait3A_122 = tpu.memref_slice %arg11[%rem3A_82, %dma_wait3A_120, %dma_wait3A_121] : memref<6x128x64xf32, #tpu.memory_space<vmem>> -> memref<1x128x64xf32, #tpu.memory_space<vmem>>
          %dma_wait3A_123 = tpu.memref_squeeze %dma_wait3A_122 : memref<1x128x64xf32, #tpu.memory_space<vmem>> -> memref<128x64xf32, #tpu.memory_space<vmem>>
          %dma_wait3A_124 = arith.constant 0 : i32
          %dma_wait3A_125 = tpu.memref_slice %arg10[%scan3A_81, %dma_wait3A_124] : memref<157x128xi32, #tpu.memory_space<vmem>> -> memref<1x128xi32, #tpu.memory_space<vmem>>
          %dma_wait3A_126 = tpu.memref_squeeze %dma_wait3A_125 : memref<1x128xi32, #tpu.memory_space<vmem>> -> memref<128xi32, #tpu.memory_space<vmem>>
          %dma_wait3A_127 = arith.constant 0 : i32
          %dma_wait3A_128 = arith.constant 0 : i32
          %dma_wait3A_129 = tpu.memref_slice %arg12[%dma_wait3A_127, %dma_wait3A_128] : memref<10240x64xf32, #tpu.memory_space<vmem_shared>> -> memref<10240x64xf32, #tpu.memory_space<vmem_shared>>
          tpu.wait_indirect_dma semaphore(%run_scoped3A : memref<!tpu.dma_semaphore, #tpu.memory_space<semaphore_mem>>) src(%dma_wait3A_123 : memref<128x64xf32, #tpu.memory_space<vmem>>) dst(%dma_wait3A_129 : memref<10240x64xf32, #tpu.memory_space<vmem_shared>>)
          tpu.yield
        }) : () -> ()
      }
      %scan3A_68 = arith.constant 157 : i32
      %barrier3A_69 = arith.constant 0 : index
      tpu.barrier barrier_id(%barrier3A_69)
      "tpu.region"() ({
        %run_scoped3A = tpu.sem_alloc : memref<!tpu.dma_semaphore, #tpu.memory_space<semaphore_mem>>
        %dma_start3A_81 = arith.constant 0 : i32
        %dma_start3A_82 = tpu.memref_slice %arg7[%arg0, %mul3A_2, %dma_start3A_81] : memref<2x10240x64xf32, #tpu.memory_space<hbm>> -> memref<1x640x64xf32, #tpu.memory_space<hbm>>
        %dma_start3A_83 = tpu.memref_squeeze %dma_start3A_82 : memref<1x640x64xf32, #tpu.memory_space<hbm>> -> memref<640x64xf32, #tpu.memory_space<hbm>>
        %dma_start3A_84 = arith.constant 0 : i32
        %dma_start3A_85 = tpu.memref_slice %arg12[%mul3A_2, %dma_start3A_84] : memref<10240x64xf32, #tpu.memory_space<vmem_shared>> -> memref<640x64xf32, #tpu.memory_space<vmem_shared>>
        tpu.enqueue_dma source(%dma_start3A_85 : memref<640x64xf32, #tpu.memory_space<vmem_shared>>) target(%dma_start3A_83 : memref<640x64xf32, #tpu.memory_space<hbm>>) target_semaphore(%run_scoped3A : memref<!tpu.dma_semaphore, #tpu.memory_space<semaphore_mem>>)
        %dma_wait3A = arith.constant 0 : i32
        %dma_wait3A_86 = tpu.memref_slice %arg7[%arg0, %mul3A_2, %dma_wait3A] : memref<2x10240x64xf32, #tpu.memory_space<hbm>> -> memref<1x640x64xf32, #tpu.memory_space<hbm>>
        %dma_wait3A_87 = tpu.memref_squeeze %dma_wait3A_86 : memref<1x640x64xf32, #tpu.memory_space<hbm>> -> memref<640x64xf32, #tpu.memory_space<hbm>>
        %dma_wait3A_88 = arith.constant 0 : i32
        %dma_wait3A_89 = tpu.memref_slice %arg12[%mul3A_2, %dma_wait3A_88] : memref<10240x64xf32, #tpu.memory_space<vmem_shared>> -> memref<640x64xf32, #tpu.memory_space<vmem_shared>>
        tpu.wait_dma2 semaphore(%run_scoped3A : memref<!tpu.dma_semaphore, #tpu.memory_space<semaphore_mem>>) src(%dma_wait3A_89 : memref<640x64xf32, #tpu.memory_space<vmem_shared>>) dst(%dma_wait3A_87 : memref<640x64xf32, #tpu.memory_space<hbm>>)
        tpu.yield
      }) : () -> ()
      %barrier3A_70 = arith.constant 0 : index
      tpu.barrier barrier_id(%barrier3A_70)
      %eq3A_71 = arith.constant 0 : i32
      %eq3A_72 = arith.cmpi eq, %arg1, %eq3A_71 : i32
      %convert_element_type3A_73 = arith.extui %eq3A_72 : i1 to i32
      %cond3A_74 = arith.constant 0 : i32
      %cond3A_75 = arith.cmpi ne, %convert_element_type3A_73, %cond3A_74 : i32
      scf.if %cond3A_75 {
        %ne3A = arith.constant 0 : i32
        "tpu.trace_start"() <{level = 10 : i32, message = "sync_cores"}> : () -> ()
        %ne3A_81 = arith.cmpi ne, %arg0, %ne3A : i32
        %convert_element_type3A_82 = arith.extui %ne3A_81 : i1 to i32
        %cond3A_83 = arith.constant 0 : i32
        %cond3A_84 = arith.cmpi ne, %convert_element_type3A_82, %cond3A_83 : i32
        scf.if %cond3A_84 {
          %semaphore_signal3A = arith.constant 1 : i32
          %semaphore_signal3A_91 = arith.constant 0 : i32
          tpu.sem_signal %arg14, %semaphore_signal3A core_id %semaphore_signal3A_91 : memref<!tpu.semaphore, #tpu.memory_space<semaphore_mem>>
        } else {
        }
        %ne3A_85 = arith.constant 1 : i32
        %ne3A_86 = arith.cmpi ne, %arg0, %ne3A_85 : i32
        %convert_element_type3A_87 = arith.extui %ne3A_86 : i1 to i32
        %cond3A_88 = arith.constant 0 : i32
        %cond3A_89 = arith.cmpi ne, %convert_element_type3A_87, %cond3A_88 : i32
        scf.if %cond3A_89 {
          %semaphore_signal3A = arith.constant 1 : i32
          %semaphore_signal3A_91 = arith.constant 1 : i32
          tpu.sem_signal %arg14, %semaphore_signal3A core_id %semaphore_signal3A_91 : memref<!tpu.semaphore, #tpu.memory_space<semaphore_mem>>
        } else {
        }
        %semaphore_wait3A = arith.constant 1 : i32
        %semaphore_wait3A_90 = arith.constant true
        tpu.sem_wait %arg14, %semaphore_wait3A : memref<!tpu.semaphore, #tpu.memory_space<semaphore_mem>>
        "tpu.trace_stop"() : () -> ()
      } else {
      }
      %barrier3A_76 = arith.constant 0 : index
      tpu.barrier barrier_id(%barrier3A_76)
      %lt3A = arith.constant 9 : i32
      %lt3A_77 = arith.cmpi slt, %scan3A_15, %lt3A : i32
      %convert_element_type3A_78 = arith.extui %lt3A_77 : i1 to i32
      %cond3A_79 = arith.constant 0 : i32
      %cond3A_80 = arith.cmpi ne, %convert_element_type3A_78, %cond3A_79 : i32
      scf.if %cond3A_80 {
        %sub3A = arith.constant 1 : i32
        %sub3A_81 = arith.subi %sub3A, %arg0 : i32
        %mul3A_82 = arith.constant 640 : i32
        %mul3A_83 = arith.muli %arg1, %mul3A_82 : i32
        %dma_start3A_84 = arith.constant 0 : i32
        %dma_start3A_85 = arith.constant 0 : i32
        %dma_start3A_86 = arith.constant 0 : i32
        %dma_start3A_87 = tpu.memref_slice %arg11[%dma_start3A_84, %dma_start3A_85, %dma_start3A_86] : memref<6x128x64xf32, #tpu.memory_space<vmem>> -> memref<1x128x64xf32, #tpu.memory_space<vmem>>
        %dma_start3A_88 = tpu.memref_squeeze %dma_start3A_87 : memref<1x128x64xf32, #tpu.memory_space<vmem>> -> memref<128x64xf32, #tpu.memory_space<vmem>>
        %dma_start3A_89 = arith.constant 0 : i32
        %dma_start3A_90 = tpu.memref_slice %arg7[%sub3A_81, %mul3A_83, %dma_start3A_89] : memref<2x10240x64xf32, #tpu.memory_space<hbm>> -> memref<1x128x64xf32, #tpu.memory_space<hbm>>
        %dma_start3A_91 = tpu.memref_squeeze %dma_start3A_90 : memref<1x128x64xf32, #tpu.memory_space<hbm>> -> memref<128x64xf32, #tpu.memory_space<hbm>>
        %dma_start3A_92 = arith.constant 0 : i32
        %dma_start3A_93 = arith.constant 0 : i32
        %dma_start3A_94 = tpu.memref_slice %arg11[%dma_start3A_84, %dma_start3A_92, %dma_start3A_93] : memref<6x128x64xf32, #tpu.memory_space<vmem>> -> memref<1x128x64xf32, #tpu.memory_space<vmem>>
        %dma_start3A_95 = tpu.memref_squeeze %dma_start3A_94 : memref<1x128x64xf32, #tpu.memory_space<vmem>> -> memref<128x64xf32, #tpu.memory_space<vmem>>
        %dma_start3A_96 = arith.constant 0 : i32
        %dma_start3A_97 = tpu.memref_slice %arg7[%sub3A_81, %mul3A_83, %dma_start3A_96] : memref<2x10240x64xf32, #tpu.memory_space<hbm>> -> memref<1x128x64xf32, #tpu.memory_space<hbm>>
        %dma_start3A_98 = tpu.memref_squeeze %dma_start3A_97 : memref<1x128x64xf32, #tpu.memory_space<hbm>> -> memref<128x64xf32, #tpu.memory_space<hbm>>
        tpu.enqueue_dma source(%dma_start3A_98 : memref<128x64xf32, #tpu.memory_space<hbm>>) target(%dma_start3A_95 : memref<128x64xf32, #tpu.memory_space<vmem>>) target_semaphore(%arg13 : memref<!tpu.dma_semaphore, #tpu.memory_space<semaphore_mem>>)
        %mul3A_99 = arith.constant 640 : i32
        %mul3A_100 = arith.muli %arg1, %mul3A_99 : i32
        %dma_start3A_101 = arith.constant 0 : i32
        %dma_start3A_102 = arith.constant 4 : i32
        %dma_start3A_103 = arith.constant 0 : i32
        %dma_start3A_104 = arith.constant 0 : i32
        %dma_start3A_105 = tpu.memref_slice %arg11[%dma_start3A_102, %dma_start3A_103, %dma_start3A_104] : memref<6x128x64xf32, #tpu.memory_space<vmem>> -> memref<1x128x64xf32, #tpu.memory_space<vmem>>
        %dma_start3A_106 = tpu.memref_squeeze %dma_start3A_105 : memref<1x128x64xf32, #tpu.memory_space<vmem>> -> memref<128x64xf32, #tpu.memory_space<vmem>>
        %dma_start3A_107 = arith.constant 0 : i32
        %dma_start3A_108 = tpu.memref_slice %arg4[%dma_start3A_101, %mul3A_100, %dma_start3A_107] : memref<1x10240x64xf32, #tpu.memory_space<hbm>> -> memref<1x128x64xf32, #tpu.memory_space<hbm>>
        %dma_start3A_109 = tpu.memref_squeeze %dma_start3A_108 : memref<1x128x64xf32, #tpu.memory_space<hbm>> -> memref<128x64xf32, #tpu.memory_space<hbm>>
        %dma_start3A_110 = arith.constant 0 : i32
        %dma_start3A_111 = arith.constant 0 : i32
        %dma_start3A_112 = tpu.memref_slice %arg11[%dma_start3A_102, %dma_start3A_110, %dma_start3A_111] : memref<6x128x64xf32, #tpu.memory_space<vmem>> -> memref<1x128x64xf32, #tpu.memory_space<vmem>>
        %dma_start3A_113 = tpu.memref_squeeze %dma_start3A_112 : memref<1x128x64xf32, #tpu.memory_space<vmem>> -> memref<128x64xf32, #tpu.memory_space<vmem>>
        %dma_start3A_114 = arith.constant 0 : i32
        %dma_start3A_115 = tpu.memref_slice %arg4[%dma_start3A_101, %mul3A_100, %dma_start3A_114] : memref<1x10240x64xf32, #tpu.memory_space<hbm>> -> memref<1x128x64xf32, #tpu.memory_space<hbm>>
        %dma_start3A_116 = tpu.memref_squeeze %dma_start3A_115 : memref<1x128x64xf32, #tpu.memory_space<hbm>> -> memref<128x64xf32, #tpu.memory_space<hbm>>
        tpu.enqueue_dma source(%dma_start3A_116 : memref<128x64xf32, #tpu.memory_space<hbm>>) target(%dma_start3A_113 : memref<128x64xf32, #tpu.memory_space<vmem>>) target_semaphore(%arg13 : memref<!tpu.dma_semaphore, #tpu.memory_space<semaphore_mem>>)
        %mul3A_117 = arith.constant 640 : i32
        %mul3A_118 = arith.muli %arg1, %mul3A_117 : i32
        %add3A_119 = arith.constant 0 : i32
        %add3A_120 = arith.addi %mul3A_118, %add3A_119 : i32
        %mul3A_121 = arith.constant 640 : i32
        %mul3A_122 = arith.muli %arg1, %mul3A_121 : i32
        %add3A_123 = arith.constant 128 : i32
        %add3A_124 = arith.addi %mul3A_122, %add3A_123 : i32
        %dma_start3A_125 = arith.constant 1 : i32
        %dma_start3A_126 = arith.constant 0 : i32
        %dma_start3A_127 = arith.constant 0 : i32
        %dma_start3A_128 = tpu.memref_slice %arg11[%dma_start3A_125, %dma_start3A_126, %dma_start3A_127] : memref<6x128x64xf32, #tpu.memory_space<vmem>> -> memref<1x128x64xf32, #tpu.memory_space<vmem>>
        %dma_start3A_129 = tpu.memref_squeeze %dma_start3A_128 : memref<1x128x64xf32, #tpu.memory_space<vmem>> -> memref<128x64xf32, #tpu.memory_space<vmem>>
        %dma_start3A_130 = arith.constant 0 : i32
        %dma_start3A_131 = tpu.memref_slice %arg7[%sub3A_81, %add3A_124, %dma_start3A_130] : memref<2x10240x64xf32, #tpu.memory_space<hbm>> -> memref<1x128x64xf32, #tpu.memory_space<hbm>>
        %dma_start3A_132 = tpu.memref_squeeze %dma_start3A_131 : memref<1x128x64xf32, #tpu.memory_space<hbm>> -> memref<128x64xf32, #tpu.memory_space<hbm>>
        %dma_start3A_133 = arith.constant 0 : i32
        %dma_start3A_134 = arith.constant 0 : i32
        %dma_start3A_135 = tpu.memref_slice %arg11[%dma_start3A_125, %dma_start3A_133, %dma_start3A_134] : memref<6x128x64xf32, #tpu.memory_space<vmem>> -> memref<1x128x64xf32, #tpu.memory_space<vmem>>
        %dma_start3A_136 = tpu.memref_squeeze %dma_start3A_135 : memref<1x128x64xf32, #tpu.memory_space<vmem>> -> memref<128x64xf32, #tpu.memory_space<vmem>>
        %dma_start3A_137 = arith.constant 0 : i32
        %dma_start3A_138 = tpu.memref_slice %arg7[%sub3A_81, %add3A_124, %dma_start3A_137] : memref<2x10240x64xf32, #tpu.memory_space<hbm>> -> memref<1x128x64xf32, #tpu.memory_space<hbm>>
        %dma_start3A_139 = tpu.memref_squeeze %dma_start3A_138 : memref<1x128x64xf32, #tpu.memory_space<hbm>> -> memref<128x64xf32, #tpu.memory_space<hbm>>
        tpu.enqueue_dma source(%dma_start3A_139 : memref<128x64xf32, #tpu.memory_space<hbm>>) target(%dma_start3A_136 : memref<128x64xf32, #tpu.memory_space<vmem>>) target_semaphore(%arg13 : memref<!tpu.dma_semaphore, #tpu.memory_space<semaphore_mem>>)
        %dma_start3A_140 = arith.constant 0 : i32
        %dma_start3A_141 = arith.constant 5 : i32
        %dma_start3A_142 = arith.constant 0 : i32
        %dma_start3A_143 = arith.constant 0 : i32
        %dma_start3A_144 = tpu.memref_slice %arg11[%dma_start3A_141, %dma_start3A_142, %dma_start3A_143] : memref<6x128x64xf32, #tpu.memory_space<vmem>> -> memref<1x128x64xf32, #tpu.memory_space<vmem>>
        %dma_start3A_145 = tpu.memref_squeeze %dma_start3A_144 : memref<1x128x64xf32, #tpu.memory_space<vmem>> -> memref<128x64xf32, #tpu.memory_space<vmem>>
        %dma_start3A_146 = arith.constant 0 : i32
        %dma_start3A_147 = tpu.memref_slice %arg4[%dma_start3A_140, %add3A_124, %dma_start3A_146] : memref<1x10240x64xf32, #tpu.memory_space<hbm>> -> memref<1x128x64xf32, #tpu.memory_space<hbm>>
        %dma_start3A_148 = tpu.memref_squeeze %dma_start3A_147 : memref<1x128x64xf32, #tpu.memory_space<hbm>> -> memref<128x64xf32, #tpu.memory_space<hbm>>
        %dma_start3A_149 = arith.constant 0 : i32
        %dma_start3A_150 = arith.constant 0 : i32
        %dma_start3A_151 = tpu.memref_slice %arg11[%dma_start3A_141, %dma_start3A_149, %dma_start3A_150] : memref<6x128x64xf32, #tpu.memory_space<vmem>> -> memref<1x128x64xf32, #tpu.memory_space<vmem>>
        %dma_start3A_152 = tpu.memref_squeeze %dma_start3A_151 : memref<1x128x64xf32, #tpu.memory_space<vmem>> -> memref<128x64xf32, #tpu.memory_space<vmem>>
        %dma_start3A_153 = arith.constant 0 : i32
        %dma_start3A_154 = tpu.memref_slice %arg4[%dma_start3A_140, %add3A_124, %dma_start3A_153] : memref<1x10240x64xf32, #tpu.memory_space<hbm>> -> memref<1x128x64xf32, #tpu.memory_space<hbm>>
        %dma_start3A_155 = tpu.memref_squeeze %dma_start3A_154 : memref<1x128x64xf32, #tpu.memory_space<hbm>> -> memref<128x64xf32, #tpu.memory_space<hbm>>
        tpu.enqueue_dma source(%dma_start3A_155 : memref<128x64xf32, #tpu.memory_space<hbm>>) target(%dma_start3A_152 : memref<128x64xf32, #tpu.memory_space<vmem>>) target_semaphore(%arg13 : memref<!tpu.dma_semaphore, #tpu.memory_space<semaphore_mem>>)
        %run_scoped3A = arith.constant 2 : i32
        "tpu.region"() ({
          %run_scoped3A_507 = tpu.sem_alloc : memref<!tpu.dma_semaphore, #tpu.memory_space<semaphore_mem>>
          %dma_start3A_508 = arith.constant 0 : i32
          %dma_start3A_509 = arith.constant 0 : i32
          %dma_start3A_510 = tpu.memref_slice %arg11[%run_scoped3A, %dma_start3A_508, %dma_start3A_509] : memref<6x128x64xf32, #tpu.memory_space<vmem>> -> memref<1x128x64xf32, #tpu.memory_space<vmem>>
          %dma_start3A_511 = tpu.memref_squeeze %dma_start3A_510 : memref<1x128x64xf32, #tpu.memory_space<vmem>> -> memref<128x64xf32, #tpu.memory_space<vmem>>
          %dma_start3A_512 = arith.constant 0 : i32
          %dma_start3A_513 = tpu.memref_slice %arg12[%add3A_120, %dma_start3A_512] : memref<10240x64xf32, #tpu.memory_space<vmem_shared>> -> memref<128x64xf32, #tpu.memory_space<vmem_shared>>
          %dma_start3A_514 = arith.constant 0 : i32
          %dma_start3A_515 = arith.constant 0 : i32
          %dma_start3A_516 = tpu.memref_slice %arg11[%run_scoped3A, %dma_start3A_514, %dma_start3A_515] : memref<6x128x64xf32, #tpu.memory_space<vmem>> -> memref<1x128x64xf32, #tpu.memory_space<vmem>>
          %dma_start3A_517 = tpu.memref_squeeze %dma_start3A_516 : memref<1x128x64xf32, #tpu.memory_space<vmem>> -> memref<128x64xf32, #tpu.memory_space<vmem>>
          %dma_start3A_518 = arith.constant 0 : i32
          %dma_start3A_519 = tpu.memref_slice %arg12[%add3A_120, %dma_start3A_518] : memref<10240x64xf32, #tpu.memory_space<vmem_shared>> -> memref<128x64xf32, #tpu.memory_space<vmem_shared>>
          tpu.enqueue_dma source(%dma_start3A_519 : memref<128x64xf32, #tpu.memory_space<vmem_shared>>) target(%dma_start3A_517 : memref<128x64xf32, #tpu.memory_space<vmem>>) target_semaphore(%run_scoped3A_507 : memref<!tpu.dma_semaphore, #tpu.memory_space<semaphore_mem>>)
          %dma_wait3A_520 = arith.constant 0 : i32
          %dma_wait3A_521 = arith.constant 0 : i32
          %dma_wait3A_522 = tpu.memref_slice %arg11[%run_scoped3A, %dma_wait3A_520, %dma_wait3A_521] : memref<6x128x64xf32, #tpu.memory_space<vmem>> -> memref<1x128x64xf32, #tpu.memory_space<vmem>>
          %dma_wait3A_523 = tpu.memref_squeeze %dma_wait3A_522 : memref<1x128x64xf32, #tpu.memory_space<vmem>> -> memref<128x64xf32, #tpu.memory_space<vmem>>
          %dma_wait3A_524 = arith.constant 0 : i32
          %dma_wait3A_525 = tpu.memref_slice %arg12[%add3A_120, %dma_wait3A_524] : memref<10240x64xf32, #tpu.memory_space<vmem_shared>> -> memref<128x64xf32, #tpu.memory_space<vmem_shared>>
          %dma_wait3A_526 = arith.constant 0 : i32
          %dma_wait3A_527 = arith.constant 0 : i32
          %dma_wait3A_528 = tpu.memref_slice %arg11[%run_scoped3A, %dma_wait3A_526, %dma_wait3A_527] : memref<6x128x64xf32, #tpu.memory_space<vmem>> -> memref<1x128x64xf32, #tpu.memory_space<vmem>>
          %dma_wait3A_529 = tpu.memref_squeeze %dma_wait3A_528 : memref<1x128x64xf32, #tpu.memory_space<vmem>> -> memref<128x64xf32, #tpu.memory_space<vmem>>
          %dma_wait3A_530 = arith.constant 0 : i32
          %dma_wait3A_531 = tpu.memref_slice %arg12[%add3A_120, %dma_wait3A_530] : memref<10240x64xf32, #tpu.memory_space<vmem_shared>> -> memref<128x64xf32, #tpu.memory_space<vmem_shared>>
          tpu.wait_dma2 semaphore(%run_scoped3A_507 : memref<!tpu.dma_semaphore, #tpu.memory_space<semaphore_mem>>) src(%dma_wait3A_531 : memref<128x64xf32, #tpu.memory_space<vmem_shared>>) dst(%dma_wait3A_529 : memref<128x64xf32, #tpu.memory_space<vmem>>)
          tpu.yield
        }) : () -> ()
        %dma_wait3A = arith.constant 0 : i32
        %dma_wait3A_156 = arith.constant 0 : i32
        %dma_wait3A_157 = arith.constant 0 : i32
        %dma_wait3A_158 = tpu.memref_slice %arg11[%dma_wait3A, %dma_wait3A_156, %dma_wait3A_157] : memref<6x128x64xf32, #tpu.memory_space<vmem>> -> memref<1x128x64xf32, #tpu.memory_space<vmem>>
        %dma_wait3A_159 = tpu.memref_squeeze %dma_wait3A_158 : memref<1x128x64xf32, #tpu.memory_space<vmem>> -> memref<128x64xf32, #tpu.memory_space<vmem>>
        %dma_wait3A_160 = arith.constant 0 : i32
        %dma_wait3A_161 = tpu.memref_slice %arg7[%sub3A_81, %add3A_120, %dma_wait3A_160] : memref<2x10240x64xf32, #tpu.memory_space<hbm>> -> memref<1x128x64xf32, #tpu.memory_space<hbm>>
        %dma_wait3A_162 = tpu.memref_squeeze %dma_wait3A_161 : memref<1x128x64xf32, #tpu.memory_space<hbm>> -> memref<128x64xf32, #tpu.memory_space<hbm>>
        %dma_wait3A_163 = arith.constant 0 : i32
        %dma_wait3A_164 = arith.constant 0 : i32
        %dma_wait3A_165 = tpu.memref_slice %arg11[%dma_wait3A, %dma_wait3A_163, %dma_wait3A_164] : memref<6x128x64xf32, #tpu.memory_space<vmem>> -> memref<1x128x64xf32, #tpu.memory_space<vmem>>
        %dma_wait3A_166 = tpu.memref_squeeze %dma_wait3A_165 : memref<1x128x64xf32, #tpu.memory_space<vmem>> -> memref<128x64xf32, #tpu.memory_space<vmem>>
        %dma_wait3A_167 = arith.constant 0 : i32
        %dma_wait3A_168 = tpu.memref_slice %arg7[%sub3A_81, %add3A_120, %dma_wait3A_167] : memref<2x10240x64xf32, #tpu.memory_space<hbm>> -> memref<1x128x64xf32, #tpu.memory_space<hbm>>
        %dma_wait3A_169 = tpu.memref_squeeze %dma_wait3A_168 : memref<1x128x64xf32, #tpu.memory_space<hbm>> -> memref<128x64xf32, #tpu.memory_space<hbm>>
        tpu.wait_dma2 semaphore(%arg13 : memref<!tpu.dma_semaphore, #tpu.memory_space<semaphore_mem>>) src(%dma_wait3A_169 : memref<128x64xf32, #tpu.memory_space<hbm>>) dst(%dma_wait3A_166 : memref<128x64xf32, #tpu.memory_space<vmem>>)
        %dma_wait3A_170 = arith.constant 0 : i32
        %dma_wait3A_171 = arith.constant 4 : i32
        %dma_wait3A_172 = arith.constant 0 : i32
        %dma_wait3A_173 = arith.constant 0 : i32
        %dma_wait3A_174 = tpu.memref_slice %arg11[%dma_wait3A_171, %dma_wait3A_172, %dma_wait3A_173] : memref<6x128x64xf32, #tpu.memory_space<vmem>> -> memref<1x128x64xf32, #tpu.memory_space<vmem>>
        %dma_wait3A_175 = tpu.memref_squeeze %dma_wait3A_174 : memref<1x128x64xf32, #tpu.memory_space<vmem>> -> memref<128x64xf32, #tpu.memory_space<vmem>>
        %dma_wait3A_176 = arith.constant 0 : i32
        %dma_wait3A_177 = tpu.memref_slice %arg4[%dma_wait3A_170, %add3A_120, %dma_wait3A_176] : memref<1x10240x64xf32, #tpu.memory_space<hbm>> -> memref<1x128x64xf32, #tpu.memory_space<hbm>>
        %dma_wait3A_178 = tpu.memref_squeeze %dma_wait3A_177 : memref<1x128x64xf32, #tpu.memory_space<hbm>> -> memref<128x64xf32, #tpu.memory_space<hbm>>
        %dma_wait3A_179 = arith.constant 0 : i32
        %dma_wait3A_180 = arith.constant 0 : i32
        %dma_wait3A_181 = tpu.memref_slice %arg11[%dma_wait3A_171, %dma_wait3A_179, %dma_wait3A_180] : memref<6x128x64xf32, #tpu.memory_space<vmem>> -> memref<1x128x64xf32, #tpu.memory_space<vmem>>
        %dma_wait3A_182 = tpu.memref_squeeze %dma_wait3A_181 : memref<1x128x64xf32, #tpu.memory_space<vmem>> -> memref<128x64xf32, #tpu.memory_space<vmem>>
        %dma_wait3A_183 = arith.constant 0 : i32
        %dma_wait3A_184 = tpu.memref_slice %arg4[%dma_wait3A_170, %add3A_120, %dma_wait3A_183] : memref<1x10240x64xf32, #tpu.memory_space<hbm>> -> memref<1x128x64xf32, #tpu.memory_space<hbm>>
        %dma_wait3A_185 = tpu.memref_squeeze %dma_wait3A_184 : memref<1x128x64xf32, #tpu.memory_space<hbm>> -> memref<128x64xf32, #tpu.memory_space<hbm>>
        tpu.wait_dma2 semaphore(%arg13 : memref<!tpu.dma_semaphore, #tpu.memory_space<semaphore_mem>>) src(%dma_wait3A_185 : memref<128x64xf32, #tpu.memory_space<hbm>>) dst(%dma_wait3A_182 : memref<128x64xf32, #tpu.memory_space<vmem>>)
        %scan3A_186 = arith.constant 0 : i32
        %scan3A_187 = arith.constant 0 : i32
        %scan3A_188 = arith.constant 64 : i32
        %scan3A_189 = arith.addi %scan3A_187, %scan3A_188 : i32
        %scan3A_190 = arith.constant 1 : i32
        scf.for %scan3A_507 = %scan3A_187 to %scan3A_189 step %scan3A_190  : i32 {
          %mul3A_508 = arith.constant 2 : i32
          %mul3A_509 = arith.muli %mul3A_508, %scan3A_507 : i32
          %add3A_510 = arith.constant 0 : i32
          %add3A_511 = arith.addi %mul3A_509, %add3A_510 : i32
          %get3A = arith.constant 4 : i32
          %get3A_512 = arith.index_cast %get3A : i32 to index
          %get3A_513 = arith.index_cast %add3A_511 : i32 to index
          %get3A_514 = arith.constant 0 : index
          %get3A_515 = tpu.vector_load %arg11[%get3A_512, %get3A_513, %get3A_514] {strides = array<i32>} : memref<6x128x64xf32, #tpu.memory_space<vmem>>, vector<1x1x16xf32>,
          %get3A_516 = vector.shape_cast %get3A_515 : vector<1x1x16xf32> to vector<16xf32>
          %mul3A_517 = arith.constant 2 : i32
          %mul3A_518 = arith.muli %mul3A_517, %scan3A_507 : i32
          %add3A_519 = arith.constant 0 : i32
          %add3A_520 = arith.addi %mul3A_518, %add3A_519 : i32
          %get3A_521 = arith.constant 2 : i32
          %get3A_522 = arith.index_cast %get3A_521 : i32 to index
          %get3A_523 = arith.index_cast %add3A_520 : i32 to index
          %get3A_524 = arith.constant 0 : index
          %get3A_525 = tpu.vector_load %arg11[%get3A_522, %get3A_523, %get3A_524] {strides = array<i32>} : memref<6x128x64xf32, #tpu.memory_space<vmem>>, vector<1x1x16xf32>,
          %get3A_526 = vector.shape_cast %get3A_525 : vector<1x1x16xf32> to vector<16xf32>
          %mul3A_527 = arith.constant 2 : i32
          %mul3A_528 = arith.muli %mul3A_527, %scan3A_507 : i32
          %add3A_529 = arith.constant 0 : i32
          %add3A_530 = arith.addi %mul3A_528, %add3A_529 : i32
          %get3A_531 = arith.constant 0 : i32
          %get3A_532 = arith.index_cast %get3A_531 : i32 to index
          %get3A_533 = arith.index_cast %add3A_530 : i32 to index
          %get3A_534 = arith.constant 0 : index
          %get3A_535 = tpu.vector_load %arg11[%get3A_532, %get3A_533, %get3A_534] {strides = array<i32>} : memref<6x128x64xf32, #tpu.memory_space<vmem>>, vector<1x1x16xf32>,
          %get3A_536 = vector.shape_cast %get3A_535 : vector<1x1x16xf32> to vector<16xf32>
          %add3A_537 = arith.addf %get3A_526, %get3A_536 : vector<16xf32>
          %mul3A_538 = arith.mulf %get3A_516, %add3A_537 : vector<16xf32>
          %mul3A_539 = arith.constant 2 : i32
          %mul3A_540 = arith.muli %mul3A_539, %scan3A_507 : i32
          %add3A_541 = arith.constant 0 : i32
          %add3A_542 = arith.addi %mul3A_540, %add3A_541 : i32
          %swap3A = arith.constant 3 : i32
          %swap3A_543 = arith.index_cast %swap3A : i32 to index
          %swap3A_544 = arith.index_cast %add3A_542 : i32 to index
          %swap3A_545 = arith.constant 0 : index
          %swap3A_546 = tpu.vector_load %arg11[%swap3A_543, %swap3A_544, %swap3A_545] {strides = array<i32>} : memref<6x128x64xf32, #tpu.memory_space<vmem>>, vector<1x1x16xf32>,
          %swap3A_547 = vector.shape_cast %swap3A_546 : vector<1x1x16xf32> to vector<16xf32>
          %swap3A_548 = vector.shape_cast %mul3A_538 : vector<16xf32> to vector<1x1x16xf32>
          tpu.vector_store %arg11[%swap3A_543, %swap3A_544, %swap3A_545], %swap3A_548 {strides = array<i32>} : memref<6x128x64xf32, #tpu.memory_space<vmem>>, vector<1x1x16xf32>,
          %mul3A_549 = arith.constant 2 : i32
          %mul3A_550 = arith.muli %mul3A_549, %scan3A_507 : i32
          %add3A_551 = arith.constant 0 : i32
          %add3A_552 = arith.addi %mul3A_550, %add3A_551 : i32
          %get3A_553 = arith.constant 4 : i32
          %get3A_554 = arith.index_cast %get3A_553 : i32 to index
          %get3A_555 = arith.index_cast %add3A_552 : i32 to index
          %get3A_556 = arith.constant 16 : index
          %get3A_557 = tpu.vector_load %arg11[%get3A_554, %get3A_555, %get3A_556] {strides = array<i32>} : memref<6x128x64xf32, #tpu.memory_space<vmem>>, vector<1x1x16xf32>,
          %get3A_558 = vector.shape_cast %get3A_557 : vector<1x1x16xf32> to vector<16xf32>
          %mul3A_559 = arith.constant 2 : i32
          %mul3A_560 = arith.muli %mul3A_559, %scan3A_507 : i32
          %add3A_561 = arith.constant 0 : i32
          %add3A_562 = arith.addi %mul3A_560, %add3A_561 : i32
          %get3A_563 = arith.constant 2 : i32
          %get3A_564 = arith.index_cast %get3A_563 : i32 to index
          %get3A_565 = arith.index_cast %add3A_562 : i32 to index
          %get3A_566 = arith.constant 16 : index
          %get3A_567 = tpu.vector_load %arg11[%get3A_564, %get3A_565, %get3A_566] {strides = array<i32>} : memref<6x128x64xf32, #tpu.memory_space<vmem>>, vector<1x1x16xf32>,
          %get3A_568 = vector.shape_cast %get3A_567 : vector<1x1x16xf32> to vector<16xf32>
          %mul3A_569 = arith.constant 2 : i32
          %mul3A_570 = arith.muli %mul3A_569, %scan3A_507 : i32
          %add3A_571 = arith.constant 0 : i32
          %add3A_572 = arith.addi %mul3A_570, %add3A_571 : i32
          %get3A_573 = arith.constant 0 : i32
          %get3A_574 = arith.index_cast %get3A_573 : i32 to index
          %get3A_575 = arith.index_cast %add3A_572 : i32 to index
          %get3A_576 = arith.constant 16 : index
          %get3A_577 = tpu.vector_load %arg11[%get3A_574, %get3A_575, %get3A_576] {strides = array<i32>} : memref<6x128x64xf32, #tpu.memory_space<vmem>>, vector<1x1x16xf32>,
          %get3A_578 = vector.shape_cast %get3A_577 : vector<1x1x16xf32> to vector<16xf32>
          %add3A_579 = arith.addf %get3A_568, %get3A_578 : vector<16xf32>
          %mul3A_580 = arith.mulf %get3A_558, %add3A_579 : vector<16xf32>
          %mul3A_581 = arith.constant 2 : i32
          %mul3A_582 = arith.muli %mul3A_581, %scan3A_507 : i32
          %add3A_583 = arith.constant 0 : i32
          %add3A_584 = arith.addi %mul3A_582, %add3A_583 : i32
          %swap3A_585 = arith.constant 3 : i32
          %swap3A_586 = arith.index_cast %swap3A_585 : i32 to index
          %swap3A_587 = arith.index_cast %add3A_584 : i32 to index
          %swap3A_588 = arith.constant 16 : index
          %swap3A_589 = tpu.vector_load %arg11[%swap3A_586, %swap3A_587, %swap3A_588] {strides = array<i32>} : memref<6x128x64xf32, #tpu.memory_space<vmem>>, vector<1x1x16xf32>,
          %swap3A_590 = vector.shape_cast %swap3A_589 : vector<1x1x16xf32> to vector<16xf32>
          %swap3A_591 = vector.shape_cast %mul3A_580 : vector<16xf32> to vector<1x1x16xf32>
          tpu.vector_store %arg11[%swap3A_586, %swap3A_587, %swap3A_588], %swap3A_591 {strides = array<i32>} : memref<6x128x64xf32, #tpu.memory_space<vmem>>, vector<1x1x16xf32>,
          %mul3A_592 = arith.constant 2 : i32
          %mul3A_593 = arith.muli %mul3A_592, %scan3A_507 : i32
          %add3A_594 = arith.constant 0 : i32
          %add3A_595 = arith.addi %mul3A_593, %add3A_594 : i32
          %get3A_596 = arith.constant 4 : i32
          %get3A_597 = arith.index_cast %get3A_596 : i32 to index
          %get3A_598 = arith.index_cast %add3A_595 : i32 to index
          %get3A_599 = arith.constant 32 : index
          %get3A_600 = tpu.vector_load %arg11[%get3A_597, %get3A_598, %get3A_599] {strides = array<i32>} : memref<6x128x64xf32, #tpu.memory_space<vmem>>, vector<1x1x16xf32>,
          %get3A_601 = vector.shape_cast %get3A_600 : vector<1x1x16xf32> to vector<16xf32>
          %mul3A_602 = arith.constant 2 : i32
          %mul3A_603 = arith.muli %mul3A_602, %scan3A_507 : i32
          %add3A_604 = arith.constant 0 : i32
          %add3A_605 = arith.addi %mul3A_603, %add3A_604 : i32
          %get3A_606 = arith.constant 2 : i32
          %get3A_607 = arith.index_cast %get3A_606 : i32 to index
          %get3A_608 = arith.index_cast %add3A_605 : i32 to index
          %get3A_609 = arith.constant 32 : index
          %get3A_610 = tpu.vector_load %arg11[%get3A_607, %get3A_608, %get3A_609] {strides = array<i32>} : memref<6x128x64xf32, #tpu.memory_space<vmem>>, vector<1x1x16xf32>,
          %get3A_611 = vector.shape_cast %get3A_610 : vector<1x1x16xf32> to vector<16xf32>
          %mul3A_612 = arith.constant 2 : i32
          %mul3A_613 = arith.muli %mul3A_612, %scan3A_507 : i32
          %add3A_614 = arith.constant 0 : i32
          %add3A_615 = arith.addi %mul3A_613, %add3A_614 : i32
          %get3A_616 = arith.constant 0 : i32
          %get3A_617 = arith.index_cast %get3A_616 : i32 to index
          %get3A_618 = arith.index_cast %add3A_615 : i32 to index
          %get3A_619 = arith.constant 32 : index
          %get3A_620 = tpu.vector_load %arg11[%get3A_617, %get3A_618, %get3A_619] {strides = array<i32>} : memref<6x128x64xf32, #tpu.memory_space<vmem>>, vector<1x1x16xf32>,
          %get3A_621 = vector.shape_cast %get3A_620 : vector<1x1x16xf32> to vector<16xf32>
          %add3A_622 = arith.addf %get3A_611, %get3A_621 : vector<16xf32>
          %mul3A_623 = arith.mulf %get3A_601, %add3A_622 : vector<16xf32>
          %mul3A_624 = arith.constant 2 : i32
          %mul3A_625 = arith.muli %mul3A_624, %scan3A_507 : i32
          %add3A_626 = arith.constant 0 : i32
          %add3A_627 = arith.addi %mul3A_625, %add3A_626 : i32
          %swap3A_628 = arith.constant 3 : i32
          %swap3A_629 = arith.index_cast %swap3A_628 : i32 to index
          %swap3A_630 = arith.index_cast %add3A_627 : i32 to index
          %swap3A_631 = arith.constant 32 : index
          %swap3A_632 = tpu.vector_load %arg11[%swap3A_629, %swap3A_630, %swap3A_631] {strides = array<i32>} : memref<6x128x64xf32, #tpu.memory_space<vmem>>, vector<1x1x16xf32>,
          %swap3A_633 = vector.shape_cast %swap3A_632 : vector<1x1x16xf32> to vector<16xf32>
          %swap3A_634 = vector.shape_cast %mul3A_623 : vector<16xf32> to vector<1x1x16xf32>
          tpu.vector_store %arg11[%swap3A_629, %swap3A_630, %swap3A_631], %swap3A_634 {strides = array<i32>} : memref<6x128x64xf32, #tpu.memory_space<vmem>>, vector<1x1x16xf32>,
          %mul3A_635 = arith.constant 2 : i32
          %mul3A_636 = arith.muli %mul3A_635, %scan3A_507 : i32
          %add3A_637 = arith.constant 0 : i32
          %add3A_638 = arith.addi %mul3A_636, %add3A_637 : i32
          %get3A_639 = arith.constant 4 : i32
          %get3A_640 = arith.index_cast %get3A_639 : i32 to index
          %get3A_641 = arith.index_cast %add3A_638 : i32 to index
          %get3A_642 = arith.constant 48 : index
          %get3A_643 = tpu.vector_load %arg11[%get3A_640, %get3A_641, %get3A_642] {strides = array<i32>} : memref<6x128x64xf32, #tpu.memory_space<vmem>>, vector<1x1x16xf32>,
          %get3A_644 = vector.shape_cast %get3A_643 : vector<1x1x16xf32> to vector<16xf32>
          %mul3A_645 = arith.constant 2 : i32
          %mul3A_646 = arith.muli %mul3A_645, %scan3A_507 : i32
          %add3A_647 = arith.constant 0 : i32
          %add3A_648 = arith.addi %mul3A_646, %add3A_647 : i32
          %get3A_649 = arith.constant 2 : i32
          %get3A_650 = arith.index_cast %get3A_649 : i32 to index
          %get3A_651 = arith.index_cast %add3A_648 : i32 to index
          %get3A_652 = arith.constant 48 : index
          %get3A_653 = tpu.vector_load %arg11[%get3A_650, %get3A_651, %get3A_652] {strides = array<i32>} : memref<6x128x64xf32, #tpu.memory_space<vmem>>, vector<1x1x16xf32>,
          %get3A_654 = vector.shape_cast %get3A_653 : vector<1x1x16xf32> to vector<16xf32>
          %mul3A_655 = arith.constant 2 : i32
          %mul3A_656 = arith.muli %mul3A_655, %scan3A_507 : i32
          %add3A_657 = arith.constant 0 : i32
          %add3A_658 = arith.addi %mul3A_656, %add3A_657 : i32
          %get3A_659 = arith.constant 0 : i32
          %get3A_660 = arith.index_cast %get3A_659 : i32 to index
          %get3A_661 = arith.index_cast %add3A_658 : i32 to index
          %get3A_662 = arith.constant 48 : index
          %get3A_663 = tpu.vector_load %arg11[%get3A_660, %get3A_661, %get3A_662] {strides = array<i32>} : memref<6x128x64xf32, #tpu.memory_space<vmem>>, vector<1x1x16xf32>,
          %get3A_664 = vector.shape_cast %get3A_663 : vector<1x1x16xf32> to vector<16xf32>
          %add3A_665 = arith.addf %get3A_654, %get3A_664 : vector<16xf32>
          %mul3A_666 = arith.mulf %get3A_644, %add3A_665 : vector<16xf32>
          %mul3A_667 = arith.constant 2 : i32
          %mul3A_668 = arith.muli %mul3A_667, %scan3A_507 : i32
          %add3A_669 = arith.constant 0 : i32
          %add3A_670 = arith.addi %mul3A_668, %add3A_669 : i32
          %swap3A_671 = arith.constant 3 : i32
          %swap3A_672 = arith.index_cast %swap3A_671 : i32 to index
          %swap3A_673 = arith.index_cast %add3A_670 : i32 to index
          %swap3A_674 = arith.constant 48 : index
          %swap3A_675 = tpu.vector_load %arg11[%swap3A_672, %swap3A_673, %swap3A_674] {strides = array<i32>} : memref<6x128x64xf32, #tpu.memory_space<vmem>>, vector<1x1x16xf32>,
          %swap3A_676 = vector.shape_cast %swap3A_675 : vector<1x1x16xf32> to vector<16xf32>
          %swap3A_677 = vector.shape_cast %mul3A_666 : vector<16xf32> to vector<1x1x16xf32>
          tpu.vector_store %arg11[%swap3A_672, %swap3A_673, %swap3A_674], %swap3A_677 {strides = array<i32>} : memref<6x128x64xf32, #tpu.memory_space<vmem>>, vector<1x1x16xf32>,
          %mul3A_678 = arith.constant 2 : i32
          %mul3A_679 = arith.muli %mul3A_678, %scan3A_507 : i32
          %add3A_680 = arith.constant 1 : i32
          %add3A_681 = arith.addi %mul3A_679, %add3A_680 : i32
          %get3A_682 = arith.constant 4 : i32
          %get3A_683 = arith.index_cast %get3A_682 : i32 to index
          %get3A_684 = arith.index_cast %add3A_681 : i32 to index
          %get3A_685 = arith.constant 0 : index
          %get3A_686 = tpu.vector_load %arg11[%get3A_683, %get3A_684, %get3A_685] {strides = array<i32>} : memref<6x128x64xf32, #tpu.memory_space<vmem>>, vector<1x1x16xf32>,
          %get3A_687 = vector.shape_cast %get3A_686 : vector<1x1x16xf32> to vector<16xf32>
          %mul3A_688 = arith.constant 2 : i32
          %mul3A_689 = arith.muli %mul3A_688, %scan3A_507 : i32
          %add3A_690 = arith.constant 1 : i32
          %add3A_691 = arith.addi %mul3A_689, %add3A_690 : i32
          %get3A_692 = arith.constant 2 : i32
          %get3A_693 = arith.index_cast %get3A_692 : i32 to index
          %get3A_694 = arith.index_cast %add3A_691 : i32 to index
          %get3A_695 = arith.constant 0 : index
          %get3A_696 = tpu.vector_load %arg11[%get3A_693, %get3A_694, %get3A_695] {strides = array<i32>} : memref<6x128x64xf32, #tpu.memory_space<vmem>>, vector<1x1x16xf32>,
          %get3A_697 = vector.shape_cast %get3A_696 : vector<1x1x16xf32> to vector<16xf32>
          %mul3A_698 = arith.constant 2 : i32
          %mul3A_699 = arith.muli %mul3A_698, %scan3A_507 : i32
          %add3A_700 = arith.constant 1 : i32
          %add3A_701 = arith.addi %mul3A_699, %add3A_700 : i32
          %get3A_702 = arith.constant 0 : i32
          %get3A_703 = arith.index_cast %get3A_702 : i32 to index
          %get3A_704 = arith.index_cast %add3A_701 : i32 to index
          %get3A_705 = arith.constant 0 : index
          %get3A_706 = tpu.vector_load %arg11[%get3A_703, %get3A_704, %get3A_705] {strides = array<i32>} : memref<6x128x64xf32, #tpu.memory_space<vmem>>, vector<1x1x16xf32>,
          %get3A_707 = vector.shape_cast %get3A_706 : vector<1x1x16xf32> to vector<16xf32>
          %add3A_708 = arith.addf %get3A_697, %get3A_707 : vector<16xf32>
          %mul3A_709 = arith.mulf %get3A_687, %add3A_708 : vector<16xf32>
          %mul3A_710 = arith.constant 2 : i32
          %mul3A_711 = arith.muli %mul3A_710, %scan3A_507 : i32
          %add3A_712 = arith.constant 1 : i32
          %add3A_713 = arith.addi %mul3A_711, %add3A_712 : i32
          %swap3A_714 = arith.constant 3 : i32
          %swap3A_715 = arith.index_cast %swap3A_714 : i32 to index
          %swap3A_716 = arith.index_cast %add3A_713 : i32 to index
          %swap3A_717 = arith.constant 0 : index
          %swap3A_718 = tpu.vector_load %arg11[%swap3A_715, %swap3A_716, %swap3A_717] {strides = array<i32>} : memref<6x128x64xf32, #tpu.memory_space<vmem>>, vector<1x1x16xf32>,
          %swap3A_719 = vector.shape_cast %swap3A_718 : vector<1x1x16xf32> to vector<16xf32>
          %swap3A_720 = vector.shape_cast %mul3A_709 : vector<16xf32> to vector<1x1x16xf32>
          tpu.vector_store %arg11[%swap3A_715, %swap3A_716, %swap3A_717], %swap3A_720 {strides = array<i32>} : memref<6x128x64xf32, #tpu.memory_space<vmem>>, vector<1x1x16xf32>,
          %mul3A_721 = arith.constant 2 : i32
          %mul3A_722 = arith.muli %mul3A_721, %scan3A_507 : i32
          %add3A_723 = arith.constant 1 : i32
          %add3A_724 = arith.addi %mul3A_722, %add3A_723 : i32
          %get3A_725 = arith.constant 4 : i32
          %get3A_726 = arith.index_cast %get3A_725 : i32 to index
          %get3A_727 = arith.index_cast %add3A_724 : i32 to index
          %get3A_728 = arith.constant 16 : index
          %get3A_729 = tpu.vector_load %arg11[%get3A_726, %get3A_727, %get3A_728] {strides = array<i32>} : memref<6x128x64xf32, #tpu.memory_space<vmem>>, vector<1x1x16xf32>,
          %get3A_730 = vector.shape_cast %get3A_729 : vector<1x1x16xf32> to vector<16xf32>
          %mul3A_731 = arith.constant 2 : i32
          %mul3A_732 = arith.muli %mul3A_731, %scan3A_507 : i32
          %add3A_733 = arith.constant 1 : i32
          %add3A_734 = arith.addi %mul3A_732, %add3A_733 : i32
          %get3A_735 = arith.constant 2 : i32
          %get3A_736 = arith.index_cast %get3A_735 : i32 to index
          %get3A_737 = arith.index_cast %add3A_734 : i32 to index
          %get3A_738 = arith.constant 16 : index
          %get3A_739 = tpu.vector_load %arg11[%get3A_736, %get3A_737, %get3A_738] {strides = array<i32>} : memref<6x128x64xf32, #tpu.memory_space<vmem>>, vector<1x1x16xf32>,
          %get3A_740 = vector.shape_cast %get3A_739 : vector<1x1x16xf32> to vector<16xf32>
          %mul3A_741 = arith.constant 2 : i32
          %mul3A_742 = arith.muli %mul3A_741, %scan3A_507 : i32
          %add3A_743 = arith.constant 1 : i32
          %add3A_744 = arith.addi %mul3A_742, %add3A_743 : i32
          %get3A_745 = arith.constant 0 : i32
          %get3A_746 = arith.index_cast %get3A_745 : i32 to index
          %get3A_747 = arith.index_cast %add3A_744 : i32 to index
          %get3A_748 = arith.constant 16 : index
          %get3A_749 = tpu.vector_load %arg11[%get3A_746, %get3A_747, %get3A_748] {strides = array<i32>} : memref<6x128x64xf32, #tpu.memory_space<vmem>>, vector<1x1x16xf32>,
          %get3A_750 = vector.shape_cast %get3A_749 : vector<1x1x16xf32> to vector<16xf32>
          %add3A_751 = arith.addf %get3A_740, %get3A_750 : vector<16xf32>
          %mul3A_752 = arith.mulf %get3A_730, %add3A_751 : vector<16xf32>
          %mul3A_753 = arith.constant 2 : i32
          %mul3A_754 = arith.muli %mul3A_753, %scan3A_507 : i32
          %add3A_755 = arith.constant 1 : i32
          %add3A_756 = arith.addi %mul3A_754, %add3A_755 : i32
          %swap3A_757 = arith.constant 3 : i32
          %swap3A_758 = arith.index_cast %swap3A_757 : i32 to index
          %swap3A_759 = arith.index_cast %add3A_756 : i32 to index
          %swap3A_760 = arith.constant 16 : index
          %swap3A_761 = tpu.vector_load %arg11[%swap3A_758, %swap3A_759, %swap3A_760] {strides = array<i32>} : memref<6x128x64xf32, #tpu.memory_space<vmem>>, vector<1x1x16xf32>,
          %swap3A_762 = vector.shape_cast %swap3A_761 : vector<1x1x16xf32> to vector<16xf32>
          %swap3A_763 = vector.shape_cast %mul3A_752 : vector<16xf32> to vector<1x1x16xf32>
          tpu.vector_store %arg11[%swap3A_758, %swap3A_759, %swap3A_760], %swap3A_763 {strides = array<i32>} : memref<6x128x64xf32, #tpu.memory_space<vmem>>, vector<1x1x16xf32>,
          %mul3A_764 = arith.constant 2 : i32
          %mul3A_765 = arith.muli %mul3A_764, %scan3A_507 : i32
          %add3A_766 = arith.constant 1 : i32
          %add3A_767 = arith.addi %mul3A_765, %add3A_766 : i32
          %get3A_768 = arith.constant 4 : i32
          %get3A_769 = arith.index_cast %get3A_768 : i32 to index
          %get3A_770 = arith.index_cast %add3A_767 : i32 to index
          %get3A_771 = arith.constant 32 : index
          %get3A_772 = tpu.vector_load %arg11[%get3A_769, %get3A_770, %get3A_771] {strides = array<i32>} : memref<6x128x64xf32, #tpu.memory_space<vmem>>, vector<1x1x16xf32>,
          %get3A_773 = vector.shape_cast %get3A_772 : vector<1x1x16xf32> to vector<16xf32>
          %mul3A_774 = arith.constant 2 : i32
          %mul3A_775 = arith.muli %mul3A_774, %scan3A_507 : i32
          %add3A_776 = arith.constant 1 : i32
          %add3A_777 = arith.addi %mul3A_775, %add3A_776 : i32
          %get3A_778 = arith.constant 2 : i32
          %get3A_779 = arith.index_cast %get3A_778 : i32 to index
          %get3A_780 = arith.index_cast %add3A_777 : i32 to index
          %get3A_781 = arith.constant 32 : index
          %get3A_782 = tpu.vector_load %arg11[%get3A_779, %get3A_780, %get3A_781] {strides = array<i32>} : memref<6x128x64xf32, #tpu.memory_space<vmem>>, vector<1x1x16xf32>,
          %get3A_783 = vector.shape_cast %get3A_782 : vector<1x1x16xf32> to vector<16xf32>
          %mul3A_784 = arith.constant 2 : i32
          %mul3A_785 = arith.muli %mul3A_784, %scan3A_507 : i32
          %add3A_786 = arith.constant 1 : i32
          %add3A_787 = arith.addi %mul3A_785, %add3A_786 : i32
          %get3A_788 = arith.constant 0 : i32
          %get3A_789 = arith.index_cast %get3A_788 : i32 to index
          %get3A_790 = arith.index_cast %add3A_787 : i32 to index
          %get3A_791 = arith.constant 32 : index
          %get3A_792 = tpu.vector_load %arg11[%get3A_789, %get3A_790, %get3A_791] {strides = array<i32>} : memref<6x128x64xf32, #tpu.memory_space<vmem>>, vector<1x1x16xf32>,
          %get3A_793 = vector.shape_cast %get3A_792 : vector<1x1x16xf32> to vector<16xf32>
          %add3A_794 = arith.addf %get3A_783, %get3A_793 : vector<16xf32>
          %mul3A_795 = arith.mulf %get3A_773, %add3A_794 : vector<16xf32>
          %mul3A_796 = arith.constant 2 : i32
          %mul3A_797 = arith.muli %mul3A_796, %scan3A_507 : i32
          %add3A_798 = arith.constant 1 : i32
          %add3A_799 = arith.addi %mul3A_797, %add3A_798 : i32
          %swap3A_800 = arith.constant 3 : i32
          %swap3A_801 = arith.index_cast %swap3A_800 : i32 to index
          %swap3A_802 = arith.index_cast %add3A_799 : i32 to index
          %swap3A_803 = arith.constant 32 : index
          %swap3A_804 = tpu.vector_load %arg11[%swap3A_801, %swap3A_802, %swap3A_803] {strides = array<i32>} : memref<6x128x64xf32, #tpu.memory_space<vmem>>, vector<1x1x16xf32>,
          %swap3A_805 = vector.shape_cast %swap3A_804 : vector<1x1x16xf32> to vector<16xf32>
          %swap3A_806 = vector.shape_cast %mul3A_795 : vector<16xf32> to vector<1x1x16xf32>
          tpu.vector_store %arg11[%swap3A_801, %swap3A_802, %swap3A_803], %swap3A_806 {strides = array<i32>} : memref<6x128x64xf32, #tpu.memory_space<vmem>>, vector<1x1x16xf32>,
          %mul3A_807 = arith.constant 2 : i32
          %mul3A_808 = arith.muli %mul3A_807, %scan3A_507 : i32
          %add3A_809 = arith.constant 1 : i32
          %add3A_810 = arith.addi %mul3A_808, %add3A_809 : i32
          %get3A_811 = arith.constant 4 : i32
          %get3A_812 = arith.index_cast %get3A_811 : i32 to index
          %get3A_813 = arith.index_cast %add3A_810 : i32 to index
          %get3A_814 = arith.constant 48 : index
          %get3A_815 = tpu.vector_load %arg11[%get3A_812, %get3A_813, %get3A_814] {strides = array<i32>} : memref<6x128x64xf32, #tpu.memory_space<vmem>>, vector<1x1x16xf32>,
          %get3A_816 = vector.shape_cast %get3A_815 : vector<1x1x16xf32> to vector<16xf32>
          %mul3A_817 = arith.constant 2 : i32
          %mul3A_818 = arith.muli %mul3A_817, %scan3A_507 : i32
          %add3A_819 = arith.constant 1 : i32
          %add3A_820 = arith.addi %mul3A_818, %add3A_819 : i32
          %get3A_821 = arith.constant 2 : i32
          %get3A_822 = arith.index_cast %get3A_821 : i32 to index
          %get3A_823 = arith.index_cast %add3A_820 : i32 to index
          %get3A_824 = arith.constant 48 : index
          %get3A_825 = tpu.vector_load %arg11[%get3A_822, %get3A_823, %get3A_824] {strides = array<i32>} : memref<6x128x64xf32, #tpu.memory_space<vmem>>, vector<1x1x16xf32>,
          %get3A_826 = vector.shape_cast %get3A_825 : vector<1x1x16xf32> to vector<16xf32>
          %mul3A_827 = arith.constant 2 : i32
          %mul3A_828 = arith.muli %mul3A_827, %scan3A_507 : i32
          %add3A_829 = arith.constant 1 : i32
          %add3A_830 = arith.addi %mul3A_828, %add3A_829 : i32
          %get3A_831 = arith.constant 0 : i32
          %get3A_832 = arith.index_cast %get3A_831 : i32 to index
          %get3A_833 = arith.index_cast %add3A_830 : i32 to index
          %get3A_834 = arith.constant 48 : index
          %get3A_835 = tpu.vector_load %arg11[%get3A_832, %get3A_833, %get3A_834] {strides = array<i32>} : memref<6x128x64xf32, #tpu.memory_space<vmem>>, vector<1x1x16xf32>,
          %get3A_836 = vector.shape_cast %get3A_835 : vector<1x1x16xf32> to vector<16xf32>
          %add3A_837 = arith.addf %get3A_826, %get3A_836 : vector<16xf32>
          %mul3A_838 = arith.mulf %get3A_816, %add3A_837 : vector<16xf32>
          %mul3A_839 = arith.constant 2 : i32
          %mul3A_840 = arith.muli %mul3A_839, %scan3A_507 : i32
          %add3A_841 = arith.constant 1 : i32
          %add3A_842 = arith.addi %mul3A_840, %add3A_841 : i32
          %swap3A_843 = arith.constant 3 : i32
          %swap3A_844 = arith.index_cast %swap3A_843 : i32 to index
          %swap3A_845 = arith.index_cast %add3A_842 : i32 to index
          %swap3A_846 = arith.constant 48 : index
          %swap3A_847 = tpu.vector_load %arg11[%swap3A_844, %swap3A_845, %swap3A_846] {strides = array<i32>} : memref<6x128x64xf32, #tpu.memory_space<vmem>>, vector<1x1x16xf32>,
          %swap3A_848 = vector.shape_cast %swap3A_847 : vector<1x1x16xf32> to vector<16xf32>
          %swap3A_849 = vector.shape_cast %mul3A_838 : vector<16xf32> to vector<1x1x16xf32>
          tpu.vector_store %arg11[%swap3A_844, %swap3A_845, %swap3A_846], %swap3A_849 {strides = array<i32>} : memref<6x128x64xf32, #tpu.memory_space<vmem>>, vector<1x1x16xf32>,
        }
        %scan3A_191 = arith.constant 64 : i32
        %run_scoped3A_192 = arith.constant 3 : i32
        "tpu.region"() ({
          %run_scoped3A_507 = tpu.sem_alloc : memref<!tpu.dma_semaphore, #tpu.memory_space<semaphore_mem>>
          %dma_start3A_508 = arith.constant 0 : i32
          %dma_start3A_509 = arith.constant 0 : i32
          %dma_start3A_510 = tpu.memref_slice %arg11[%run_scoped3A_192, %dma_start3A_508, %dma_start3A_509] : memref<6x128x64xf32, #tpu.memory_space<vmem>> -> memref<1x128x64xf32, #tpu.memory_space<vmem>>
          %dma_start3A_511 = tpu.memref_squeeze %dma_start3A_510 : memref<1x128x64xf32, #tpu.memory_space<vmem>> -> memref<128x64xf32, #tpu.memory_space<vmem>>
          %dma_start3A_512 = arith.constant 0 : i32
          %dma_start3A_513 = tpu.memref_slice %arg8[%arg0, %add3A_120, %dma_start3A_512] : memref<2x10240x64xf32, #tpu.memory_space<hbm>> -> memref<1x128x64xf32, #tpu.memory_space<hbm>>
          %dma_start3A_514 = tpu.memref_squeeze %dma_start3A_513 : memref<1x128x64xf32, #tpu.memory_space<hbm>> -> memref<128x64xf32, #tpu.memory_space<hbm>>
          %dma_start3A_515 = arith.constant 0 : i32
          %dma_start3A_516 = tpu.memref_slice %arg8[%arg0, %add3A_120, %dma_start3A_515] : memref<2x10240x64xf32, #tpu.memory_space<hbm>> -> memref<1x128x64xf32, #tpu.memory_space<hbm>>
          %dma_start3A_517 = tpu.memref_squeeze %dma_start3A_516 : memref<1x128x64xf32, #tpu.memory_space<hbm>> -> memref<128x64xf32, #tpu.memory_space<hbm>>
          %dma_start3A_518 = arith.constant 0 : i32
          %dma_start3A_519 = arith.constant 0 : i32
          %dma_start3A_520 = tpu.memref_slice %arg11[%run_scoped3A_192, %dma_start3A_518, %dma_start3A_519] : memref<6x128x64xf32, #tpu.memory_space<vmem>> -> memref<1x128x64xf32, #tpu.memory_space<vmem>>
          %dma_start3A_521 = tpu.memref_squeeze %dma_start3A_520 : memref<1x128x64xf32, #tpu.memory_space<vmem>> -> memref<128x64xf32, #tpu.memory_space<vmem>>
          tpu.enqueue_dma source(%dma_start3A_521 : memref<128x64xf32, #tpu.memory_space<vmem>>) target(%dma_start3A_517 : memref<128x64xf32, #tpu.memory_space<hbm>>) target_semaphore(%run_scoped3A_507 : memref<!tpu.dma_semaphore, #tpu.memory_space<semaphore_mem>>)
          %dma_wait3A_522 = arith.constant 0 : i32
          %dma_wait3A_523 = arith.constant 0 : i32
          %dma_wait3A_524 = tpu.memref_slice %arg11[%run_scoped3A_192, %dma_wait3A_522, %dma_wait3A_523] : memref<6x128x64xf32, #tpu.memory_space<vmem>> -> memref<1x128x64xf32, #tpu.memory_space<vmem>>
          %dma_wait3A_525 = tpu.memref_squeeze %dma_wait3A_524 : memref<1x128x64xf32, #tpu.memory_space<vmem>> -> memref<128x64xf32, #tpu.memory_space<vmem>>
          %dma_wait3A_526 = arith.constant 0 : i32
          %dma_wait3A_527 = tpu.memref_slice %arg8[%arg0, %add3A_120, %dma_wait3A_526] : memref<2x10240x64xf32, #tpu.memory_space<hbm>> -> memref<1x128x64xf32, #tpu.memory_space<hbm>>
          %dma_wait3A_528 = tpu.memref_squeeze %dma_wait3A_527 : memref<1x128x64xf32, #tpu.memory_space<hbm>> -> memref<128x64xf32, #tpu.memory_space<hbm>>
          %dma_wait3A_529 = arith.constant 0 : i32
          %dma_wait3A_530 = tpu.memref_slice %arg8[%arg0, %add3A_120, %dma_wait3A_529] : memref<2x10240x64xf32, #tpu.memory_space<hbm>> -> memref<1x128x64xf32, #tpu.memory_space<hbm>>
          %dma_wait3A_531 = tpu.memref_squeeze %dma_wait3A_530 : memref<1x128x64xf32, #tpu.memory_space<hbm>> -> memref<128x64xf32, #tpu.memory_space<hbm>>
          %dma_wait3A_532 = arith.constant 0 : i32
          %dma_wait3A_533 = arith.constant 0 : i32
          %dma_wait3A_534 = tpu.memref_slice %arg11[%run_scoped3A_192, %dma_wait3A_532, %dma_wait3A_533] : memref<6x128x64xf32, #tpu.memory_space<vmem>> -> memref<1x128x64xf32, #tpu.memory_space<vmem>>
          %dma_wait3A_535 = tpu.memref_squeeze %dma_wait3A_534 : memref<1x128x64xf32, #tpu.memory_space<vmem>> -> memref<128x64xf32, #tpu.memory_space<vmem>>
          tpu.wait_dma2 semaphore(%run_scoped3A_507 : memref<!tpu.dma_semaphore, #tpu.memory_space<semaphore_mem>>) src(%dma_wait3A_535 : memref<128x64xf32, #tpu.memory_space<vmem>>) dst(%dma_wait3A_531 : memref<128x64xf32, #tpu.memory_space<hbm>>)
          tpu.yield
        }) : () -> ()
        %eq3A_193 = arith.constant 0 : i32
        %eq3A_194 = arith.cmpi eq, %arg0, %eq3A_193 : i32
        %convert_element_type3A_195 = arith.extui %eq3A_194 : i1 to i32
        %cond3A_196 = arith.constant 0 : i32
        %cond3A_197 = arith.cmpi ne, %convert_element_type3A_195, %cond3A_196 : i32
        scf.if %cond3A_197 {
          %run_scoped3A_507 = arith.constant 3 : i32
          "tpu.region"() ({
            %run_scoped3A_508 = tpu.sem_alloc : memref<!tpu.dma_semaphore, #tpu.memory_space<semaphore_mem>>
            %dma_start3A_509 = arith.constant 0 : i32
            %dma_start3A_510 = arith.constant 0 : i32
            %dma_start3A_511 = tpu.memref_slice %arg11[%run_scoped3A_507, %dma_start3A_509, %dma_start3A_510] : memref<6x128x64xf32, #tpu.memory_space<vmem>> -> memref<1x128x64xf32, #tpu.memory_space<vmem>>
            %dma_start3A_512 = tpu.memref_squeeze %dma_start3A_511 : memref<1x128x64xf32, #tpu.memory_space<vmem>> -> memref<128x64xf32, #tpu.memory_space<vmem>>
            %dma_start3A_513 = arith.constant 0 : i32
            %dma_start3A_514 = tpu.memref_slice %arg12[%add3A_120, %dma_start3A_513] : memref<10240x64xf32, #tpu.memory_space<vmem_shared>> -> memref<128x64xf32, #tpu.memory_space<vmem_shared>>
            %dma_start3A_515 = arith.constant 0 : i32
            %dma_start3A_516 = tpu.memref_slice %arg12[%add3A_120, %dma_start3A_515] : memref<10240x64xf32, #tpu.memory_space<vmem_shared>> -> memref<128x64xf32, #tpu.memory_space<vmem_shared>>
            %dma_start3A_517 = arith.constant 0 : i32
            %dma_start3A_518 = arith.constant 0 : i32
            %dma_start3A_519 = tpu.memref_slice %arg11[%run_scoped3A_507, %dma_start3A_517, %dma_start3A_518] : memref<6x128x64xf32, #tpu.memory_space<vmem>> -> memref<1x128x64xf32, #tpu.memory_space<vmem>>
            %dma_start3A_520 = tpu.memref_squeeze %dma_start3A_519 : memref<1x128x64xf32, #tpu.memory_space<vmem>> -> memref<128x64xf32, #tpu.memory_space<vmem>>
            tpu.enqueue_dma source(%dma_start3A_520 : memref<128x64xf32, #tpu.memory_space<vmem>>) target(%dma_start3A_516 : memref<128x64xf32, #tpu.memory_space<vmem_shared>>) target_semaphore(%run_scoped3A_508 : memref<!tpu.dma_semaphore, #tpu.memory_space<semaphore_mem>>)
            %dma_wait3A_521 = arith.constant 0 : i32
            %dma_wait3A_522 = arith.constant 0 : i32
            %dma_wait3A_523 = tpu.memref_slice %arg11[%run_scoped3A_507, %dma_wait3A_521, %dma_wait3A_522] : memref<6x128x64xf32, #tpu.memory_space<vmem>> -> memref<1x128x64xf32, #tpu.memory_space<vmem>>
            %dma_wait3A_524 = tpu.memref_squeeze %dma_wait3A_523 : memref<1x128x64xf32, #tpu.memory_space<vmem>> -> memref<128x64xf32, #tpu.memory_space<vmem>>
            %dma_wait3A_525 = arith.constant 0 : i32
            %dma_wait3A_526 = tpu.memref_slice %arg12[%add3A_120, %dma_wait3A_525] : memref<10240x64xf32, #tpu.memory_space<vmem_shared>> -> memref<128x64xf32, #tpu.memory_space<vmem_shared>>
            %dma_wait3A_527 = arith.constant 0 : i32
            %dma_wait3A_528 = tpu.memref_slice %arg12[%add3A_120, %dma_wait3A_527] : memref<10240x64xf32, #tpu.memory_space<vmem_shared>> -> memref<128x64xf32, #tpu.memory_space<vmem_shared>>
            %dma_wait3A_529 = arith.constant 0 : i32
            %dma_wait3A_530 = arith.constant 0 : i32
            %dma_wait3A_531 = tpu.memref_slice %arg11[%run_scoped3A_507, %dma_wait3A_529, %dma_wait3A_530] : memref<6x128x64xf32, #tpu.memory_space<vmem>> -> memref<1x128x64xf32, #tpu.memory_space<vmem>>
            %dma_wait3A_532 = tpu.memref_squeeze %dma_wait3A_531 : memref<1x128x64xf32, #tpu.memory_space<vmem>> -> memref<128x64xf32, #tpu.memory_space<vmem>>
            tpu.wait_dma2 semaphore(%run_scoped3A_508 : memref<!tpu.dma_semaphore, #tpu.memory_space<semaphore_mem>>) src(%dma_wait3A_532 : memref<128x64xf32, #tpu.memory_space<vmem>>) dst(%dma_wait3A_528 : memref<128x64xf32, #tpu.memory_space<vmem_shared>>)
            tpu.yield
          }) : () -> ()
        } else {
        }
        %mul3A_198 = arith.constant 640 : i32
        %mul3A_199 = arith.muli %arg1, %mul3A_198 : i32
        %add3A_200 = arith.constant 128 : i32
        %add3A_201 = arith.addi %mul3A_199, %add3A_200 : i32
        %mul3A_202 = arith.constant 640 : i32
        %mul3A_203 = arith.muli %arg1, %mul3A_202 : i32
        %add3A_204 = arith.constant 256 : i32
        %add3A_205 = arith.addi %mul3A_203, %add3A_204 : i32
        %dma_start3A_206 = arith.constant 0 : i32
        %dma_start3A_207 = arith.constant 0 : i32
        %dma_start3A_208 = arith.constant 0 : i32
        %dma_start3A_209 = tpu.memref_slice %arg11[%dma_start3A_206, %dma_start3A_207, %dma_start3A_208] : memref<6x128x64xf32, #tpu.memory_space<vmem>> -> memref<1x128x64xf32, #tpu.memory_space<vmem>>
        %dma_start3A_210 = tpu.memref_squeeze %dma_start3A_209 : memref<1x128x64xf32, #tpu.memory_space<vmem>> -> memref<128x64xf32, #tpu.memory_space<vmem>>
        %dma_start3A_211 = arith.constant 0 : i32
        %dma_start3A_212 = tpu.memref_slice %arg7[%sub3A_81, %add3A_205, %dma_start3A_211] : memref<2x10240x64xf32, #tpu.memory_space<hbm>> -> memref<1x128x64xf32, #tpu.memory_space<hbm>>
        %dma_start3A_213 = tpu.memref_squeeze %dma_start3A_212 : memref<1x128x64xf32, #tpu.memory_space<hbm>> -> memref<128x64xf32, #tpu.memory_space<hbm>>
        %dma_start3A_214 = arith.constant 0 : i32
        %dma_start3A_215 = arith.constant 0 : i32
        %dma_start3A_216 = tpu.memref_slice %arg11[%dma_start3A_206, %dma_start3A_214, %dma_start3A_215] : memref<6x128x64xf32, #tpu.memory_space<vmem>> -> memref<1x128x64xf32, #tpu.memory_space<vmem>>
        %dma_start3A_217 = tpu.memref_squeeze %dma_start3A_216 : memref<1x128x64xf32, #tpu.memory_space<vmem>> -> memref<128x64xf32, #tpu.memory_space<vmem>>
        %dma_start3A_218 = arith.constant 0 : i32
        %dma_start3A_219 = tpu.memref_slice %arg7[%sub3A_81, %add3A_205, %dma_start3A_218] : memref<2x10240x64xf32, #tpu.memory_space<hbm>> -> memref<1x128x64xf32, #tpu.memory_space<hbm>>
        %dma_start3A_220 = tpu.memref_squeeze %dma_start3A_219 : memref<1x128x64xf32, #tpu.memory_space<hbm>> -> memref<128x64xf32, #tpu.memory_space<hbm>>
        tpu.enqueue_dma source(%dma_start3A_220 : memref<128x64xf32, #tpu.memory_space<hbm>>) target(%dma_start3A_217 : memref<128x64xf32, #tpu.memory_space<vmem>>) target_semaphore(%arg13 : memref<!tpu.dma_semaphore, #tpu.memory_space<semaphore_mem>>)
        %dma_start3A_221 = arith.constant 0 : i32
        %dma_start3A_222 = arith.constant 4 : i32
        %dma_start3A_223 = arith.constant 0 : i32
        %dma_start3A_224 = arith.constant 0 : i32
        %dma_start3A_225 = tpu.memref_slice %arg11[%dma_start3A_222, %dma_start3A_223, %dma_start3A_224] : memref<6x128x64xf32, #tpu.memory_space<vmem>> -> memref<1x128x64xf32, #tpu.memory_space<vmem>>
        %dma_start3A_226 = tpu.memref_squeeze %dma_start3A_225 : memref<1x128x64xf32, #tpu.memory_space<vmem>> -> memref<128x64xf32, #tpu.memory_space<vmem>>
        %dma_start3A_227 = arith.constant 0 : i32
        %dma_start3A_228 = tpu.memref_slice %arg4[%dma_start3A_221, %add3A_205, %dma_start3A_227] : memref<1x10240x64xf32, #tpu.memory_space<hbm>> -> memref<1x128x64xf32, #tpu.memory_space<hbm>>
        %dma_start3A_229 = tpu.memref_squeeze %dma_start3A_228 : memref<1x128x64xf32, #tpu.memory_space<hbm>> -> memref<128x64xf32, #tpu.memory_space<hbm>>
        %dma_start3A_230 = arith.constant 0 : i32
        %dma_start3A_231 = arith.constant 0 : i32
        %dma_start3A_232 = tpu.memref_slice %arg11[%dma_start3A_222, %dma_start3A_230, %dma_start3A_231] : memref<6x128x64xf32, #tpu.memory_space<vmem>> -> memref<1x128x64xf32, #tpu.memory_space<vmem>>
        %dma_start3A_233 = tpu.memref_squeeze %dma_start3A_232 : memref<1x128x64xf32, #tpu.memory_space<vmem>> -> memref<128x64xf32, #tpu.memory_space<vmem>>
        %dma_start3A_234 = arith.constant 0 : i32
        %dma_start3A_235 = tpu.memref_slice %arg4[%dma_start3A_221, %add3A_205, %dma_start3A_234] : memref<1x10240x64xf32, #tpu.memory_space<hbm>> -> memref<1x128x64xf32, #tpu.memory_space<hbm>>
        %dma_start3A_236 = tpu.memref_squeeze %dma_start3A_235 : memref<1x128x64xf32, #tpu.memory_space<hbm>> -> memref<128x64xf32, #tpu.memory_space<hbm>>
        tpu.enqueue_dma source(%dma_start3A_236 : memref<128x64xf32, #tpu.memory_space<hbm>>) target(%dma_start3A_233 : memref<128x64xf32, #tpu.memory_space<vmem>>) target_semaphore(%arg13 : memref<!tpu.dma_semaphore, #tpu.memory_space<semaphore_mem>>)
        %run_scoped3A_237 = arith.constant 2 : i32
        "tpu.region"() ({
          %run_scoped3A_507 = tpu.sem_alloc : memref<!tpu.dma_semaphore, #tpu.memory_space<semaphore_mem>>
          %dma_start3A_508 = arith.constant 0 : i32
          %dma_start3A_509 = arith.constant 0 : i32
          %dma_start3A_510 = tpu.memref_slice %arg11[%run_scoped3A_237, %dma_start3A_508, %dma_start3A_509] : memref<6x128x64xf32, #tpu.memory_space<vmem>> -> memref<1x128x64xf32, #tpu.memory_space<vmem>>
          %dma_start3A_511 = tpu.memref_squeeze %dma_start3A_510 : memref<1x128x64xf32, #tpu.memory_space<vmem>> -> memref<128x64xf32, #tpu.memory_space<vmem>>
          %dma_start3A_512 = arith.constant 0 : i32
          %dma_start3A_513 = tpu.memref_slice %arg12[%add3A_201, %dma_start3A_512] : memref<10240x64xf32, #tpu.memory_space<vmem_shared>> -> memref<128x64xf32, #tpu.memory_space<vmem_shared>>
          %dma_start3A_514 = arith.constant 0 : i32
          %dma_start3A_515 = arith.constant 0 : i32
          %dma_start3A_516 = tpu.memref_slice %arg11[%run_scoped3A_237, %dma_start3A_514, %dma_start3A_515] : memref<6x128x64xf32, #tpu.memory_space<vmem>> -> memref<1x128x64xf32, #tpu.memory_space<vmem>>
          %dma_start3A_517 = tpu.memref_squeeze %dma_start3A_516 : memref<1x128x64xf32, #tpu.memory_space<vmem>> -> memref<128x64xf32, #tpu.memory_space<vmem>>
          %dma_start3A_518 = arith.constant 0 : i32
          %dma_start3A_519 = tpu.memref_slice %arg12[%add3A_201, %dma_start3A_518] : memref<10240x64xf32, #tpu.memory_space<vmem_shared>> -> memref<128x64xf32, #tpu.memory_space<vmem_shared>>
          tpu.enqueue_dma source(%dma_start3A_519 : memref<128x64xf32, #tpu.memory_space<vmem_shared>>) target(%dma_start3A_517 : memref<128x64xf32, #tpu.memory_space<vmem>>) target_semaphore(%run_scoped3A_507 : memref<!tpu.dma_semaphore, #tpu.memory_space<semaphore_mem>>)
          %dma_wait3A_520 = arith.constant 0 : i32
          %dma_wait3A_521 = arith.constant 0 : i32
          %dma_wait3A_522 = tpu.memref_slice %arg11[%run_scoped3A_237, %dma_wait3A_520, %dma_wait3A_521] : memref<6x128x64xf32, #tpu.memory_space<vmem>> -> memref<1x128x64xf32, #tpu.memory_space<vmem>>
          %dma_wait3A_523 = tpu.memref_squeeze %dma_wait3A_522 : memref<1x128x64xf32, #tpu.memory_space<vmem>> -> memref<128x64xf32, #tpu.memory_space<vmem>>
          %dma_wait3A_524 = arith.constant 0 : i32
          %dma_wait3A_525 = tpu.memref_slice %arg12[%add3A_201, %dma_wait3A_524] : memref<10240x64xf32, #tpu.memory_space<vmem_shared>> -> memref<128x64xf32, #tpu.memory_space<vmem_shared>>
          %dma_wait3A_526 = arith.constant 0 : i32
          %dma_wait3A_527 = arith.constant 0 : i32
          %dma_wait3A_528 = tpu.memref_slice %arg11[%run_scoped3A_237, %dma_wait3A_526, %dma_wait3A_527] : memref<6x128x64xf32, #tpu.memory_space<vmem>> -> memref<1x128x64xf32, #tpu.memory_space<vmem>>
          %dma_wait3A_529 = tpu.memref_squeeze %dma_wait3A_528 : memref<1x128x64xf32, #tpu.memory_space<vmem>> -> memref<128x64xf32, #tpu.memory_space<vmem>>
          %dma_wait3A_530 = arith.constant 0 : i32
          %dma_wait3A_531 = tpu.memref_slice %arg12[%add3A_201, %dma_wait3A_530] : memref<10240x64xf32, #tpu.memory_space<vmem_shared>> -> memref<128x64xf32, #tpu.memory_space<vmem_shared>>
          tpu.wait_dma2 semaphore(%run_scoped3A_507 : memref<!tpu.dma_semaphore, #tpu.memory_space<semaphore_mem>>) src(%dma_wait3A_531 : memref<128x64xf32, #tpu.memory_space<vmem_shared>>) dst(%dma_wait3A_529 : memref<128x64xf32, #tpu.memory_space<vmem>>)
          tpu.yield
        }) : () -> ()
        %dma_wait3A_238 = arith.constant 1 : i32
        %dma_wait3A_239 = arith.constant 0 : i32
        %dma_wait3A_240 = arith.constant 0 : i32
        %dma_wait3A_241 = tpu.memref_slice %arg11[%dma_wait3A_238, %dma_wait3A_239, %dma_wait3A_240] : memref<6x128x64xf32, #tpu.memory_space<vmem>> -> memref<1x128x64xf32, #tpu.memory_space<vmem>>
        %dma_wait3A_242 = tpu.memref_squeeze %dma_wait3A_241 : memref<1x128x64xf32, #tpu.memory_space<vmem>> -> memref<128x64xf32, #tpu.memory_space<vmem>>
        %dma_wait3A_243 = arith.constant 0 : i32
        %dma_wait3A_244 = tpu.memref_slice %arg7[%sub3A_81, %add3A_201, %dma_wait3A_243] : memref<2x10240x64xf32, #tpu.memory_space<hbm>> -> memref<1x128x64xf32, #tpu.memory_space<hbm>>
        %dma_wait3A_245 = tpu.memref_squeeze %dma_wait3A_244 : memref<1x128x64xf32, #tpu.memory_space<hbm>> -> memref<128x64xf32, #tpu.memory_space<hbm>>
        %dma_wait3A_246 = arith.constant 0 : i32
        %dma_wait3A_247 = arith.constant 0 : i32
        %dma_wait3A_248 = tpu.memref_slice %arg11[%dma_wait3A_238, %dma_wait3A_246, %dma_wait3A_247] : memref<6x128x64xf32, #tpu.memory_space<vmem>> -> memref<1x128x64xf32, #tpu.memory_space<vmem>>
        %dma_wait3A_249 = tpu.memref_squeeze %dma_wait3A_248 : memref<1x128x64xf32, #tpu.memory_space<vmem>> -> memref<128x64xf32, #tpu.memory_space<vmem>>
        %dma_wait3A_250 = arith.constant 0 : i32
        %dma_wait3A_251 = tpu.memref_slice %arg7[%sub3A_81, %add3A_201, %dma_wait3A_250] : memref<2x10240x64xf32, #tpu.memory_space<hbm>> -> memref<1x128x64xf32, #tpu.memory_space<hbm>>
        %dma_wait3A_252 = tpu.memref_squeeze %dma_wait3A_251 : memref<1x128x64xf32, #tpu.memory_space<hbm>> -> memref<128x64xf32, #tpu.memory_space<hbm>>
        tpu.wait_dma2 semaphore(%arg13 : memref<!tpu.dma_semaphore, #tpu.memory_space<semaphore_mem>>) src(%dma_wait3A_252 : memref<128x64xf32, #tpu.memory_space<hbm>>) dst(%dma_wait3A_249 : memref<128x64xf32, #tpu.memory_space<vmem>>)
        %dma_wait3A_253 = arith.constant 0 : i32
        %dma_wait3A_254 = arith.constant 5 : i32
        %dma_wait3A_255 = arith.constant 0 : i32
        %dma_wait3A_256 = arith.constant 0 : i32
        %dma_wait3A_257 = tpu.memref_slice %arg11[%dma_wait3A_254, %dma_wait3A_255, %dma_wait3A_256] : memref<6x128x64xf32, #tpu.memory_space<vmem>> -> memref<1x128x64xf32, #tpu.memory_space<vmem>>
        %dma_wait3A_258 = tpu.memref_squeeze %dma_wait3A_257 : memref<1x128x64xf32, #tpu.memory_space<vmem>> -> memref<128x64xf32, #tpu.memory_space<vmem>>
        %dma_wait3A_259 = arith.constant 0 : i32
        %dma_wait3A_260 = tpu.memref_slice %arg4[%dma_wait3A_253, %add3A_201, %dma_wait3A_259] : memref<1x10240x64xf32, #tpu.memory_space<hbm>> -> memref<1x128x64xf32, #tpu.memory_space<hbm>>
        %dma_wait3A_261 = tpu.memref_squeeze %dma_wait3A_260 : memref<1x128x64xf32, #tpu.memory_space<hbm>> -> memref<128x64xf32, #tpu.memory_space<hbm>>
        %dma_wait3A_262 = arith.constant 0 : i32
        %dma_wait3A_263 = arith.constant 0 : i32
        %dma_wait3A_264 = tpu.memref_slice %arg11[%dma_wait3A_254, %dma_wait3A_262, %dma_wait3A_263] : memref<6x128x64xf32, #tpu.memory_space<vmem>> -> memref<1x128x64xf32, #tpu.memory_space<vmem>>
        %dma_wait3A_265 = tpu.memref_squeeze %dma_wait3A_264 : memref<1x128x64xf32, #tpu.memory_space<vmem>> -> memref<128x64xf32, #tpu.memory_space<vmem>>
        %dma_wait3A_266 = arith.constant 0 : i32
        %dma_wait3A_267 = tpu.memref_slice %arg4[%dma_wait3A_253, %add3A_201, %dma_wait3A_266] : memref<1x10240x64xf32, #tpu.memory_space<hbm>> -> memref<1x128x64xf32, #tpu.memory_space<hbm>>
        %dma_wait3A_268 = tpu.memref_squeeze %dma_wait3A_267 : memref<1x128x64xf32, #tpu.memory_space<hbm>> -> memref<128x64xf32, #tpu.memory_space<hbm>>
        tpu.wait_dma2 semaphore(%arg13 : memref<!tpu.dma_semaphore, #tpu.memory_space<semaphore_mem>>) src(%dma_wait3A_268 : memref<128x64xf32, #tpu.memory_space<hbm>>) dst(%dma_wait3A_265 : memref<128x64xf32, #tpu.memory_space<vmem>>)
        %scan3A_269 = arith.constant 0 : i32
        %scan3A_270 = arith.constant 0 : i32
        %scan3A_271 = arith.constant 64 : i32
        %scan3A_272 = arith.addi %scan3A_270, %scan3A_271 : i32
        %scan3A_273 = arith.constant 1 : i32
        scf.for %scan3A_507 = %scan3A_270 to %scan3A_272 step %scan3A_273  : i32 {
          %mul3A_508 = arith.constant 2 : i32
          %mul3A_509 = arith.muli %mul3A_508, %scan3A_507 : i32
          %add3A_510 = arith.constant 0 : i32
          %add3A_511 = arith.addi %mul3A_509, %add3A_510 : i32
          %get3A = arith.constant 5 : i32
          %get3A_512 = arith.index_cast %get3A : i32 to index
          %get3A_513 = arith.index_cast %add3A_511 : i32 to index
          %get3A_514 = arith.constant 0 : index
          %get3A_515 = tpu.vector_load %arg11[%get3A_512, %get3A_513, %get3A_514] {strides = array<i32>} : memref<6x128x64xf32, #tpu.memory_space<vmem>>, vector<1x1x16xf32>,
          %get3A_516 = vector.shape_cast %get3A_515 : vector<1x1x16xf32> to vector<16xf32>
          %mul3A_517 = arith.constant 2 : i32
          %mul3A_518 = arith.muli %mul3A_517, %scan3A_507 : i32
          %add3A_519 = arith.constant 0 : i32
          %add3A_520 = arith.addi %mul3A_518, %add3A_519 : i32
          %get3A_521 = arith.constant 2 : i32
          %get3A_522 = arith.index_cast %get3A_521 : i32 to index
          %get3A_523 = arith.index_cast %add3A_520 : i32 to index
          %get3A_524 = arith.constant 0 : index
          %get3A_525 = tpu.vector_load %arg11[%get3A_522, %get3A_523, %get3A_524] {strides = array<i32>} : memref<6x128x64xf32, #tpu.memory_space<vmem>>, vector<1x1x16xf32>,
          %get3A_526 = vector.shape_cast %get3A_525 : vector<1x1x16xf32> to vector<16xf32>
          %mul3A_527 = arith.constant 2 : i32
          %mul3A_528 = arith.muli %mul3A_527, %scan3A_507 : i32
          %add3A_529 = arith.constant 0 : i32
          %add3A_530 = arith.addi %mul3A_528, %add3A_529 : i32
          %get3A_531 = arith.constant 1 : i32
          %get3A_532 = arith.index_cast %get3A_531 : i32 to index
          %get3A_533 = arith.index_cast %add3A_530 : i32 to index
          %get3A_534 = arith.constant 0 : index
          %get3A_535 = tpu.vector_load %arg11[%get3A_532, %get3A_533, %get3A_534] {strides = array<i32>} : memref<6x128x64xf32, #tpu.memory_space<vmem>>, vector<1x1x16xf32>,
          %get3A_536 = vector.shape_cast %get3A_535 : vector<1x1x16xf32> to vector<16xf32>
          %add3A_537 = arith.addf %get3A_526, %get3A_536 : vector<16xf32>
          %mul3A_538 = arith.mulf %get3A_516, %add3A_537 : vector<16xf32>
          %mul3A_539 = arith.constant 2 : i32
          %mul3A_540 = arith.muli %mul3A_539, %scan3A_507 : i32
          %add3A_541 = arith.constant 0 : i32
          %add3A_542 = arith.addi %mul3A_540, %add3A_541 : i32
          %swap3A = arith.constant 3 : i32
          %swap3A_543 = arith.index_cast %swap3A : i32 to index
          %swap3A_544 = arith.index_cast %add3A_542 : i32 to index
          %swap3A_545 = arith.constant 0 : index
          %swap3A_546 = tpu.vector_load %arg11[%swap3A_543, %swap3A_544, %swap3A_545] {strides = array<i32>} : memref<6x128x64xf32, #tpu.memory_space<vmem>>, vector<1x1x16xf32>,
          %swap3A_547 = vector.shape_cast %swap3A_546 : vector<1x1x16xf32> to vector<16xf32>
          %swap3A_548 = vector.shape_cast %mul3A_538 : vector<16xf32> to vector<1x1x16xf32>
          tpu.vector_store %arg11[%swap3A_543, %swap3A_544, %swap3A_545], %swap3A_548 {strides = array<i32>} : memref<6x128x64xf32, #tpu.memory_space<vmem>>, vector<1x1x16xf32>,
          %mul3A_549 = arith.constant 2 : i32
          %mul3A_550 = arith.muli %mul3A_549, %scan3A_507 : i32
          %add3A_551 = arith.constant 0 : i32
          %add3A_552 = arith.addi %mul3A_550, %add3A_551 : i32
          %get3A_553 = arith.constant 5 : i32
          %get3A_554 = arith.index_cast %get3A_553 : i32 to index
          %get3A_555 = arith.index_cast %add3A_552 : i32 to index
          %get3A_556 = arith.constant 16 : index
          %get3A_557 = tpu.vector_load %arg11[%get3A_554, %get3A_555, %get3A_556] {strides = array<i32>} : memref<6x128x64xf32, #tpu.memory_space<vmem>>, vector<1x1x16xf32>,
          %get3A_558 = vector.shape_cast %get3A_557 : vector<1x1x16xf32> to vector<16xf32>
          %mul3A_559 = arith.constant 2 : i32
          %mul3A_560 = arith.muli %mul3A_559, %scan3A_507 : i32
          %add3A_561 = arith.constant 0 : i32
          %add3A_562 = arith.addi %mul3A_560, %add3A_561 : i32
          %get3A_563 = arith.constant 2 : i32
          %get3A_564 = arith.index_cast %get3A_563 : i32 to index
          %get3A_565 = arith.index_cast %add3A_562 : i32 to index
          %get3A_566 = arith.constant 16 : index
          %get3A_567 = tpu.vector_load %arg11[%get3A_564, %get3A_565, %get3A_566] {strides = array<i32>} : memref<6x128x64xf32, #tpu.memory_space<vmem>>, vector<1x1x16xf32>,
          %get3A_568 = vector.shape_cast %get3A_567 : vector<1x1x16xf32> to vector<16xf32>
          %mul3A_569 = arith.constant 2 : i32
          %mul3A_570 = arith.muli %mul3A_569, %scan3A_507 : i32
          %add3A_571 = arith.constant 0 : i32
          %add3A_572 = arith.addi %mul3A_570, %add3A_571 : i32
          %get3A_573 = arith.constant 1 : i32
          %get3A_574 = arith.index_cast %get3A_573 : i32 to index
          %get3A_575 = arith.index_cast %add3A_572 : i32 to index
          %get3A_576 = arith.constant 16 : index
          %get3A_577 = tpu.vector_load %arg11[%get3A_574, %get3A_575, %get3A_576] {strides = array<i32>} : memref<6x128x64xf32, #tpu.memory_space<vmem>>, vector<1x1x16xf32>,
          %get3A_578 = vector.shape_cast %get3A_577 : vector<1x1x16xf32> to vector<16xf32>
          %add3A_579 = arith.addf %get3A_568, %get3A_578 : vector<16xf32>
          %mul3A_580 = arith.mulf %get3A_558, %add3A_579 : vector<16xf32>
          %mul3A_581 = arith.constant 2 : i32
          %mul3A_582 = arith.muli %mul3A_581, %scan3A_507 : i32
          %add3A_583 = arith.constant 0 : i32
          %add3A_584 = arith.addi %mul3A_582, %add3A_583 : i32
          %swap3A_585 = arith.constant 3 : i32
          %swap3A_586 = arith.index_cast %swap3A_585 : i32 to index
          %swap3A_587 = arith.index_cast %add3A_584 : i32 to index
          %swap3A_588 = arith.constant 16 : index
          %swap3A_589 = tpu.vector_load %arg11[%swap3A_586, %swap3A_587, %swap3A_588] {strides = array<i32>} : memref<6x128x64xf32, #tpu.memory_space<vmem>>, vector<1x1x16xf32>,
          %swap3A_590 = vector.shape_cast %swap3A_589 : vector<1x1x16xf32> to vector<16xf32>
          %swap3A_591 = vector.shape_cast %mul3A_580 : vector<16xf32> to vector<1x1x16xf32>
          tpu.vector_store %arg11[%swap3A_586, %swap3A_587, %swap3A_588], %swap3A_591 {strides = array<i32>} : memref<6x128x64xf32, #tpu.memory_space<vmem>>, vector<1x1x16xf32>,
          %mul3A_592 = arith.constant 2 : i32
          %mul3A_593 = arith.muli %mul3A_592, %scan3A_507 : i32
          %add3A_594 = arith.constant 0 : i32
          %add3A_595 = arith.addi %mul3A_593, %add3A_594 : i32
          %get3A_596 = arith.constant 5 : i32
          %get3A_597 = arith.index_cast %get3A_596 : i32 to index
          %get3A_598 = arith.index_cast %add3A_595 : i32 to index
          %get3A_599 = arith.constant 32 : index
          %get3A_600 = tpu.vector_load %arg11[%get3A_597, %get3A_598, %get3A_599] {strides = array<i32>} : memref<6x128x64xf32, #tpu.memory_space<vmem>>, vector<1x1x16xf32>,
          %get3A_601 = vector.shape_cast %get3A_600 : vector<1x1x16xf32> to vector<16xf32>
          %mul3A_602 = arith.constant 2 : i32
          %mul3A_603 = arith.muli %mul3A_602, %scan3A_507 : i32
          %add3A_604 = arith.constant 0 : i32
          %add3A_605 = arith.addi %mul3A_603, %add3A_604 : i32
          %get3A_606 = arith.constant 2 : i32
          %get3A_607 = arith.index_cast %get3A_606 : i32 to index
          %get3A_608 = arith.index_cast %add3A_605 : i32 to index
          %get3A_609 = arith.constant 32 : index
          %get3A_610 = tpu.vector_load %arg11[%get3A_607, %get3A_608, %get3A_609] {strides = array<i32>} : memref<6x128x64xf32, #tpu.memory_space<vmem>>, vector<1x1x16xf32>,
          %get3A_611 = vector.shape_cast %get3A_610 : vector<1x1x16xf32> to vector<16xf32>
          %mul3A_612 = arith.constant 2 : i32
          %mul3A_613 = arith.muli %mul3A_612, %scan3A_507 : i32
          %add3A_614 = arith.constant 0 : i32
          %add3A_615 = arith.addi %mul3A_613, %add3A_614 : i32
          %get3A_616 = arith.constant 1 : i32
          %get3A_617 = arith.index_cast %get3A_616 : i32 to index
          %get3A_618 = arith.index_cast %add3A_615 : i32 to index
          %get3A_619 = arith.constant 32 : index
          %get3A_620 = tpu.vector_load %arg11[%get3A_617, %get3A_618, %get3A_619] {strides = array<i32>} : memref<6x128x64xf32, #tpu.memory_space<vmem>>, vector<1x1x16xf32>,
          %get3A_621 = vector.shape_cast %get3A_620 : vector<1x1x16xf32> to vector<16xf32>
          %add3A_622 = arith.addf %get3A_611, %get3A_621 : vector<16xf32>
          %mul3A_623 = arith.mulf %get3A_601, %add3A_622 : vector<16xf32>
          %mul3A_624 = arith.constant 2 : i32
          %mul3A_625 = arith.muli %mul3A_624, %scan3A_507 : i32
          %add3A_626 = arith.constant 0 : i32
          %add3A_627 = arith.addi %mul3A_625, %add3A_626 : i32
          %swap3A_628 = arith.constant 3 : i32
          %swap3A_629 = arith.index_cast %swap3A_628 : i32 to index
          %swap3A_630 = arith.index_cast %add3A_627 : i32 to index
          %swap3A_631 = arith.constant 32 : index
          %swap3A_632 = tpu.vector_load %arg11[%swap3A_629, %swap3A_630, %swap3A_631] {strides = array<i32>} : memref<6x128x64xf32, #tpu.memory_space<vmem>>, vector<1x1x16xf32>,
          %swap3A_633 = vector.shape_cast %swap3A_632 : vector<1x1x16xf32> to vector<16xf32>
          %swap3A_634 = vector.shape_cast %mul3A_623 : vector<16xf32> to vector<1x1x16xf32>
          tpu.vector_store %arg11[%swap3A_629, %swap3A_630, %swap3A_631], %swap3A_634 {strides = array<i32>} : memref<6x128x64xf32, #tpu.memory_space<vmem>>, vector<1x1x16xf32>,
          %mul3A_635 = arith.constant 2 : i32
          %mul3A_636 = arith.muli %mul3A_635, %scan3A_507 : i32
          %add3A_637 = arith.constant 0 : i32
          %add3A_638 = arith.addi %mul3A_636, %add3A_637 : i32
          %get3A_639 = arith.constant 5 : i32
          %get3A_640 = arith.index_cast %get3A_639 : i32 to index
          %get3A_641 = arith.index_cast %add3A_638 : i32 to index
          %get3A_642 = arith.constant 48 : index
          %get3A_643 = tpu.vector_load %arg11[%get3A_640, %get3A_641, %get3A_642] {strides = array<i32>} : memref<6x128x64xf32, #tpu.memory_space<vmem>>, vector<1x1x16xf32>,
          %get3A_644 = vector.shape_cast %get3A_643 : vector<1x1x16xf32> to vector<16xf32>
          %mul3A_645 = arith.constant 2 : i32
          %mul3A_646 = arith.muli %mul3A_645, %scan3A_507 : i32
          %add3A_647 = arith.constant 0 : i32
          %add3A_648 = arith.addi %mul3A_646, %add3A_647 : i32
          %get3A_649 = arith.constant 2 : i32
          %get3A_650 = arith.index_cast %get3A_649 : i32 to index
          %get3A_651 = arith.index_cast %add3A_648 : i32 to index
          %get3A_652 = arith.constant 48 : index
          %get3A_653 = tpu.vector_load %arg11[%get3A_650, %get3A_651, %get3A_652] {strides = array<i32>} : memref<6x128x64xf32, #tpu.memory_space<vmem>>, vector<1x1x16xf32>,
          %get3A_654 = vector.shape_cast %get3A_653 : vector<1x1x16xf32> to vector<16xf32>
          %mul3A_655 = arith.constant 2 : i32
          %mul3A_656 = arith.muli %mul3A_655, %scan3A_507 : i32
          %add3A_657 = arith.constant 0 : i32
          %add3A_658 = arith.addi %mul3A_656, %add3A_657 : i32
          %get3A_659 = arith.constant 1 : i32
          %get3A_660 = arith.index_cast %get3A_659 : i32 to index
          %get3A_661 = arith.index_cast %add3A_658 : i32 to index
          %get3A_662 = arith.constant 48 : index
          %get3A_663 = tpu.vector_load %arg11[%get3A_660, %get3A_661, %get3A_662] {strides = array<i32>} : memref<6x128x64xf32, #tpu.memory_space<vmem>>, vector<1x1x16xf32>,
          %get3A_664 = vector.shape_cast %get3A_663 : vector<1x1x16xf32> to vector<16xf32>
          %add3A_665 = arith.addf %get3A_654, %get3A_664 : vector<16xf32>
          %mul3A_666 = arith.mulf %get3A_644, %add3A_665 : vector<16xf32>
          %mul3A_667 = arith.constant 2 : i32
          %mul3A_668 = arith.muli %mul3A_667, %scan3A_507 : i32
          %add3A_669 = arith.constant 0 : i32
          %add3A_670 = arith.addi %mul3A_668, %add3A_669 : i32
          %swap3A_671 = arith.constant 3 : i32
          %swap3A_672 = arith.index_cast %swap3A_671 : i32 to index
          %swap3A_673 = arith.index_cast %add3A_670 : i32 to index
          %swap3A_674 = arith.constant 48 : index
          %swap3A_675 = tpu.vector_load %arg11[%swap3A_672, %swap3A_673, %swap3A_674] {strides = array<i32>} : memref<6x128x64xf32, #tpu.memory_space<vmem>>, vector<1x1x16xf32>,
          %swap3A_676 = vector.shape_cast %swap3A_675 : vector<1x1x16xf32> to vector<16xf32>
          %swap3A_677 = vector.shape_cast %mul3A_666 : vector<16xf32> to vector<1x1x16xf32>
          tpu.vector_store %arg11[%swap3A_672, %swap3A_673, %swap3A_674], %swap3A_677 {strides = array<i32>} : memref<6x128x64xf32, #tpu.memory_space<vmem>>, vector<1x1x16xf32>,
          %mul3A_678 = arith.constant 2 : i32
          %mul3A_679 = arith.muli %mul3A_678, %scan3A_507 : i32
          %add3A_680 = arith.constant 1 : i32
          %add3A_681 = arith.addi %mul3A_679, %add3A_680 : i32
          %get3A_682 = arith.constant 5 : i32
          %get3A_683 = arith.index_cast %get3A_682 : i32 to index
          %get3A_684 = arith.index_cast %add3A_681 : i32 to index
          %get3A_685 = arith.constant 0 : index
          %get3A_686 = tpu.vector_load %arg11[%get3A_683, %get3A_684, %get3A_685] {strides = array<i32>} : memref<6x128x64xf32, #tpu.memory_space<vmem>>, vector<1x1x16xf32>,
          %get3A_687 = vector.shape_cast %get3A_686 : vector<1x1x16xf32> to vector<16xf32>
          %mul3A_688 = arith.constant 2 : i32
          %mul3A_689 = arith.muli %mul3A_688, %scan3A_507 : i32
          %add3A_690 = arith.constant 1 : i32
          %add3A_691 = arith.addi %mul3A_689, %add3A_690 : i32
          %get3A_692 = arith.constant 2 : i32
          %get3A_693 = arith.index_cast %get3A_692 : i32 to index
          %get3A_694 = arith.index_cast %add3A_691 : i32 to index
          %get3A_695 = arith.constant 0 : index
          %get3A_696 = tpu.vector_load %arg11[%get3A_693, %get3A_694, %get3A_695] {strides = array<i32>} : memref<6x128x64xf32, #tpu.memory_space<vmem>>, vector<1x1x16xf32>,
          %get3A_697 = vector.shape_cast %get3A_696 : vector<1x1x16xf32> to vector<16xf32>
          %mul3A_698 = arith.constant 2 : i32
          %mul3A_699 = arith.muli %mul3A_698, %scan3A_507 : i32
          %add3A_700 = arith.constant 1 : i32
          %add3A_701 = arith.addi %mul3A_699, %add3A_700 : i32
          %get3A_702 = arith.constant 1 : i32
          %get3A_703 = arith.index_cast %get3A_702 : i32 to index
          %get3A_704 = arith.index_cast %add3A_701 : i32 to index
          %get3A_705 = arith.constant 0 : index
          %get3A_706 = tpu.vector_load %arg11[%get3A_703, %get3A_704, %get3A_705] {strides = array<i32>} : memref<6x128x64xf32, #tpu.memory_space<vmem>>, vector<1x1x16xf32>,
          %get3A_707 = vector.shape_cast %get3A_706 : vector<1x1x16xf32> to vector<16xf32>
          %add3A_708 = arith.addf %get3A_697, %get3A_707 : vector<16xf32>
          %mul3A_709 = arith.mulf %get3A_687, %add3A_708 : vector<16xf32>
          %mul3A_710 = arith.constant 2 : i32
          %mul3A_711 = arith.muli %mul3A_710, %scan3A_507 : i32
          %add3A_712 = arith.constant 1 : i32
          %add3A_713 = arith.addi %mul3A_711, %add3A_712 : i32
          %swap3A_714 = arith.constant 3 : i32
          %swap3A_715 = arith.index_cast %swap3A_714 : i32 to index
          %swap3A_716 = arith.index_cast %add3A_713 : i32 to index
          %swap3A_717 = arith.constant 0 : index
          %swap3A_718 = tpu.vector_load %arg11[%swap3A_715, %swap3A_716, %swap3A_717] {strides = array<i32>} : memref<6x128x64xf32, #tpu.memory_space<vmem>>, vector<1x1x16xf32>,
          %swap3A_719 = vector.shape_cast %swap3A_718 : vector<1x1x16xf32> to vector<16xf32>
          %swap3A_720 = vector.shape_cast %mul3A_709 : vector<16xf32> to vector<1x1x16xf32>
          tpu.vector_store %arg11[%swap3A_715, %swap3A_716, %swap3A_717], %swap3A_720 {strides = array<i32>} : memref<6x128x64xf32, #tpu.memory_space<vmem>>, vector<1x1x16xf32>,
          %mul3A_721 = arith.constant 2 : i32
          %mul3A_722 = arith.muli %mul3A_721, %scan3A_507 : i32
          %add3A_723 = arith.constant 1 : i32
          %add3A_724 = arith.addi %mul3A_722, %add3A_723 : i32
          %get3A_725 = arith.constant 5 : i32
          %get3A_726 = arith.index_cast %get3A_725 : i32 to index
          %get3A_727 = arith.index_cast %add3A_724 : i32 to index
          %get3A_728 = arith.constant 16 : index
          %get3A_729 = tpu.vector_load %arg11[%get3A_726, %get3A_727, %get3A_728] {strides = array<i32>} : memref<6x128x64xf32, #tpu.memory_space<vmem>>, vector<1x1x16xf32>,
          %get3A_730 = vector.shape_cast %get3A_729 : vector<1x1x16xf32> to vector<16xf32>
          %mul3A_731 = arith.constant 2 : i32
          %mul3A_732 = arith.muli %mul3A_731, %scan3A_507 : i32
          %add3A_733 = arith.constant 1 : i32
          %add3A_734 = arith.addi %mul3A_732, %add3A_733 : i32
          %get3A_735 = arith.constant 2 : i32
          %get3A_736 = arith.index_cast %get3A_735 : i32 to index
          %get3A_737 = arith.index_cast %add3A_734 : i32 to index
          %get3A_738 = arith.constant 16 : index
          %get3A_739 = tpu.vector_load %arg11[%get3A_736, %get3A_737, %get3A_738] {strides = array<i32>} : memref<6x128x64xf32, #tpu.memory_space<vmem>>, vector<1x1x16xf32>,
          %get3A_740 = vector.shape_cast %get3A_739 : vector<1x1x16xf32> to vector<16xf32>
          %mul3A_741 = arith.constant 2 : i32
          %mul3A_742 = arith.muli %mul3A_741, %scan3A_507 : i32
          %add3A_743 = arith.constant 1 : i32
          %add3A_744 = arith.addi %mul3A_742, %add3A_743 : i32
          %get3A_745 = arith.constant 1 : i32
          %get3A_746 = arith.index_cast %get3A_745 : i32 to index
          %get3A_747 = arith.index_cast %add3A_744 : i32 to index
          %get3A_748 = arith.constant 16 : index
          %get3A_749 = tpu.vector_load %arg11[%get3A_746, %get3A_747, %get3A_748] {strides = array<i32>} : memref<6x128x64xf32, #tpu.memory_space<vmem>>, vector<1x1x16xf32>,
          %get3A_750 = vector.shape_cast %get3A_749 : vector<1x1x16xf32> to vector<16xf32>
          %add3A_751 = arith.addf %get3A_740, %get3A_750 : vector<16xf32>
          %mul3A_752 = arith.mulf %get3A_730, %add3A_751 : vector<16xf32>
          %mul3A_753 = arith.constant 2 : i32
          %mul3A_754 = arith.muli %mul3A_753, %scan3A_507 : i32
          %add3A_755 = arith.constant 1 : i32
          %add3A_756 = arith.addi %mul3A_754, %add3A_755 : i32
          %swap3A_757 = arith.constant 3 : i32
          %swap3A_758 = arith.index_cast %swap3A_757 : i32 to index
          %swap3A_759 = arith.index_cast %add3A_756 : i32 to index
          %swap3A_760 = arith.constant 16 : index
          %swap3A_761 = tpu.vector_load %arg11[%swap3A_758, %swap3A_759, %swap3A_760] {strides = array<i32>} : memref<6x128x64xf32, #tpu.memory_space<vmem>>, vector<1x1x16xf32>,
          %swap3A_762 = vector.shape_cast %swap3A_761 : vector<1x1x16xf32> to vector<16xf32>
          %swap3A_763 = vector.shape_cast %mul3A_752 : vector<16xf32> to vector<1x1x16xf32>
          tpu.vector_store %arg11[%swap3A_758, %swap3A_759, %swap3A_760], %swap3A_763 {strides = array<i32>} : memref<6x128x64xf32, #tpu.memory_space<vmem>>, vector<1x1x16xf32>,
          %mul3A_764 = arith.constant 2 : i32
          %mul3A_765 = arith.muli %mul3A_764, %scan3A_507 : i32
          %add3A_766 = arith.constant 1 : i32
          %add3A_767 = arith.addi %mul3A_765, %add3A_766 : i32
          %get3A_768 = arith.constant 5 : i32
          %get3A_769 = arith.index_cast %get3A_768 : i32 to index
          %get3A_770 = arith.index_cast %add3A_767 : i32 to index
          %get3A_771 = arith.constant 32 : index
          %get3A_772 = tpu.vector_load %arg11[%get3A_769, %get3A_770, %get3A_771] {strides = array<i32>} : memref<6x128x64xf32, #tpu.memory_space<vmem>>, vector<1x1x16xf32>,
          %get3A_773 = vector.shape_cast %get3A_772 : vector<1x1x16xf32> to vector<16xf32>
          %mul3A_774 = arith.constant 2 : i32
          %mul3A_775 = arith.muli %mul3A_774, %scan3A_507 : i32
          %add3A_776 = arith.constant 1 : i32
          %add3A_777 = arith.addi %mul3A_775, %add3A_776 : i32
          %get3A_778 = arith.constant 2 : i32
          %get3A_779 = arith.index_cast %get3A_778 : i32 to index
          %get3A_780 = arith.index_cast %add3A_777 : i32 to index
          %get3A_781 = arith.constant 32 : index
          %get3A_782 = tpu.vector_load %arg11[%get3A_779, %get3A_780, %get3A_781] {strides = array<i32>} : memref<6x128x64xf32, #tpu.memory_space<vmem>>, vector<1x1x16xf32>,
          %get3A_783 = vector.shape_cast %get3A_782 : vector<1x1x16xf32> to vector<16xf32>
          %mul3A_784 = arith.constant 2 : i32
          %mul3A_785 = arith.muli %mul3A_784, %scan3A_507 : i32
          %add3A_786 = arith.constant 1 : i32
          %add3A_787 = arith.addi %mul3A_785, %add3A_786 : i32
          %get3A_788 = arith.constant 1 : i32
          %get3A_789 = arith.index_cast %get3A_788 : i32 to index
          %get3A_790 = arith.index_cast %add3A_787 : i32 to index
          %get3A_791 = arith.constant 32 : index
          %get3A_792 = tpu.vector_load %arg11[%get3A_789, %get3A_790, %get3A_791] {strides = array<i32>} : memref<6x128x64xf32, #tpu.memory_space<vmem>>, vector<1x1x16xf32>,
          %get3A_793 = vector.shape_cast %get3A_792 : vector<1x1x16xf32> to vector<16xf32>
          %add3A_794 = arith.addf %get3A_783, %get3A_793 : vector<16xf32>
          %mul3A_795 = arith.mulf %get3A_773, %add3A_794 : vector<16xf32>
          %mul3A_796 = arith.constant 2 : i32
          %mul3A_797 = arith.muli %mul3A_796, %scan3A_507 : i32
          %add3A_798 = arith.constant 1 : i32
          %add3A_799 = arith.addi %mul3A_797, %add3A_798 : i32
          %swap3A_800 = arith.constant 3 : i32
          %swap3A_801 = arith.index_cast %swap3A_800 : i32 to index
          %swap3A_802 = arith.index_cast %add3A_799 : i32 to index
          %swap3A_803 = arith.constant 32 : index
          %swap3A_804 = tpu.vector_load %arg11[%swap3A_801, %swap3A_802, %swap3A_803] {strides = array<i32>} : memref<6x128x64xf32, #tpu.memory_space<vmem>>, vector<1x1x16xf32>,
          %swap3A_805 = vector.shape_cast %swap3A_804 : vector<1x1x16xf32> to vector<16xf32>
          %swap3A_806 = vector.shape_cast %mul3A_795 : vector<16xf32> to vector<1x1x16xf32>
          tpu.vector_store %arg11[%swap3A_801, %swap3A_802, %swap3A_803], %swap3A_806 {strides = array<i32>} : memref<6x128x64xf32, #tpu.memory_space<vmem>>, vector<1x1x16xf32>,
          %mul3A_807 = arith.constant 2 : i32
          %mul3A_808 = arith.muli %mul3A_807, %scan3A_507 : i32
          %add3A_809 = arith.constant 1 : i32
          %add3A_810 = arith.addi %mul3A_808, %add3A_809 : i32
          %get3A_811 = arith.constant 5 : i32
          %get3A_812 = arith.index_cast %get3A_811 : i32 to index
          %get3A_813 = arith.index_cast %add3A_810 : i32 to index
          %get3A_814 = arith.constant 48 : index
          %get3A_815 = tpu.vector_load %arg11[%get3A_812, %get3A_813, %get3A_814] {strides = array<i32>} : memref<6x128x64xf32, #tpu.memory_space<vmem>>, vector<1x1x16xf32>,
          %get3A_816 = vector.shape_cast %get3A_815 : vector<1x1x16xf32> to vector<16xf32>
          %mul3A_817 = arith.constant 2 : i32
          %mul3A_818 = arith.muli %mul3A_817, %scan3A_507 : i32
          %add3A_819 = arith.constant 1 : i32
          %add3A_820 = arith.addi %mul3A_818, %add3A_819 : i32
          %get3A_821 = arith.constant 2 : i32
          %get3A_822 = arith.index_cast %get3A_821 : i32 to index
          %get3A_823 = arith.index_cast %add3A_820 : i32 to index
          %get3A_824 = arith.constant 48 : index
          %get3A_825 = tpu.vector_load %arg11[%get3A_822, %get3A_823, %get3A_824] {strides = array<i32>} : memref<6x128x64xf32, #tpu.memory_space<vmem>>, vector<1x1x16xf32>,
          %get3A_826 = vector.shape_cast %get3A_825 : vector<1x1x16xf32> to vector<16xf32>
          %mul3A_827 = arith.constant 2 : i32
          %mul3A_828 = arith.muli %mul3A_827, %scan3A_507 : i32
          %add3A_829 = arith.constant 1 : i32
          %add3A_830 = arith.addi %mul3A_828, %add3A_829 : i32
          %get3A_831 = arith.constant 1 : i32
          %get3A_832 = arith.index_cast %get3A_831 : i32 to index
          %get3A_833 = arith.index_cast %add3A_830 : i32 to index
          %get3A_834 = arith.constant 48 : index
          %get3A_835 = tpu.vector_load %arg11[%get3A_832, %get3A_833, %get3A_834] {strides = array<i32>} : memref<6x128x64xf32, #tpu.memory_space<vmem>>, vector<1x1x16xf32>,
          %get3A_836 = vector.shape_cast %get3A_835 : vector<1x1x16xf32> to vector<16xf32>
          %add3A_837 = arith.addf %get3A_826, %get3A_836 : vector<16xf32>
          %mul3A_838 = arith.mulf %get3A_816, %add3A_837 : vector<16xf32>
          %mul3A_839 = arith.constant 2 : i32
          %mul3A_840 = arith.muli %mul3A_839, %scan3A_507 : i32
          %add3A_841 = arith.constant 1 : i32
          %add3A_842 = arith.addi %mul3A_840, %add3A_841 : i32
          %swap3A_843 = arith.constant 3 : i32
          %swap3A_844 = arith.index_cast %swap3A_843 : i32 to index
          %swap3A_845 = arith.index_cast %add3A_842 : i32 to index
          %swap3A_846 = arith.constant 48 : index
          %swap3A_847 = tpu.vector_load %arg11[%swap3A_844, %swap3A_845, %swap3A_846] {strides = array<i32>} : memref<6x128x64xf32, #tpu.memory_space<vmem>>, vector<1x1x16xf32>,
          %swap3A_848 = vector.shape_cast %swap3A_847 : vector<1x1x16xf32> to vector<16xf32>
          %swap3A_849 = vector.shape_cast %mul3A_838 : vector<16xf32> to vector<1x1x16xf32>
          tpu.vector_store %arg11[%swap3A_844, %swap3A_845, %swap3A_846], %swap3A_849 {strides = array<i32>} : memref<6x128x64xf32, #tpu.memory_space<vmem>>, vector<1x1x16xf32>,
        }
        %scan3A_274 = arith.constant 64 : i32
        %run_scoped3A_275 = arith.constant 3 : i32
        "tpu.region"() ({
          %run_scoped3A_507 = tpu.sem_alloc : memref<!tpu.dma_semaphore, #tpu.memory_space<semaphore_mem>>
          %dma_start3A_508 = arith.constant 0 : i32
          %dma_start3A_509 = arith.constant 0 : i32
          %dma_start3A_510 = tpu.memref_slice %arg11[%run_scoped3A_275, %dma_start3A_508, %dma_start3A_509] : memref<6x128x64xf32, #tpu.memory_space<vmem>> -> memref<1x128x64xf32, #tpu.memory_space<vmem>>
          %dma_start3A_511 = tpu.memref_squeeze %dma_start3A_510 : memref<1x128x64xf32, #tpu.memory_space<vmem>> -> memref<128x64xf32, #tpu.memory_space<vmem>>
          %dma_start3A_512 = arith.constant 0 : i32
          %dma_start3A_513 = tpu.memref_slice %arg8[%arg0, %add3A_201, %dma_start3A_512] : memref<2x10240x64xf32, #tpu.memory_space<hbm>> -> memref<1x128x64xf32, #tpu.memory_space<hbm>>
          %dma_start3A_514 = tpu.memref_squeeze %dma_start3A_513 : memref<1x128x64xf32, #tpu.memory_space<hbm>> -> memref<128x64xf32, #tpu.memory_space<hbm>>
          %dma_start3A_515 = arith.constant 0 : i32
          %dma_start3A_516 = tpu.memref_slice %arg8[%arg0, %add3A_201, %dma_start3A_515] : memref<2x10240x64xf32, #tpu.memory_space<hbm>> -> memref<1x128x64xf32, #tpu.memory_space<hbm>>
          %dma_start3A_517 = tpu.memref_squeeze %dma_start3A_516 : memref<1x128x64xf32, #tpu.memory_space<hbm>> -> memref<128x64xf32, #tpu.memory_space<hbm>>
          %dma_start3A_518 = arith.constant 0 : i32
          %dma_start3A_519 = arith.constant 0 : i32
          %dma_start3A_520 = tpu.memref_slice %arg11[%run_scoped3A_275, %dma_start3A_518, %dma_start3A_519] : memref<6x128x64xf32, #tpu.memory_space<vmem>> -> memref<1x128x64xf32, #tpu.memory_space<vmem>>
          %dma_start3A_521 = tpu.memref_squeeze %dma_start3A_520 : memref<1x128x64xf32, #tpu.memory_space<vmem>> -> memref<128x64xf32, #tpu.memory_space<vmem>>
          tpu.enqueue_dma source(%dma_start3A_521 : memref<128x64xf32, #tpu.memory_space<vmem>>) target(%dma_start3A_517 : memref<128x64xf32, #tpu.memory_space<hbm>>) target_semaphore(%run_scoped3A_507 : memref<!tpu.dma_semaphore, #tpu.memory_space<semaphore_mem>>)
          %dma_wait3A_522 = arith.constant 0 : i32
          %dma_wait3A_523 = arith.constant 0 : i32
          %dma_wait3A_524 = tpu.memref_slice %arg11[%run_scoped3A_275, %dma_wait3A_522, %dma_wait3A_523] : memref<6x128x64xf32, #tpu.memory_space<vmem>> -> memref<1x128x64xf32, #tpu.memory_space<vmem>>
          %dma_wait3A_525 = tpu.memref_squeeze %dma_wait3A_524 : memref<1x128x64xf32, #tpu.memory_space<vmem>> -> memref<128x64xf32, #tpu.memory_space<vmem>>
          %dma_wait3A_526 = arith.constant 0 : i32
          %dma_wait3A_527 = tpu.memref_slice %arg8[%arg0, %add3A_201, %dma_wait3A_526] : memref<2x10240x64xf32, #tpu.memory_space<hbm>> -> memref<1x128x64xf32, #tpu.memory_space<hbm>>
          %dma_wait3A_528 = tpu.memref_squeeze %dma_wait3A_527 : memref<1x128x64xf32, #tpu.memory_space<hbm>> -> memref<128x64xf32, #tpu.memory_space<hbm>>
          %dma_wait3A_529 = arith.constant 0 : i32
          %dma_wait3A_530 = tpu.memref_slice %arg8[%arg0, %add3A_201, %dma_wait3A_529] : memref<2x10240x64xf32, #tpu.memory_space<hbm>> -> memref<1x128x64xf32, #tpu.memory_space<hbm>>
          %dma_wait3A_531 = tpu.memref_squeeze %dma_wait3A_530 : memref<1x128x64xf32, #tpu.memory_space<hbm>> -> memref<128x64xf32, #tpu.memory_space<hbm>>
          %dma_wait3A_532 = arith.constant 0 : i32
          %dma_wait3A_533 = arith.constant 0 : i32
          %dma_wait3A_534 = tpu.memref_slice %arg11[%run_scoped3A_275, %dma_wait3A_532, %dma_wait3A_533] : memref<6x128x64xf32, #tpu.memory_space<vmem>> -> memref<1x128x64xf32, #tpu.memory_space<vmem>>
          %dma_wait3A_535 = tpu.memref_squeeze %dma_wait3A_534 : memref<1x128x64xf32, #tpu.memory_space<vmem>> -> memref<128x64xf32, #tpu.memory_space<vmem>>
          tpu.wait_dma2 semaphore(%run_scoped3A_507 : memref<!tpu.dma_semaphore, #tpu.memory_space<semaphore_mem>>) src(%dma_wait3A_535 : memref<128x64xf32, #tpu.memory_space<vmem>>) dst(%dma_wait3A_531 : memref<128x64xf32, #tpu.memory_space<hbm>>)
          tpu.yield
        }) : () -> ()
        %eq3A_276 = arith.constant 0 : i32
        %eq3A_277 = arith.cmpi eq, %arg0, %eq3A_276 : i32
        %convert_element_type3A_278 = arith.extui %eq3A_277 : i1 to i32
        %cond3A_279 = arith.constant 0 : i32
        %cond3A_280 = arith.cmpi ne, %convert_element_type3A_278, %cond3A_279 : i32
        scf.if %cond3A_280 {
          %run_scoped3A_507 = arith.constant 3 : i32
          "tpu.region"() ({
            %run_scoped3A_508 = tpu.sem_alloc : memref<!tpu.dma_semaphore, #tpu.memory_space<semaphore_mem>>
            %dma_start3A_509 = arith.constant 0 : i32
            %dma_start3A_510 = arith.constant 0 : i32
            %dma_start3A_511 = tpu.memref_slice %arg11[%run_scoped3A_507, %dma_start3A_509, %dma_start3A_510] : memref<6x128x64xf32, #tpu.memory_space<vmem>> -> memref<1x128x64xf32, #tpu.memory_space<vmem>>
            %dma_start3A_512 = tpu.memref_squeeze %dma_start3A_511 : memref<1x128x64xf32, #tpu.memory_space<vmem>> -> memref<128x64xf32, #tpu.memory_space<vmem>>
            %dma_start3A_513 = arith.constant 0 : i32
            %dma_start3A_514 = tpu.memref_slice %arg12[%add3A_201, %dma_start3A_513] : memref<10240x64xf32, #tpu.memory_space<vmem_shared>> -> memref<128x64xf32, #tpu.memory_space<vmem_shared>>
            %dma_start3A_515 = arith.constant 0 : i32
            %dma_start3A_516 = tpu.memref_slice %arg12[%add3A_201, %dma_start3A_515] : memref<10240x64xf32, #tpu.memory_space<vmem_shared>> -> memref<128x64xf32, #tpu.memory_space<vmem_shared>>
            %dma_start3A_517 = arith.constant 0 : i32
            %dma_start3A_518 = arith.constant 0 : i32
            %dma_start3A_519 = tpu.memref_slice %arg11[%run_scoped3A_507, %dma_start3A_517, %dma_start3A_518] : memref<6x128x64xf32, #tpu.memory_space<vmem>> -> memref<1x128x64xf32, #tpu.memory_space<vmem>>
            %dma_start3A_520 = tpu.memref_squeeze %dma_start3A_519 : memref<1x128x64xf32, #tpu.memory_space<vmem>> -> memref<128x64xf32, #tpu.memory_space<vmem>>
            tpu.enqueue_dma source(%dma_start3A_520 : memref<128x64xf32, #tpu.memory_space<vmem>>) target(%dma_start3A_516 : memref<128x64xf32, #tpu.memory_space<vmem_shared>>) target_semaphore(%run_scoped3A_508 : memref<!tpu.dma_semaphore, #tpu.memory_space<semaphore_mem>>)
            %dma_wait3A_521 = arith.constant 0 : i32
            %dma_wait3A_522 = arith.constant 0 : i32
            %dma_wait3A_523 = tpu.memref_slice %arg11[%run_scoped3A_507, %dma_wait3A_521, %dma_wait3A_522] : memref<6x128x64xf32, #tpu.memory_space<vmem>> -> memref<1x128x64xf32, #tpu.memory_space<vmem>>
            %dma_wait3A_524 = tpu.memref_squeeze %dma_wait3A_523 : memref<1x128x64xf32, #tpu.memory_space<vmem>> -> memref<128x64xf32, #tpu.memory_space<vmem>>
            %dma_wait3A_525 = arith.constant 0 : i32
            %dma_wait3A_526 = tpu.memref_slice %arg12[%add3A_201, %dma_wait3A_525] : memref<10240x64xf32, #tpu.memory_space<vmem_shared>> -> memref<128x64xf32, #tpu.memory_space<vmem_shared>>
            %dma_wait3A_527 = arith.constant 0 : i32
            %dma_wait3A_528 = tpu.memref_slice %arg12[%add3A_201, %dma_wait3A_527] : memref<10240x64xf32, #tpu.memory_space<vmem_shared>> -> memref<128x64xf32, #tpu.memory_space<vmem_shared>>
            %dma_wait3A_529 = arith.constant 0 : i32
            %dma_wait3A_530 = arith.constant 0 : i32
            %dma_wait3A_531 = tpu.memref_slice %arg11[%run_scoped3A_507, %dma_wait3A_529, %dma_wait3A_530] : memref<6x128x64xf32, #tpu.memory_space<vmem>> -> memref<1x128x64xf32, #tpu.memory_space<vmem>>
            %dma_wait3A_532 = tpu.memref_squeeze %dma_wait3A_531 : memref<1x128x64xf32, #tpu.memory_space<vmem>> -> memref<128x64xf32, #tpu.memory_space<vmem>>
            tpu.wait_dma2 semaphore(%run_scoped3A_508 : memref<!tpu.dma_semaphore, #tpu.memory_space<semaphore_mem>>) src(%dma_wait3A_532 : memref<128x64xf32, #tpu.memory_space<vmem>>) dst(%dma_wait3A_528 : memref<128x64xf32, #tpu.memory_space<vmem_shared>>)
            tpu.yield
          }) : () -> ()
        } else {
        }
        %mul3A_281 = arith.constant 640 : i32
        %mul3A_282 = arith.muli %arg1, %mul3A_281 : i32
        %add3A_283 = arith.constant 256 : i32
        %add3A_284 = arith.addi %mul3A_282, %add3A_283 : i32
        %mul3A_285 = arith.constant 640 : i32
        %mul3A_286 = arith.muli %arg1, %mul3A_285 : i32
        %add3A_287 = arith.constant 384 : i32
        %add3A_288 = arith.addi %mul3A_286, %add3A_287 : i32
        %dma_start3A_289 = arith.constant 1 : i32
        %dma_start3A_290 = arith.constant 0 : i32
        %dma_start3A_291 = arith.constant 0 : i32
        %dma_start3A_292 = tpu.memref_slice %arg11[%dma_start3A_289, %dma_start3A_290, %dma_start3A_291] : memref<6x128x64xf32, #tpu.memory_space<vmem>> -> memref<1x128x64xf32, #tpu.memory_space<vmem>>
        %dma_start3A_293 = tpu.memref_squeeze %dma_start3A_292 : memref<1x128x64xf32, #tpu.memory_space<vmem>> -> memref<128x64xf32, #tpu.memory_space<vmem>>
        %dma_start3A_294 = arith.constant 0 : i32
        %dma_start3A_295 = tpu.memref_slice %arg7[%sub3A_81, %add3A_288, %dma_start3A_294] : memref<2x10240x64xf32, #tpu.memory_space<hbm>> -> memref<1x128x64xf32, #tpu.memory_space<hbm>>
        %dma_start3A_296 = tpu.memref_squeeze %dma_start3A_295 : memref<1x128x64xf32, #tpu.memory_space<hbm>> -> memref<128x64xf32, #tpu.memory_space<hbm>>
        %dma_start3A_297 = arith.constant 0 : i32
        %dma_start3A_298 = arith.constant 0 : i32
        %dma_start3A_299 = tpu.memref_slice %arg11[%dma_start3A_289, %dma_start3A_297, %dma_start3A_298] : memref<6x128x64xf32, #tpu.memory_space<vmem>> -> memref<1x128x64xf32, #tpu.memory_space<vmem>>
        %dma_start3A_300 = tpu.memref_squeeze %dma_start3A_299 : memref<1x128x64xf32, #tpu.memory_space<vmem>> -> memref<128x64xf32, #tpu.memory_space<vmem>>
        %dma_start3A_301 = arith.constant 0 : i32
        %dma_start3A_302 = tpu.memref_slice %arg7[%sub3A_81, %add3A_288, %dma_start3A_301] : memref<2x10240x64xf32, #tpu.memory_space<hbm>> -> memref<1x128x64xf32, #tpu.memory_space<hbm>>
        %dma_start3A_303 = tpu.memref_squeeze %dma_start3A_302 : memref<1x128x64xf32, #tpu.memory_space<hbm>> -> memref<128x64xf32, #tpu.memory_space<hbm>>
        tpu.enqueue_dma source(%dma_start3A_303 : memref<128x64xf32, #tpu.memory_space<hbm>>) target(%dma_start3A_300 : memref<128x64xf32, #tpu.memory_space<vmem>>) target_semaphore(%arg13 : memref<!tpu.dma_semaphore, #tpu.memory_space<semaphore_mem>>)
        %dma_start3A_304 = arith.constant 0 : i32
        %dma_start3A_305 = arith.constant 5 : i32
        %dma_start3A_306 = arith.constant 0 : i32
        %dma_start3A_307 = arith.constant 0 : i32
        %dma_start3A_308 = tpu.memref_slice %arg11[%dma_start3A_305, %dma_start3A_306, %dma_start3A_307] : memref<6x128x64xf32, #tpu.memory_space<vmem>> -> memref<1x128x64xf32, #tpu.memory_space<vmem>>
        %dma_start3A_309 = tpu.memref_squeeze %dma_start3A_308 : memref<1x128x64xf32, #tpu.memory_space<vmem>> -> memref<128x64xf32, #tpu.memory_space<vmem>>
        %dma_start3A_310 = arith.constant 0 : i32
        %dma_start3A_311 = tpu.memref_slice %arg4[%dma_start3A_304, %add3A_288, %dma_start3A_310] : memref<1x10240x64xf32, #tpu.memory_space<hbm>> -> memref<1x128x64xf32, #tpu.memory_space<hbm>>
        %dma_start3A_312 = tpu.memref_squeeze %dma_start3A_311 : memref<1x128x64xf32, #tpu.memory_space<hbm>> -> memref<128x64xf32, #tpu.memory_space<hbm>>
        %dma_start3A_313 = arith.constant 0 : i32
        %dma_start3A_314 = arith.constant 0 : i32
        %dma_start3A_315 = tpu.memref_slice %arg11[%dma_start3A_305, %dma_start3A_313, %dma_start3A_314] : memref<6x128x64xf32, #tpu.memory_space<vmem>> -> memref<1x128x64xf32, #tpu.memory_space<vmem>>
        %dma_start3A_316 = tpu.memref_squeeze %dma_start3A_315 : memref<1x128x64xf32, #tpu.memory_space<vmem>> -> memref<128x64xf32, #tpu.memory_space<vmem>>
        %dma_start3A_317 = arith.constant 0 : i32
        %dma_start3A_318 = tpu.memref_slice %arg4[%dma_start3A_304, %add3A_288, %dma_start3A_317] : memref<1x10240x64xf32, #tpu.memory_space<hbm>> -> memref<1x128x64xf32, #tpu.memory_space<hbm>>
        %dma_start3A_319 = tpu.memref_squeeze %dma_start3A_318 : memref<1x128x64xf32, #tpu.memory_space<hbm>> -> memref<128x64xf32, #tpu.memory_space<hbm>>
        tpu.enqueue_dma source(%dma_start3A_319 : memref<128x64xf32, #tpu.memory_space<hbm>>) target(%dma_start3A_316 : memref<128x64xf32, #tpu.memory_space<vmem>>) target_semaphore(%arg13 : memref<!tpu.dma_semaphore, #tpu.memory_space<semaphore_mem>>)
        %run_scoped3A_320 = arith.constant 2 : i32
        "tpu.region"() ({
          %run_scoped3A_507 = tpu.sem_alloc : memref<!tpu.dma_semaphore, #tpu.memory_space<semaphore_mem>>
          %dma_start3A_508 = arith.constant 0 : i32
          %dma_start3A_509 = arith.constant 0 : i32
          %dma_start3A_510 = tpu.memref_slice %arg11[%run_scoped3A_320, %dma_start3A_508, %dma_start3A_509] : memref<6x128x64xf32, #tpu.memory_space<vmem>> -> memref<1x128x64xf32, #tpu.memory_space<vmem>>
          %dma_start3A_511 = tpu.memref_squeeze %dma_start3A_510 : memref<1x128x64xf32, #tpu.memory_space<vmem>> -> memref<128x64xf32, #tpu.memory_space<vmem>>
          %dma_start3A_512 = arith.constant 0 : i32
          %dma_start3A_513 = tpu.memref_slice %arg12[%add3A_284, %dma_start3A_512] : memref<10240x64xf32, #tpu.memory_space<vmem_shared>> -> memref<128x64xf32, #tpu.memory_space<vmem_shared>>
          %dma_start3A_514 = arith.constant 0 : i32
          %dma_start3A_515 = arith.constant 0 : i32
          %dma_start3A_516 = tpu.memref_slice %arg11[%run_scoped3A_320, %dma_start3A_514, %dma_start3A_515] : memref<6x128x64xf32, #tpu.memory_space<vmem>> -> memref<1x128x64xf32, #tpu.memory_space<vmem>>
          %dma_start3A_517 = tpu.memref_squeeze %dma_start3A_516 : memref<1x128x64xf32, #tpu.memory_space<vmem>> -> memref<128x64xf32, #tpu.memory_space<vmem>>
          %dma_start3A_518 = arith.constant 0 : i32
          %dma_start3A_519 = tpu.memref_slice %arg12[%add3A_284, %dma_start3A_518] : memref<10240x64xf32, #tpu.memory_space<vmem_shared>> -> memref<128x64xf32, #tpu.memory_space<vmem_shared>>
          tpu.enqueue_dma source(%dma_start3A_519 : memref<128x64xf32, #tpu.memory_space<vmem_shared>>) target(%dma_start3A_517 : memref<128x64xf32, #tpu.memory_space<vmem>>) target_semaphore(%run_scoped3A_507 : memref<!tpu.dma_semaphore, #tpu.memory_space<semaphore_mem>>)
          %dma_wait3A_520 = arith.constant 0 : i32
          %dma_wait3A_521 = arith.constant 0 : i32
          %dma_wait3A_522 = tpu.memref_slice %arg11[%run_scoped3A_320, %dma_wait3A_520, %dma_wait3A_521] : memref<6x128x64xf32, #tpu.memory_space<vmem>> -> memref<1x128x64xf32, #tpu.memory_space<vmem>>
          %dma_wait3A_523 = tpu.memref_squeeze %dma_wait3A_522 : memref<1x128x64xf32, #tpu.memory_space<vmem>> -> memref<128x64xf32, #tpu.memory_space<vmem>>
          %dma_wait3A_524 = arith.constant 0 : i32
          %dma_wait3A_525 = tpu.memref_slice %arg12[%add3A_284, %dma_wait3A_524] : memref<10240x64xf32, #tpu.memory_space<vmem_shared>> -> memref<128x64xf32, #tpu.memory_space<vmem_shared>>
          %dma_wait3A_526 = arith.constant 0 : i32
          %dma_wait3A_527 = arith.constant 0 : i32
          %dma_wait3A_528 = tpu.memref_slice %arg11[%run_scoped3A_320, %dma_wait3A_526, %dma_wait3A_527] : memref<6x128x64xf32, #tpu.memory_space<vmem>> -> memref<1x128x64xf32, #tpu.memory_space<vmem>>
          %dma_wait3A_529 = tpu.memref_squeeze %dma_wait3A_528 : memref<1x128x64xf32, #tpu.memory_space<vmem>> -> memref<128x64xf32, #tpu.memory_space<vmem>>
          %dma_wait3A_530 = arith.constant 0 : i32
          %dma_wait3A_531 = tpu.memref_slice %arg12[%add3A_284, %dma_wait3A_530] : memref<10240x64xf32, #tpu.memory_space<vmem_shared>> -> memref<128x64xf32, #tpu.memory_space<vmem_shared>>
          tpu.wait_dma2 semaphore(%run_scoped3A_507 : memref<!tpu.dma_semaphore, #tpu.memory_space<semaphore_mem>>) src(%dma_wait3A_531 : memref<128x64xf32, #tpu.memory_space<vmem_shared>>) dst(%dma_wait3A_529 : memref<128x64xf32, #tpu.memory_space<vmem>>)
          tpu.yield
        }) : () -> ()
        %dma_wait3A_321 = arith.constant 0 : i32
        %dma_wait3A_322 = arith.constant 0 : i32
        %dma_wait3A_323 = arith.constant 0 : i32
        %dma_wait3A_324 = tpu.memref_slice %arg11[%dma_wait3A_321, %dma_wait3A_322, %dma_wait3A_323] : memref<6x128x64xf32, #tpu.memory_space<vmem>> -> memref<1x128x64xf32, #tpu.memory_space<vmem>>
        %dma_wait3A_325 = tpu.memref_squeeze %dma_wait3A_324 : memref<1x128x64xf32, #tpu.memory_space<vmem>> -> memref<128x64xf32, #tpu.memory_space<vmem>>
        %dma_wait3A_326 = arith.constant 0 : i32
        %dma_wait3A_327 = tpu.memref_slice %arg7[%sub3A_81, %add3A_284, %dma_wait3A_326] : memref<2x10240x64xf32, #tpu.memory_space<hbm>> -> memref<1x128x64xf32, #tpu.memory_space<hbm>>
        %dma_wait3A_328 = tpu.memref_squeeze %dma_wait3A_327 : memref<1x128x64xf32, #tpu.memory_space<hbm>> -> memref<128x64xf32, #tpu.memory_space<hbm>>
        %dma_wait3A_329 = arith.constant 0 : i32
        %dma_wait3A_330 = arith.constant 0 : i32
        %dma_wait3A_331 = tpu.memref_slice %arg11[%dma_wait3A_321, %dma_wait3A_329, %dma_wait3A_330] : memref<6x128x64xf32, #tpu.memory_space<vmem>> -> memref<1x128x64xf32, #tpu.memory_space<vmem>>
        %dma_wait3A_332 = tpu.memref_squeeze %dma_wait3A_331 : memref<1x128x64xf32, #tpu.memory_space<vmem>> -> memref<128x64xf32, #tpu.memory_space<vmem>>
        %dma_wait3A_333 = arith.constant 0 : i32
        %dma_wait3A_334 = tpu.memref_slice %arg7[%sub3A_81, %add3A_284, %dma_wait3A_333] : memref<2x10240x64xf32, #tpu.memory_space<hbm>> -> memref<1x128x64xf32, #tpu.memory_space<hbm>>
        %dma_wait3A_335 = tpu.memref_squeeze %dma_wait3A_334 : memref<1x128x64xf32, #tpu.memory_space<hbm>> -> memref<128x64xf32, #tpu.memory_space<hbm>>
        tpu.wait_dma2 semaphore(%arg13 : memref<!tpu.dma_semaphore, #tpu.memory_space<semaphore_mem>>) src(%dma_wait3A_335 : memref<128x64xf32, #tpu.memory_space<hbm>>) dst(%dma_wait3A_332 : memref<128x64xf32, #tpu.memory_space<vmem>>)
        %dma_wait3A_336 = arith.constant 0 : i32
        %dma_wait3A_337 = arith.constant 4 : i32
        %dma_wait3A_338 = arith.constant 0 : i32
        %dma_wait3A_339 = arith.constant 0 : i32
        %dma_wait3A_340 = tpu.memref_slice %arg11[%dma_wait3A_337, %dma_wait3A_338, %dma_wait3A_339] : memref<6x128x64xf32, #tpu.memory_space<vmem>> -> memref<1x128x64xf32, #tpu.memory_space<vmem>>
        %dma_wait3A_341 = tpu.memref_squeeze %dma_wait3A_340 : memref<1x128x64xf32, #tpu.memory_space<vmem>> -> memref<128x64xf32, #tpu.memory_space<vmem>>
        %dma_wait3A_342 = arith.constant 0 : i32
        %dma_wait3A_343 = tpu.memref_slice %arg4[%dma_wait3A_336, %add3A_284, %dma_wait3A_342] : memref<1x10240x64xf32, #tpu.memory_space<hbm>> -> memref<1x128x64xf32, #tpu.memory_space<hbm>>
        %dma_wait3A_344 = tpu.memref_squeeze %dma_wait3A_343 : memref<1x128x64xf32, #tpu.memory_space<hbm>> -> memref<128x64xf32, #tpu.memory_space<hbm>>
        %dma_wait3A_345 = arith.constant 0 : i32
        %dma_wait3A_346 = arith.constant 0 : i32
        %dma_wait3A_347 = tpu.memref_slice %arg11[%dma_wait3A_337, %dma_wait3A_345, %dma_wait3A_346] : memref<6x128x64xf32, #tpu.memory_space<vmem>> -> memref<1x128x64xf32, #tpu.memory_space<vmem>>
        %dma_wait3A_348 = tpu.memref_squeeze %dma_wait3A_347 : memref<1x128x64xf32, #tpu.memory_space<vmem>> -> memref<128x64xf32, #tpu.memory_space<vmem>>
        %dma_wait3A_349 = arith.constant 0 : i32
        %dma_wait3A_350 = tpu.memref_slice %arg4[%dma_wait3A_336, %add3A_284, %dma_wait3A_349] : memref<1x10240x64xf32, #tpu.memory_space<hbm>> -> memref<1x128x64xf32, #tpu.memory_space<hbm>>
        %dma_wait3A_351 = tpu.memref_squeeze %dma_wait3A_350 : memref<1x128x64xf32, #tpu.memory_space<hbm>> -> memref<128x64xf32, #tpu.memory_space<hbm>>
        tpu.wait_dma2 semaphore(%arg13 : memref<!tpu.dma_semaphore, #tpu.memory_space<semaphore_mem>>) src(%dma_wait3A_351 : memref<128x64xf32, #tpu.memory_space<hbm>>) dst(%dma_wait3A_348 : memref<128x64xf32, #tpu.memory_space<vmem>>)
        %scan3A_352 = arith.constant 0 : i32
        %scan3A_353 = arith.constant 0 : i32
        %scan3A_354 = arith.constant 64 : i32
        %scan3A_355 = arith.addi %scan3A_353, %scan3A_354 : i32
        %scan3A_356 = arith.constant 1 : i32
        scf.for %scan3A_507 = %scan3A_353 to %scan3A_355 step %scan3A_356  : i32 {
          %mul3A_508 = arith.constant 2 : i32
          %mul3A_509 = arith.muli %mul3A_508, %scan3A_507 : i32
          %add3A_510 = arith.constant 0 : i32
          %add3A_511 = arith.addi %mul3A_509, %add3A_510 : i32
          %get3A = arith.constant 4 : i32
          %get3A_512 = arith.index_cast %get3A : i32 to index
          %get3A_513 = arith.index_cast %add3A_511 : i32 to index
          %get3A_514 = arith.constant 0 : index
          %get3A_515 = tpu.vector_load %arg11[%get3A_512, %get3A_513, %get3A_514] {strides = array<i32>} : memref<6x128x64xf32, #tpu.memory_space<vmem>>, vector<1x1x16xf32>,
          %get3A_516 = vector.shape_cast %get3A_515 : vector<1x1x16xf32> to vector<16xf32>
          %mul3A_517 = arith.constant 2 : i32
          %mul3A_518 = arith.muli %mul3A_517, %scan3A_507 : i32
          %add3A_519 = arith.constant 0 : i32
          %add3A_520 = arith.addi %mul3A_518, %add3A_519 : i32
          %get3A_521 = arith.constant 2 : i32
          %get3A_522 = arith.index_cast %get3A_521 : i32 to index
          %get3A_523 = arith.index_cast %add3A_520 : i32 to index
          %get3A_524 = arith.constant 0 : index
          %get3A_525 = tpu.vector_load %arg11[%get3A_522, %get3A_523, %get3A_524] {strides = array<i32>} : memref<6x128x64xf32, #tpu.memory_space<vmem>>, vector<1x1x16xf32>,
          %get3A_526 = vector.shape_cast %get3A_525 : vector<1x1x16xf32> to vector<16xf32>
          %mul3A_527 = arith.constant 2 : i32
          %mul3A_528 = arith.muli %mul3A_527, %scan3A_507 : i32
          %add3A_529 = arith.constant 0 : i32
          %add3A_530 = arith.addi %mul3A_528, %add3A_529 : i32
          %get3A_531 = arith.constant 0 : i32
          %get3A_532 = arith.index_cast %get3A_531 : i32 to index
          %get3A_533 = arith.index_cast %add3A_530 : i32 to index
          %get3A_534 = arith.constant 0 : index
          %get3A_535 = tpu.vector_load %arg11[%get3A_532, %get3A_533, %get3A_534] {strides = array<i32>} : memref<6x128x64xf32, #tpu.memory_space<vmem>>, vector<1x1x16xf32>,
          %get3A_536 = vector.shape_cast %get3A_535 : vector<1x1x16xf32> to vector<16xf32>
          %add3A_537 = arith.addf %get3A_526, %get3A_536 : vector<16xf32>
          %mul3A_538 = arith.mulf %get3A_516, %add3A_537 : vector<16xf32>
          %mul3A_539 = arith.constant 2 : i32
          %mul3A_540 = arith.muli %mul3A_539, %scan3A_507 : i32
          %add3A_541 = arith.constant 0 : i32
          %add3A_542 = arith.addi %mul3A_540, %add3A_541 : i32
          %swap3A = arith.constant 3 : i32
          %swap3A_543 = arith.index_cast %swap3A : i32 to index
          %swap3A_544 = arith.index_cast %add3A_542 : i32 to index
          %swap3A_545 = arith.constant 0 : index
          %swap3A_546 = tpu.vector_load %arg11[%swap3A_543, %swap3A_544, %swap3A_545] {strides = array<i32>} : memref<6x128x64xf32, #tpu.memory_space<vmem>>, vector<1x1x16xf32>,
          %swap3A_547 = vector.shape_cast %swap3A_546 : vector<1x1x16xf32> to vector<16xf32>
          %swap3A_548 = vector.shape_cast %mul3A_538 : vector<16xf32> to vector<1x1x16xf32>
          tpu.vector_store %arg11[%swap3A_543, %swap3A_544, %swap3A_545], %swap3A_548 {strides = array<i32>} : memref<6x128x64xf32, #tpu.memory_space<vmem>>, vector<1x1x16xf32>,
          %mul3A_549 = arith.constant 2 : i32
          %mul3A_550 = arith.muli %mul3A_549, %scan3A_507 : i32
          %add3A_551 = arith.constant 0 : i32
          %add3A_552 = arith.addi %mul3A_550, %add3A_551 : i32
          %get3A_553 = arith.constant 4 : i32
          %get3A_554 = arith.index_cast %get3A_553 : i32 to index
          %get3A_555 = arith.index_cast %add3A_552 : i32 to index
          %get3A_556 = arith.constant 16 : index
          %get3A_557 = tpu.vector_load %arg11[%get3A_554, %get3A_555, %get3A_556] {strides = array<i32>} : memref<6x128x64xf32, #tpu.memory_space<vmem>>, vector<1x1x16xf32>,
          %get3A_558 = vector.shape_cast %get3A_557 : vector<1x1x16xf32> to vector<16xf32>
          %mul3A_559 = arith.constant 2 : i32
          %mul3A_560 = arith.muli %mul3A_559, %scan3A_507 : i32
          %add3A_561 = arith.constant 0 : i32
          %add3A_562 = arith.addi %mul3A_560, %add3A_561 : i32
          %get3A_563 = arith.constant 2 : i32
          %get3A_564 = arith.index_cast %get3A_563 : i32 to index
          %get3A_565 = arith.index_cast %add3A_562 : i32 to index
          %get3A_566 = arith.constant 16 : index
          %get3A_567 = tpu.vector_load %arg11[%get3A_564, %get3A_565, %get3A_566] {strides = array<i32>} : memref<6x128x64xf32, #tpu.memory_space<vmem>>, vector<1x1x16xf32>,
          %get3A_568 = vector.shape_cast %get3A_567 : vector<1x1x16xf32> to vector<16xf32>
          %mul3A_569 = arith.constant 2 : i32
          %mul3A_570 = arith.muli %mul3A_569, %scan3A_507 : i32
          %add3A_571 = arith.constant 0 : i32
          %add3A_572 = arith.addi %mul3A_570, %add3A_571 : i32
          %get3A_573 = arith.constant 0 : i32
          %get3A_574 = arith.index_cast %get3A_573 : i32 to index
          %get3A_575 = arith.index_cast %add3A_572 : i32 to index
          %get3A_576 = arith.constant 16 : index
          %get3A_577 = tpu.vector_load %arg11[%get3A_574, %get3A_575, %get3A_576] {strides = array<i32>} : memref<6x128x64xf32, #tpu.memory_space<vmem>>, vector<1x1x16xf32>,
          %get3A_578 = vector.shape_cast %get3A_577 : vector<1x1x16xf32> to vector<16xf32>
          %add3A_579 = arith.addf %get3A_568, %get3A_578 : vector<16xf32>
          %mul3A_580 = arith.mulf %get3A_558, %add3A_579 : vector<16xf32>
          %mul3A_581 = arith.constant 2 : i32
          %mul3A_582 = arith.muli %mul3A_581, %scan3A_507 : i32
          %add3A_583 = arith.constant 0 : i32
          %add3A_584 = arith.addi %mul3A_582, %add3A_583 : i32
          %swap3A_585 = arith.constant 3 : i32
          %swap3A_586 = arith.index_cast %swap3A_585 : i32 to index
          %swap3A_587 = arith.index_cast %add3A_584 : i32 to index
          %swap3A_588 = arith.constant 16 : index
          %swap3A_589 = tpu.vector_load %arg11[%swap3A_586, %swap3A_587, %swap3A_588] {strides = array<i32>} : memref<6x128x64xf32, #tpu.memory_space<vmem>>, vector<1x1x16xf32>,
          %swap3A_590 = vector.shape_cast %swap3A_589 : vector<1x1x16xf32> to vector<16xf32>
          %swap3A_591 = vector.shape_cast %mul3A_580 : vector<16xf32> to vector<1x1x16xf32>
          tpu.vector_store %arg11[%swap3A_586, %swap3A_587, %swap3A_588], %swap3A_591 {strides = array<i32>} : memref<6x128x64xf32, #tpu.memory_space<vmem>>, vector<1x1x16xf32>,
          %mul3A_592 = arith.constant 2 : i32
          %mul3A_593 = arith.muli %mul3A_592, %scan3A_507 : i32
          %add3A_594 = arith.constant 0 : i32
          %add3A_595 = arith.addi %mul3A_593, %add3A_594 : i32
          %get3A_596 = arith.constant 4 : i32
          %get3A_597 = arith.index_cast %get3A_596 : i32 to index
          %get3A_598 = arith.index_cast %add3A_595 : i32 to index
          %get3A_599 = arith.constant 32 : index
          %get3A_600 = tpu.vector_load %arg11[%get3A_597, %get3A_598, %get3A_599] {strides = array<i32>} : memref<6x128x64xf32, #tpu.memory_space<vmem>>, vector<1x1x16xf32>,
          %get3A_601 = vector.shape_cast %get3A_600 : vector<1x1x16xf32> to vector<16xf32>
          %mul3A_602 = arith.constant 2 : i32
          %mul3A_603 = arith.muli %mul3A_602, %scan3A_507 : i32
          %add3A_604 = arith.constant 0 : i32
          %add3A_605 = arith.addi %mul3A_603, %add3A_604 : i32
          %get3A_606 = arith.constant 2 : i32
          %get3A_607 = arith.index_cast %get3A_606 : i32 to index
          %get3A_608 = arith.index_cast %add3A_605 : i32 to index
          %get3A_609 = arith.constant 32 : index
          %get3A_610 = tpu.vector_load %arg11[%get3A_607, %get3A_608, %get3A_609] {strides = array<i32>} : memref<6x128x64xf32, #tpu.memory_space<vmem>>, vector<1x1x16xf32>,
          %get3A_611 = vector.shape_cast %get3A_610 : vector<1x1x16xf32> to vector<16xf32>
          %mul3A_612 = arith.constant 2 : i32
          %mul3A_613 = arith.muli %mul3A_612, %scan3A_507 : i32
          %add3A_614 = arith.constant 0 : i32
          %add3A_615 = arith.addi %mul3A_613, %add3A_614 : i32
          %get3A_616 = arith.constant 0 : i32
          %get3A_617 = arith.index_cast %get3A_616 : i32 to index
          %get3A_618 = arith.index_cast %add3A_615 : i32 to index
          %get3A_619 = arith.constant 32 : index
          %get3A_620 = tpu.vector_load %arg11[%get3A_617, %get3A_618, %get3A_619] {strides = array<i32>} : memref<6x128x64xf32, #tpu.memory_space<vmem>>, vector<1x1x16xf32>,
          %get3A_621 = vector.shape_cast %get3A_620 : vector<1x1x16xf32> to vector<16xf32>
          %add3A_622 = arith.addf %get3A_611, %get3A_621 : vector<16xf32>
          %mul3A_623 = arith.mulf %get3A_601, %add3A_622 : vector<16xf32>
          %mul3A_624 = arith.constant 2 : i32
          %mul3A_625 = arith.muli %mul3A_624, %scan3A_507 : i32
          %add3A_626 = arith.constant 0 : i32
          %add3A_627 = arith.addi %mul3A_625, %add3A_626 : i32
          %swap3A_628 = arith.constant 3 : i32
          %swap3A_629 = arith.index_cast %swap3A_628 : i32 to index
          %swap3A_630 = arith.index_cast %add3A_627 : i32 to index
          %swap3A_631 = arith.constant 32 : index
          %swap3A_632 = tpu.vector_load %arg11[%swap3A_629, %swap3A_630, %swap3A_631] {strides = array<i32>} : memref<6x128x64xf32, #tpu.memory_space<vmem>>, vector<1x1x16xf32>,
          %swap3A_633 = vector.shape_cast %swap3A_632 : vector<1x1x16xf32> to vector<16xf32>
          %swap3A_634 = vector.shape_cast %mul3A_623 : vector<16xf32> to vector<1x1x16xf32>
          tpu.vector_store %arg11[%swap3A_629, %swap3A_630, %swap3A_631], %swap3A_634 {strides = array<i32>} : memref<6x128x64xf32, #tpu.memory_space<vmem>>, vector<1x1x16xf32>,
          %mul3A_635 = arith.constant 2 : i32
          %mul3A_636 = arith.muli %mul3A_635, %scan3A_507 : i32
          %add3A_637 = arith.constant 0 : i32
          %add3A_638 = arith.addi %mul3A_636, %add3A_637 : i32
          %get3A_639 = arith.constant 4 : i32
          %get3A_640 = arith.index_cast %get3A_639 : i32 to index
          %get3A_641 = arith.index_cast %add3A_638 : i32 to index
          %get3A_642 = arith.constant 48 : index
          %get3A_643 = tpu.vector_load %arg11[%get3A_640, %get3A_641, %get3A_642] {strides = array<i32>} : memref<6x128x64xf32, #tpu.memory_space<vmem>>, vector<1x1x16xf32>,
          %get3A_644 = vector.shape_cast %get3A_643 : vector<1x1x16xf32> to vector<16xf32>
          %mul3A_645 = arith.constant 2 : i32
          %mul3A_646 = arith.muli %mul3A_645, %scan3A_507 : i32
          %add3A_647 = arith.constant 0 : i32
          %add3A_648 = arith.addi %mul3A_646, %add3A_647 : i32
          %get3A_649 = arith.constant 2 : i32
          %get3A_650 = arith.index_cast %get3A_649 : i32 to index
          %get3A_651 = arith.index_cast %add3A_648 : i32 to index
          %get3A_652 = arith.constant 48 : index
          %get3A_653 = tpu.vector_load %arg11[%get3A_650, %get3A_651, %get3A_652] {strides = array<i32>} : memref<6x128x64xf32, #tpu.memory_space<vmem>>, vector<1x1x16xf32>,
          %get3A_654 = vector.shape_cast %get3A_653 : vector<1x1x16xf32> to vector<16xf32>
          %mul3A_655 = arith.constant 2 : i32
          %mul3A_656 = arith.muli %mul3A_655, %scan3A_507 : i32
          %add3A_657 = arith.constant 0 : i32
          %add3A_658 = arith.addi %mul3A_656, %add3A_657 : i32
          %get3A_659 = arith.constant 0 : i32
          %get3A_660 = arith.index_cast %get3A_659 : i32 to index
          %get3A_661 = arith.index_cast %add3A_658 : i32 to index
          %get3A_662 = arith.constant 48 : index
          %get3A_663 = tpu.vector_load %arg11[%get3A_660, %get3A_661, %get3A_662] {strides = array<i32>} : memref<6x128x64xf32, #tpu.memory_space<vmem>>, vector<1x1x16xf32>,
          %get3A_664 = vector.shape_cast %get3A_663 : vector<1x1x16xf32> to vector<16xf32>
          %add3A_665 = arith.addf %get3A_654, %get3A_664 : vector<16xf32>
          %mul3A_666 = arith.mulf %get3A_644, %add3A_665 : vector<16xf32>
          %mul3A_667 = arith.constant 2 : i32
          %mul3A_668 = arith.muli %mul3A_667, %scan3A_507 : i32
          %add3A_669 = arith.constant 0 : i32
          %add3A_670 = arith.addi %mul3A_668, %add3A_669 : i32
          %swap3A_671 = arith.constant 3 : i32
          %swap3A_672 = arith.index_cast %swap3A_671 : i32 to index
          %swap3A_673 = arith.index_cast %add3A_670 : i32 to index
          %swap3A_674 = arith.constant 48 : index
          %swap3A_675 = tpu.vector_load %arg11[%swap3A_672, %swap3A_673, %swap3A_674] {strides = array<i32>} : memref<6x128x64xf32, #tpu.memory_space<vmem>>, vector<1x1x16xf32>,
          %swap3A_676 = vector.shape_cast %swap3A_675 : vector<1x1x16xf32> to vector<16xf32>
          %swap3A_677 = vector.shape_cast %mul3A_666 : vector<16xf32> to vector<1x1x16xf32>
          tpu.vector_store %arg11[%swap3A_672, %swap3A_673, %swap3A_674], %swap3A_677 {strides = array<i32>} : memref<6x128x64xf32, #tpu.memory_space<vmem>>, vector<1x1x16xf32>,
          %mul3A_678 = arith.constant 2 : i32
          %mul3A_679 = arith.muli %mul3A_678, %scan3A_507 : i32
          %add3A_680 = arith.constant 1 : i32
          %add3A_681 = arith.addi %mul3A_679, %add3A_680 : i32
          %get3A_682 = arith.constant 4 : i32
          %get3A_683 = arith.index_cast %get3A_682 : i32 to index
          %get3A_684 = arith.index_cast %add3A_681 : i32 to index
          %get3A_685 = arith.constant 0 : index
          %get3A_686 = tpu.vector_load %arg11[%get3A_683, %get3A_684, %get3A_685] {strides = array<i32>} : memref<6x128x64xf32, #tpu.memory_space<vmem>>, vector<1x1x16xf32>,
          %get3A_687 = vector.shape_cast %get3A_686 : vector<1x1x16xf32> to vector<16xf32>
          %mul3A_688 = arith.constant 2 : i32
          %mul3A_689 = arith.muli %mul3A_688, %scan3A_507 : i32
          %add3A_690 = arith.constant 1 : i32
          %add3A_691 = arith.addi %mul3A_689, %add3A_690 : i32
          %get3A_692 = arith.constant 2 : i32
          %get3A_693 = arith.index_cast %get3A_692 : i32 to index
          %get3A_694 = arith.index_cast %add3A_691 : i32 to index
          %get3A_695 = arith.constant 0 : index
          %get3A_696 = tpu.vector_load %arg11[%get3A_693, %get3A_694, %get3A_695] {strides = array<i32>} : memref<6x128x64xf32, #tpu.memory_space<vmem>>, vector<1x1x16xf32>,
          %get3A_697 = vector.shape_cast %get3A_696 : vector<1x1x16xf32> to vector<16xf32>
          %mul3A_698 = arith.constant 2 : i32
          %mul3A_699 = arith.muli %mul3A_698, %scan3A_507 : i32
          %add3A_700 = arith.constant 1 : i32
          %add3A_701 = arith.addi %mul3A_699, %add3A_700 : i32
          %get3A_702 = arith.constant 0 : i32
          %get3A_703 = arith.index_cast %get3A_702 : i32 to index
          %get3A_704 = arith.index_cast %add3A_701 : i32 to index
          %get3A_705 = arith.constant 0 : index
          %get3A_706 = tpu.vector_load %arg11[%get3A_703, %get3A_704, %get3A_705] {strides = array<i32>} : memref<6x128x64xf32, #tpu.memory_space<vmem>>, vector<1x1x16xf32>,
          %get3A_707 = vector.shape_cast %get3A_706 : vector<1x1x16xf32> to vector<16xf32>
          %add3A_708 = arith.addf %get3A_697, %get3A_707 : vector<16xf32>
          %mul3A_709 = arith.mulf %get3A_687, %add3A_708 : vector<16xf32>
          %mul3A_710 = arith.constant 2 : i32
          %mul3A_711 = arith.muli %mul3A_710, %scan3A_507 : i32
          %add3A_712 = arith.constant 1 : i32
          %add3A_713 = arith.addi %mul3A_711, %add3A_712 : i32
          %swap3A_714 = arith.constant 3 : i32
          %swap3A_715 = arith.index_cast %swap3A_714 : i32 to index
          %swap3A_716 = arith.index_cast %add3A_713 : i32 to index
          %swap3A_717 = arith.constant 0 : index
          %swap3A_718 = tpu.vector_load %arg11[%swap3A_715, %swap3A_716, %swap3A_717] {strides = array<i32>} : memref<6x128x64xf32, #tpu.memory_space<vmem>>, vector<1x1x16xf32>,
          %swap3A_719 = vector.shape_cast %swap3A_718 : vector<1x1x16xf32> to vector<16xf32>
          %swap3A_720 = vector.shape_cast %mul3A_709 : vector<16xf32> to vector<1x1x16xf32>
          tpu.vector_store %arg11[%swap3A_715, %swap3A_716, %swap3A_717], %swap3A_720 {strides = array<i32>} : memref<6x128x64xf32, #tpu.memory_space<vmem>>, vector<1x1x16xf32>,
          %mul3A_721 = arith.constant 2 : i32
          %mul3A_722 = arith.muli %mul3A_721, %scan3A_507 : i32
          %add3A_723 = arith.constant 1 : i32
          %add3A_724 = arith.addi %mul3A_722, %add3A_723 : i32
          %get3A_725 = arith.constant 4 : i32
          %get3A_726 = arith.index_cast %get3A_725 : i32 to index
          %get3A_727 = arith.index_cast %add3A_724 : i32 to index
          %get3A_728 = arith.constant 16 : index
          %get3A_729 = tpu.vector_load %arg11[%get3A_726, %get3A_727, %get3A_728] {strides = array<i32>} : memref<6x128x64xf32, #tpu.memory_space<vmem>>, vector<1x1x16xf32>,
          %get3A_730 = vector.shape_cast %get3A_729 : vector<1x1x16xf32> to vector<16xf32>
          %mul3A_731 = arith.constant 2 : i32
          %mul3A_732 = arith.muli %mul3A_731, %scan3A_507 : i32
          %add3A_733 = arith.constant 1 : i32
          %add3A_734 = arith.addi %mul3A_732, %add3A_733 : i32
          %get3A_735 = arith.constant 2 : i32
          %get3A_736 = arith.index_cast %get3A_735 : i32 to index
          %get3A_737 = arith.index_cast %add3A_734 : i32 to index
          %get3A_738 = arith.constant 16 : index
          %get3A_739 = tpu.vector_load %arg11[%get3A_736, %get3A_737, %get3A_738] {strides = array<i32>} : memref<6x128x64xf32, #tpu.memory_space<vmem>>, vector<1x1x16xf32>,
          %get3A_740 = vector.shape_cast %get3A_739 : vector<1x1x16xf32> to vector<16xf32>
          %mul3A_741 = arith.constant 2 : i32
          %mul3A_742 = arith.muli %mul3A_741, %scan3A_507 : i32
          %add3A_743 = arith.constant 1 : i32
          %add3A_744 = arith.addi %mul3A_742, %add3A_743 : i32
          %get3A_745 = arith.constant 0 : i32
          %get3A_746 = arith.index_cast %get3A_745 : i32 to index
          %get3A_747 = arith.index_cast %add3A_744 : i32 to index
          %get3A_748 = arith.constant 16 : index
          %get3A_749 = tpu.vector_load %arg11[%get3A_746, %get3A_747, %get3A_748] {strides = array<i32>} : memref<6x128x64xf32, #tpu.memory_space<vmem>>, vector<1x1x16xf32>,
          %get3A_750 = vector.shape_cast %get3A_749 : vector<1x1x16xf32> to vector<16xf32>
          %add3A_751 = arith.addf %get3A_740, %get3A_750 : vector<16xf32>
          %mul3A_752 = arith.mulf %get3A_730, %add3A_751 : vector<16xf32>
          %mul3A_753 = arith.constant 2 : i32
          %mul3A_754 = arith.muli %mul3A_753, %scan3A_507 : i32
          %add3A_755 = arith.constant 1 : i32
          %add3A_756 = arith.addi %mul3A_754, %add3A_755 : i32
          %swap3A_757 = arith.constant 3 : i32
          %swap3A_758 = arith.index_cast %swap3A_757 : i32 to index
          %swap3A_759 = arith.index_cast %add3A_756 : i32 to index
          %swap3A_760 = arith.constant 16 : index
          %swap3A_761 = tpu.vector_load %arg11[%swap3A_758, %swap3A_759, %swap3A_760] {strides = array<i32>} : memref<6x128x64xf32, #tpu.memory_space<vmem>>, vector<1x1x16xf32>,
          %swap3A_762 = vector.shape_cast %swap3A_761 : vector<1x1x16xf32> to vector<16xf32>
          %swap3A_763 = vector.shape_cast %mul3A_752 : vector<16xf32> to vector<1x1x16xf32>
          tpu.vector_store %arg11[%swap3A_758, %swap3A_759, %swap3A_760], %swap3A_763 {strides = array<i32>} : memref<6x128x64xf32, #tpu.memory_space<vmem>>, vector<1x1x16xf32>,
          %mul3A_764 = arith.constant 2 : i32
          %mul3A_765 = arith.muli %mul3A_764, %scan3A_507 : i32
          %add3A_766 = arith.constant 1 : i32
          %add3A_767 = arith.addi %mul3A_765, %add3A_766 : i32
          %get3A_768 = arith.constant 4 : i32
          %get3A_769 = arith.index_cast %get3A_768 : i32 to index
          %get3A_770 = arith.index_cast %add3A_767 : i32 to index
          %get3A_771 = arith.constant 32 : index
          %get3A_772 = tpu.vector_load %arg11[%get3A_769, %get3A_770, %get3A_771] {strides = array<i32>} : memref<6x128x64xf32, #tpu.memory_space<vmem>>, vector<1x1x16xf32>,
          %get3A_773 = vector.shape_cast %get3A_772 : vector<1x1x16xf32> to vector<16xf32>
          %mul3A_774 = arith.constant 2 : i32
          %mul3A_775 = arith.muli %mul3A_774, %scan3A_507 : i32
          %add3A_776 = arith.constant 1 : i32
          %add3A_777 = arith.addi %mul3A_775, %add3A_776 : i32
          %get3A_778 = arith.constant 2 : i32
          %get3A_779 = arith.index_cast %get3A_778 : i32 to index
          %get3A_780 = arith.index_cast %add3A_777 : i32 to index
          %get3A_781 = arith.constant 32 : index
          %get3A_782 = tpu.vector_load %arg11[%get3A_779, %get3A_780, %get3A_781] {strides = array<i32>} : memref<6x128x64xf32, #tpu.memory_space<vmem>>, vector<1x1x16xf32>,
          %get3A_783 = vector.shape_cast %get3A_782 : vector<1x1x16xf32> to vector<16xf32>
          %mul3A_784 = arith.constant 2 : i32
          %mul3A_785 = arith.muli %mul3A_784, %scan3A_507 : i32
          %add3A_786 = arith.constant 1 : i32
          %add3A_787 = arith.addi %mul3A_785, %add3A_786 : i32
          %get3A_788 = arith.constant 0 : i32
          %get3A_789 = arith.index_cast %get3A_788 : i32 to index
          %get3A_790 = arith.index_cast %add3A_787 : i32 to index
          %get3A_791 = arith.constant 32 : index
          %get3A_792 = tpu.vector_load %arg11[%get3A_789, %get3A_790, %get3A_791] {strides = array<i32>} : memref<6x128x64xf32, #tpu.memory_space<vmem>>, vector<1x1x16xf32>,
          %get3A_793 = vector.shape_cast %get3A_792 : vector<1x1x16xf32> to vector<16xf32>
          %add3A_794 = arith.addf %get3A_783, %get3A_793 : vector<16xf32>
          %mul3A_795 = arith.mulf %get3A_773, %add3A_794 : vector<16xf32>
          %mul3A_796 = arith.constant 2 : i32
          %mul3A_797 = arith.muli %mul3A_796, %scan3A_507 : i32
          %add3A_798 = arith.constant 1 : i32
          %add3A_799 = arith.addi %mul3A_797, %add3A_798 : i32
          %swap3A_800 = arith.constant 3 : i32
          %swap3A_801 = arith.index_cast %swap3A_800 : i32 to index
          %swap3A_802 = arith.index_cast %add3A_799 : i32 to index
          %swap3A_803 = arith.constant 32 : index
          %swap3A_804 = tpu.vector_load %arg11[%swap3A_801, %swap3A_802, %swap3A_803] {strides = array<i32>} : memref<6x128x64xf32, #tpu.memory_space<vmem>>, vector<1x1x16xf32>,
          %swap3A_805 = vector.shape_cast %swap3A_804 : vector<1x1x16xf32> to vector<16xf32>
          %swap3A_806 = vector.shape_cast %mul3A_795 : vector<16xf32> to vector<1x1x16xf32>
          tpu.vector_store %arg11[%swap3A_801, %swap3A_802, %swap3A_803], %swap3A_806 {strides = array<i32>} : memref<6x128x64xf32, #tpu.memory_space<vmem>>, vector<1x1x16xf32>,
          %mul3A_807 = arith.constant 2 : i32
          %mul3A_808 = arith.muli %mul3A_807, %scan3A_507 : i32
          %add3A_809 = arith.constant 1 : i32
          %add3A_810 = arith.addi %mul3A_808, %add3A_809 : i32
          %get3A_811 = arith.constant 4 : i32
          %get3A_812 = arith.index_cast %get3A_811 : i32 to index
          %get3A_813 = arith.index_cast %add3A_810 : i32 to index
          %get3A_814 = arith.constant 48 : index
          %get3A_815 = tpu.vector_load %arg11[%get3A_812, %get3A_813, %get3A_814] {strides = array<i32>} : memref<6x128x64xf32, #tpu.memory_space<vmem>>, vector<1x1x16xf32>,
          %get3A_816 = vector.shape_cast %get3A_815 : vector<1x1x16xf32> to vector<16xf32>
          %mul3A_817 = arith.constant 2 : i32
          %mul3A_818 = arith.muli %mul3A_817, %scan3A_507 : i32
          %add3A_819 = arith.constant 1 : i32
          %add3A_820 = arith.addi %mul3A_818, %add3A_819 : i32
          %get3A_821 = arith.constant 2 : i32
          %get3A_822 = arith.index_cast %get3A_821 : i32 to index
          %get3A_823 = arith.index_cast %add3A_820 : i32 to index
          %get3A_824 = arith.constant 48 : index
          %get3A_825 = tpu.vector_load %arg11[%get3A_822, %get3A_823, %get3A_824] {strides = array<i32>} : memref<6x128x64xf32, #tpu.memory_space<vmem>>, vector<1x1x16xf32>,
          %get3A_826 = vector.shape_cast %get3A_825 : vector<1x1x16xf32> to vector<16xf32>
          %mul3A_827 = arith.constant 2 : i32
          %mul3A_828 = arith.muli %mul3A_827, %scan3A_507 : i32
          %add3A_829 = arith.constant 1 : i32
          %add3A_830 = arith.addi %mul3A_828, %add3A_829 : i32
          %get3A_831 = arith.constant 0 : i32
          %get3A_832 = arith.index_cast %get3A_831 : i32 to index
          %get3A_833 = arith.index_cast %add3A_830 : i32 to index
          %get3A_834 = arith.constant 48 : index
          %get3A_835 = tpu.vector_load %arg11[%get3A_832, %get3A_833, %get3A_834] {strides = array<i32>} : memref<6x128x64xf32, #tpu.memory_space<vmem>>, vector<1x1x16xf32>,
          %get3A_836 = vector.shape_cast %get3A_835 : vector<1x1x16xf32> to vector<16xf32>
          %add3A_837 = arith.addf %get3A_826, %get3A_836 : vector<16xf32>
          %mul3A_838 = arith.mulf %get3A_816, %add3A_837 : vector<16xf32>
          %mul3A_839 = arith.constant 2 : i32
          %mul3A_840 = arith.muli %mul3A_839, %scan3A_507 : i32
          %add3A_841 = arith.constant 1 : i32
          %add3A_842 = arith.addi %mul3A_840, %add3A_841 : i32
          %swap3A_843 = arith.constant 3 : i32
          %swap3A_844 = arith.index_cast %swap3A_843 : i32 to index
          %swap3A_845 = arith.index_cast %add3A_842 : i32 to index
          %swap3A_846 = arith.constant 48 : index
          %swap3A_847 = tpu.vector_load %arg11[%swap3A_844, %swap3A_845, %swap3A_846] {strides = array<i32>} : memref<6x128x64xf32, #tpu.memory_space<vmem>>, vector<1x1x16xf32>,
          %swap3A_848 = vector.shape_cast %swap3A_847 : vector<1x1x16xf32> to vector<16xf32>
          %swap3A_849 = vector.shape_cast %mul3A_838 : vector<16xf32> to vector<1x1x16xf32>
          tpu.vector_store %arg11[%swap3A_844, %swap3A_845, %swap3A_846], %swap3A_849 {strides = array<i32>} : memref<6x128x64xf32, #tpu.memory_space<vmem>>, vector<1x1x16xf32>,
        }
        %scan3A_357 = arith.constant 64 : i32
        %run_scoped3A_358 = arith.constant 3 : i32
        "tpu.region"() ({
          %run_scoped3A_507 = tpu.sem_alloc : memref<!tpu.dma_semaphore, #tpu.memory_space<semaphore_mem>>
          %dma_start3A_508 = arith.constant 0 : i32
          %dma_start3A_509 = arith.constant 0 : i32
          %dma_start3A_510 = tpu.memref_slice %arg11[%run_scoped3A_358, %dma_start3A_508, %dma_start3A_509] : memref<6x128x64xf32, #tpu.memory_space<vmem>> -> memref<1x128x64xf32, #tpu.memory_space<vmem>>
          %dma_start3A_511 = tpu.memref_squeeze %dma_start3A_510 : memref<1x128x64xf32, #tpu.memory_space<vmem>> -> memref<128x64xf32, #tpu.memory_space<vmem>>
          %dma_start3A_512 = arith.constant 0 : i32
          %dma_start3A_513 = tpu.memref_slice %arg8[%arg0, %add3A_284, %dma_start3A_512] : memref<2x10240x64xf32, #tpu.memory_space<hbm>> -> memref<1x128x64xf32, #tpu.memory_space<hbm>>
          %dma_start3A_514 = tpu.memref_squeeze %dma_start3A_513 : memref<1x128x64xf32, #tpu.memory_space<hbm>> -> memref<128x64xf32, #tpu.memory_space<hbm>>
          %dma_start3A_515 = arith.constant 0 : i32
          %dma_start3A_516 = tpu.memref_slice %arg8[%arg0, %add3A_284, %dma_start3A_515] : memref<2x10240x64xf32, #tpu.memory_space<hbm>> -> memref<1x128x64xf32, #tpu.memory_space<hbm>>
          %dma_start3A_517 = tpu.memref_squeeze %dma_start3A_516 : memref<1x128x64xf32, #tpu.memory_space<hbm>> -> memref<128x64xf32, #tpu.memory_space<hbm>>
          %dma_start3A_518 = arith.constant 0 : i32
          %dma_start3A_519 = arith.constant 0 : i32
          %dma_start3A_520 = tpu.memref_slice %arg11[%run_scoped3A_358, %dma_start3A_518, %dma_start3A_519] : memref<6x128x64xf32, #tpu.memory_space<vmem>> -> memref<1x128x64xf32, #tpu.memory_space<vmem>>
          %dma_start3A_521 = tpu.memref_squeeze %dma_start3A_520 : memref<1x128x64xf32, #tpu.memory_space<vmem>> -> memref<128x64xf32, #tpu.memory_space<vmem>>
          tpu.enqueue_dma source(%dma_start3A_521 : memref<128x64xf32, #tpu.memory_space<vmem>>) target(%dma_start3A_517 : memref<128x64xf32, #tpu.memory_space<hbm>>) target_semaphore(%run_scoped3A_507 : memref<!tpu.dma_semaphore, #tpu.memory_space<semaphore_mem>>)
          %dma_wait3A_522 = arith.constant 0 : i32
          %dma_wait3A_523 = arith.constant 0 : i32
          %dma_wait3A_524 = tpu.memref_slice %arg11[%run_scoped3A_358, %dma_wait3A_522, %dma_wait3A_523] : memref<6x128x64xf32, #tpu.memory_space<vmem>> -> memref<1x128x64xf32, #tpu.memory_space<vmem>>
          %dma_wait3A_525 = tpu.memref_squeeze %dma_wait3A_524 : memref<1x128x64xf32, #tpu.memory_space<vmem>> -> memref<128x64xf32, #tpu.memory_space<vmem>>
          %dma_wait3A_526 = arith.constant 0 : i32
          %dma_wait3A_527 = tpu.memref_slice %arg8[%arg0, %add3A_284, %dma_wait3A_526] : memref<2x10240x64xf32, #tpu.memory_space<hbm>> -> memref<1x128x64xf32, #tpu.memory_space<hbm>>
          %dma_wait3A_528 = tpu.memref_squeeze %dma_wait3A_527 : memref<1x128x64xf32, #tpu.memory_space<hbm>> -> memref<128x64xf32, #tpu.memory_space<hbm>>
          %dma_wait3A_529 = arith.constant 0 : i32
          %dma_wait3A_530 = tpu.memref_slice %arg8[%arg0, %add3A_284, %dma_wait3A_529] : memref<2x10240x64xf32, #tpu.memory_space<hbm>> -> memref<1x128x64xf32, #tpu.memory_space<hbm>>
          %dma_wait3A_531 = tpu.memref_squeeze %dma_wait3A_530 : memref<1x128x64xf32, #tpu.memory_space<hbm>> -> memref<128x64xf32, #tpu.memory_space<hbm>>
          %dma_wait3A_532 = arith.constant 0 : i32
          %dma_wait3A_533 = arith.constant 0 : i32
          %dma_wait3A_534 = tpu.memref_slice %arg11[%run_scoped3A_358, %dma_wait3A_532, %dma_wait3A_533] : memref<6x128x64xf32, #tpu.memory_space<vmem>> -> memref<1x128x64xf32, #tpu.memory_space<vmem>>
          %dma_wait3A_535 = tpu.memref_squeeze %dma_wait3A_534 : memref<1x128x64xf32, #tpu.memory_space<vmem>> -> memref<128x64xf32, #tpu.memory_space<vmem>>
          tpu.wait_dma2 semaphore(%run_scoped3A_507 : memref<!tpu.dma_semaphore, #tpu.memory_space<semaphore_mem>>) src(%dma_wait3A_535 : memref<128x64xf32, #tpu.memory_space<vmem>>) dst(%dma_wait3A_531 : memref<128x64xf32, #tpu.memory_space<hbm>>)
          tpu.yield
        }) : () -> ()
        %eq3A_359 = arith.constant 0 : i32
        %eq3A_360 = arith.cmpi eq, %arg0, %eq3A_359 : i32
        %convert_element_type3A_361 = arith.extui %eq3A_360 : i1 to i32
        %cond3A_362 = arith.constant 0 : i32
        %cond3A_363 = arith.cmpi ne, %convert_element_type3A_361, %cond3A_362 : i32
        scf.if %cond3A_363 {
          %run_scoped3A_507 = arith.constant 3 : i32
          "tpu.region"() ({
            %run_scoped3A_508 = tpu.sem_alloc : memref<!tpu.dma_semaphore, #tpu.memory_space<semaphore_mem>>
            %dma_start3A_509 = arith.constant 0 : i32
            %dma_start3A_510 = arith.constant 0 : i32
            %dma_start3A_511 = tpu.memref_slice %arg11[%run_scoped3A_507, %dma_start3A_509, %dma_start3A_510] : memref<6x128x64xf32, #tpu.memory_space<vmem>> -> memref<1x128x64xf32, #tpu.memory_space<vmem>>
            %dma_start3A_512 = tpu.memref_squeeze %dma_start3A_511 : memref<1x128x64xf32, #tpu.memory_space<vmem>> -> memref<128x64xf32, #tpu.memory_space<vmem>>
            %dma_start3A_513 = arith.constant 0 : i32
            %dma_start3A_514 = tpu.memref_slice %arg12[%add3A_284, %dma_start3A_513] : memref<10240x64xf32, #tpu.memory_space<vmem_shared>> -> memref<128x64xf32, #tpu.memory_space<vmem_shared>>
            %dma_start3A_515 = arith.constant 0 : i32
            %dma_start3A_516 = tpu.memref_slice %arg12[%add3A_284, %dma_start3A_515] : memref<10240x64xf32, #tpu.memory_space<vmem_shared>> -> memref<128x64xf32, #tpu.memory_space<vmem_shared>>
            %dma_start3A_517 = arith.constant 0 : i32
            %dma_start3A_518 = arith.constant 0 : i32
            %dma_start3A_519 = tpu.memref_slice %arg11[%run_scoped3A_507, %dma_start3A_517, %dma_start3A_518] : memref<6x128x64xf32, #tpu.memory_space<vmem>> -> memref<1x128x64xf32, #tpu.memory_space<vmem>>
            %dma_start3A_520 = tpu.memref_squeeze %dma_start3A_519 : memref<1x128x64xf32, #tpu.memory_space<vmem>> -> memref<128x64xf32, #tpu.memory_space<vmem>>
            tpu.enqueue_dma source(%dma_start3A_520 : memref<128x64xf32, #tpu.memory_space<vmem>>) target(%dma_start3A_516 : memref<128x64xf32, #tpu.memory_space<vmem_shared>>) target_semaphore(%run_scoped3A_508 : memref<!tpu.dma_semaphore, #tpu.memory_space<semaphore_mem>>)
            %dma_wait3A_521 = arith.constant 0 : i32
            %dma_wait3A_522 = arith.constant 0 : i32
            %dma_wait3A_523 = tpu.memref_slice %arg11[%run_scoped3A_507, %dma_wait3A_521, %dma_wait3A_522] : memref<6x128x64xf32, #tpu.memory_space<vmem>> -> memref<1x128x64xf32, #tpu.memory_space<vmem>>
            %dma_wait3A_524 = tpu.memref_squeeze %dma_wait3A_523 : memref<1x128x64xf32, #tpu.memory_space<vmem>> -> memref<128x64xf32, #tpu.memory_space<vmem>>
            %dma_wait3A_525 = arith.constant 0 : i32
            %dma_wait3A_526 = tpu.memref_slice %arg12[%add3A_284, %dma_wait3A_525] : memref<10240x64xf32, #tpu.memory_space<vmem_shared>> -> memref<128x64xf32, #tpu.memory_space<vmem_shared>>
            %dma_wait3A_527 = arith.constant 0 : i32
            %dma_wait3A_528 = tpu.memref_slice %arg12[%add3A_284, %dma_wait3A_527] : memref<10240x64xf32, #tpu.memory_space<vmem_shared>> -> memref<128x64xf32, #tpu.memory_space<vmem_shared>>
            %dma_wait3A_529 = arith.constant 0 : i32
            %dma_wait3A_530 = arith.constant 0 : i32
            %dma_wait3A_531 = tpu.memref_slice %arg11[%run_scoped3A_507, %dma_wait3A_529, %dma_wait3A_530] : memref<6x128x64xf32, #tpu.memory_space<vmem>> -> memref<1x128x64xf32, #tpu.memory_space<vmem>>
            %dma_wait3A_532 = tpu.memref_squeeze %dma_wait3A_531 : memref<1x128x64xf32, #tpu.memory_space<vmem>> -> memref<128x64xf32, #tpu.memory_space<vmem>>
            tpu.wait_dma2 semaphore(%run_scoped3A_508 : memref<!tpu.dma_semaphore, #tpu.memory_space<semaphore_mem>>) src(%dma_wait3A_532 : memref<128x64xf32, #tpu.memory_space<vmem>>) dst(%dma_wait3A_528 : memref<128x64xf32, #tpu.memory_space<vmem_shared>>)
            tpu.yield
          }) : () -> ()
        } else {
        }
        %mul3A_364 = arith.constant 640 : i32
        %mul3A_365 = arith.muli %arg1, %mul3A_364 : i32
        %add3A_366 = arith.constant 384 : i32
        %add3A_367 = arith.addi %mul3A_365, %add3A_366 : i32
        %mul3A_368 = arith.constant 640 : i32
        %mul3A_369 = arith.muli %arg1, %mul3A_368 : i32
        %add3A_370 = arith.constant 512 : i32
        %add3A_371 = arith.addi %mul3A_369, %add3A_370 : i32
        %dma_start3A_372 = arith.constant 0 : i32
        %dma_start3A_373 = arith.constant 0 : i32
        %dma_start3A_374 = arith.constant 0 : i32
        %dma_start3A_375 = tpu.memref_slice %arg11[%dma_start3A_372, %dma_start3A_373, %dma_start3A_374] : memref<6x128x64xf32, #tpu.memory_space<vmem>> -> memref<1x128x64xf32, #tpu.memory_space<vmem>>
        %dma_start3A_376 = tpu.memref_squeeze %dma_start3A_375 : memref<1x128x64xf32, #tpu.memory_space<vmem>> -> memref<128x64xf32, #tpu.memory_space<vmem>>
        %dma_start3A_377 = arith.constant 0 : i32
        %dma_start3A_378 = tpu.memref_slice %arg7[%sub3A_81, %add3A_371, %dma_start3A_377] : memref<2x10240x64xf32, #tpu.memory_space<hbm>> -> memref<1x128x64xf32, #tpu.memory_space<hbm>>
        %dma_start3A_379 = tpu.memref_squeeze %dma_start3A_378 : memref<1x128x64xf32, #tpu.memory_space<hbm>> -> memref<128x64xf32, #tpu.memory_space<hbm>>
        %dma_start3A_380 = arith.constant 0 : i32
        %dma_start3A_381 = arith.constant 0 : i32
        %dma_start3A_382 = tpu.memref_slice %arg11[%dma_start3A_372, %dma_start3A_380, %dma_start3A_381] : memref<6x128x64xf32, #tpu.memory_space<vmem>> -> memref<1x128x64xf32, #tpu.memory_space<vmem>>
        %dma_start3A_383 = tpu.memref_squeeze %dma_start3A_382 : memref<1x128x64xf32, #tpu.memory_space<vmem>> -> memref<128x64xf32, #tpu.memory_space<vmem>>
        %dma_start3A_384 = arith.constant 0 : i32
        %dma_start3A_385 = tpu.memref_slice %arg7[%sub3A_81, %add3A_371, %dma_start3A_384] : memref<2x10240x64xf32, #tpu.memory_space<hbm>> -> memref<1x128x64xf32, #tpu.memory_space<hbm>>
        %dma_start3A_386 = tpu.memref_squeeze %dma_start3A_385 : memref<1x128x64xf32, #tpu.memory_space<hbm>> -> memref<128x64xf32, #tpu.memory_space<hbm>>
        tpu.enqueue_dma source(%dma_start3A_386 : memref<128x64xf32, #tpu.memory_space<hbm>>) target(%dma_start3A_383 : memref<128x64xf32, #tpu.memory_space<vmem>>) target_semaphore(%arg13 : memref<!tpu.dma_semaphore, #tpu.memory_space<semaphore_mem>>)
        %dma_start3A_387 = arith.constant 0 : i32
        %dma_start3A_388 = arith.constant 4 : i32
        %dma_start3A_389 = arith.constant 0 : i32
        %dma_start3A_390 = arith.constant 0 : i32
        %dma_start3A_391 = tpu.memref_slice %arg11[%dma_start3A_388, %dma_start3A_389, %dma_start3A_390] : memref<6x128x64xf32, #tpu.memory_space<vmem>> -> memref<1x128x64xf32, #tpu.memory_space<vmem>>
        %dma_start3A_392 = tpu.memref_squeeze %dma_start3A_391 : memref<1x128x64xf32, #tpu.memory_space<vmem>> -> memref<128x64xf32, #tpu.memory_space<vmem>>
        %dma_start3A_393 = arith.constant 0 : i32
        %dma_start3A_394 = tpu.memref_slice %arg4[%dma_start3A_387, %add3A_371, %dma_start3A_393] : memref<1x10240x64xf32, #tpu.memory_space<hbm>> -> memref<1x128x64xf32, #tpu.memory_space<hbm>>
        %dma_start3A_395 = tpu.memref_squeeze %dma_start3A_394 : memref<1x128x64xf32, #tpu.memory_space<hbm>> -> memref<128x64xf32, #tpu.memory_space<hbm>>
        %dma_start3A_396 = arith.constant 0 : i32
        %dma_start3A_397 = arith.constant 0 : i32
        %dma_start3A_398 = tpu.memref_slice %arg11[%dma_start3A_388, %dma_start3A_396, %dma_start3A_397] : memref<6x128x64xf32, #tpu.memory_space<vmem>> -> memref<1x128x64xf32, #tpu.memory_space<vmem>>
        %dma_start3A_399 = tpu.memref_squeeze %dma_start3A_398 : memref<1x128x64xf32, #tpu.memory_space<vmem>> -> memref<128x64xf32, #tpu.memory_space<vmem>>
        %dma_start3A_400 = arith.constant 0 : i32
        %dma_start3A_401 = tpu.memref_slice %arg4[%dma_start3A_387, %add3A_371, %dma_start3A_400] : memref<1x10240x64xf32, #tpu.memory_space<hbm>> -> memref<1x128x64xf32, #tpu.memory_space<hbm>>
        %dma_start3A_402 = tpu.memref_squeeze %dma_start3A_401 : memref<1x128x64xf32, #tpu.memory_space<hbm>> -> memref<128x64xf32, #tpu.memory_space<hbm>>
        tpu.enqueue_dma source(%dma_start3A_402 : memref<128x64xf32, #tpu.memory_space<hbm>>) target(%dma_start3A_399 : memref<128x64xf32, #tpu.memory_space<vmem>>) target_semaphore(%arg13 : memref<!tpu.dma_semaphore, #tpu.memory_space<semaphore_mem>>)
        %run_scoped3A_403 = arith.constant 2 : i32
        "tpu.region"() ({
          %run_scoped3A_507 = tpu.sem_alloc : memref<!tpu.dma_semaphore, #tpu.memory_space<semaphore_mem>>
          %dma_start3A_508 = arith.constant 0 : i32
          %dma_start3A_509 = arith.constant 0 : i32
          %dma_start3A_510 = tpu.memref_slice %arg11[%run_scoped3A_403, %dma_start3A_508, %dma_start3A_509] : memref<6x128x64xf32, #tpu.memory_space<vmem>> -> memref<1x128x64xf32, #tpu.memory_space<vmem>>
          %dma_start3A_511 = tpu.memref_squeeze %dma_start3A_510 : memref<1x128x64xf32, #tpu.memory_space<vmem>> -> memref<128x64xf32, #tpu.memory_space<vmem>>
          %dma_start3A_512 = arith.constant 0 : i32
          %dma_start3A_513 = tpu.memref_slice %arg12[%add3A_367, %dma_start3A_512] : memref<10240x64xf32, #tpu.memory_space<vmem_shared>> -> memref<128x64xf32, #tpu.memory_space<vmem_shared>>
          %dma_start3A_514 = arith.constant 0 : i32
          %dma_start3A_515 = arith.constant 0 : i32
          %dma_start3A_516 = tpu.memref_slice %arg11[%run_scoped3A_403, %dma_start3A_514, %dma_start3A_515] : memref<6x128x64xf32, #tpu.memory_space<vmem>> -> memref<1x128x64xf32, #tpu.memory_space<vmem>>
          %dma_start3A_517 = tpu.memref_squeeze %dma_start3A_516 : memref<1x128x64xf32, #tpu.memory_space<vmem>> -> memref<128x64xf32, #tpu.memory_space<vmem>>
          %dma_start3A_518 = arith.constant 0 : i32
          %dma_start3A_519 = tpu.memref_slice %arg12[%add3A_367, %dma_start3A_518] : memref<10240x64xf32, #tpu.memory_space<vmem_shared>> -> memref<128x64xf32, #tpu.memory_space<vmem_shared>>
          tpu.enqueue_dma source(%dma_start3A_519 : memref<128x64xf32, #tpu.memory_space<vmem_shared>>) target(%dma_start3A_517 : memref<128x64xf32, #tpu.memory_space<vmem>>) target_semaphore(%run_scoped3A_507 : memref<!tpu.dma_semaphore, #tpu.memory_space<semaphore_mem>>)
          %dma_wait3A_520 = arith.constant 0 : i32
          %dma_wait3A_521 = arith.constant 0 : i32
          %dma_wait3A_522 = tpu.memref_slice %arg11[%run_scoped3A_403, %dma_wait3A_520, %dma_wait3A_521] : memref<6x128x64xf32, #tpu.memory_space<vmem>> -> memref<1x128x64xf32, #tpu.memory_space<vmem>>
          %dma_wait3A_523 = tpu.memref_squeeze %dma_wait3A_522 : memref<1x128x64xf32, #tpu.memory_space<vmem>> -> memref<128x64xf32, #tpu.memory_space<vmem>>
          %dma_wait3A_524 = arith.constant 0 : i32
          %dma_wait3A_525 = tpu.memref_slice %arg12[%add3A_367, %dma_wait3A_524] : memref<10240x64xf32, #tpu.memory_space<vmem_shared>> -> memref<128x64xf32, #tpu.memory_space<vmem_shared>>
          %dma_wait3A_526 = arith.constant 0 : i32
          %dma_wait3A_527 = arith.constant 0 : i32
          %dma_wait3A_528 = tpu.memref_slice %arg11[%run_scoped3A_403, %dma_wait3A_526, %dma_wait3A_527] : memref<6x128x64xf32, #tpu.memory_space<vmem>> -> memref<1x128x64xf32, #tpu.memory_space<vmem>>
          %dma_wait3A_529 = tpu.memref_squeeze %dma_wait3A_528 : memref<1x128x64xf32, #tpu.memory_space<vmem>> -> memref<128x64xf32, #tpu.memory_space<vmem>>
          %dma_wait3A_530 = arith.constant 0 : i32
          %dma_wait3A_531 = tpu.memref_slice %arg12[%add3A_367, %dma_wait3A_530] : memref<10240x64xf32, #tpu.memory_space<vmem_shared>> -> memref<128x64xf32, #tpu.memory_space<vmem_shared>>
          tpu.wait_dma2 semaphore(%run_scoped3A_507 : memref<!tpu.dma_semaphore, #tpu.memory_space<semaphore_mem>>) src(%dma_wait3A_531 : memref<128x64xf32, #tpu.memory_space<vmem_shared>>) dst(%dma_wait3A_529 : memref<128x64xf32, #tpu.memory_space<vmem>>)
          tpu.yield
        }) : () -> ()
        %dma_wait3A_404 = arith.constant 1 : i32
        %dma_wait3A_405 = arith.constant 0 : i32
        %dma_wait3A_406 = arith.constant 0 : i32
        %dma_wait3A_407 = tpu.memref_slice %arg11[%dma_wait3A_404, %dma_wait3A_405, %dma_wait3A_406] : memref<6x128x64xf32, #tpu.memory_space<vmem>> -> memref<1x128x64xf32, #tpu.memory_space<vmem>>
        %dma_wait3A_408 = tpu.memref_squeeze %dma_wait3A_407 : memref<1x128x64xf32, #tpu.memory_space<vmem>> -> memref<128x64xf32, #tpu.memory_space<vmem>>
        %dma_wait3A_409 = arith.constant 0 : i32
        %dma_wait3A_410 = tpu.memref_slice %arg7[%sub3A_81, %add3A_367, %dma_wait3A_409] : memref<2x10240x64xf32, #tpu.memory_space<hbm>> -> memref<1x128x64xf32, #tpu.memory_space<hbm>>
        %dma_wait3A_411 = tpu.memref_squeeze %dma_wait3A_410 : memref<1x128x64xf32, #tpu.memory_space<hbm>> -> memref<128x64xf32, #tpu.memory_space<hbm>>
        %dma_wait3A_412 = arith.constant 0 : i32
        %dma_wait3A_413 = arith.constant 0 : i32
        %dma_wait3A_414 = tpu.memref_slice %arg11[%dma_wait3A_404, %dma_wait3A_412, %dma_wait3A_413] : memref<6x128x64xf32, #tpu.memory_space<vmem>> -> memref<1x128x64xf32, #tpu.memory_space<vmem>>
        %dma_wait3A_415 = tpu.memref_squeeze %dma_wait3A_414 : memref<1x128x64xf32, #tpu.memory_space<vmem>> -> memref<128x64xf32, #tpu.memory_space<vmem>>
        %dma_wait3A_416 = arith.constant 0 : i32
        %dma_wait3A_417 = tpu.memref_slice %arg7[%sub3A_81, %add3A_367, %dma_wait3A_416] : memref<2x10240x64xf32, #tpu.memory_space<hbm>> -> memref<1x128x64xf32, #tpu.memory_space<hbm>>
        %dma_wait3A_418 = tpu.memref_squeeze %dma_wait3A_417 : memref<1x128x64xf32, #tpu.memory_space<hbm>> -> memref<128x64xf32, #tpu.memory_space<hbm>>
        tpu.wait_dma2 semaphore(%arg13 : memref<!tpu.dma_semaphore, #tpu.memory_space<semaphore_mem>>) src(%dma_wait3A_418 : memref<128x64xf32, #tpu.memory_space<hbm>>) dst(%dma_wait3A_415 : memref<128x64xf32, #tpu.memory_space<vmem>>)
        %dma_wait3A_419 = arith.constant 0 : i32
        %dma_wait3A_420 = arith.constant 5 : i32
        %dma_wait3A_421 = arith.constant 0 : i32
        %dma_wait3A_422 = arith.constant 0 : i32
        %dma_wait3A_423 = tpu.memref_slice %arg11[%dma_wait3A_420, %dma_wait3A_421, %dma_wait3A_422] : memref<6x128x64xf32, #tpu.memory_space<vmem>> -> memref<1x128x64xf32, #tpu.memory_space<vmem>>
        %dma_wait3A_424 = tpu.memref_squeeze %dma_wait3A_423 : memref<1x128x64xf32, #tpu.memory_space<vmem>> -> memref<128x64xf32, #tpu.memory_space<vmem>>
        %dma_wait3A_425 = arith.constant 0 : i32
        %dma_wait3A_426 = tpu.memref_slice %arg4[%dma_wait3A_419, %add3A_367, %dma_wait3A_425] : memref<1x10240x64xf32, #tpu.memory_space<hbm>> -> memref<1x128x64xf32, #tpu.memory_space<hbm>>
        %dma_wait3A_427 = tpu.memref_squeeze %dma_wait3A_426 : memref<1x128x64xf32, #tpu.memory_space<hbm>> -> memref<128x64xf32, #tpu.memory_space<hbm>>
        %dma_wait3A_428 = arith.constant 0 : i32
        %dma_wait3A_429 = arith.constant 0 : i32
        %dma_wait3A_430 = tpu.memref_slice %arg11[%dma_wait3A_420, %dma_wait3A_428, %dma_wait3A_429] : memref<6x128x64xf32, #tpu.memory_space<vmem>> -> memref<1x128x64xf32, #tpu.memory_space<vmem>>
        %dma_wait3A_431 = tpu.memref_squeeze %dma_wait3A_430 : memref<1x128x64xf32, #tpu.memory_space<vmem>> -> memref<128x64xf32, #tpu.memory_space<vmem>>
        %dma_wait3A_432 = arith.constant 0 : i32
        %dma_wait3A_433 = tpu.memref_slice %arg4[%dma_wait3A_419, %add3A_367, %dma_wait3A_432] : memref<1x10240x64xf32, #tpu.memory_space<hbm>> -> memref<1x128x64xf32, #tpu.memory_space<hbm>>
        %dma_wait3A_434 = tpu.memref_squeeze %dma_wait3A_433 : memref<1x128x64xf32, #tpu.memory_space<hbm>> -> memref<128x64xf32, #tpu.memory_space<hbm>>
        tpu.wait_dma2 semaphore(%arg13 : memref<!tpu.dma_semaphore, #tpu.memory_space<semaphore_mem>>) src(%dma_wait3A_434 : memref<128x64xf32, #tpu.memory_space<hbm>>) dst(%dma_wait3A_431 : memref<128x64xf32, #tpu.memory_space<vmem>>)
        %scan3A_435 = arith.constant 0 : i32
        %scan3A_436 = arith.constant 0 : i32
        %scan3A_437 = arith.constant 64 : i32
        %scan3A_438 = arith.addi %scan3A_436, %scan3A_437 : i32
        %scan3A_439 = arith.constant 1 : i32
        scf.for %scan3A_507 = %scan3A_436 to %scan3A_438 step %scan3A_439  : i32 {
          %mul3A_508 = arith.constant 2 : i32
          %mul3A_509 = arith.muli %mul3A_508, %scan3A_507 : i32
          %add3A_510 = arith.constant 0 : i32
          %add3A_511 = arith.addi %mul3A_509, %add3A_510 : i32
          %get3A = arith.constant 5 : i32
          %get3A_512 = arith.index_cast %get3A : i32 to index
          %get3A_513 = arith.index_cast %add3A_511 : i32 to index
          %get3A_514 = arith.constant 0 : index
          %get3A_515 = tpu.vector_load %arg11[%get3A_512, %get3A_513, %get3A_514] {strides = array<i32>} : memref<6x128x64xf32, #tpu.memory_space<vmem>>, vector<1x1x16xf32>,
          %get3A_516 = vector.shape_cast %get3A_515 : vector<1x1x16xf32> to vector<16xf32>
          %mul3A_517 = arith.constant 2 : i32
          %mul3A_518 = arith.muli %mul3A_517, %scan3A_507 : i32
          %add3A_519 = arith.constant 0 : i32
          %add3A_520 = arith.addi %mul3A_518, %add3A_519 : i32
          %get3A_521 = arith.constant 2 : i32
          %get3A_522 = arith.index_cast %get3A_521 : i32 to index
          %get3A_523 = arith.index_cast %add3A_520 : i32 to index
          %get3A_524 = arith.constant 0 : index
          %get3A_525 = tpu.vector_load %arg11[%get3A_522, %get3A_523, %get3A_524] {strides = array<i32>} : memref<6x128x64xf32, #tpu.memory_space<vmem>>, vector<1x1x16xf32>,
          %get3A_526 = vector.shape_cast %get3A_525 : vector<1x1x16xf32> to vector<16xf32>
          %mul3A_527 = arith.constant 2 : i32
          %mul3A_528 = arith.muli %mul3A_527, %scan3A_507 : i32
          %add3A_529 = arith.constant 0 : i32
          %add3A_530 = arith.addi %mul3A_528, %add3A_529 : i32
          %get3A_531 = arith.constant 1 : i32
          %get3A_532 = arith.index_cast %get3A_531 : i32 to index
          %get3A_533 = arith.index_cast %add3A_530 : i32 to index
          %get3A_534 = arith.constant 0 : index
          %get3A_535 = tpu.vector_load %arg11[%get3A_532, %get3A_533, %get3A_534] {strides = array<i32>} : memref<6x128x64xf32, #tpu.memory_space<vmem>>, vector<1x1x16xf32>,
          %get3A_536 = vector.shape_cast %get3A_535 : vector<1x1x16xf32> to vector<16xf32>
          %add3A_537 = arith.addf %get3A_526, %get3A_536 : vector<16xf32>
          %mul3A_538 = arith.mulf %get3A_516, %add3A_537 : vector<16xf32>
          %mul3A_539 = arith.constant 2 : i32
          %mul3A_540 = arith.muli %mul3A_539, %scan3A_507 : i32
          %add3A_541 = arith.constant 0 : i32
          %add3A_542 = arith.addi %mul3A_540, %add3A_541 : i32
          %swap3A = arith.constant 3 : i32
          %swap3A_543 = arith.index_cast %swap3A : i32 to index
          %swap3A_544 = arith.index_cast %add3A_542 : i32 to index
          %swap3A_545 = arith.constant 0 : index
          %swap3A_546 = tpu.vector_load %arg11[%swap3A_543, %swap3A_544, %swap3A_545] {strides = array<i32>} : memref<6x128x64xf32, #tpu.memory_space<vmem>>, vector<1x1x16xf32>,
          %swap3A_547 = vector.shape_cast %swap3A_546 : vector<1x1x16xf32> to vector<16xf32>
          %swap3A_548 = vector.shape_cast %mul3A_538 : vector<16xf32> to vector<1x1x16xf32>
          tpu.vector_store %arg11[%swap3A_543, %swap3A_544, %swap3A_545], %swap3A_548 {strides = array<i32>} : memref<6x128x64xf32, #tpu.memory_space<vmem>>, vector<1x1x16xf32>,
          %mul3A_549 = arith.constant 2 : i32
          %mul3A_550 = arith.muli %mul3A_549, %scan3A_507 : i32
          %add3A_551 = arith.constant 0 : i32
          %add3A_552 = arith.addi %mul3A_550, %add3A_551 : i32
          %get3A_553 = arith.constant 5 : i32
          %get3A_554 = arith.index_cast %get3A_553 : i32 to index
          %get3A_555 = arith.index_cast %add3A_552 : i32 to index
          %get3A_556 = arith.constant 16 : index
          %get3A_557 = tpu.vector_load %arg11[%get3A_554, %get3A_555, %get3A_556] {strides = array<i32>} : memref<6x128x64xf32, #tpu.memory_space<vmem>>, vector<1x1x16xf32>,
          %get3A_558 = vector.shape_cast %get3A_557 : vector<1x1x16xf32> to vector<16xf32>
          %mul3A_559 = arith.constant 2 : i32
          %mul3A_560 = arith.muli %mul3A_559, %scan3A_507 : i32
          %add3A_561 = arith.constant 0 : i32
          %add3A_562 = arith.addi %mul3A_560, %add3A_561 : i32
          %get3A_563 = arith.constant 2 : i32
          %get3A_564 = arith.index_cast %get3A_563 : i32 to index
          %get3A_565 = arith.index_cast %add3A_562 : i32 to index
          %get3A_566 = arith.constant 16 : index
          %get3A_567 = tpu.vector_load %arg11[%get3A_564, %get3A_565, %get3A_566] {strides = array<i32>} : memref<6x128x64xf32, #tpu.memory_space<vmem>>, vector<1x1x16xf32>,
          %get3A_568 = vector.shape_cast %get3A_567 : vector<1x1x16xf32> to vector<16xf32>
          %mul3A_569 = arith.constant 2 : i32
          %mul3A_570 = arith.muli %mul3A_569, %scan3A_507 : i32
          %add3A_571 = arith.constant 0 : i32
          %add3A_572 = arith.addi %mul3A_570, %add3A_571 : i32
          %get3A_573 = arith.constant 1 : i32
          %get3A_574 = arith.index_cast %get3A_573 : i32 to index
          %get3A_575 = arith.index_cast %add3A_572 : i32 to index
          %get3A_576 = arith.constant 16 : index
          %get3A_577 = tpu.vector_load %arg11[%get3A_574, %get3A_575, %get3A_576] {strides = array<i32>} : memref<6x128x64xf32, #tpu.memory_space<vmem>>, vector<1x1x16xf32>,
          %get3A_578 = vector.shape_cast %get3A_577 : vector<1x1x16xf32> to vector<16xf32>
          %add3A_579 = arith.addf %get3A_568, %get3A_578 : vector<16xf32>
          %mul3A_580 = arith.mulf %get3A_558, %add3A_579 : vector<16xf32>
          %mul3A_581 = arith.constant 2 : i32
          %mul3A_582 = arith.muli %mul3A_581, %scan3A_507 : i32
          %add3A_583 = arith.constant 0 : i32
          %add3A_584 = arith.addi %mul3A_582, %add3A_583 : i32
          %swap3A_585 = arith.constant 3 : i32
          %swap3A_586 = arith.index_cast %swap3A_585 : i32 to index
          %swap3A_587 = arith.index_cast %add3A_584 : i32 to index
          %swap3A_588 = arith.constant 16 : index
          %swap3A_589 = tpu.vector_load %arg11[%swap3A_586, %swap3A_587, %swap3A_588] {strides = array<i32>} : memref<6x128x64xf32, #tpu.memory_space<vmem>>, vector<1x1x16xf32>,
          %swap3A_590 = vector.shape_cast %swap3A_589 : vector<1x1x16xf32> to vector<16xf32>
          %swap3A_591 = vector.shape_cast %mul3A_580 : vector<16xf32> to vector<1x1x16xf32>
          tpu.vector_store %arg11[%swap3A_586, %swap3A_587, %swap3A_588], %swap3A_591 {strides = array<i32>} : memref<6x128x64xf32, #tpu.memory_space<vmem>>, vector<1x1x16xf32>,
          %mul3A_592 = arith.constant 2 : i32
          %mul3A_593 = arith.muli %mul3A_592, %scan3A_507 : i32
          %add3A_594 = arith.constant 0 : i32
          %add3A_595 = arith.addi %mul3A_593, %add3A_594 : i32
          %get3A_596 = arith.constant 5 : i32
          %get3A_597 = arith.index_cast %get3A_596 : i32 to index
          %get3A_598 = arith.index_cast %add3A_595 : i32 to index
          %get3A_599 = arith.constant 32 : index
          %get3A_600 = tpu.vector_load %arg11[%get3A_597, %get3A_598, %get3A_599] {strides = array<i32>} : memref<6x128x64xf32, #tpu.memory_space<vmem>>, vector<1x1x16xf32>,
          %get3A_601 = vector.shape_cast %get3A_600 : vector<1x1x16xf32> to vector<16xf32>
          %mul3A_602 = arith.constant 2 : i32
          %mul3A_603 = arith.muli %mul3A_602, %scan3A_507 : i32
          %add3A_604 = arith.constant 0 : i32
          %add3A_605 = arith.addi %mul3A_603, %add3A_604 : i32
          %get3A_606 = arith.constant 2 : i32
          %get3A_607 = arith.index_cast %get3A_606 : i32 to index
          %get3A_608 = arith.index_cast %add3A_605 : i32 to index
          %get3A_609 = arith.constant 32 : index
          %get3A_610 = tpu.vector_load %arg11[%get3A_607, %get3A_608, %get3A_609] {strides = array<i32>} : memref<6x128x64xf32, #tpu.memory_space<vmem>>, vector<1x1x16xf32>,
          %get3A_611 = vector.shape_cast %get3A_610 : vector<1x1x16xf32> to vector<16xf32>
          %mul3A_612 = arith.constant 2 : i32
          %mul3A_613 = arith.muli %mul3A_612, %scan3A_507 : i32
          %add3A_614 = arith.constant 0 : i32
          %add3A_615 = arith.addi %mul3A_613, %add3A_614 : i32
          %get3A_616 = arith.constant 1 : i32
          %get3A_617 = arith.index_cast %get3A_616 : i32 to index
          %get3A_618 = arith.index_cast %add3A_615 : i32 to index
          %get3A_619 = arith.constant 32 : index
          %get3A_620 = tpu.vector_load %arg11[%get3A_617, %get3A_618, %get3A_619] {strides = array<i32>} : memref<6x128x64xf32, #tpu.memory_space<vmem>>, vector<1x1x16xf32>,
          %get3A_621 = vector.shape_cast %get3A_620 : vector<1x1x16xf32> to vector<16xf32>
          %add3A_622 = arith.addf %get3A_611, %get3A_621 : vector<16xf32>
          %mul3A_623 = arith.mulf %get3A_601, %add3A_622 : vector<16xf32>
          %mul3A_624 = arith.constant 2 : i32
          %mul3A_625 = arith.muli %mul3A_624, %scan3A_507 : i32
          %add3A_626 = arith.constant 0 : i32
          %add3A_627 = arith.addi %mul3A_625, %add3A_626 : i32
          %swap3A_628 = arith.constant 3 : i32
          %swap3A_629 = arith.index_cast %swap3A_628 : i32 to index
          %swap3A_630 = arith.index_cast %add3A_627 : i32 to index
          %swap3A_631 = arith.constant 32 : index
          %swap3A_632 = tpu.vector_load %arg11[%swap3A_629, %swap3A_630, %swap3A_631] {strides = array<i32>} : memref<6x128x64xf32, #tpu.memory_space<vmem>>, vector<1x1x16xf32>,
          %swap3A_633 = vector.shape_cast %swap3A_632 : vector<1x1x16xf32> to vector<16xf32>
          %swap3A_634 = vector.shape_cast %mul3A_623 : vector<16xf32> to vector<1x1x16xf32>
          tpu.vector_store %arg11[%swap3A_629, %swap3A_630, %swap3A_631], %swap3A_634 {strides = array<i32>} : memref<6x128x64xf32, #tpu.memory_space<vmem>>, vector<1x1x16xf32>,
          %mul3A_635 = arith.constant 2 : i32
          %mul3A_636 = arith.muli %mul3A_635, %scan3A_507 : i32
          %add3A_637 = arith.constant 0 : i32
          %add3A_638 = arith.addi %mul3A_636, %add3A_637 : i32
          %get3A_639 = arith.constant 5 : i32
          %get3A_640 = arith.index_cast %get3A_639 : i32 to index
          %get3A_641 = arith.index_cast %add3A_638 : i32 to index
          %get3A_642 = arith.constant 48 : index
          %get3A_643 = tpu.vector_load %arg11[%get3A_640, %get3A_641, %get3A_642] {strides = array<i32>} : memref<6x128x64xf32, #tpu.memory_space<vmem>>, vector<1x1x16xf32>,
          %get3A_644 = vector.shape_cast %get3A_643 : vector<1x1x16xf32> to vector<16xf32>
          %mul3A_645 = arith.constant 2 : i32
          %mul3A_646 = arith.muli %mul3A_645, %scan3A_507 : i32
          %add3A_647 = arith.constant 0 : i32
          %add3A_648 = arith.addi %mul3A_646, %add3A_647 : i32
          %get3A_649 = arith.constant 2 : i32
          %get3A_650 = arith.index_cast %get3A_649 : i32 to index
          %get3A_651 = arith.index_cast %add3A_648 : i32 to index
          %get3A_652 = arith.constant 48 : index
          %get3A_653 = tpu.vector_load %arg11[%get3A_650, %get3A_651, %get3A_652] {strides = array<i32>} : memref<6x128x64xf32, #tpu.memory_space<vmem>>, vector<1x1x16xf32>,
          %get3A_654 = vector.shape_cast %get3A_653 : vector<1x1x16xf32> to vector<16xf32>
          %mul3A_655 = arith.constant 2 : i32
          %mul3A_656 = arith.muli %mul3A_655, %scan3A_507 : i32
          %add3A_657 = arith.constant 0 : i32
          %add3A_658 = arith.addi %mul3A_656, %add3A_657 : i32
          %get3A_659 = arith.constant 1 : i32
          %get3A_660 = arith.index_cast %get3A_659 : i32 to index
          %get3A_661 = arith.index_cast %add3A_658 : i32 to index
          %get3A_662 = arith.constant 48 : index
          %get3A_663 = tpu.vector_load %arg11[%get3A_660, %get3A_661, %get3A_662] {strides = array<i32>} : memref<6x128x64xf32, #tpu.memory_space<vmem>>, vector<1x1x16xf32>,
          %get3A_664 = vector.shape_cast %get3A_663 : vector<1x1x16xf32> to vector<16xf32>
          %add3A_665 = arith.addf %get3A_654, %get3A_664 : vector<16xf32>
          %mul3A_666 = arith.mulf %get3A_644, %add3A_665 : vector<16xf32>
          %mul3A_667 = arith.constant 2 : i32
          %mul3A_668 = arith.muli %mul3A_667, %scan3A_507 : i32
          %add3A_669 = arith.constant 0 : i32
          %add3A_670 = arith.addi %mul3A_668, %add3A_669 : i32
          %swap3A_671 = arith.constant 3 : i32
          %swap3A_672 = arith.index_cast %swap3A_671 : i32 to index
          %swap3A_673 = arith.index_cast %add3A_670 : i32 to index
          %swap3A_674 = arith.constant 48 : index
          %swap3A_675 = tpu.vector_load %arg11[%swap3A_672, %swap3A_673, %swap3A_674] {strides = array<i32>} : memref<6x128x64xf32, #tpu.memory_space<vmem>>, vector<1x1x16xf32>,
          %swap3A_676 = vector.shape_cast %swap3A_675 : vector<1x1x16xf32> to vector<16xf32>
          %swap3A_677 = vector.shape_cast %mul3A_666 : vector<16xf32> to vector<1x1x16xf32>
          tpu.vector_store %arg11[%swap3A_672, %swap3A_673, %swap3A_674], %swap3A_677 {strides = array<i32>} : memref<6x128x64xf32, #tpu.memory_space<vmem>>, vector<1x1x16xf32>,
          %mul3A_678 = arith.constant 2 : i32
          %mul3A_679 = arith.muli %mul3A_678, %scan3A_507 : i32
          %add3A_680 = arith.constant 1 : i32
          %add3A_681 = arith.addi %mul3A_679, %add3A_680 : i32
          %get3A_682 = arith.constant 5 : i32
          %get3A_683 = arith.index_cast %get3A_682 : i32 to index
          %get3A_684 = arith.index_cast %add3A_681 : i32 to index
          %get3A_685 = arith.constant 0 : index
          %get3A_686 = tpu.vector_load %arg11[%get3A_683, %get3A_684, %get3A_685] {strides = array<i32>} : memref<6x128x64xf32, #tpu.memory_space<vmem>>, vector<1x1x16xf32>,
          %get3A_687 = vector.shape_cast %get3A_686 : vector<1x1x16xf32> to vector<16xf32>
          %mul3A_688 = arith.constant 2 : i32
          %mul3A_689 = arith.muli %mul3A_688, %scan3A_507 : i32
          %add3A_690 = arith.constant 1 : i32
          %add3A_691 = arith.addi %mul3A_689, %add3A_690 : i32
          %get3A_692 = arith.constant 2 : i32
          %get3A_693 = arith.index_cast %get3A_692 : i32 to index
          %get3A_694 = arith.index_cast %add3A_691 : i32 to index
          %get3A_695 = arith.constant 0 : index
          %get3A_696 = tpu.vector_load %arg11[%get3A_693, %get3A_694, %get3A_695] {strides = array<i32>} : memref<6x128x64xf32, #tpu.memory_space<vmem>>, vector<1x1x16xf32>,
          %get3A_697 = vector.shape_cast %get3A_696 : vector<1x1x16xf32> to vector<16xf32>
          %mul3A_698 = arith.constant 2 : i32
          %mul3A_699 = arith.muli %mul3A_698, %scan3A_507 : i32
          %add3A_700 = arith.constant 1 : i32
          %add3A_701 = arith.addi %mul3A_699, %add3A_700 : i32
          %get3A_702 = arith.constant 1 : i32
          %get3A_703 = arith.index_cast %get3A_702 : i32 to index
          %get3A_704 = arith.index_cast %add3A_701 : i32 to index
          %get3A_705 = arith.constant 0 : index
          %get3A_706 = tpu.vector_load %arg11[%get3A_703, %get3A_704, %get3A_705] {strides = array<i32>} : memref<6x128x64xf32, #tpu.memory_space<vmem>>, vector<1x1x16xf32>,
          %get3A_707 = vector.shape_cast %get3A_706 : vector<1x1x16xf32> to vector<16xf32>
          %add3A_708 = arith.addf %get3A_697, %get3A_707 : vector<16xf32>
          %mul3A_709 = arith.mulf %get3A_687, %add3A_708 : vector<16xf32>
          %mul3A_710 = arith.constant 2 : i32
          %mul3A_711 = arith.muli %mul3A_710, %scan3A_507 : i32
          %add3A_712 = arith.constant 1 : i32
          %add3A_713 = arith.addi %mul3A_711, %add3A_712 : i32
          %swap3A_714 = arith.constant 3 : i32
          %swap3A_715 = arith.index_cast %swap3A_714 : i32 to index
          %swap3A_716 = arith.index_cast %add3A_713 : i32 to index
          %swap3A_717 = arith.constant 0 : index
          %swap3A_718 = tpu.vector_load %arg11[%swap3A_715, %swap3A_716, %swap3A_717] {strides = array<i32>} : memref<6x128x64xf32, #tpu.memory_space<vmem>>, vector<1x1x16xf32>,
          %swap3A_719 = vector.shape_cast %swap3A_718 : vector<1x1x16xf32> to vector<16xf32>
          %swap3A_720 = vector.shape_cast %mul3A_709 : vector<16xf32> to vector<1x1x16xf32>
          tpu.vector_store %arg11[%swap3A_715, %swap3A_716, %swap3A_717], %swap3A_720 {strides = array<i32>} : memref<6x128x64xf32, #tpu.memory_space<vmem>>, vector<1x1x16xf32>,
          %mul3A_721 = arith.constant 2 : i32
          %mul3A_722 = arith.muli %mul3A_721, %scan3A_507 : i32
          %add3A_723 = arith.constant 1 : i32
          %add3A_724 = arith.addi %mul3A_722, %add3A_723 : i32
          %get3A_725 = arith.constant 5 : i32
          %get3A_726 = arith.index_cast %get3A_725 : i32 to index
          %get3A_727 = arith.index_cast %add3A_724 : i32 to index
          %get3A_728 = arith.constant 16 : index
          %get3A_729 = tpu.vector_load %arg11[%get3A_726, %get3A_727, %get3A_728] {strides = array<i32>} : memref<6x128x64xf32, #tpu.memory_space<vmem>>, vector<1x1x16xf32>,
          %get3A_730 = vector.shape_cast %get3A_729 : vector<1x1x16xf32> to vector<16xf32>
          %mul3A_731 = arith.constant 2 : i32
          %mul3A_732 = arith.muli %mul3A_731, %scan3A_507 : i32
          %add3A_733 = arith.constant 1 : i32
          %add3A_734 = arith.addi %mul3A_732, %add3A_733 : i32
          %get3A_735 = arith.constant 2 : i32
          %get3A_736 = arith.index_cast %get3A_735 : i32 to index
          %get3A_737 = arith.index_cast %add3A_734 : i32 to index
          %get3A_738 = arith.constant 16 : index
          %get3A_739 = tpu.vector_load %arg11[%get3A_736, %get3A_737, %get3A_738] {strides = array<i32>} : memref<6x128x64xf32, #tpu.memory_space<vmem>>, vector<1x1x16xf32>,
          %get3A_740 = vector.shape_cast %get3A_739 : vector<1x1x16xf32> to vector<16xf32>
          %mul3A_741 = arith.constant 2 : i32
          %mul3A_742 = arith.muli %mul3A_741, %scan3A_507 : i32
          %add3A_743 = arith.constant 1 : i32
          %add3A_744 = arith.addi %mul3A_742, %add3A_743 : i32
          %get3A_745 = arith.constant 1 : i32
          %get3A_746 = arith.index_cast %get3A_745 : i32 to index
          %get3A_747 = arith.index_cast %add3A_744 : i32 to index
          %get3A_748 = arith.constant 16 : index
          %get3A_749 = tpu.vector_load %arg11[%get3A_746, %get3A_747, %get3A_748] {strides = array<i32>} : memref<6x128x64xf32, #tpu.memory_space<vmem>>, vector<1x1x16xf32>,
          %get3A_750 = vector.shape_cast %get3A_749 : vector<1x1x16xf32> to vector<16xf32>
          %add3A_751 = arith.addf %get3A_740, %get3A_750 : vector<16xf32>
          %mul3A_752 = arith.mulf %get3A_730, %add3A_751 : vector<16xf32>
          %mul3A_753 = arith.constant 2 : i32
          %mul3A_754 = arith.muli %mul3A_753, %scan3A_507 : i32
          %add3A_755 = arith.constant 1 : i32
          %add3A_756 = arith.addi %mul3A_754, %add3A_755 : i32
          %swap3A_757 = arith.constant 3 : i32
          %swap3A_758 = arith.index_cast %swap3A_757 : i32 to index
          %swap3A_759 = arith.index_cast %add3A_756 : i32 to index
          %swap3A_760 = arith.constant 16 : index
          %swap3A_761 = tpu.vector_load %arg11[%swap3A_758, %swap3A_759, %swap3A_760] {strides = array<i32>} : memref<6x128x64xf32, #tpu.memory_space<vmem>>, vector<1x1x16xf32>,
          %swap3A_762 = vector.shape_cast %swap3A_761 : vector<1x1x16xf32> to vector<16xf32>
          %swap3A_763 = vector.shape_cast %mul3A_752 : vector<16xf32> to vector<1x1x16xf32>
          tpu.vector_store %arg11[%swap3A_758, %swap3A_759, %swap3A_760], %swap3A_763 {strides = array<i32>} : memref<6x128x64xf32, #tpu.memory_space<vmem>>, vector<1x1x16xf32>,
          %mul3A_764 = arith.constant 2 : i32
          %mul3A_765 = arith.muli %mul3A_764, %scan3A_507 : i32
          %add3A_766 = arith.constant 1 : i32
          %add3A_767 = arith.addi %mul3A_765, %add3A_766 : i32
          %get3A_768 = arith.constant 5 : i32
          %get3A_769 = arith.index_cast %get3A_768 : i32 to index
          %get3A_770 = arith.index_cast %add3A_767 : i32 to index
          %get3A_771 = arith.constant 32 : index
          %get3A_772 = tpu.vector_load %arg11[%get3A_769, %get3A_770, %get3A_771] {strides = array<i32>} : memref<6x128x64xf32, #tpu.memory_space<vmem>>, vector<1x1x16xf32>,
          %get3A_773 = vector.shape_cast %get3A_772 : vector<1x1x16xf32> to vector<16xf32>
          %mul3A_774 = arith.constant 2 : i32
          %mul3A_775 = arith.muli %mul3A_774, %scan3A_507 : i32
          %add3A_776 = arith.constant 1 : i32
          %add3A_777 = arith.addi %mul3A_775, %add3A_776 : i32
          %get3A_778 = arith.constant 2 : i32
          %get3A_779 = arith.index_cast %get3A_778 : i32 to index
          %get3A_780 = arith.index_cast %add3A_777 : i32 to index
          %get3A_781 = arith.constant 32 : index
          %get3A_782 = tpu.vector_load %arg11[%get3A_779, %get3A_780, %get3A_781] {strides = array<i32>} : memref<6x128x64xf32, #tpu.memory_space<vmem>>, vector<1x1x16xf32>,
          %get3A_783 = vector.shape_cast %get3A_782 : vector<1x1x16xf32> to vector<16xf32>
          %mul3A_784 = arith.constant 2 : i32
          %mul3A_785 = arith.muli %mul3A_784, %scan3A_507 : i32
          %add3A_786 = arith.constant 1 : i32
          %add3A_787 = arith.addi %mul3A_785, %add3A_786 : i32
          %get3A_788 = arith.constant 1 : i32
          %get3A_789 = arith.index_cast %get3A_788 : i32 to index
          %get3A_790 = arith.index_cast %add3A_787 : i32 to index
          %get3A_791 = arith.constant 32 : index
          %get3A_792 = tpu.vector_load %arg11[%get3A_789, %get3A_790, %get3A_791] {strides = array<i32>} : memref<6x128x64xf32, #tpu.memory_space<vmem>>, vector<1x1x16xf32>,
          %get3A_793 = vector.shape_cast %get3A_792 : vector<1x1x16xf32> to vector<16xf32>
          %add3A_794 = arith.addf %get3A_783, %get3A_793 : vector<16xf32>
          %mul3A_795 = arith.mulf %get3A_773, %add3A_794 : vector<16xf32>
          %mul3A_796 = arith.constant 2 : i32
          %mul3A_797 = arith.muli %mul3A_796, %scan3A_507 : i32
          %add3A_798 = arith.constant 1 : i32
          %add3A_799 = arith.addi %mul3A_797, %add3A_798 : i32
          %swap3A_800 = arith.constant 3 : i32
          %swap3A_801 = arith.index_cast %swap3A_800 : i32 to index
          %swap3A_802 = arith.index_cast %add3A_799 : i32 to index
          %swap3A_803 = arith.constant 32 : index
          %swap3A_804 = tpu.vector_load %arg11[%swap3A_801, %swap3A_802, %swap3A_803] {strides = array<i32>} : memref<6x128x64xf32, #tpu.memory_space<vmem>>, vector<1x1x16xf32>,
          %swap3A_805 = vector.shape_cast %swap3A_804 : vector<1x1x16xf32> to vector<16xf32>
          %swap3A_806 = vector.shape_cast %mul3A_795 : vector<16xf32> to vector<1x1x16xf32>
          tpu.vector_store %arg11[%swap3A_801, %swap3A_802, %swap3A_803], %swap3A_806 {strides = array<i32>} : memref<6x128x64xf32, #tpu.memory_space<vmem>>, vector<1x1x16xf32>,
          %mul3A_807 = arith.constant 2 : i32
          %mul3A_808 = arith.muli %mul3A_807, %scan3A_507 : i32
          %add3A_809 = arith.constant 1 : i32
          %add3A_810 = arith.addi %mul3A_808, %add3A_809 : i32
          %get3A_811 = arith.constant 5 : i32
          %get3A_812 = arith.index_cast %get3A_811 : i32 to index
          %get3A_813 = arith.index_cast %add3A_810 : i32 to index
          %get3A_814 = arith.constant 48 : index
          %get3A_815 = tpu.vector_load %arg11[%get3A_812, %get3A_813, %get3A_814] {strides = array<i32>} : memref<6x128x64xf32, #tpu.memory_space<vmem>>, vector<1x1x16xf32>,
          %get3A_816 = vector.shape_cast %get3A_815 : vector<1x1x16xf32> to vector<16xf32>
          %mul3A_817 = arith.constant 2 : i32
          %mul3A_818 = arith.muli %mul3A_817, %scan3A_507 : i32
          %add3A_819 = arith.constant 1 : i32
          %add3A_820 = arith.addi %mul3A_818, %add3A_819 : i32
          %get3A_821 = arith.constant 2 : i32
          %get3A_822 = arith.index_cast %get3A_821 : i32 to index
          %get3A_823 = arith.index_cast %add3A_820 : i32 to index
          %get3A_824 = arith.constant 48 : index
          %get3A_825 = tpu.vector_load %arg11[%get3A_822, %get3A_823, %get3A_824] {strides = array<i32>} : memref<6x128x64xf32, #tpu.memory_space<vmem>>, vector<1x1x16xf32>,
          %get3A_826 = vector.shape_cast %get3A_825 : vector<1x1x16xf32> to vector<16xf32>
          %mul3A_827 = arith.constant 2 : i32
          %mul3A_828 = arith.muli %mul3A_827, %scan3A_507 : i32
          %add3A_829 = arith.constant 1 : i32
          %add3A_830 = arith.addi %mul3A_828, %add3A_829 : i32
          %get3A_831 = arith.constant 1 : i32
          %get3A_832 = arith.index_cast %get3A_831 : i32 to index
          %get3A_833 = arith.index_cast %add3A_830 : i32 to index
          %get3A_834 = arith.constant 48 : index
          %get3A_835 = tpu.vector_load %arg11[%get3A_832, %get3A_833, %get3A_834] {strides = array<i32>} : memref<6x128x64xf32, #tpu.memory_space<vmem>>, vector<1x1x16xf32>,
          %get3A_836 = vector.shape_cast %get3A_835 : vector<1x1x16xf32> to vector<16xf32>
          %add3A_837 = arith.addf %get3A_826, %get3A_836 : vector<16xf32>
          %mul3A_838 = arith.mulf %get3A_816, %add3A_837 : vector<16xf32>
          %mul3A_839 = arith.constant 2 : i32
          %mul3A_840 = arith.muli %mul3A_839, %scan3A_507 : i32
          %add3A_841 = arith.constant 1 : i32
          %add3A_842 = arith.addi %mul3A_840, %add3A_841 : i32
          %swap3A_843 = arith.constant 3 : i32
          %swap3A_844 = arith.index_cast %swap3A_843 : i32 to index
          %swap3A_845 = arith.index_cast %add3A_842 : i32 to index
          %swap3A_846 = arith.constant 48 : index
          %swap3A_847 = tpu.vector_load %arg11[%swap3A_844, %swap3A_845, %swap3A_846] {strides = array<i32>} : memref<6x128x64xf32, #tpu.memory_space<vmem>>, vector<1x1x16xf32>,
          %swap3A_848 = vector.shape_cast %swap3A_847 : vector<1x1x16xf32> to vector<16xf32>
          %swap3A_849 = vector.shape_cast %mul3A_838 : vector<16xf32> to vector<1x1x16xf32>
          tpu.vector_store %arg11[%swap3A_844, %swap3A_845, %swap3A_846], %swap3A_849 {strides = array<i32>} : memref<6x128x64xf32, #tpu.memory_space<vmem>>, vector<1x1x16xf32>,
        }
        %scan3A_440 = arith.constant 64 : i32
        %run_scoped3A_441 = arith.constant 3 : i32
        "tpu.region"() ({
          %run_scoped3A_507 = tpu.sem_alloc : memref<!tpu.dma_semaphore, #tpu.memory_space<semaphore_mem>>
          %dma_start3A_508 = arith.constant 0 : i32
          %dma_start3A_509 = arith.constant 0 : i32
          %dma_start3A_510 = tpu.memref_slice %arg11[%run_scoped3A_441, %dma_start3A_508, %dma_start3A_509] : memref<6x128x64xf32, #tpu.memory_space<vmem>> -> memref<1x128x64xf32, #tpu.memory_space<vmem>>
          %dma_start3A_511 = tpu.memref_squeeze %dma_start3A_510 : memref<1x128x64xf32, #tpu.memory_space<vmem>> -> memref<128x64xf32, #tpu.memory_space<vmem>>
          %dma_start3A_512 = arith.constant 0 : i32
          %dma_start3A_513 = tpu.memref_slice %arg8[%arg0, %add3A_367, %dma_start3A_512] : memref<2x10240x64xf32, #tpu.memory_space<hbm>> -> memref<1x128x64xf32, #tpu.memory_space<hbm>>
          %dma_start3A_514 = tpu.memref_squeeze %dma_start3A_513 : memref<1x128x64xf32, #tpu.memory_space<hbm>> -> memref<128x64xf32, #tpu.memory_space<hbm>>
          %dma_start3A_515 = arith.constant 0 : i32
          %dma_start3A_516 = tpu.memref_slice %arg8[%arg0, %add3A_367, %dma_start3A_515] : memref<2x10240x64xf32, #tpu.memory_space<hbm>> -> memref<1x128x64xf32, #tpu.memory_space<hbm>>
          %dma_start3A_517 = tpu.memref_squeeze %dma_start3A_516 : memref<1x128x64xf32, #tpu.memory_space<hbm>> -> memref<128x64xf32, #tpu.memory_space<hbm>>
          %dma_start3A_518 = arith.constant 0 : i32
          %dma_start3A_519 = arith.constant 0 : i32
          %dma_start3A_520 = tpu.memref_slice %arg11[%run_scoped3A_441, %dma_start3A_518, %dma_start3A_519] : memref<6x128x64xf32, #tpu.memory_space<vmem>> -> memref<1x128x64xf32, #tpu.memory_space<vmem>>
          %dma_start3A_521 = tpu.memref_squeeze %dma_start3A_520 : memref<1x128x64xf32, #tpu.memory_space<vmem>> -> memref<128x64xf32, #tpu.memory_space<vmem>>
          tpu.enqueue_dma source(%dma_start3A_521 : memref<128x64xf32, #tpu.memory_space<vmem>>) target(%dma_start3A_517 : memref<128x64xf32, #tpu.memory_space<hbm>>) target_semaphore(%run_scoped3A_507 : memref<!tpu.dma_semaphore, #tpu.memory_space<semaphore_mem>>)
          %dma_wait3A_522 = arith.constant 0 : i32
          %dma_wait3A_523 = arith.constant 0 : i32
          %dma_wait3A_524 = tpu.memref_slice %arg11[%run_scoped3A_441, %dma_wait3A_522, %dma_wait3A_523] : memref<6x128x64xf32, #tpu.memory_space<vmem>> -> memref<1x128x64xf32, #tpu.memory_space<vmem>>
          %dma_wait3A_525 = tpu.memref_squeeze %dma_wait3A_524 : memref<1x128x64xf32, #tpu.memory_space<vmem>> -> memref<128x64xf32, #tpu.memory_space<vmem>>
          %dma_wait3A_526 = arith.constant 0 : i32
          %dma_wait3A_527 = tpu.memref_slice %arg8[%arg0, %add3A_367, %dma_wait3A_526] : memref<2x10240x64xf32, #tpu.memory_space<hbm>> -> memref<1x128x64xf32, #tpu.memory_space<hbm>>
          %dma_wait3A_528 = tpu.memref_squeeze %dma_wait3A_527 : memref<1x128x64xf32, #tpu.memory_space<hbm>> -> memref<128x64xf32, #tpu.memory_space<hbm>>
          %dma_wait3A_529 = arith.constant 0 : i32
          %dma_wait3A_530 = tpu.memref_slice %arg8[%arg0, %add3A_367, %dma_wait3A_529] : memref<2x10240x64xf32, #tpu.memory_space<hbm>> -> memref<1x128x64xf32, #tpu.memory_space<hbm>>
          %dma_wait3A_531 = tpu.memref_squeeze %dma_wait3A_530 : memref<1x128x64xf32, #tpu.memory_space<hbm>> -> memref<128x64xf32, #tpu.memory_space<hbm>>
          %dma_wait3A_532 = arith.constant 0 : i32
          %dma_wait3A_533 = arith.constant 0 : i32
          %dma_wait3A_534 = tpu.memref_slice %arg11[%run_scoped3A_441, %dma_wait3A_532, %dma_wait3A_533] : memref<6x128x64xf32, #tpu.memory_space<vmem>> -> memref<1x128x64xf32, #tpu.memory_space<vmem>>
          %dma_wait3A_535 = tpu.memref_squeeze %dma_wait3A_534 : memref<1x128x64xf32, #tpu.memory_space<vmem>> -> memref<128x64xf32, #tpu.memory_space<vmem>>
          tpu.wait_dma2 semaphore(%run_scoped3A_507 : memref<!tpu.dma_semaphore, #tpu.memory_space<semaphore_mem>>) src(%dma_wait3A_535 : memref<128x64xf32, #tpu.memory_space<vmem>>) dst(%dma_wait3A_531 : memref<128x64xf32, #tpu.memory_space<hbm>>)
          tpu.yield
        }) : () -> ()
        %eq3A_442 = arith.constant 0 : i32
        %eq3A_443 = arith.cmpi eq, %arg0, %eq3A_442 : i32
        %convert_element_type3A_444 = arith.extui %eq3A_443 : i1 to i32
        %cond3A_445 = arith.constant 0 : i32
        %cond3A_446 = arith.cmpi ne, %convert_element_type3A_444, %cond3A_445 : i32
        scf.if %cond3A_446 {
          %run_scoped3A_507 = arith.constant 3 : i32
          "tpu.region"() ({
            %run_scoped3A_508 = tpu.sem_alloc : memref<!tpu.dma_semaphore, #tpu.memory_space<semaphore_mem>>
            %dma_start3A_509 = arith.constant 0 : i32
            %dma_start3A_510 = arith.constant 0 : i32
            %dma_start3A_511 = tpu.memref_slice %arg11[%run_scoped3A_507, %dma_start3A_509, %dma_start3A_510] : memref<6x128x64xf32, #tpu.memory_space<vmem>> -> memref<1x128x64xf32, #tpu.memory_space<vmem>>
            %dma_start3A_512 = tpu.memref_squeeze %dma_start3A_511 : memref<1x128x64xf32, #tpu.memory_space<vmem>> -> memref<128x64xf32, #tpu.memory_space<vmem>>
            %dma_start3A_513 = arith.constant 0 : i32
            %dma_start3A_514 = tpu.memref_slice %arg12[%add3A_367, %dma_start3A_513] : memref<10240x64xf32, #tpu.memory_space<vmem_shared>> -> memref<128x64xf32, #tpu.memory_space<vmem_shared>>
            %dma_start3A_515 = arith.constant 0 : i32
            %dma_start3A_516 = tpu.memref_slice %arg12[%add3A_367, %dma_start3A_515] : memref<10240x64xf32, #tpu.memory_space<vmem_shared>> -> memref<128x64xf32, #tpu.memory_space<vmem_shared>>
            %dma_start3A_517 = arith.constant 0 : i32
            %dma_start3A_518 = arith.constant 0 : i32
            %dma_start3A_519 = tpu.memref_slice %arg11[%run_scoped3A_507, %dma_start3A_517, %dma_start3A_518] : memref<6x128x64xf32, #tpu.memory_space<vmem>> -> memref<1x128x64xf32, #tpu.memory_space<vmem>>
            %dma_start3A_520 = tpu.memref_squeeze %dma_start3A_519 : memref<1x128x64xf32, #tpu.memory_space<vmem>> -> memref<128x64xf32, #tpu.memory_space<vmem>>
            tpu.enqueue_dma source(%dma_start3A_520 : memref<128x64xf32, #tpu.memory_space<vmem>>) target(%dma_start3A_516 : memref<128x64xf32, #tpu.memory_space<vmem_shared>>) target_semaphore(%run_scoped3A_508 : memref<!tpu.dma_semaphore, #tpu.memory_space<semaphore_mem>>)
            %dma_wait3A_521 = arith.constant 0 : i32
            %dma_wait3A_522 = arith.constant 0 : i32
            %dma_wait3A_523 = tpu.memref_slice %arg11[%run_scoped3A_507, %dma_wait3A_521, %dma_wait3A_522] : memref<6x128x64xf32, #tpu.memory_space<vmem>> -> memref<1x128x64xf32, #tpu.memory_space<vmem>>
            %dma_wait3A_524 = tpu.memref_squeeze %dma_wait3A_523 : memref<1x128x64xf32, #tpu.memory_space<vmem>> -> memref<128x64xf32, #tpu.memory_space<vmem>>
            %dma_wait3A_525 = arith.constant 0 : i32
            %dma_wait3A_526 = tpu.memref_slice %arg12[%add3A_367, %dma_wait3A_525] : memref<10240x64xf32, #tpu.memory_space<vmem_shared>> -> memref<128x64xf32, #tpu.memory_space<vmem_shared>>
            %dma_wait3A_527 = arith.constant 0 : i32
            %dma_wait3A_528 = tpu.memref_slice %arg12[%add3A_367, %dma_wait3A_527] : memref<10240x64xf32, #tpu.memory_space<vmem_shared>> -> memref<128x64xf32, #tpu.memory_space<vmem_shared>>
            %dma_wait3A_529 = arith.constant 0 : i32
            %dma_wait3A_530 = arith.constant 0 : i32
            %dma_wait3A_531 = tpu.memref_slice %arg11[%run_scoped3A_507, %dma_wait3A_529, %dma_wait3A_530] : memref<6x128x64xf32, #tpu.memory_space<vmem>> -> memref<1x128x64xf32, #tpu.memory_space<vmem>>
            %dma_wait3A_532 = tpu.memref_squeeze %dma_wait3A_531 : memref<1x128x64xf32, #tpu.memory_space<vmem>> -> memref<128x64xf32, #tpu.memory_space<vmem>>
            tpu.wait_dma2 semaphore(%run_scoped3A_508 : memref<!tpu.dma_semaphore, #tpu.memory_space<semaphore_mem>>) src(%dma_wait3A_532 : memref<128x64xf32, #tpu.memory_space<vmem>>) dst(%dma_wait3A_528 : memref<128x64xf32, #tpu.memory_space<vmem_shared>>)
            tpu.yield
          }) : () -> ()
        } else {
        }
        %mul3A_447 = arith.constant 640 : i32
        %mul3A_448 = arith.muli %arg1, %mul3A_447 : i32
        %add3A_449 = arith.constant 512 : i32
        %add3A_450 = arith.addi %mul3A_448, %add3A_449 : i32
        %run_scoped3A_451 = arith.constant 2 : i32
        "tpu.region"() ({
          %run_scoped3A_507 = tpu.sem_alloc : memref<!tpu.dma_semaphore, #tpu.memory_space<semaphore_mem>>
          %dma_start3A_508 = arith.constant 0 : i32
          %dma_start3A_509 = arith.constant 0 : i32
          %dma_start3A_510 = tpu.memref_slice %arg11[%run_scoped3A_451, %dma_start3A_508, %dma_start3A_509] : memref<6x128x64xf32, #tpu.memory_space<vmem>> -> memref<1x128x64xf32, #tpu.memory_space<vmem>>
          %dma_start3A_511 = tpu.memref_squeeze %dma_start3A_510 : memref<1x128x64xf32, #tpu.memory_space<vmem>> -> memref<128x64xf32, #tpu.memory_space<vmem>>
          %dma_start3A_512 = arith.constant 0 : i32
          %dma_start3A_513 = tpu.memref_slice %arg12[%add3A_450, %dma_start3A_512] : memref<10240x64xf32, #tpu.memory_space<vmem_shared>> -> memref<128x64xf32, #tpu.memory_space<vmem_shared>>
          %dma_start3A_514 = arith.constant 0 : i32
          %dma_start3A_515 = arith.constant 0 : i32
          %dma_start3A_516 = tpu.memref_slice %arg11[%run_scoped3A_451, %dma_start3A_514, %dma_start3A_515] : memref<6x128x64xf32, #tpu.memory_space<vmem>> -> memref<1x128x64xf32, #tpu.memory_space<vmem>>
          %dma_start3A_517 = tpu.memref_squeeze %dma_start3A_516 : memref<1x128x64xf32, #tpu.memory_space<vmem>> -> memref<128x64xf32, #tpu.memory_space<vmem>>
          %dma_start3A_518 = arith.constant 0 : i32
          %dma_start3A_519 = tpu.memref_slice %arg12[%add3A_450, %dma_start3A_518] : memref<10240x64xf32, #tpu.memory_space<vmem_shared>> -> memref<128x64xf32, #tpu.memory_space<vmem_shared>>
          tpu.enqueue_dma source(%dma_start3A_519 : memref<128x64xf32, #tpu.memory_space<vmem_shared>>) target(%dma_start3A_517 : memref<128x64xf32, #tpu.memory_space<vmem>>) target_semaphore(%run_scoped3A_507 : memref<!tpu.dma_semaphore, #tpu.memory_space<semaphore_mem>>)
          %dma_wait3A_520 = arith.constant 0 : i32
          %dma_wait3A_521 = arith.constant 0 : i32
          %dma_wait3A_522 = tpu.memref_slice %arg11[%run_scoped3A_451, %dma_wait3A_520, %dma_wait3A_521] : memref<6x128x64xf32, #tpu.memory_space<vmem>> -> memref<1x128x64xf32, #tpu.memory_space<vmem>>
          %dma_wait3A_523 = tpu.memref_squeeze %dma_wait3A_522 : memref<1x128x64xf32, #tpu.memory_space<vmem>> -> memref<128x64xf32, #tpu.memory_space<vmem>>
          %dma_wait3A_524 = arith.constant 0 : i32
          %dma_wait3A_525 = tpu.memref_slice %arg12[%add3A_450, %dma_wait3A_524] : memref<10240x64xf32, #tpu.memory_space<vmem_shared>> -> memref<128x64xf32, #tpu.memory_space<vmem_shared>>
          %dma_wait3A_526 = arith.constant 0 : i32
          %dma_wait3A_527 = arith.constant 0 : i32
          %dma_wait3A_528 = tpu.memref_slice %arg11[%run_scoped3A_451, %dma_wait3A_526, %dma_wait3A_527] : memref<6x128x64xf32, #tpu.memory_space<vmem>> -> memref<1x128x64xf32, #tpu.memory_space<vmem>>
          %dma_wait3A_529 = tpu.memref_squeeze %dma_wait3A_528 : memref<1x128x64xf32, #tpu.memory_space<vmem>> -> memref<128x64xf32, #tpu.memory_space<vmem>>
          %dma_wait3A_530 = arith.constant 0 : i32
          %dma_wait3A_531 = tpu.memref_slice %arg12[%add3A_450, %dma_wait3A_530] : memref<10240x64xf32, #tpu.memory_space<vmem_shared>> -> memref<128x64xf32, #tpu.memory_space<vmem_shared>>
          tpu.wait_dma2 semaphore(%run_scoped3A_507 : memref<!tpu.dma_semaphore, #tpu.memory_space<semaphore_mem>>) src(%dma_wait3A_531 : memref<128x64xf32, #tpu.memory_space<vmem_shared>>) dst(%dma_wait3A_529 : memref<128x64xf32, #tpu.memory_space<vmem>>)
          tpu.yield
        }) : () -> ()
        %dma_wait3A_452 = arith.constant 0 : i32
        %dma_wait3A_453 = arith.constant 0 : i32
        %dma_wait3A_454 = arith.constant 0 : i32
        %dma_wait3A_455 = tpu.memref_slice %arg11[%dma_wait3A_452, %dma_wait3A_453, %dma_wait3A_454] : memref<6x128x64xf32, #tpu.memory_space<vmem>> -> memref<1x128x64xf32, #tpu.memory_space<vmem>>
        %dma_wait3A_456 = tpu.memref_squeeze %dma_wait3A_455 : memref<1x128x64xf32, #tpu.memory_space<vmem>> -> memref<128x64xf32, #tpu.memory_space<vmem>>
        %dma_wait3A_457 = arith.constant 0 : i32
        %dma_wait3A_458 = tpu.memref_slice %arg7[%sub3A_81, %add3A_450, %dma_wait3A_457] : memref<2x10240x64xf32, #tpu.memory_space<hbm>> -> memref<1x128x64xf32, #tpu.memory_space<hbm>>
        %dma_wait3A_459 = tpu.memref_squeeze %dma_wait3A_458 : memref<1x128x64xf32, #tpu.memory_space<hbm>> -> memref<128x64xf32, #tpu.memory_space<hbm>>
        %dma_wait3A_460 = arith.constant 0 : i32
        %dma_wait3A_461 = arith.constant 0 : i32
        %dma_wait3A_462 = tpu.memref_slice %arg11[%dma_wait3A_452, %dma_wait3A_460, %dma_wait3A_461] : memref<6x128x64xf32, #tpu.memory_space<vmem>> -> memref<1x128x64xf32, #tpu.memory_space<vmem>>
        %dma_wait3A_463 = tpu.memref_squeeze %dma_wait3A_462 : memref<1x128x64xf32, #tpu.memory_space<vmem>> -> memref<128x64xf32, #tpu.memory_space<vmem>>
        %dma_wait3A_464 = arith.constant 0 : i32
        %dma_wait3A_465 = tpu.memref_slice %arg7[%sub3A_81, %add3A_450, %dma_wait3A_464] : memref<2x10240x64xf32, #tpu.memory_space<hbm>> -> memref<1x128x64xf32, #tpu.memory_space<hbm>>
        %dma_wait3A_466 = tpu.memref_squeeze %dma_wait3A_465 : memref<1x128x64xf32, #tpu.memory_space<hbm>> -> memref<128x64xf32, #tpu.memory_space<hbm>>
        tpu.wait_dma2 semaphore(%arg13 : memref<!tpu.dma_semaphore, #tpu.memory_space<semaphore_mem>>) src(%dma_wait3A_466 : memref<128x64xf32, #tpu.memory_space<hbm>>) dst(%dma_wait3A_463 : memref<128x64xf32, #tpu.memory_space<vmem>>)
        %dma_wait3A_467 = arith.constant 0 : i32
        %dma_wait3A_468 = arith.constant 4 : i32
        %dma_wait3A_469 = arith.constant 0 : i32
        %dma_wait3A_470 = arith.constant 0 : i32
        %dma_wait3A_471 = tpu.memref_slice %arg11[%dma_wait3A_468, %dma_wait3A_469, %dma_wait3A_470] : memref<6x128x64xf32, #tpu.memory_space<vmem>> -> memref<1x128x64xf32, #tpu.memory_space<vmem>>
        %dma_wait3A_472 = tpu.memref_squeeze %dma_wait3A_471 : memref<1x128x64xf32, #tpu.memory_space<vmem>> -> memref<128x64xf32, #tpu.memory_space<vmem>>
        %dma_wait3A_473 = arith.constant 0 : i32
        %dma_wait3A_474 = tpu.memref_slice %arg4[%dma_wait3A_467, %add3A_450, %dma_wait3A_473] : memref<1x10240x64xf32, #tpu.memory_space<hbm>> -> memref<1x128x64xf32, #tpu.memory_space<hbm>>
        %dma_wait3A_475 = tpu.memref_squeeze %dma_wait3A_474 : memref<1x128x64xf32, #tpu.memory_space<hbm>> -> memref<128x64xf32, #tpu.memory_space<hbm>>
        %dma_wait3A_476 = arith.constant 0 : i32
        %dma_wait3A_477 = arith.constant 0 : i32
        %dma_wait3A_478 = tpu.memref_slice %arg11[%dma_wait3A_468, %dma_wait3A_476, %dma_wait3A_477] : memref<6x128x64xf32, #tpu.memory_space<vmem>> -> memref<1x128x64xf32, #tpu.memory_space<vmem>>
        %dma_wait3A_479 = tpu.memref_squeeze %dma_wait3A_478 : memref<1x128x64xf32, #tpu.memory_space<vmem>> -> memref<128x64xf32, #tpu.memory_space<vmem>>
        %dma_wait3A_480 = arith.constant 0 : i32
        %dma_wait3A_481 = tpu.memref_slice %arg4[%dma_wait3A_467, %add3A_450, %dma_wait3A_480] : memref<1x10240x64xf32, #tpu.memory_space<hbm>> -> memref<1x128x64xf32, #tpu.memory_space<hbm>>
        %dma_wait3A_482 = tpu.memref_squeeze %dma_wait3A_481 : memref<1x128x64xf32, #tpu.memory_space<hbm>> -> memref<128x64xf32, #tpu.memory_space<hbm>>
        tpu.wait_dma2 semaphore(%arg13 : memref<!tpu.dma_semaphore, #tpu.memory_space<semaphore_mem>>) src(%dma_wait3A_482 : memref<128x64xf32, #tpu.memory_space<hbm>>) dst(%dma_wait3A_479 : memref<128x64xf32, #tpu.memory_space<vmem>>)
        %scan3A_483 = arith.constant 0 : i32
        %scan3A_484 = arith.constant 0 : i32
        %scan3A_485 = arith.constant 64 : i32
        %scan3A_486 = arith.addi %scan3A_484, %scan3A_485 : i32
        %scan3A_487 = arith.constant 1 : i32
        scf.for %scan3A_507 = %scan3A_484 to %scan3A_486 step %scan3A_487  : i32 {
          %mul3A_508 = arith.constant 2 : i32
          %mul3A_509 = arith.muli %mul3A_508, %scan3A_507 : i32
          %add3A_510 = arith.constant 0 : i32
          %add3A_511 = arith.addi %mul3A_509, %add3A_510 : i32
          %get3A = arith.constant 4 : i32
          %get3A_512 = arith.index_cast %get3A : i32 to index
          %get3A_513 = arith.index_cast %add3A_511 : i32 to index
          %get3A_514 = arith.constant 0 : index
          %get3A_515 = tpu.vector_load %arg11[%get3A_512, %get3A_513, %get3A_514] {strides = array<i32>} : memref<6x128x64xf32, #tpu.memory_space<vmem>>, vector<1x1x16xf32>,
          %get3A_516 = vector.shape_cast %get3A_515 : vector<1x1x16xf32> to vector<16xf32>
          %mul3A_517 = arith.constant 2 : i32
          %mul3A_518 = arith.muli %mul3A_517, %scan3A_507 : i32
          %add3A_519 = arith.constant 0 : i32
          %add3A_520 = arith.addi %mul3A_518, %add3A_519 : i32
          %get3A_521 = arith.constant 2 : i32
          %get3A_522 = arith.index_cast %get3A_521 : i32 to index
          %get3A_523 = arith.index_cast %add3A_520 : i32 to index
          %get3A_524 = arith.constant 0 : index
          %get3A_525 = tpu.vector_load %arg11[%get3A_522, %get3A_523, %get3A_524] {strides = array<i32>} : memref<6x128x64xf32, #tpu.memory_space<vmem>>, vector<1x1x16xf32>,
          %get3A_526 = vector.shape_cast %get3A_525 : vector<1x1x16xf32> to vector<16xf32>
          %mul3A_527 = arith.constant 2 : i32
          %mul3A_528 = arith.muli %mul3A_527, %scan3A_507 : i32
          %add3A_529 = arith.constant 0 : i32
          %add3A_530 = arith.addi %mul3A_528, %add3A_529 : i32
          %get3A_531 = arith.constant 0 : i32
          %get3A_532 = arith.index_cast %get3A_531 : i32 to index
          %get3A_533 = arith.index_cast %add3A_530 : i32 to index
          %get3A_534 = arith.constant 0 : index
          %get3A_535 = tpu.vector_load %arg11[%get3A_532, %get3A_533, %get3A_534] {strides = array<i32>} : memref<6x128x64xf32, #tpu.memory_space<vmem>>, vector<1x1x16xf32>,
          %get3A_536 = vector.shape_cast %get3A_535 : vector<1x1x16xf32> to vector<16xf32>
          %add3A_537 = arith.addf %get3A_526, %get3A_536 : vector<16xf32>
          %mul3A_538 = arith.mulf %get3A_516, %add3A_537 : vector<16xf32>
          %mul3A_539 = arith.constant 2 : i32
          %mul3A_540 = arith.muli %mul3A_539, %scan3A_507 : i32
          %add3A_541 = arith.constant 0 : i32
          %add3A_542 = arith.addi %mul3A_540, %add3A_541 : i32
          %swap3A = arith.constant 3 : i32
          %swap3A_543 = arith.index_cast %swap3A : i32 to index
          %swap3A_544 = arith.index_cast %add3A_542 : i32 to index
          %swap3A_545 = arith.constant 0 : index
          %swap3A_546 = tpu.vector_load %arg11[%swap3A_543, %swap3A_544, %swap3A_545] {strides = array<i32>} : memref<6x128x64xf32, #tpu.memory_space<vmem>>, vector<1x1x16xf32>,
          %swap3A_547 = vector.shape_cast %swap3A_546 : vector<1x1x16xf32> to vector<16xf32>
          %swap3A_548 = vector.shape_cast %mul3A_538 : vector<16xf32> to vector<1x1x16xf32>
          tpu.vector_store %arg11[%swap3A_543, %swap3A_544, %swap3A_545], %swap3A_548 {strides = array<i32>} : memref<6x128x64xf32, #tpu.memory_space<vmem>>, vector<1x1x16xf32>,
          %mul3A_549 = arith.constant 2 : i32
          %mul3A_550 = arith.muli %mul3A_549, %scan3A_507 : i32
          %add3A_551 = arith.constant 0 : i32
          %add3A_552 = arith.addi %mul3A_550, %add3A_551 : i32
          %get3A_553 = arith.constant 4 : i32
          %get3A_554 = arith.index_cast %get3A_553 : i32 to index
          %get3A_555 = arith.index_cast %add3A_552 : i32 to index
          %get3A_556 = arith.constant 16 : index
          %get3A_557 = tpu.vector_load %arg11[%get3A_554, %get3A_555, %get3A_556] {strides = array<i32>} : memref<6x128x64xf32, #tpu.memory_space<vmem>>, vector<1x1x16xf32>,
          %get3A_558 = vector.shape_cast %get3A_557 : vector<1x1x16xf32> to vector<16xf32>
          %mul3A_559 = arith.constant 2 : i32
          %mul3A_560 = arith.muli %mul3A_559, %scan3A_507 : i32
          %add3A_561 = arith.constant 0 : i32
          %add3A_562 = arith.addi %mul3A_560, %add3A_561 : i32
          %get3A_563 = arith.constant 2 : i32
          %get3A_564 = arith.index_cast %get3A_563 : i32 to index
          %get3A_565 = arith.index_cast %add3A_562 : i32 to index
          %get3A_566 = arith.constant 16 : index
          %get3A_567 = tpu.vector_load %arg11[%get3A_564, %get3A_565, %get3A_566] {strides = array<i32>} : memref<6x128x64xf32, #tpu.memory_space<vmem>>, vector<1x1x16xf32>,
          %get3A_568 = vector.shape_cast %get3A_567 : vector<1x1x16xf32> to vector<16xf32>
          %mul3A_569 = arith.constant 2 : i32
          %mul3A_570 = arith.muli %mul3A_569, %scan3A_507 : i32
          %add3A_571 = arith.constant 0 : i32
          %add3A_572 = arith.addi %mul3A_570, %add3A_571 : i32
          %get3A_573 = arith.constant 0 : i32
          %get3A_574 = arith.index_cast %get3A_573 : i32 to index
          %get3A_575 = arith.index_cast %add3A_572 : i32 to index
          %get3A_576 = arith.constant 16 : index
          %get3A_577 = tpu.vector_load %arg11[%get3A_574, %get3A_575, %get3A_576] {strides = array<i32>} : memref<6x128x64xf32, #tpu.memory_space<vmem>>, vector<1x1x16xf32>,
          %get3A_578 = vector.shape_cast %get3A_577 : vector<1x1x16xf32> to vector<16xf32>
          %add3A_579 = arith.addf %get3A_568, %get3A_578 : vector<16xf32>
          %mul3A_580 = arith.mulf %get3A_558, %add3A_579 : vector<16xf32>
          %mul3A_581 = arith.constant 2 : i32
          %mul3A_582 = arith.muli %mul3A_581, %scan3A_507 : i32
          %add3A_583 = arith.constant 0 : i32
          %add3A_584 = arith.addi %mul3A_582, %add3A_583 : i32
          %swap3A_585 = arith.constant 3 : i32
          %swap3A_586 = arith.index_cast %swap3A_585 : i32 to index
          %swap3A_587 = arith.index_cast %add3A_584 : i32 to index
          %swap3A_588 = arith.constant 16 : index
          %swap3A_589 = tpu.vector_load %arg11[%swap3A_586, %swap3A_587, %swap3A_588] {strides = array<i32>} : memref<6x128x64xf32, #tpu.memory_space<vmem>>, vector<1x1x16xf32>,
          %swap3A_590 = vector.shape_cast %swap3A_589 : vector<1x1x16xf32> to vector<16xf32>
          %swap3A_591 = vector.shape_cast %mul3A_580 : vector<16xf32> to vector<1x1x16xf32>
          tpu.vector_store %arg11[%swap3A_586, %swap3A_587, %swap3A_588], %swap3A_591 {strides = array<i32>} : memref<6x128x64xf32, #tpu.memory_space<vmem>>, vector<1x1x16xf32>,
          %mul3A_592 = arith.constant 2 : i32
          %mul3A_593 = arith.muli %mul3A_592, %scan3A_507 : i32
          %add3A_594 = arith.constant 0 : i32
          %add3A_595 = arith.addi %mul3A_593, %add3A_594 : i32
          %get3A_596 = arith.constant 4 : i32
          %get3A_597 = arith.index_cast %get3A_596 : i32 to index
          %get3A_598 = arith.index_cast %add3A_595 : i32 to index
          %get3A_599 = arith.constant 32 : index
          %get3A_600 = tpu.vector_load %arg11[%get3A_597, %get3A_598, %get3A_599] {strides = array<i32>} : memref<6x128x64xf32, #tpu.memory_space<vmem>>, vector<1x1x16xf32>,
          %get3A_601 = vector.shape_cast %get3A_600 : vector<1x1x16xf32> to vector<16xf32>
          %mul3A_602 = arith.constant 2 : i32
          %mul3A_603 = arith.muli %mul3A_602, %scan3A_507 : i32
          %add3A_604 = arith.constant 0 : i32
          %add3A_605 = arith.addi %mul3A_603, %add3A_604 : i32
          %get3A_606 = arith.constant 2 : i32
          %get3A_607 = arith.index_cast %get3A_606 : i32 to index
          %get3A_608 = arith.index_cast %add3A_605 : i32 to index
          %get3A_609 = arith.constant 32 : index
          %get3A_610 = tpu.vector_load %arg11[%get3A_607, %get3A_608, %get3A_609] {strides = array<i32>} : memref<6x128x64xf32, #tpu.memory_space<vmem>>, vector<1x1x16xf32>,
          %get3A_611 = vector.shape_cast %get3A_610 : vector<1x1x16xf32> to vector<16xf32>
          %mul3A_612 = arith.constant 2 : i32
          %mul3A_613 = arith.muli %mul3A_612, %scan3A_507 : i32
          %add3A_614 = arith.constant 0 : i32
          %add3A_615 = arith.addi %mul3A_613, %add3A_614 : i32
          %get3A_616 = arith.constant 0 : i32
          %get3A_617 = arith.index_cast %get3A_616 : i32 to index
          %get3A_618 = arith.index_cast %add3A_615 : i32 to index
          %get3A_619 = arith.constant 32 : index
          %get3A_620 = tpu.vector_load %arg11[%get3A_617, %get3A_618, %get3A_619] {strides = array<i32>} : memref<6x128x64xf32, #tpu.memory_space<vmem>>, vector<1x1x16xf32>,
          %get3A_621 = vector.shape_cast %get3A_620 : vector<1x1x16xf32> to vector<16xf32>
          %add3A_622 = arith.addf %get3A_611, %get3A_621 : vector<16xf32>
          %mul3A_623 = arith.mulf %get3A_601, %add3A_622 : vector<16xf32>
          %mul3A_624 = arith.constant 2 : i32
          %mul3A_625 = arith.muli %mul3A_624, %scan3A_507 : i32
          %add3A_626 = arith.constant 0 : i32
          %add3A_627 = arith.addi %mul3A_625, %add3A_626 : i32
          %swap3A_628 = arith.constant 3 : i32
          %swap3A_629 = arith.index_cast %swap3A_628 : i32 to index
          %swap3A_630 = arith.index_cast %add3A_627 : i32 to index
          %swap3A_631 = arith.constant 32 : index
          %swap3A_632 = tpu.vector_load %arg11[%swap3A_629, %swap3A_630, %swap3A_631] {strides = array<i32>} : memref<6x128x64xf32, #tpu.memory_space<vmem>>, vector<1x1x16xf32>,
          %swap3A_633 = vector.shape_cast %swap3A_632 : vector<1x1x16xf32> to vector<16xf32>
          %swap3A_634 = vector.shape_cast %mul3A_623 : vector<16xf32> to vector<1x1x16xf32>
          tpu.vector_store %arg11[%swap3A_629, %swap3A_630, %swap3A_631], %swap3A_634 {strides = array<i32>} : memref<6x128x64xf32, #tpu.memory_space<vmem>>, vector<1x1x16xf32>,
          %mul3A_635 = arith.constant 2 : i32
          %mul3A_636 = arith.muli %mul3A_635, %scan3A_507 : i32
          %add3A_637 = arith.constant 0 : i32
          %add3A_638 = arith.addi %mul3A_636, %add3A_637 : i32
          %get3A_639 = arith.constant 4 : i32
          %get3A_640 = arith.index_cast %get3A_639 : i32 to index
          %get3A_641 = arith.index_cast %add3A_638 : i32 to index
          %get3A_642 = arith.constant 48 : index
          %get3A_643 = tpu.vector_load %arg11[%get3A_640, %get3A_641, %get3A_642] {strides = array<i32>} : memref<6x128x64xf32, #tpu.memory_space<vmem>>, vector<1x1x16xf32>,
          %get3A_644 = vector.shape_cast %get3A_643 : vector<1x1x16xf32> to vector<16xf32>
          %mul3A_645 = arith.constant 2 : i32
          %mul3A_646 = arith.muli %mul3A_645, %scan3A_507 : i32
          %add3A_647 = arith.constant 0 : i32
          %add3A_648 = arith.addi %mul3A_646, %add3A_647 : i32
          %get3A_649 = arith.constant 2 : i32
          %get3A_650 = arith.index_cast %get3A_649 : i32 to index
          %get3A_651 = arith.index_cast %add3A_648 : i32 to index
          %get3A_652 = arith.constant 48 : index
          %get3A_653 = tpu.vector_load %arg11[%get3A_650, %get3A_651, %get3A_652] {strides = array<i32>} : memref<6x128x64xf32, #tpu.memory_space<vmem>>, vector<1x1x16xf32>,
          %get3A_654 = vector.shape_cast %get3A_653 : vector<1x1x16xf32> to vector<16xf32>
          %mul3A_655 = arith.constant 2 : i32
          %mul3A_656 = arith.muli %mul3A_655, %scan3A_507 : i32
          %add3A_657 = arith.constant 0 : i32
          %add3A_658 = arith.addi %mul3A_656, %add3A_657 : i32
          %get3A_659 = arith.constant 0 : i32
          %get3A_660 = arith.index_cast %get3A_659 : i32 to index
          %get3A_661 = arith.index_cast %add3A_658 : i32 to index
          %get3A_662 = arith.constant 48 : index
          %get3A_663 = tpu.vector_load %arg11[%get3A_660, %get3A_661, %get3A_662] {strides = array<i32>} : memref<6x128x64xf32, #tpu.memory_space<vmem>>, vector<1x1x16xf32>,
          %get3A_664 = vector.shape_cast %get3A_663 : vector<1x1x16xf32> to vector<16xf32>
          %add3A_665 = arith.addf %get3A_654, %get3A_664 : vector<16xf32>
          %mul3A_666 = arith.mulf %get3A_644, %add3A_665 : vector<16xf32>
          %mul3A_667 = arith.constant 2 : i32
          %mul3A_668 = arith.muli %mul3A_667, %scan3A_507 : i32
          %add3A_669 = arith.constant 0 : i32
          %add3A_670 = arith.addi %mul3A_668, %add3A_669 : i32
          %swap3A_671 = arith.constant 3 : i32
          %swap3A_672 = arith.index_cast %swap3A_671 : i32 to index
          %swap3A_673 = arith.index_cast %add3A_670 : i32 to index
          %swap3A_674 = arith.constant 48 : index
          %swap3A_675 = tpu.vector_load %arg11[%swap3A_672, %swap3A_673, %swap3A_674] {strides = array<i32>} : memref<6x128x64xf32, #tpu.memory_space<vmem>>, vector<1x1x16xf32>,
          %swap3A_676 = vector.shape_cast %swap3A_675 : vector<1x1x16xf32> to vector<16xf32>
          %swap3A_677 = vector.shape_cast %mul3A_666 : vector<16xf32> to vector<1x1x16xf32>
          tpu.vector_store %arg11[%swap3A_672, %swap3A_673, %swap3A_674], %swap3A_677 {strides = array<i32>} : memref<6x128x64xf32, #tpu.memory_space<vmem>>, vector<1x1x16xf32>,
          %mul3A_678 = arith.constant 2 : i32
          %mul3A_679 = arith.muli %mul3A_678, %scan3A_507 : i32
          %add3A_680 = arith.constant 1 : i32
          %add3A_681 = arith.addi %mul3A_679, %add3A_680 : i32
          %get3A_682 = arith.constant 4 : i32
          %get3A_683 = arith.index_cast %get3A_682 : i32 to index
          %get3A_684 = arith.index_cast %add3A_681 : i32 to index
          %get3A_685 = arith.constant 0 : index
          %get3A_686 = tpu.vector_load %arg11[%get3A_683, %get3A_684, %get3A_685] {strides = array<i32>} : memref<6x128x64xf32, #tpu.memory_space<vmem>>, vector<1x1x16xf32>,
          %get3A_687 = vector.shape_cast %get3A_686 : vector<1x1x16xf32> to vector<16xf32>
          %mul3A_688 = arith.constant 2 : i32
          %mul3A_689 = arith.muli %mul3A_688, %scan3A_507 : i32
          %add3A_690 = arith.constant 1 : i32
          %add3A_691 = arith.addi %mul3A_689, %add3A_690 : i32
          %get3A_692 = arith.constant 2 : i32
          %get3A_693 = arith.index_cast %get3A_692 : i32 to index
          %get3A_694 = arith.index_cast %add3A_691 : i32 to index
          %get3A_695 = arith.constant 0 : index
          %get3A_696 = tpu.vector_load %arg11[%get3A_693, %get3A_694, %get3A_695] {strides = array<i32>} : memref<6x128x64xf32, #tpu.memory_space<vmem>>, vector<1x1x16xf32>,
          %get3A_697 = vector.shape_cast %get3A_696 : vector<1x1x16xf32> to vector<16xf32>
          %mul3A_698 = arith.constant 2 : i32
          %mul3A_699 = arith.muli %mul3A_698, %scan3A_507 : i32
          %add3A_700 = arith.constant 1 : i32
          %add3A_701 = arith.addi %mul3A_699, %add3A_700 : i32
          %get3A_702 = arith.constant 0 : i32
          %get3A_703 = arith.index_cast %get3A_702 : i32 to index
          %get3A_704 = arith.index_cast %add3A_701 : i32 to index
          %get3A_705 = arith.constant 0 : index
          %get3A_706 = tpu.vector_load %arg11[%get3A_703, %get3A_704, %get3A_705] {strides = array<i32>} : memref<6x128x64xf32, #tpu.memory_space<vmem>>, vector<1x1x16xf32>,
          %get3A_707 = vector.shape_cast %get3A_706 : vector<1x1x16xf32> to vector<16xf32>
          %add3A_708 = arith.addf %get3A_697, %get3A_707 : vector<16xf32>
          %mul3A_709 = arith.mulf %get3A_687, %add3A_708 : vector<16xf32>
          %mul3A_710 = arith.constant 2 : i32
          %mul3A_711 = arith.muli %mul3A_710, %scan3A_507 : i32
          %add3A_712 = arith.constant 1 : i32
          %add3A_713 = arith.addi %mul3A_711, %add3A_712 : i32
          %swap3A_714 = arith.constant 3 : i32
          %swap3A_715 = arith.index_cast %swap3A_714 : i32 to index
          %swap3A_716 = arith.index_cast %add3A_713 : i32 to index
          %swap3A_717 = arith.constant 0 : index
          %swap3A_718 = tpu.vector_load %arg11[%swap3A_715, %swap3A_716, %swap3A_717] {strides = array<i32>} : memref<6x128x64xf32, #tpu.memory_space<vmem>>, vector<1x1x16xf32>,
          %swap3A_719 = vector.shape_cast %swap3A_718 : vector<1x1x16xf32> to vector<16xf32>
          %swap3A_720 = vector.shape_cast %mul3A_709 : vector<16xf32> to vector<1x1x16xf32>
          tpu.vector_store %arg11[%swap3A_715, %swap3A_716, %swap3A_717], %swap3A_720 {strides = array<i32>} : memref<6x128x64xf32, #tpu.memory_space<vmem>>, vector<1x1x16xf32>,
          %mul3A_721 = arith.constant 2 : i32
          %mul3A_722 = arith.muli %mul3A_721, %scan3A_507 : i32
          %add3A_723 = arith.constant 1 : i32
          %add3A_724 = arith.addi %mul3A_722, %add3A_723 : i32
          %get3A_725 = arith.constant 4 : i32
          %get3A_726 = arith.index_cast %get3A_725 : i32 to index
          %get3A_727 = arith.index_cast %add3A_724 : i32 to index
          %get3A_728 = arith.constant 16 : index
          %get3A_729 = tpu.vector_load %arg11[%get3A_726, %get3A_727, %get3A_728] {strides = array<i32>} : memref<6x128x64xf32, #tpu.memory_space<vmem>>, vector<1x1x16xf32>,
          %get3A_730 = vector.shape_cast %get3A_729 : vector<1x1x16xf32> to vector<16xf32>
          %mul3A_731 = arith.constant 2 : i32
          %mul3A_732 = arith.muli %mul3A_731, %scan3A_507 : i32
          %add3A_733 = arith.constant 1 : i32
          %add3A_734 = arith.addi %mul3A_732, %add3A_733 : i32
          %get3A_735 = arith.constant 2 : i32
          %get3A_736 = arith.index_cast %get3A_735 : i32 to index
          %get3A_737 = arith.index_cast %add3A_734 : i32 to index
          %get3A_738 = arith.constant 16 : index
          %get3A_739 = tpu.vector_load %arg11[%get3A_736, %get3A_737, %get3A_738] {strides = array<i32>} : memref<6x128x64xf32, #tpu.memory_space<vmem>>, vector<1x1x16xf32>,
          %get3A_740 = vector.shape_cast %get3A_739 : vector<1x1x16xf32> to vector<16xf32>
          %mul3A_741 = arith.constant 2 : i32
          %mul3A_742 = arith.muli %mul3A_741, %scan3A_507 : i32
          %add3A_743 = arith.constant 1 : i32
          %add3A_744 = arith.addi %mul3A_742, %add3A_743 : i32
          %get3A_745 = arith.constant 0 : i32
          %get3A_746 = arith.index_cast %get3A_745 : i32 to index
          %get3A_747 = arith.index_cast %add3A_744 : i32 to index
          %get3A_748 = arith.constant 16 : index
          %get3A_749 = tpu.vector_load %arg11[%get3A_746, %get3A_747, %get3A_748] {strides = array<i32>} : memref<6x128x64xf32, #tpu.memory_space<vmem>>, vector<1x1x16xf32>,
          %get3A_750 = vector.shape_cast %get3A_749 : vector<1x1x16xf32> to vector<16xf32>
          %add3A_751 = arith.addf %get3A_740, %get3A_750 : vector<16xf32>
          %mul3A_752 = arith.mulf %get3A_730, %add3A_751 : vector<16xf32>
          %mul3A_753 = arith.constant 2 : i32
          %mul3A_754 = arith.muli %mul3A_753, %scan3A_507 : i32
          %add3A_755 = arith.constant 1 : i32
          %add3A_756 = arith.addi %mul3A_754, %add3A_755 : i32
          %swap3A_757 = arith.constant 3 : i32
          %swap3A_758 = arith.index_cast %swap3A_757 : i32 to index
          %swap3A_759 = arith.index_cast %add3A_756 : i32 to index
          %swap3A_760 = arith.constant 16 : index
          %swap3A_761 = tpu.vector_load %arg11[%swap3A_758, %swap3A_759, %swap3A_760] {strides = array<i32>} : memref<6x128x64xf32, #tpu.memory_space<vmem>>, vector<1x1x16xf32>,
          %swap3A_762 = vector.shape_cast %swap3A_761 : vector<1x1x16xf32> to vector<16xf32>
          %swap3A_763 = vector.shape_cast %mul3A_752 : vector<16xf32> to vector<1x1x16xf32>
          tpu.vector_store %arg11[%swap3A_758, %swap3A_759, %swap3A_760], %swap3A_763 {strides = array<i32>} : memref<6x128x64xf32, #tpu.memory_space<vmem>>, vector<1x1x16xf32>,
          %mul3A_764 = arith.constant 2 : i32
          %mul3A_765 = arith.muli %mul3A_764, %scan3A_507 : i32
          %add3A_766 = arith.constant 1 : i32
          %add3A_767 = arith.addi %mul3A_765, %add3A_766 : i32
          %get3A_768 = arith.constant 4 : i32
          %get3A_769 = arith.index_cast %get3A_768 : i32 to index
          %get3A_770 = arith.index_cast %add3A_767 : i32 to index
          %get3A_771 = arith.constant 32 : index
          %get3A_772 = tpu.vector_load %arg11[%get3A_769, %get3A_770, %get3A_771] {strides = array<i32>} : memref<6x128x64xf32, #tpu.memory_space<vmem>>, vector<1x1x16xf32>,
          %get3A_773 = vector.shape_cast %get3A_772 : vector<1x1x16xf32> to vector<16xf32>
          %mul3A_774 = arith.constant 2 : i32
          %mul3A_775 = arith.muli %mul3A_774, %scan3A_507 : i32
          %add3A_776 = arith.constant 1 : i32
          %add3A_777 = arith.addi %mul3A_775, %add3A_776 : i32
          %get3A_778 = arith.constant 2 : i32
          %get3A_779 = arith.index_cast %get3A_778 : i32 to index
          %get3A_780 = arith.index_cast %add3A_777 : i32 to index
          %get3A_781 = arith.constant 32 : index
          %get3A_782 = tpu.vector_load %arg11[%get3A_779, %get3A_780, %get3A_781] {strides = array<i32>} : memref<6x128x64xf32, #tpu.memory_space<vmem>>, vector<1x1x16xf32>,
          %get3A_783 = vector.shape_cast %get3A_782 : vector<1x1x16xf32> to vector<16xf32>
          %mul3A_784 = arith.constant 2 : i32
          %mul3A_785 = arith.muli %mul3A_784, %scan3A_507 : i32
          %add3A_786 = arith.constant 1 : i32
          %add3A_787 = arith.addi %mul3A_785, %add3A_786 : i32
          %get3A_788 = arith.constant 0 : i32
          %get3A_789 = arith.index_cast %get3A_788 : i32 to index
          %get3A_790 = arith.index_cast %add3A_787 : i32 to index
          %get3A_791 = arith.constant 32 : index
          %get3A_792 = tpu.vector_load %arg11[%get3A_789, %get3A_790, %get3A_791] {strides = array<i32>} : memref<6x128x64xf32, #tpu.memory_space<vmem>>, vector<1x1x16xf32>,
          %get3A_793 = vector.shape_cast %get3A_792 : vector<1x1x16xf32> to vector<16xf32>
          %add3A_794 = arith.addf %get3A_783, %get3A_793 : vector<16xf32>
          %mul3A_795 = arith.mulf %get3A_773, %add3A_794 : vector<16xf32>
          %mul3A_796 = arith.constant 2 : i32
          %mul3A_797 = arith.muli %mul3A_796, %scan3A_507 : i32
          %add3A_798 = arith.constant 1 : i32
          %add3A_799 = arith.addi %mul3A_797, %add3A_798 : i32
          %swap3A_800 = arith.constant 3 : i32
          %swap3A_801 = arith.index_cast %swap3A_800 : i32 to index
          %swap3A_802 = arith.index_cast %add3A_799 : i32 to index
          %swap3A_803 = arith.constant 32 : index
          %swap3A_804 = tpu.vector_load %arg11[%swap3A_801, %swap3A_802, %swap3A_803] {strides = array<i32>} : memref<6x128x64xf32, #tpu.memory_space<vmem>>, vector<1x1x16xf32>,
          %swap3A_805 = vector.shape_cast %swap3A_804 : vector<1x1x16xf32> to vector<16xf32>
          %swap3A_806 = vector.shape_cast %mul3A_795 : vector<16xf32> to vector<1x1x16xf32>
          tpu.vector_store %arg11[%swap3A_801, %swap3A_802, %swap3A_803], %swap3A_806 {strides = array<i32>} : memref<6x128x64xf32, #tpu.memory_space<vmem>>, vector<1x1x16xf32>,
          %mul3A_807 = arith.constant 2 : i32
          %mul3A_808 = arith.muli %mul3A_807, %scan3A_507 : i32
          %add3A_809 = arith.constant 1 : i32
          %add3A_810 = arith.addi %mul3A_808, %add3A_809 : i32
          %get3A_811 = arith.constant 4 : i32
          %get3A_812 = arith.index_cast %get3A_811 : i32 to index
          %get3A_813 = arith.index_cast %add3A_810 : i32 to index
          %get3A_814 = arith.constant 48 : index
          %get3A_815 = tpu.vector_load %arg11[%get3A_812, %get3A_813, %get3A_814] {strides = array<i32>} : memref<6x128x64xf32, #tpu.memory_space<vmem>>, vector<1x1x16xf32>,
          %get3A_816 = vector.shape_cast %get3A_815 : vector<1x1x16xf32> to vector<16xf32>
          %mul3A_817 = arith.constant 2 : i32
          %mul3A_818 = arith.muli %mul3A_817, %scan3A_507 : i32
          %add3A_819 = arith.constant 1 : i32
          %add3A_820 = arith.addi %mul3A_818, %add3A_819 : i32
          %get3A_821 = arith.constant 2 : i32
          %get3A_822 = arith.index_cast %get3A_821 : i32 to index
          %get3A_823 = arith.index_cast %add3A_820 : i32 to index
          %get3A_824 = arith.constant 48 : index
          %get3A_825 = tpu.vector_load %arg11[%get3A_822, %get3A_823, %get3A_824] {strides = array<i32>} : memref<6x128x64xf32, #tpu.memory_space<vmem>>, vector<1x1x16xf32>,
          %get3A_826 = vector.shape_cast %get3A_825 : vector<1x1x16xf32> to vector<16xf32>
          %mul3A_827 = arith.constant 2 : i32
          %mul3A_828 = arith.muli %mul3A_827, %scan3A_507 : i32
          %add3A_829 = arith.constant 1 : i32
          %add3A_830 = arith.addi %mul3A_828, %add3A_829 : i32
          %get3A_831 = arith.constant 0 : i32
          %get3A_832 = arith.index_cast %get3A_831 : i32 to index
          %get3A_833 = arith.index_cast %add3A_830 : i32 to index
          %get3A_834 = arith.constant 48 : index
          %get3A_835 = tpu.vector_load %arg11[%get3A_832, %get3A_833, %get3A_834] {strides = array<i32>} : memref<6x128x64xf32, #tpu.memory_space<vmem>>, vector<1x1x16xf32>,
          %get3A_836 = vector.shape_cast %get3A_835 : vector<1x1x16xf32> to vector<16xf32>
          %add3A_837 = arith.addf %get3A_826, %get3A_836 : vector<16xf32>
          %mul3A_838 = arith.mulf %get3A_816, %add3A_837 : vector<16xf32>
          %mul3A_839 = arith.constant 2 : i32
          %mul3A_840 = arith.muli %mul3A_839, %scan3A_507 : i32
          %add3A_841 = arith.constant 1 : i32
          %add3A_842 = arith.addi %mul3A_840, %add3A_841 : i32
          %swap3A_843 = arith.constant 3 : i32
          %swap3A_844 = arith.index_cast %swap3A_843 : i32 to index
          %swap3A_845 = arith.index_cast %add3A_842 : i32 to index
          %swap3A_846 = arith.constant 48 : index
          %swap3A_847 = tpu.vector_load %arg11[%swap3A_844, %swap3A_845, %swap3A_846] {strides = array<i32>} : memref<6x128x64xf32, #tpu.memory_space<vmem>>, vector<1x1x16xf32>,
          %swap3A_848 = vector.shape_cast %swap3A_847 : vector<1x1x16xf32> to vector<16xf32>
          %swap3A_849 = vector.shape_cast %mul3A_838 : vector<16xf32> to vector<1x1x16xf32>
          tpu.vector_store %arg11[%swap3A_844, %swap3A_845, %swap3A_846], %swap3A_849 {strides = array<i32>} : memref<6x128x64xf32, #tpu.memory_space<vmem>>, vector<1x1x16xf32>,
        }
        %scan3A_488 = arith.constant 64 : i32
        %run_scoped3A_489 = arith.constant 3 : i32
        "tpu.region"() ({
          %run_scoped3A_507 = tpu.sem_alloc : memref<!tpu.dma_semaphore, #tpu.memory_space<semaphore_mem>>
          %dma_start3A_508 = arith.constant 0 : i32
          %dma_start3A_509 = arith.constant 0 : i32
          %dma_start3A_510 = tpu.memref_slice %arg11[%run_scoped3A_489, %dma_start3A_508, %dma_start3A_509] : memref<6x128x64xf32, #tpu.memory_space<vmem>> -> memref<1x128x64xf32, #tpu.memory_space<vmem>>
          %dma_start3A_511 = tpu.memref_squeeze %dma_start3A_510 : memref<1x128x64xf32, #tpu.memory_space<vmem>> -> memref<128x64xf32, #tpu.memory_space<vmem>>
          %dma_start3A_512 = arith.constant 0 : i32
          %dma_start3A_513 = tpu.memref_slice %arg8[%arg0, %add3A_450, %dma_start3A_512] : memref<2x10240x64xf32, #tpu.memory_space<hbm>> -> memref<1x128x64xf32, #tpu.memory_space<hbm>>
          %dma_start3A_514 = tpu.memref_squeeze %dma_start3A_513 : memref<1x128x64xf32, #tpu.memory_space<hbm>> -> memref<128x64xf32, #tpu.memory_space<hbm>>
          %dma_start3A_515 = arith.constant 0 : i32
          %dma_start3A_516 = tpu.memref_slice %arg8[%arg0, %add3A_450, %dma_start3A_515] : memref<2x10240x64xf32, #tpu.memory_space<hbm>> -> memref<1x128x64xf32, #tpu.memory_space<hbm>>
          %dma_start3A_517 = tpu.memref_squeeze %dma_start3A_516 : memref<1x128x64xf32, #tpu.memory_space<hbm>> -> memref<128x64xf32, #tpu.memory_space<hbm>>
          %dma_start3A_518 = arith.constant 0 : i32
          %dma_start3A_519 = arith.constant 0 : i32
          %dma_start3A_520 = tpu.memref_slice %arg11[%run_scoped3A_489, %dma_start3A_518, %dma_start3A_519] : memref<6x128x64xf32, #tpu.memory_space<vmem>> -> memref<1x128x64xf32, #tpu.memory_space<vmem>>
          %dma_start3A_521 = tpu.memref_squeeze %dma_start3A_520 : memref<1x128x64xf32, #tpu.memory_space<vmem>> -> memref<128x64xf32, #tpu.memory_space<vmem>>
          tpu.enqueue_dma source(%dma_start3A_521 : memref<128x64xf32, #tpu.memory_space<vmem>>) target(%dma_start3A_517 : memref<128x64xf32, #tpu.memory_space<hbm>>) target_semaphore(%run_scoped3A_507 : memref<!tpu.dma_semaphore, #tpu.memory_space<semaphore_mem>>)
          %dma_wait3A_522 = arith.constant 0 : i32
          %dma_wait3A_523 = arith.constant 0 : i32
          %dma_wait3A_524 = tpu.memref_slice %arg11[%run_scoped3A_489, %dma_wait3A_522, %dma_wait3A_523] : memref<6x128x64xf32, #tpu.memory_space<vmem>> -> memref<1x128x64xf32, #tpu.memory_space<vmem>>
          %dma_wait3A_525 = tpu.memref_squeeze %dma_wait3A_524 : memref<1x128x64xf32, #tpu.memory_space<vmem>> -> memref<128x64xf32, #tpu.memory_space<vmem>>
          %dma_wait3A_526 = arith.constant 0 : i32
          %dma_wait3A_527 = tpu.memref_slice %arg8[%arg0, %add3A_450, %dma_wait3A_526] : memref<2x10240x64xf32, #tpu.memory_space<hbm>> -> memref<1x128x64xf32, #tpu.memory_space<hbm>>
          %dma_wait3A_528 = tpu.memref_squeeze %dma_wait3A_527 : memref<1x128x64xf32, #tpu.memory_space<hbm>> -> memref<128x64xf32, #tpu.memory_space<hbm>>
          %dma_wait3A_529 = arith.constant 0 : i32
          %dma_wait3A_530 = tpu.memref_slice %arg8[%arg0, %add3A_450, %dma_wait3A_529] : memref<2x10240x64xf32, #tpu.memory_space<hbm>> -> memref<1x128x64xf32, #tpu.memory_space<hbm>>
          %dma_wait3A_531 = tpu.memref_squeeze %dma_wait3A_530 : memref<1x128x64xf32, #tpu.memory_space<hbm>> -> memref<128x64xf32, #tpu.memory_space<hbm>>
          %dma_wait3A_532 = arith.constant 0 : i32
          %dma_wait3A_533 = arith.constant 0 : i32
          %dma_wait3A_534 = tpu.memref_slice %arg11[%run_scoped3A_489, %dma_wait3A_532, %dma_wait3A_533] : memref<6x128x64xf32, #tpu.memory_space<vmem>> -> memref<1x128x64xf32, #tpu.memory_space<vmem>>
          %dma_wait3A_535 = tpu.memref_squeeze %dma_wait3A_534 : memref<1x128x64xf32, #tpu.memory_space<vmem>> -> memref<128x64xf32, #tpu.memory_space<vmem>>
          tpu.wait_dma2 semaphore(%run_scoped3A_507 : memref<!tpu.dma_semaphore, #tpu.memory_space<semaphore_mem>>) src(%dma_wait3A_535 : memref<128x64xf32, #tpu.memory_space<vmem>>) dst(%dma_wait3A_531 : memref<128x64xf32, #tpu.memory_space<hbm>>)
          tpu.yield
        }) : () -> ()
        %eq3A_490 = arith.constant 0 : i32
        %eq3A_491 = arith.cmpi eq, %arg0, %eq3A_490 : i32
        %convert_element_type3A_492 = arith.extui %eq3A_491 : i1 to i32
        %cond3A_493 = arith.constant 0 : i32
        %cond3A_494 = arith.cmpi ne, %convert_element_type3A_492, %cond3A_493 : i32
        scf.if %cond3A_494 {
          %run_scoped3A_507 = arith.constant 3 : i32
          "tpu.region"() ({
            %run_scoped3A_508 = tpu.sem_alloc : memref<!tpu.dma_semaphore, #tpu.memory_space<semaphore_mem>>
            %dma_start3A_509 = arith.constant 0 : i32
            %dma_start3A_510 = arith.constant 0 : i32
            %dma_start3A_511 = tpu.memref_slice %arg11[%run_scoped3A_507, %dma_start3A_509, %dma_start3A_510] : memref<6x128x64xf32, #tpu.memory_space<vmem>> -> memref<1x128x64xf32, #tpu.memory_space<vmem>>
            %dma_start3A_512 = tpu.memref_squeeze %dma_start3A_511 : memref<1x128x64xf32, #tpu.memory_space<vmem>> -> memref<128x64xf32, #tpu.memory_space<vmem>>
            %dma_start3A_513 = arith.constant 0 : i32
            %dma_start3A_514 = tpu.memref_slice %arg12[%add3A_450, %dma_start3A_513] : memref<10240x64xf32, #tpu.memory_space<vmem_shared>> -> memref<128x64xf32, #tpu.memory_space<vmem_shared>>
            %dma_start3A_515 = arith.constant 0 : i32
            %dma_start3A_516 = tpu.memref_slice %arg12[%add3A_450, %dma_start3A_515] : memref<10240x64xf32, #tpu.memory_space<vmem_shared>> -> memref<128x64xf32, #tpu.memory_space<vmem_shared>>
            %dma_start3A_517 = arith.constant 0 : i32
            %dma_start3A_518 = arith.constant 0 : i32
            %dma_start3A_519 = tpu.memref_slice %arg11[%run_scoped3A_507, %dma_start3A_517, %dma_start3A_518] : memref<6x128x64xf32, #tpu.memory_space<vmem>> -> memref<1x128x64xf32, #tpu.memory_space<vmem>>
            %dma_start3A_520 = tpu.memref_squeeze %dma_start3A_519 : memref<1x128x64xf32, #tpu.memory_space<vmem>> -> memref<128x64xf32, #tpu.memory_space<vmem>>
            tpu.enqueue_dma source(%dma_start3A_520 : memref<128x64xf32, #tpu.memory_space<vmem>>) target(%dma_start3A_516 : memref<128x64xf32, #tpu.memory_space<vmem_shared>>) target_semaphore(%run_scoped3A_508 : memref<!tpu.dma_semaphore, #tpu.memory_space<semaphore_mem>>)
            %dma_wait3A_521 = arith.constant 0 : i32
            %dma_wait3A_522 = arith.constant 0 : i32
            %dma_wait3A_523 = tpu.memref_slice %arg11[%run_scoped3A_507, %dma_wait3A_521, %dma_wait3A_522] : memref<6x128x64xf32, #tpu.memory_space<vmem>> -> memref<1x128x64xf32, #tpu.memory_space<vmem>>
            %dma_wait3A_524 = tpu.memref_squeeze %dma_wait3A_523 : memref<1x128x64xf32, #tpu.memory_space<vmem>> -> memref<128x64xf32, #tpu.memory_space<vmem>>
            %dma_wait3A_525 = arith.constant 0 : i32
            %dma_wait3A_526 = tpu.memref_slice %arg12[%add3A_450, %dma_wait3A_525] : memref<10240x64xf32, #tpu.memory_space<vmem_shared>> -> memref<128x64xf32, #tpu.memory_space<vmem_shared>>
            %dma_wait3A_527 = arith.constant 0 : i32
            %dma_wait3A_528 = tpu.memref_slice %arg12[%add3A_450, %dma_wait3A_527] : memref<10240x64xf32, #tpu.memory_space<vmem_shared>> -> memref<128x64xf32, #tpu.memory_space<vmem_shared>>
            %dma_wait3A_529 = arith.constant 0 : i32
            %dma_wait3A_530 = arith.constant 0 : i32
            %dma_wait3A_531 = tpu.memref_slice %arg11[%run_scoped3A_507, %dma_wait3A_529, %dma_wait3A_530] : memref<6x128x64xf32, #tpu.memory_space<vmem>> -> memref<1x128x64xf32, #tpu.memory_space<vmem>>
            %dma_wait3A_532 = tpu.memref_squeeze %dma_wait3A_531 : memref<1x128x64xf32, #tpu.memory_space<vmem>> -> memref<128x64xf32, #tpu.memory_space<vmem>>
            tpu.wait_dma2 semaphore(%run_scoped3A_508 : memref<!tpu.dma_semaphore, #tpu.memory_space<semaphore_mem>>) src(%dma_wait3A_532 : memref<128x64xf32, #tpu.memory_space<vmem>>) dst(%dma_wait3A_528 : memref<128x64xf32, #tpu.memory_space<vmem_shared>>)
            tpu.yield
          }) : () -> ()
        } else {
        }
        %eq3A_495 = arith.constant 1 : i32
        %eq3A_496 = arith.cmpi eq, %arg0, %eq3A_495 : i32
        %convert_element_type3A_497 = arith.extui %eq3A_496 : i1 to i32
        %cond3A_498 = arith.constant 0 : i32
        %cond3A_499 = arith.cmpi ne, %convert_element_type3A_497, %cond3A_498 : i32
        scf.if %cond3A_499 {
          "tpu.region"() ({
            %run_scoped3A_507 = tpu.sem_alloc : memref<!tpu.dma_semaphore, #tpu.memory_space<semaphore_mem>>
            %dma_start3A_508 = arith.constant 0 : i32
            %dma_start3A_509 = tpu.memref_slice %arg12[%mul3A_2, %dma_start3A_508] : memref<10240x64xf32, #tpu.memory_space<vmem_shared>> -> memref<640x64xf32, #tpu.memory_space<vmem_shared>>
            %dma_start3A_510 = arith.constant 0 : i32
            %dma_start3A_511 = tpu.memref_slice %arg3[%mul3A_2, %dma_start3A_510] : memref<10240x64xf32, #tpu.memory_space<hbm>> -> memref<640x64xf32, #tpu.memory_space<hbm>>
            tpu.enqueue_dma source(%dma_start3A_511 : memref<640x64xf32, #tpu.memory_space<hbm>>) target(%dma_start3A_509 : memref<640x64xf32, #tpu.memory_space<vmem_shared>>) target_semaphore(%run_scoped3A_507 : memref<!tpu.dma_semaphore, #tpu.memory_space<semaphore_mem>>)
            %dma_wait3A_512 = arith.constant 0 : i32
            %dma_wait3A_513 = tpu.memref_slice %arg12[%mul3A_2, %dma_wait3A_512] : memref<10240x64xf32, #tpu.memory_space<vmem_shared>> -> memref<640x64xf32, #tpu.memory_space<vmem_shared>>
            %dma_wait3A_514 = arith.constant 0 : i32
            %dma_wait3A_515 = tpu.memref_slice %arg3[%mul3A_2, %dma_wait3A_514] : memref<10240x64xf32, #tpu.memory_space<hbm>> -> memref<640x64xf32, #tpu.memory_space<hbm>>
            tpu.wait_dma2 semaphore(%run_scoped3A_507 : memref<!tpu.dma_semaphore, #tpu.memory_space<semaphore_mem>>) src(%dma_wait3A_515 : memref<640x64xf32, #tpu.memory_space<hbm>>) dst(%dma_wait3A_513 : memref<640x64xf32, #tpu.memory_space<vmem_shared>>)
            tpu.yield
          }) : () -> ()
        } else {
        }
        %barrier3A_500 = arith.constant 0 : index
        tpu.barrier barrier_id(%barrier3A_500)
        %eq3A_501 = arith.constant 0 : i32
        %eq3A_502 = arith.cmpi eq, %arg1, %eq3A_501 : i32
        %convert_element_type3A_503 = arith.extui %eq3A_502 : i1 to i32
        %cond3A_504 = arith.constant 0 : i32
        %cond3A_505 = arith.cmpi ne, %convert_element_type3A_503, %cond3A_504 : i32
        scf.if %cond3A_505 {
          %ne3A = arith.constant 0 : i32
          "tpu.trace_start"() <{level = 10 : i32, message = "sync_cores"}> : () -> ()
          %ne3A_507 = arith.cmpi ne, %arg0, %ne3A : i32
          %convert_element_type3A_508 = arith.extui %ne3A_507 : i1 to i32
          %cond3A_509 = arith.constant 0 : i32
          %cond3A_510 = arith.cmpi ne, %convert_element_type3A_508, %cond3A_509 : i32
          scf.if %cond3A_510 {
            %semaphore_signal3A = arith.constant 1 : i32
            %semaphore_signal3A_517 = arith.constant 0 : i32
            tpu.sem_signal %arg14, %semaphore_signal3A core_id %semaphore_signal3A_517 : memref<!tpu.semaphore, #tpu.memory_space<semaphore_mem>>
          } else {
          }
          %ne3A_511 = arith.constant 1 : i32
          %ne3A_512 = arith.cmpi ne, %arg0, %ne3A_511 : i32
          %convert_element_type3A_513 = arith.extui %ne3A_512 : i1 to i32
          %cond3A_514 = arith.constant 0 : i32
          %cond3A_515 = arith.cmpi ne, %convert_element_type3A_513, %cond3A_514 : i32
          scf.if %cond3A_515 {
            %semaphore_signal3A = arith.constant 1 : i32
            %semaphore_signal3A_517 = arith.constant 1 : i32
            tpu.sem_signal %arg14, %semaphore_signal3A core_id %semaphore_signal3A_517 : memref<!tpu.semaphore, #tpu.memory_space<semaphore_mem>>
          } else {
          }
          %semaphore_wait3A = arith.constant 1 : i32
          %semaphore_wait3A_516 = arith.constant true
          tpu.sem_wait %arg14, %semaphore_wait3A : memref<!tpu.semaphore, #tpu.memory_space<semaphore_mem>>
          "tpu.trace_stop"() : () -> ()
        } else {
        }
        %barrier3A_506 = arith.constant 0 : index
        tpu.barrier barrier_id(%barrier3A_506)
      } else {
      }
    }
    %scan3A_14 = arith.constant 10 : i32
    return
  }
}

module attributes {stable_mosaic.version = 14 : i64} {
  func.func @_mlp_block(%arg0: i32, %arg1: memref<1024x128xf32, #tpu.memory_space<vmem>>, %arg2: memref<128x128xf32, #tpu.memory_space<vmem>>, %arg3: memref<1x128xf32, #tpu.memory_space<vmem>>, %arg4: memref<128x64xf32, #tpu.memory_space<vmem>>, %arg5: memref<1x64xf32, #tpu.memory_space<vmem>>, %arg6: memref<1024x64xf32, #tpu.memory_space<vmem>>) attributes {dimension_semantics = [#tpu.dimension_semantics<arbitrary>], iteration_bounds = array<i64: 10>, scalar_prefetch = 0 : i64, scratch_operands = 0 : i64, tpu.core_type = #tpu.core_type<tc>, window_params = [{transform_indices = @transform_0, window_bounds = array<i64: 1024, 128>}, {pipeline_mode = #tpu.pipeline_mode<synchronous>, transform_indices = @transform_1, window_bounds = array<i64: 128, 128>}, {pipeline_mode = #tpu.pipeline_mode<synchronous>, transform_indices = @transform_2, window_bounds = array<i64: 1, 128>}, {pipeline_mode = #tpu.pipeline_mode<synchronous>, transform_indices = @transform_3, window_bounds = array<i64: 128, 64>}, {pipeline_mode = #tpu.pipeline_mode<synchronous>, transform_indices = @transform_4, window_bounds = array<i64: 1, 64>}, {transform_indices = @transform_5, window_bounds = array<i64: 1024, 64>}]} {
    %get3A = arith.constant 0 : index
    %get3A_0 = arith.constant 0 : index
    %get3A_1 = vector.load %arg1[%get3A, %get3A_0] : memref<1024x128xf32, #tpu.memory_space<vmem>>, vector<1024x128xf32>
    %get3A_2 = arith.constant 0 : index
    %get3A_3 = arith.constant 0 : index
    %get3A_4 = vector.load %arg2[%get3A_2, %get3A_3] : memref<128x128xf32, #tpu.memory_space<vmem>>, vector<128x128xf32>
    %dot_general3A = arith.constant dense<0.000000e+00> : vector<1024x128xf32>
    %dot_general3A_5 = tpu.matmul %get3A_1, %get3A_4, %dot_general3A {dimension_numbers = #tpu.dot_dimension_numbers<[1], [0], [0], [1], [0, 0, 1, 1], [], []>, transpose_lhs_hint = false} : vector<1024x128xf32>, vector<128x128xf32>, vector<1024x128xf32> -> vector<1024x128xf32>
    %get3A_6 = arith.constant 0 : index
    %get3A_7 = arith.constant 0 : index
    %get3A_8 = vector.load %arg3[%get3A_6, %get3A_7] : memref<1x128xf32, #tpu.memory_space<vmem>>, vector<1x128xf32>
    %add3A = vector.broadcast %get3A_8 : vector<1x128xf32> to vector<1024x128xf32>
    %add3A_9 = arith.addf %dot_general3A_5, %add3A : vector<1024x128xf32>
    %max3A = arith.constant 0.000000e+00 : f32
    %max3A_10 = vector.broadcast %max3A : f32 to vector<1024x128xf32>
    %max3A_11 = arith.maximumf %add3A_9, %max3A_10 : vector<1024x128xf32>
    %get3A_12 = arith.constant 0 : index
    %get3A_13 = arith.constant 0 : index
    %get3A_14 = vector.load %arg4[%get3A_12, %get3A_13] : memref<128x64xf32, #tpu.memory_space<vmem>>, vector<128x64xf32>
    %dot_general3A_15 = arith.constant dense<0.000000e+00> : vector<1024x64xf32>
    %dot_general3A_16 = tpu.matmul %max3A_11, %get3A_14, %dot_general3A_15 {dimension_numbers = #tpu.dot_dimension_numbers<[1], [0], [0], [1], [0, 0, 1, 1], [], []>, transpose_lhs_hint = false} : vector<1024x128xf32>, vector<128x64xf32>, vector<1024x64xf32> -> vector<1024x64xf32>
    %get3A_17 = arith.constant 0 : index
    %get3A_18 = arith.constant 0 : index
    %get3A_19 = vector.load %arg5[%get3A_17, %get3A_18] : memref<1x64xf32, #tpu.memory_space<vmem>>, vector<1x64xf32>
    %add3A_20 = vector.broadcast %get3A_19 : vector<1x64xf32> to vector<1024x64xf32>
    %add3A_21 = arith.addf %dot_general3A_16, %add3A_20 : vector<1024x64xf32>
    %swap3A = arith.constant 0 : index
    %swap3A_22 = arith.constant 0 : index
    %swap3A_23 = vector.load %arg6[%swap3A, %swap3A_22] : memref<1024x64xf32, #tpu.memory_space<vmem>>, vector<1024x64xf32>
    tpu.vector_store %arg6[%swap3A, %swap3A_22], %add3A_21 {strides = array<i32>} : memref<1024x64xf32, #tpu.memory_space<vmem>>, vector<1024x64xf32>,
    return
  }
  func.func @transform_0(%arg0: i32) -> (i32, i32) {
    %c0_i32 = arith.constant 0 : i32
    %c0_i32_0 = arith.constant 0 : i32
    return %arg0, %c0_i32 : i32, i32
  }
  func.func @transform_1(%arg0: i32) -> (i32, i32) {
    %c0_i32 = arith.constant 0 : i32
    %c0_i32_0 = arith.constant 0 : i32
    %c0_i32_1 = arith.constant 0 : i32
    return %c0_i32, %c0_i32_0 : i32, i32
  }
  func.func @transform_2(%arg0: i32) -> (i32, i32) {
    %c0_i32 = arith.constant 0 : i32
    %c0_i32_0 = arith.constant 0 : i32
    %c0_i32_1 = arith.constant 0 : i32
    return %c0_i32, %c0_i32_0 : i32, i32
  }
  func.func @transform_3(%arg0: i32) -> (i32, i32) {
    %c0_i32 = arith.constant 0 : i32
    %c0_i32_0 = arith.constant 0 : i32
    %c0_i32_1 = arith.constant 0 : i32
    return %c0_i32, %c0_i32_0 : i32, i32
  }
  func.func @transform_4(%arg0: i32) -> (i32, i32) {
    %c0_i32 = arith.constant 0 : i32
    %c0_i32_0 = arith.constant 0 : i32
    %c0_i32_1 = arith.constant 0 : i32
    return %c0_i32, %c0_i32_0 : i32, i32
  }
  func.func @transform_5(%arg0: i32) -> (i32, i32) {
    %c0_i32 = arith.constant 0 : i32
    %c0_i32_0 = arith.constant 0 : i32
    return %arg0, %c0_i32 : i32, i32
  }
}

module attributes {stable_mosaic.version = 14 : i64} {
  func.func @_prep_block(%arg0: i32, %arg1: memref<1024x64xf32, #tpu.memory_space<vmem>>, %arg2: memref<2x1024xf32, #tpu.memory_space<vmem>>, %arg3: memref<1024x64xf32, #tpu.memory_space<vmem>>, %arg4: memref<1024x64xf32, #tpu.memory_space<vmem>>, %arg5: memref<1024x64xf32, #tpu.memory_space<vmem>>, %arg6: memref<1024x1xf32, #tpu.memory_space<vmem>>) attributes {dimension_semantics = [#tpu.dimension_semantics<arbitrary>], iteration_bounds = array<i64: 10>, scalar_prefetch = 0 : i64, scratch_operands = 0 : i64, tpu.core_type = #tpu.core_type<tc>, window_params = [{transform_indices = @transform_0, window_bounds = array<i64: 1024, 64>}, {transform_indices = @transform_1, window_bounds = array<i64: 2, 1024>}, {transform_indices = @transform_2, window_bounds = array<i64: 1024, 64>}, {transform_indices = @transform_3, window_bounds = array<i64: 1024, 64>}, {transform_indices = @transform_4, window_bounds = array<i64: 1024, 64>}, {transform_indices = @transform_5, window_bounds = array<i64: 1024, 1>}]} {
    %get3A = arith.constant 0 : index
    %get3A_0 = arith.constant 0 : index
    %get3A_1 = vector.load %arg2[%get3A, %get3A_0] : memref<2x1024xf32, #tpu.memory_space<vmem>>, vector<2x1024xf32>
    %slice3A = vector.extract_strided_slice %get3A_1 {offsets = [0, 0], sizes = [1, 1024], strides = [1, 1]} : vector<2x1024xf32> to vector<1x1024xf32>
    %squeeze3A = vector.shape_cast %slice3A : vector<1x1024xf32> to vector<1024xf32>
    %slice3A_2 = vector.extract_strided_slice %get3A_1 {offsets = [1, 0], sizes = [1, 1024], strides = [1, 1]} : vector<2x1024xf32> to vector<1x1024xf32>
    %squeeze3A_3 = vector.shape_cast %slice3A_2 : vector<1x1024xf32> to vector<1024xf32>
    %add3A = arith.addf %squeeze3A, %squeeze3A_3 : vector<1024xf32>
    %add3A_4 = arith.constant 1.000000e+00 : f32
    %add3A_5 = vector.broadcast %add3A_4 : f32 to vector<1024xf32>
    %add3A_6 = arith.addf %add3A, %add3A_5 : vector<1024xf32>
    %max3A = arith.constant 1.000000e+00 : f32
    %max3A_7 = vector.broadcast %max3A : f32 to vector<1024xf32>
    %max3A_8 = arith.maximumf %add3A_6, %max3A_7 : vector<1024xf32>
    %rsqrt3A = math.rsqrt %max3A_8 : vector<1024xf32>
    %div3A = arith.constant 1.000000e+00 : f32
    %div3A_9 = vector.broadcast %div3A : f32 to vector<1024xf32>
    %div3A_10 = arith.divf %div3A_9, %max3A_8 : vector<1024xf32>
    %get3A_11 = arith.constant 0 : index
    %get3A_12 = arith.constant 0 : index
    %get3A_13 = vector.load %arg1[%get3A_11, %get3A_12] : memref<1024x64xf32, #tpu.memory_space<vmem>>, vector<1024x64xf32>
    %broadcast_in_dim3A = vector.shape_cast %rsqrt3A : vector<1024xf32> to vector<1024x1xf32>
    %mul3A = vector.broadcast %broadcast_in_dim3A : vector<1024x1xf32> to vector<1024x64xf32>
    %mul3A_14 = arith.mulf %mul3A, %get3A_13 : vector<1024x64xf32>
    %swap3A = arith.constant 0 : index
    %swap3A_15 = arith.constant 0 : index
    %swap3A_16 = vector.load %arg3[%swap3A, %swap3A_15] : memref<1024x64xf32, #tpu.memory_space<vmem>>, vector<1024x64xf32>
    tpu.vector_store %arg3[%swap3A, %swap3A_15], %mul3A_14 {strides = array<i32>} : memref<1024x64xf32, #tpu.memory_space<vmem>>, vector<1024x64xf32>,
    %mul3A_17 = arith.mulf %max3A_8, %rsqrt3A : vector<1024xf32>
    %broadcast_in_dim3A_18 = vector.shape_cast %mul3A_17 : vector<1024xf32> to vector<1024x1xf32>
    %mul3A_19 = arith.constant 0.111111112 : f32
    %mul3A_20 = vector.broadcast %mul3A_19 : f32 to vector<1024x1xf32>
    %mul3A_21 = arith.mulf %mul3A_20, %broadcast_in_dim3A_18 : vector<1024x1xf32>
    %mul3A_22 = vector.broadcast %mul3A_21 : vector<1024x1xf32> to vector<1024x64xf32>
    %mul3A_23 = arith.mulf %mul3A_22, %get3A_13 : vector<1024x64xf32>
    %swap3A_24 = arith.constant 0 : index
    %swap3A_25 = arith.constant 0 : index
    %swap3A_26 = vector.load %arg4[%swap3A_24, %swap3A_25] : memref<1024x64xf32, #tpu.memory_space<vmem>>, vector<1024x64xf32>
    tpu.vector_store %arg4[%swap3A_24, %swap3A_25], %mul3A_23 {strides = array<i32>} : memref<1024x64xf32, #tpu.memory_space<vmem>>, vector<1024x64xf32>,
    %mul3A_27 = arith.constant 0.899999976 : f32
    %mul3A_28 = vector.broadcast %mul3A_27 : f32 to vector<1024xf32>
    %mul3A_29 = arith.mulf %mul3A_28, %div3A_10 : vector<1024xf32>
    %broadcast_in_dim3A_30 = vector.shape_cast %mul3A_29 : vector<1024xf32> to vector<1024x1xf32>
    %broadcast_in_dim3A_31 = vector.shape_cast %broadcast_in_dim3A_30 : vector<1024x1xf32> to vector<1024x1xf32>
    %broadcast_in_dim3A_32 = vector.broadcast %broadcast_in_dim3A_31 : vector<1024x1xf32> to vector<1024x64xf32>
    %swap3A_33 = arith.constant 0 : index
    %swap3A_34 = arith.constant 0 : index
    %swap3A_35 = vector.load %arg5[%swap3A_33, %swap3A_34] : memref<1024x64xf32, #tpu.memory_space<vmem>>, vector<1024x64xf32>
    tpu.vector_store %arg5[%swap3A_33, %swap3A_34], %broadcast_in_dim3A_32 {strides = array<i32>} : memref<1024x64xf32, #tpu.memory_space<vmem>>, vector<1024x64xf32>,
    %mul3A_36 = arith.constant 0.899999976 : f32
    %mul3A_37 = vector.broadcast %mul3A_36 : f32 to vector<1024xf32>
    %mul3A_38 = arith.mulf %mul3A_37, %rsqrt3A : vector<1024xf32>
    %broadcast_in_dim3A_39 = vector.shape_cast %mul3A_38 : vector<1024xf32> to vector<1024x1xf32>
    %swap3A_40 = arith.constant 0 : index
    %swap3A_41 = arith.constant 0 : index
    %swap3A_42 = vector.load %arg6[%swap3A_40, %swap3A_41] : memref<1024x1xf32, #tpu.memory_space<vmem>>, vector<1024x1xf32>
    tpu.vector_store %arg6[%swap3A_40, %swap3A_41], %broadcast_in_dim3A_39 {strides = array<i32>} : memref<1024x1xf32, #tpu.memory_space<vmem>>, vector<1024x1xf32>,
    return
  }
  func.func @transform_0(%arg0: i32) -> (i32, i32) {
    %c0_i32 = arith.constant 0 : i32
    %c0_i32_0 = arith.constant 0 : i32
    return %arg0, %c0_i32 : i32, i32
  }
  func.func @transform_1(%arg0: i32) -> (i32, i32) {
    %c0_i32 = arith.constant 0 : i32
    %c0_i32_0 = arith.constant 0 : i32
    return %c0_i32, %arg0 : i32, i32
  }
  func.func @transform_2(%arg0: i32) -> (i32, i32) {
    %c0_i32 = arith.constant 0 : i32
    %c0_i32_0 = arith.constant 0 : i32
    return %arg0, %c0_i32 : i32, i32
  }
  func.func @transform_3(%arg0: i32) -> (i32, i32) {
    %c0_i32 = arith.constant 0 : i32
    %c0_i32_0 = arith.constant 0 : i32
    return %arg0, %c0_i32 : i32, i32
  }
  func.func @transform_4(%arg0: i32) -> (i32, i32) {
    %c0_i32 = arith.constant 0 : i32
    %c0_i32_0 = arith.constant 0 : i32
    return %arg0, %c0_i32 : i32, i32
  }
  func.func @transform_5(%arg0: i32) -> (i32, i32) {
    %c0_i32 = arith.constant 0 : i32
    %c0_i32_0 = arith.constant 0 : i32
    return %arg0, %c0_i32 : i32, i32
  }
}

module attributes {stable_mosaic.version = 14 : i64} {
  func.func @_combine_block(%arg0: i32, %arg1: memref<2x1024x64xf32, #tpu.memory_space<vmem>>, %arg2: memref<1024x1xf32, #tpu.memory_space<vmem>>, %arg3: memref<1024x64xf32, #tpu.memory_space<vmem>>) attributes {dimension_semantics = [#tpu.dimension_semantics<arbitrary>], iteration_bounds = array<i64: 10>, scalar_prefetch = 0 : i64, scratch_operands = 0 : i64, tpu.core_type = #tpu.core_type<tc>, window_params = [{transform_indices = @transform_0, window_bounds = array<i64: 2, 1024, 64>}, {transform_indices = @transform_1, window_bounds = array<i64: 1024, 1>}, {transform_indices = @transform_2, window_bounds = array<i64: 1024, 64>}]} {
    %get3A = arith.constant 0 : index
    %get3A_0 = arith.constant 0 : index
    %get3A_1 = vector.load %arg2[%get3A, %get3A_0] : memref<1024x1xf32, #tpu.memory_space<vmem>>, vector<1024x1xf32>
    %get3A_2 = arith.constant 0 : index
    %get3A_3 = arith.constant 0 : index
    %get3A_4 = arith.constant 0 : index
    %get3A_5 = vector.load %arg1[%get3A_2, %get3A_3, %get3A_4] : memref<2x1024x64xf32, #tpu.memory_space<vmem>>, vector<1x1024x64xf32>
    %get3A_6 = vector.shape_cast %get3A_5 : vector<1x1024x64xf32> to vector<1024x64xf32>
    %get3A_7 = arith.constant 1 : index
    %get3A_8 = arith.constant 0 : index
    %get3A_9 = arith.constant 0 : index
    %get3A_10 = vector.load %arg1[%get3A_7, %get3A_8, %get3A_9] : memref<2x1024x64xf32, #tpu.memory_space<vmem>>, vector<1x1024x64xf32>
    %get3A_11 = vector.shape_cast %get3A_10 : vector<1x1024x64xf32> to vector<1024x64xf32>
    %add3A = arith.addf %get3A_6, %get3A_11 : vector<1024x64xf32>
    %mul3A = vector.broadcast %get3A_1 : vector<1024x1xf32> to vector<1024x64xf32>
    %mul3A_12 = arith.mulf %mul3A, %add3A : vector<1024x64xf32>
    %swap3A = arith.constant 0 : index
    %swap3A_13 = arith.constant 0 : index
    %swap3A_14 = vector.load %arg3[%swap3A, %swap3A_13] : memref<1024x64xf32, #tpu.memory_space<vmem>>, vector<1024x64xf32>
    tpu.vector_store %arg3[%swap3A, %swap3A_13], %mul3A_12 {strides = array<i32>} : memref<1024x64xf32, #tpu.memory_space<vmem>>, vector<1024x64xf32>,
    return
  }
  func.func @transform_0(%arg0: i32) -> (i32, i32, i32) {
    %c0_i32 = arith.constant 0 : i32
    %c0_i32_0 = arith.constant 0 : i32
    %c0_i32_1 = arith.constant 0 : i32
    return %c0_i32, %arg0, %c0_i32_0 : i32, i32, i32
  }
  func.func @transform_1(%arg0: i32) -> (i32, i32) {
    %c0_i32 = arith.constant 0 : i32
    %c0_i32_0 = arith.constant 0 : i32
    return %arg0, %c0_i32 : i32, i32
  }
  func.func @transform_2(%arg0: i32) -> (i32, i32) {
    %c0_i32 = arith.constant 0 : i32
    %c0_i32_0 = arith.constant 0 : i32
    return %arg0, %c0_i32 : i32, i32
  }
}

</mosaic_0001>

<sc_bundles>
// kernel: kernel.10.cloned.1.call-start
scs
__scs_entry_jumppad:
0x0: {  	(pc) =	sbr.rel $0x88, $3  }
0x1: {  	(tag) =	ssettag $0x0;
	lr =	simm.s32 $0x1  }
0x2: {  	[smem:$0x3F9B] =	sst lr;
	_ =	strace $0xD0000000  }
0x3: {  	_ = 	snop  }
0x4: {  	_ = 	snop  }
0x5: {  	_ = 	snop  }
0x6: {  	_ = 	snop  }
0x7: {  	_ = 	snop  }
__scs_overlays_trampoline_lowered:
0x8: {  	[smem:$0x3FAA] =	sst s0  }
0x9: {  	[smem:$0x3FAB] =	sst s1  }
0xa: {  	[smem:$0x3FAC] =	sst s2  }
0xb: {  	[smem:$0x3FAD] =	sst s3  }
0xc: {  	[smem:$0x3FAE] =	sst s4  }
0xd: {  	[smem:$0x3FAF] =	sst s5  }
0xe: {  	[smem:$0x3FB0] =	sst s6  }
0xf: {  	[smem:$0x3FB1] =	sst s7  }
0x10: {  	[smem:$0x3FB2] =	sst s8  }
0x11: {  	[smem:$0x3FB3] =	sst s9;
	s0 =	simm.s32 @!p0 $0x0  }
0x12: {  	s1 =	sld [smem:$0x3F99];
	s0 =	simm.s32 @p0 $0x1  }
0x13: {  	[smem:$0x3FB4] =	sst s0;
	s0 =	simm.s32 @!p1 $0x0  }
0x14: {  	s2 =	sld [smem:$0x3F98];
	s0 =	simm.s32 @p1 $0x1  }
0x15: {  	[smem:$0x3FB5] =	sst s0;
	s0 =	simm.s32 @!p2 $0x0  }
0x16: {  	s3 =	sld [smem:$0x3FDB];
	s0 =	simm.s32 @p2 $0x1  }
0x17: {  	s4 =	simm.s32 $0x1BF5;
	[smem:$0x3FB7] =	sst s0  }
0x18: {  	s0 =	sld [smem:$0x3F9A];
	_ =	swait.ge [sflag:s4], $0x0  }
0x19: {  	s7 =	sld [smem:$0x3F9B]  }
0x1a: {  	s8 =	sadd.s32 $0xFFFFE003, lr  }
0x1b: {  	s9 =	sadd.s32 $0xFFFFFEF7, lr;
	s5 =	simm.s32 $0xFFFFFFFF;
	p2 =	slt.u32 s8, $0xFFFFF086  }
0x1c: {  	p1 =	slt.u32 s9, $0xF7A;
	s5 =	simm.s32 @!p2 $0x0  }
0x1d: {  	s5 =	simm.s32 @p1 $0x1;
	p0 =	seq.s32 s7, s2  }
0x1e: {  	s7 =	smul.u32 @!p0 $0xF7A, s2;
	p2 =	seq.s32 @!p0 s5, $0x0  }
0x1f: {  	s9 =	smul.u32 $0xF7A, s1;
	s8 =	simm.s32 @!p0 $0x1BF5;
	p2 =	por !p2, p0  }
0x20: {  	[sflag:s8] =	ssyncset.s32 @!p0 $0xFFFFF086;
	s6 =	sadd.s32 @!p0 s3, s7;
	s7 =	simm.s32 @!p0 $0x108  }
0x21: {  	s3 =	sadd.s32 s3, s9;
	s6 =	sadd.s32 @!p0 $0x88, s6;
	s7 =	simm.s32 @p2 $0x1082  }
0x22: {  	[simem:s7], [sflag:s8] =	dma.local @!p0 [hbm:s6], $0xF7A  }
0x23: {  	s9 =	sor.u32 $0xD0000000, s2;
	s6 =	simm.s32 $0x108;
	_ =	swait.ge @!p0 [sflag:s8], $0x0  }
0x24: {  	s3 =	sadd.s32 $0x88, s3;
	s6 =	simm.s32 @!p1 $0x1082;
	[sflag:s4] =	ssyncset.s32 $0xFFFFF086  }
0x25: {  	[simem:s6], [sflag:s4] =	dma.local [hbm:s3], $0xF7A  }
0x26: {  	[smem:$0x3F9B] =	sst s1;
	(tag) =	ssettag s2;
	_ =	strace s9  }
0x27: {  	s1 =	sld [smem:$0x3FAB]  }
0x28: {  	s2 =	sld [smem:$0x3FAC]  }
0x29: {  	s4 =	sld [smem:$0x3FAE]  }
0x2a: {  	p0 =	seq.s32 s5, $0x0;
	s5 =	sld [smem:$0x3FAF]  }
0x2b: {  	s6 =	sld [smem:$0x3FB0]  }
0x2c: {  	s7 =	sld [smem:$0x3FB1]  }
0x2d: {  	s3 =	simm.s32 $0x108;
	s8 =	sld [smem:$0x3FB2]  }
0x2e: {  	s3 =	simm.s32 @!p0 $0x1082;
	s9 =	sld [smem:$0x3FB3]  }
0x2f: {  	lr =	sadd.s32 s0, s3;
	s0 =	sld [smem:$0x3FAA]  }
0x30: {  	s3 =	sld [smem:$0x3FAD]  }
0x31: {  	[smem:$0x3FB6] =	sst s10  }
0x32: {  	s10 =	sld [smem:$0x3FB4];
	_ =	sdelay $0x3  }
0x33: {  	p0 =	seq.s32 s10, $0x1;
	s10 =	sld [smem:$0x3FB6];
	_ =	sdelay $0x3  }
0x34: {  	[smem:$0x3FB6] =	sst s10  }
0x35: {  	s10 =	sld [smem:$0x3FB5];
	_ =	sdelay $0x3  }
0x36: {  	p1 =	seq.s32 s10, $0x1;
	s10 =	sld [smem:$0x3FB6];
	_ =	sdelay $0x3  }
0x37: {  	[smem:$0x3FB6] =	sst s10  }
0x38: {  	s10 =	sld [smem:$0x3FB7]  }
0x39: {  	_ = 	snop;
	(pc) =	sbr.ind lr, $3  }
0x3a: {  	_ = 	snop  }
0x3b: {  	_ = 	snop  }
0x3c: {  	p2 =	seq.s32 s10, $0x1;
	s10 =	sld [smem:$0x3FB6]  }
0x3d: {  	_ =	shalt  }
0x3e: {  	_ =	shalt  }
0x3f: {  	_ =	shalt  }
0x40: {  	_ =	shalt  }
0x41: {  	_ =	shalt  }
0x42: {  	_ =	shalt  }
0x43: {  	_ =	shalt  }
0x44: {  	_ =	shalt  }
0x45: {  	_ =	shalt  }
0x46: {  	_ =	shalt  }
0x47: {  	_ =	shalt  }
0x48: {  	_ =	shalt  }
0x49: {  	_ =	shalt  }
0x4a: {  	_ =	shalt  }
0x4b: {  	_ =	shalt  }
0x4c: {  	_ =	shalt  }
0x4d: {  	_ =	shalt  }
0x4e: {  	_ =	shalt  }
0x4f: {  	_ =	shalt  }
0x50: {  	_ =	shalt  }
0x51: {  	_ =	shalt  }
0x52: {  	_ =	shalt  }
0x53: {  	_ =	shalt  }
0x54: {  	_ =	shalt  }
0x55: {  	_ =	shalt  }
0x56: {  	_ =	shalt  }
0x57: {  	_ =	shalt  }
0x58: {  	_ =	shalt  }
0x59: {  	_ =	shalt  }
0x5a: {  	_ =	shalt  }
0x5b: {  	_ =	shalt  }
0x5c: {  	_ =	shalt  }
0x5d: {  	_ =	shalt  }
0x5e: {  	_ =	shalt  }
0x5f: {  	_ =	shalt  }
0x60: {  	_ =	shalt  }
0x61: {  	_ =	shalt  }
0x62: {  	_ =	shalt  }
0x63: {  	_ =	shalt  }
0x64: {  	_ =	shalt  }
0x65: {  	_ =	shalt  }
0x66: {  	_ =	shalt  }
0x67: {  	_ =	shalt  }
0x68: {  	_ =	shalt  }
0x69: {  	_ =	shalt  }
0x6a: {  	_ =	shalt  }
0x6b: {  	_ =	shalt  }
0x6c: {  	_ =	shalt  }
0x6d: {  	_ =	shalt  }
0x6e: {  	_ =	shalt  }
0x6f: {  	_ =	shalt  }
0x70: {  	_ =	shalt  }
0x71: {  	_ =	shalt  }
0x72: {  	_ =	shalt  }
0x73: {  	_ =	shalt  }
0x74: {  	_ =	shalt  }
0x75: {  	_ =	shalt  }
0x76: {  	_ =	shalt  }
0x77: {  	_ =	shalt  }
0x78: {  	_ =	shalt  }
0x79: {  	_ =	shalt  }
0x7a: {  	_ =	shalt  }
0x7b: {  	_ =	shalt  }
0x7c: {  	_ =	shalt  }
0x7d: {  	_ =	shalt  }
0x7e: {  	_ =	shalt  }
0x7f: {  	_ =	shalt  }
0x80: {  	_ =	shalt  }
0x81: {  	_ =	shalt  }
0x82: {  	_ =	shalt  }
0x83: {  	_ =	shalt  }
0x84: {  	_ =	shalt  }
0x85: {  	_ =	shalt  }
0x86: {  	_ =	shalt  }
0x87: {  	_ =	shalt  }
.Lfunc_end0:
.L_simem_size_0:
called_computation.1_lowered:
.L_overlay_start_0:
0x88: {  	s2 =	sld [smem:$0x3FD9]  }
0x89: {  	s3 =	sld [smem:$0x3FFE];
	_ =	sdelay $0x1  }
0x8a: {  	s1 =	srdreg.scid  }
0x8b: {  	s0 =	sand.u32 $0x1, s1  }
0x8c: {  	s17 =	sshll.u32 s0, $0xA;
	s2 =	sadd.s32 s3, s2  }
0x8d: {  	s2 =	sadd.s32 s2, s17  }
0x8e: {  	[smem:$0x3FC2] =	sst s2  }
0x8f: {  	_ = 	snop  }
0x90: {  	s2 =	sld [smem:$0x3FD0];
	(tm) =	ssettm $0x1  }
0x91: {  	s18 =	sld [smem:$0x3FFB];
	_ =	sdelay $0x3  }
0x92: {  	_ =	strace s18  }
0x93: {  	s3 =	sld [smem:$0x3FFC];
	_ =	sdelay $0x3  }
0x94: {  	_ =	strace s3  }
0x95: {  	s3 =	sld [smem:$0x3FFD];
	_ =	sdelay $0x3  }
0x96: {  	_ =	strace s3  }
0x97: {  	_ =	strace $0x8FFFFFFF  }
0x98: {  	s19 =	sld [smem:$0x3FDB];
	_ =	sdelay $0x1  }
0x99: {  	s4 =	simm.s32 $_scs_section_size  }
0x9a: {  	s5 =	simm.s32 $_size__tile_overlayer_lowered;
	s6 =	simm.s32 $_tile_overlayer_lowered  }
0x9b: {  	s22 =	simm.s32 $0x1BFF;
	s21 =	sshll.u32 s6, $0x1;
	s3 =	sadd.s32 s4, s19  }
0x9c: {  	s7 =	simm.s32 $0x0;
	s20 =	sshll.u32 s5, $0x1;
	s5 =	sadd.s32 s21, s3  }
0x9d: {  	[timem:s7], [sflag:s22] =	dma.local [hbm:s5], s20  }
0x9e: {  	_ =	swait.ge [sflag:s22], s20  }
0x9f: {  	s4 =	ssub.s32 $0x0, s20;
	[sflag:s22] =	ssyncset.done $0x0  }
0xa0: {  	[sflag:s22] =	ssyncadd.s32 s4;
	_ =	sdelay $0x1  }
0xa1: {  	s23 =	simm.s32 $0x1B8B  }
0xa2: {  	_ =	swait.ge [sflag:s23], $0x1  }
0xa3: {  	[sflag:s23] =	ssyncset.done $0x0  }
0xa4: {  	s25 =	simm.s32 $0x1B8E;
	s24 =	sld [smem:$0x3FFE];
	[sflag:s23] =	ssyncadd.s32 $0xFFFFFFFF  }
0xa5: {  	s26 =	simm.s32 $execute0_lowered;
	[smem:$0x3FD2] =	sst s25  }
0xa6: {  	s5 =	sshll.u32 s26, $0x1;
	_ =	strace $0x80000049;
	[dreg:$0x1] =	wrdreg $0xFFFFFFFF  }
0xa7: {  	s28 =	simm.s32 $_size_execute0_lowered;
	s3 =	sadd.s32 s3, s5;
	[dreg:$0x0] =	wrdreg $0x0  }
0xa8: {  	s5 =	sshll.u32 s28, $0x1;
	[dreg:$0x2] =	wrdreg s3  }
0xa9: {  	[dreg:$0x3] =	wrdreg s5  }
0xaa: {  	[dreg:$0x4] =	wrdreg $0xC0  }
0xab: {  	_ =	task [dreg:s7], $0x5FFFF  }
0xac: {  	[dreg:$0x1] =	wrdreg $0xFFFFFFFF  }
0xad: {  	[dreg:$0x0] =	wrdreg $0x60  }
0xae: {  	[dreg:$0x2] =	wrdreg s24  }
0xaf: {  	[dreg:$0x3] =	wrdreg s2  }
0xb0: {  	[dreg:$0x4] =	wrdreg $0x15D000  }
0xb1: {  	[dreg:$0x5] =	wrdreg $0x9  }
0xb2: {  	_ =	task.clear_ibuf [dreg:s7], $0x6FFFF;
	_ =	strace $0x90000049  }
0xb3: {  	s29 =	simm.s32 $0x9;
	_ =	strace $0x8000004D  }
0xb4: {  	_ =	swait.ge [sflag:s29], $0x1  }
0xb5: {  	[sflag:s29] =	ssyncadd.s32 $0xFFFFFFFF  }
0xb6: {  	_ =	strace $0x9000004D  }
0xb7: {  	_ =	sfence  }
0xb8: {  	s30 =	sld [smem:$0x0];
	_ =	sdelay $0x2  }
0xb9: {  	s31 =	sshll.u32 s1, $0xD;
	s1 =	sshrl.u32 s1, $0x2  }
0xba: {  	s3 =	sand.u32 $0x4000, s31;
	s1 =	sadd.s32 s1, s30  }
0xbb: {  	s0 =	sor.u32 s3, s0;
	s1 =	sshll.u32 s1, $0x11  }
0xbc: {  	s0 =	sor.u32 s1, s0  }
0xbd: {  	s0 =	sadd.s32 $0x8F2B, s0  }
0xbe: {  	[sflag:s0] =	ssyncadd.remote.s32 $0x1  }
0xbf: {  	_ =	sfence.sel $0xFFFF  }
0xc0: {  	[dreg:$0x0] =	wrdreg $0xFFFFFFFF;
	(pc) =	sbr.abs _section_cstart, $3  }
0xc1: {  	[dreg:$0x1] =	wrdreg $0xFFFFFFFF  }
0xc2: {  	_ =	task.clear_ibuf [dreg:s7], $0x2FFFF;
	_ =	strace $0x9FFFFFFF  }
0xc3: {  	(tm) =	ssettm $0x7FFFFFFF  }
tec
execute0_lowered:
.L_overlay_start_1:
0x0: {  	(tag) =	ssettag $0x1  }
0x1: {  	s0 =	srdreg.scid;
	s4 =	rddreg [dreg:$0x0]  }
0x2: {  	s21 =	stileid.u32;
	s6 =	rddreg [dreg:$0x1];
	s28 =	simm.s32 $0x9D00  }
0x3: {  	s29 =	simm.s32 $0xBD00;
	s3 =	sand.u32 $0x1, s0;
	s2 =	smul.u32 $0xA000, s21  }
0x4: {  	s9 =	sadd.s32 $0x2200, s4;
	s12 =	sadd.s32 $0x7AE00, s4;
	s16 =	sadd.s32 $0x52E00, s4  }
0x5: {  	p2 =	sne.s32 s21, $0x0;
	p3 =	seq.s32 s21, $0x0;
	s1 =	sshll.u32 s3, $0x4  }
0x6: {  	s11 =	sxor.u32 $0x1, s3;
	s13 =	ssub.s32 $0x2, s3;
	s17 =	smul.u32 $0xA0000, s3  }
0x7: {  	p0 =	seq.s32 s3, $0x0;
	p1 =	sne.s32 s3, $0x0;
	s5 =	sor.u32 s21, s1  }
0x8: {  	s1 =	simm.s32 $0x0;
	s7 =	sshrl.u32 s2, $0x3;
	s11 =	smul.u32 $0xA0000, s11  }
0x9: {  	s23 =	sshrl.u32 s13, $0x1;
	s18 =	sadd.s32 $0x2000, s2;
	s19 =	sadd.s32 $0x6000, s2  }
0xa: {  	s22 =	sadd.s32 $0x8000, s2;
	s8 =	smul.u32 $0x9D0, s5;
	[smem:$0x7FF] =	sst s1  }
0xb: {  	s5 =	sadd.s32 s7, s4;
	s25 =	sadd.s32 s2, s17;
	s7 =	sadd.s32 s9, s7  }
0xc: {  	s20 =	sshrl.u32 s19, $0x3;
	s24 =	sadd.s32 s2, s11;
	s26 =	sadd.s32 s18, s11  }
0xd: {  	[dreg:$0x6] =	wrdreg s7;
	s10 =	sadd.s32 s8, s4;
	s4 =	ssub.s32 s13, s23  }
0xe: {  	s6 =	sadd.s32 s6, s8;
	s8 =	sshrl.u32 s25, $0x3;
	s13 =	sshrl.u32 s18, $0x3  }
0xf: {  	[dreg:$0x4] =	wrdreg s6;
	s6 =	sshrl.u32 s24, $0x3;
	s14 =	sadd.s32 s9, s13  }
0x10: {  	s23 =	sshrl.u32 s22, $0x3;
	s6 =	sadd.s32 s12, s6;
	[dreg:$0x8] =	wrdreg s14  }
0x11: {  	s24 =	sadd.s32 s9, s23;
	[dreg:$0x5] =	wrdreg s6;
	s6 =	sshrl.u32 s26, $0x3  }
0x12: {  	[dreg:$0xb] =	wrdreg s24;
	s14 =	sadd.s32 s12, s8;
	s6 =	sadd.s32 s12, s6  }
0x13: {  	s26 =	sadd.s32 s19, s11;
	[dreg:$0x7] =	wrdreg s6;
	s6 =	sadd.s32 $0x4000, s2  }
0x14: {  	[dreg:$0xf] =	wrdreg s14;
	s14 =	sadd.s32 s16, s8;
	s15 =	sshrl.u32 s6, $0x3  }
0x15: {  	s25 =	sadd.s32 s6, s11;
	s11 =	sadd.s32 s22, s11;
	s24 =	sadd.s32 s17, s6  }
0x16: {  	s7 =	sadd.s32 s9, s15;
	s11 =	sshrl.u32 s11, $0x3;
	s15 =	sshrl.u32 s17, $0x3  }
0x17: {  	[dreg:$0x9] =	wrdreg s7;
	s7 =	sadd.s32 s9, s20;
	s9 =	sshrl.u32 s26, $0x3  }
0x18: {  	s13 =	sadd.s32 s12, s11;
	s20 =	sadd.s32 s17, s18;
	s15 =	sadd.s32 s16, s15  }
0x19: {  	s26 =	sadd.s32 s17, s19;
	[dreg:$0xa] =	wrdreg s7;
	s7 =	sshrl.u32 s25, $0x3  }
0x1a: {  	[dreg:$0xe] =	wrdreg s13;
	s23 =	sshrl.u32 s20, $0x3;
	s25 =	sshrl.u32 s24, $0x3  }
0x1b: {  	s8 =	sshrl.u32 s26, $0x3;
	s20 =	rddreg [dreg:$0x2];
	s13 =	sadd.s32 $0x3EE00, s5  }
0x1c: {  	s26 =	sshrl.u32 s0, $0x2;
	s7 =	sadd.s32 s12, s7;
	s30 =	sadd.s32 s18, s20  }
0x1d: {  	s31 =	sadd.s32 s6, s20;
	[dreg:$0xc] =	wrdreg s7;
	s7 =	sadd.s32 s12, s9  }
0x1e: {  	s18 =	sadd.s32 s19, s20;
	[dreg:$0xd] =	wrdreg s7;
	s7 =	sadd.s32 s16, s23  }
0x1f: {  	s9 =	sadd.s32 s17, s22;
	[dreg:$0x10] =	wrdreg s7;
	s7 =	sadd.s32 s16, s25  }
0x20: {  	s11 =	sshrl.u32 s9, $0x3;
	[dreg:$0x11] =	wrdreg s7;
	s7 =	sadd.s32 s16, s8  }
0x21: {  	s6 =	simm.s32 $0xFD00;
	[dreg:$0x12] =	wrdreg s7;
	s7 =	sadd.s32 s16, s11  }
0x22: {  	s12 =	sadd.s32 $0x2B400, s10;
	s17 =	sadd.s32 $0x16200, s5;
	[dreg:$0x13] =	wrdreg s7  }
0x23: {  	s5 =	simm.s32 $0x13D00;
	_ =	strace $0x8000004A;
	[dreg:$0x14] =	wrdreg s12  }
0x24: {  	s23 =	sadd.s32 s2, s20;
	s16 =	sand.u32 $0x2, s0;
	[dreg:$0x15] =	wrdreg s13  }
0x25: {  	s25 =	smax.u32 s4, $0x1;
	s24 =	sor.u32 $0x4, s16;
	[dreg:$0x16] =	wrdreg s17  }
.Ltmp0:
0x26: {  	s3 =	sor.u32 $0x5, s16;
	[dreg:$0x17] =	wrdreg s24;
	(pc) =	sbr.rel .LBB2_1-.Ltmp0, $4  }
0x27: {  	s4 =	simm.s32 $0x11D00;
	s8 =	simm.s32 $0x0;
	[dreg:$0x18] =	wrdreg s3  }
0x28: {  	s0 =	sadd.s32 s22, s20;
	s2 =	smov.u32 s24;
	[dreg:$0x19] =	wrdreg s25  }
0x29: {  	s24 =	simm.s32 $0x80;
	s25 =	simm.s32 $0xDD00;
	s2 =	smov.u32 @p0 s3  }
0x2a: {  	s3 =	simm.s32 $0x1;
	s22 =	sshll.u32 @!p2 s2, $0xE;
	s2 =	simm.s32 $0x3  }
.LBB2_20:
0x2b: {  	s8 =	rddreg [dreg:$0x1a]  }
0x2c: {  	s7 =	rddreg [dreg:$0x19];
	s8 =	sadd.s32 $0x1, s8  }
0x2d: {  	p4 =	sne.s32 s8, s7  }
.Ltmp1:
0x2e: {  	_ = 	snop;
	(pc) =	sbr.rel @!p4 .LBB2_21-.Ltmp1, $1  }
0x2f: {  	_ =	sdelay $0x3  }
.LBB2_1:
0x30: {  	[dreg:$0x1a] =	wrdreg s8  }
0x31: {  	s7 =	rddreg [dreg:$0x14]  }
0x32: {  	[tilespmem:s1], [sflag:$0x3] =	stream.linear.gather [hbm4b:s7+s1], $0x4E80, $0x38;
	[tilespmem:$0x1FD00] =	vst v63  }
0x33: {  	_ =	swait.ge [sflag:s2], $0x4E80  }
0x34: {  	[sflag:s2] =	ssyncset.done $0x0  }
0x35: {  	s19 =	simm.s32 $0x4E80;
	s17 =	rddreg [dreg:$0x4];
	[sflag:s2] =	ssyncadd.s32 $0xFFFFB180  }
0x36: {  	[tilespmem:s19], [sflag:$0x3] =	stream.linear.gather [hbm4b:s17+s1], $0x4E80, $0x38;
	[tilespmem:$0x1FD00] =	vst v63  }
0x37: {  	s21 =	stileid.u32;
	_ =	swait.ge [sflag:s2], $0x4E80  }
0x38: {  	s7 =	sshll.u32 s21, $0x6;
	[sflag:s2] =	ssyncset.done $0x0  }
0x39: {  	s7 =	sor.u32 $0x1C03, s7;
	s8 =	rddreg [dreg:$0x15];
	[sflag:s2] =	ssyncadd.s32 $0xFFFFB180  }
0x3a: {  	[hbm:s14], [sflag:s7] =	dma.local [hbm:s8], $0x1400  }
0x3b: {  	_ =	swait.ge [sflag:s2], $0x1400  }
0x3c: {  	[sflag:s2] =	ssyncset.done $0x0;
	s9 =	rddreg [dreg:$0x16]  }
0x3d: {  	[sflag:s2] =	ssyncadd.s32 $0xFFFFEC00;
	s9 =	smov.u32 @p0 s8;
	s8 =	sshrl.u32 s23, $0x3  }
0x3e: {  	[spmem:s8], [sflag:s7] =	dma.local [hbm:s9], $0x1400  }
.Ltmp2:
0x3f: {  	_ =	swait.ge [sflag:s2], $0x1400;
	(pc) =	sbr.rel .LBB2_2-.Ltmp2, $4  }
0x40: {  	[sflag:s2] =	ssyncset.done $0x0  }
0x41: {  	[sflag:s2] =	ssyncadd.s32 $0xFFFFEC00  }
0x42: {  	[bflag:$0x0] =	sbarrier.arrive $0xFFFF  }
0x43: {  	s9 =	simm.s32 $0x0  }
.LBB2_18:
0x44: {  	_ =	strace $0x8000004C;
	s11 =	simm.s32 $0x100000  }
0x45: {  	[smem:s11], [sflag:$0x0] =	smem.add.s32 $0x0  }
0x46: {  	_ =	swait.done [sflag:s1]  }
0x47: {  	s19 =	ssyncread [sflag:$0x0];
	_ =	sdelay $0x2  }
0x48: {  	s11 =	sadd.s32 s26, s19  }
0x49: {  	s10 =	sshll.u32 s10, $0xE;
	s11 =	sshll.u32 s11, $0x11  }
0x4a: {  	[sflag:s1] =	ssyncset.s32 $0x0;
	s10 =	sor.u32 s11, s10  }
0x4b: {  	[sflag:s1] =	ssyncset.done $0x0;
	s10 =	sor.u32 $0x1C02, s10  }
0x4c: {  	s21 =	simm.s32 $0x2;
	[sflag:s10] =	ssyncadd.remote.s32 $0x1  }
0x4d: {  	_ =	swait.ge [sflag:s21], $0x1  }
0x4e: {  	[sflag:s21] =	ssyncset.done $0x0  }
0x4f: {  	[sflag:s21] =	ssyncadd.s32 $0xFFFFFFFF  }
0x50: {  	_ =	strace $0x9000004C  }
.LBB2_19:
0x51: {  	[bflag:$0x0] =	sbarrier.arrive $0xFFFF;
	s9 =	sadd.s32 $0x1, s9  }
.LBB2_2:
0x52: {  	s10 =	simm.s32 $0x0  }
0x53: {  	[tilespmem:s28], [sflag:$0x1] =	stream.indirect.gather [hbm4b:s15+s24], $0x40, s10, s24, $0xb8;
	[tilespmem:$0x1FD00] =	vst v63  }
0x54: {  	p4 =	por $0x0, $0x0;
	s10 =	simm.s32 $0x18000  }
0x55: {  	s19 =	simm.s32 $0x100;
	s10 =	sand.u32 @!p4 $0x18000, s10  }
0x56: {  	[tilespmem:s29], [sflag:$0x1] =	stream.indirect.gather [hbm4b:s15+s24], $0x40, s24, s24, $0xb8;
	[tilespmem:$0x1FD00] =	vst v63  }
0x57: {  	s11 =	simm.s32 $0x180;
	s17 =	simm.s32 $0x4E80;
	s10 =	sshrl.u32 @!p4 s10, $0x2  }
0x58: {  	[tilespmem:s25], [sflag:$0x1] =	stream.indirect.gather [hbm4b:s15+s24], $0x40, s19, s24, $0xb8;
	[tilespmem:$0x1FD00] =	vst v63  }
0x59: {  	s16 =	simm.s32 $0x0;
	s12 =	simm.s32 @!p4 $0x80;
	s10 =	sor.u32 @!p4 $0x9D00, s10  }
0x5a: {  	[tilespmem:s10], [sflag:$0x1] =	stream.indirect.gather @!p4 [hbm4b:s15+s12], $0x40, s11, s12, $0xb8;
	[tilespmem:$0x1FD00] =	vst v63  }
0x5b: {  	s21 =	sand.u32 $0x18000, s16;
	s16 =	simm.s32 $0x1;
	_ =	swait.ge [sflag:s3], $0x2000  }
0x5c: {  	s10 =	simm.s32 $0x20000;
	s11 =	sshrl.u32 s21, $0x2;
	[sflag:s3] =	ssyncset.done $0x0  }
0x5d: {  	p4 =	por $0x0, $0x0;
	s11 =	sor.u32 $0x9D00, s11;
	[sflag:s3] =	ssyncadd.s32 $0xFFFFE000  }
0x5e: {  	[spmem:s20] =	stream.indirect.scatter.add.f32 [tilespmem:s11], [sflag:$0x3], $0x40, s17, s24, $0xb8;
	[tilespmem:$0x1FD00] =	vst v63  }
0x5f: {  	s12 =	simm.s32 $0x28000;
	s19 =	sand.u32 @!p4 $0x18000, s10;
	_ =	swait.ge [sflag:s2], $0x2000  }
0x60: {  	s11 =	simm.s32 $0x4F00;
	s17 =	simm.s32 $0x200;
	[sflag:s2] =	ssyncset.done $0x0  }
.LBB2_3:
0x61: {  	s19 =	sshrl.u32 @!p4 s19, $0x2;
	[sflag:s2] =	ssyncadd.s32 $0xFFFFE000  }
0x62: {  	s21 =	smov.u32 s10;
	s10 =	smov.u32 s12;
	s12 =	sadd.s32 $0x8000, s12  }
0x63: {  	s13 =	simm.s32 @!p4 $0x80;
	s19 =	sor.u32 @!p4 $0x9D00, s19;
	s21 =	sadd.s32 $0xFFFE8000, s21  }
0x64: {  	[tilespmem:s19], [sflag:$0x1] =	stream.indirect.gather @!p4 [hbm4b:s15+s13], $0x40, s17, s13, $0xb8;
	[tilespmem:$0x1FD00] =	vst v63  }
0x65: {  	p5 =	sne.s32 s12, $0x500000;
	s13 =	sand.u32 $0x18000, s21;
	_ =	swait.ge [sflag:s3], $0x2000  }
.Ltmp3:
0x66: {  	s13 =	sshrl.u32 s13, $0x2;
	[sflag:s3] =	ssyncset.done $0x0;
	(pc) =	sbr.rel @p5 .LBB2_3-.Ltmp3, $4  }
0x67: {  	s16 =	sadd.s32 $0x1, s16;
	s13 =	sor.u32 $0x9D00, s13;
	[sflag:s3] =	ssyncadd.s32 $0xFFFFE000  }
0x68: {  	[spmem:s20] =	stream.indirect.scatter.add.f32 [tilespmem:s13], [sflag:$0x3], $0x40, s11, s24, $0xb8;
	[tilespmem:$0x1FD00] =	vst v63  }
0x69: {  	p4 =	sgt.u32 s16, $0x99;
	s11 =	sadd.s32 $0x80, s11;
	_ =	swait.ge [sflag:s2], $0x2000  }
0x6a: {  	s17 =	sadd.s32 $0x80, s17;
	s19 =	sand.u32 @!p4 $0x18000, s10;
	[sflag:s2] =	ssyncset.done $0x0  }
0x6b: {  	s12 =	sshrl.u32 @!p4 s19, $0x2;
	[sflag:s2] =	ssyncadd.s32 $0xFFFFE000  }
0x6c: {  	s13 =	simm.s32 @!p4 $0x80;
	s10 =	sadd.s32 $0xFFFE8000, s10;
	s12 =	sor.u32 @!p4 $0x9D00, s12  }
0x6d: {  	[tilespmem:s12], [sflag:$0x1] =	stream.indirect.gather @!p4 [hbm4b:s15+s13], $0x40, s17, s13, $0xb8;
	[tilespmem:$0x1FD00] =	vst v63  }
0x6e: {  	s10 =	sand.u32 $0x18000, s10;
	_ =	swait.ge [sflag:s3], $0x2000  }
0x6f: {  	s10 =	sshrl.u32 s10, $0x2;
	[sflag:s3] =	ssyncset.done $0x0  }
0x70: {  	s10 =	sor.u32 $0x9D00, s10;
	[sflag:s3] =	ssyncadd.s32 $0xFFFFE000  }
0x71: {  	[spmem:s20] =	stream.indirect.scatter.add.f32 [tilespmem:s10], [sflag:$0x3], $0x40, s11, s24, $0xb8;
	[tilespmem:$0x1FD00] =	vst v63  }
0x72: {  	_ =	swait.ge [sflag:s2], $0x2000  }
0x73: {  	[sflag:s2] =	ssyncset.done $0x0  }
0x74: {  	[sflag:s2] =	ssyncadd.s32 $0xFFFFE000  }
0x75: {  	[bflag:$0x0] =	sbarrier.arrive $0xFFFF  }
0x76: {  	s21 =	rddreg [dreg:$0xf]  }
0x77: {  	[hbm:s21], [sflag:s7] =	dma.local [spmem:s8], $0x1400  }
0x78: {  	_ =	swait.ge [sflag:s2], $0x1400  }
0x79: {  	[sflag:s2] =	ssyncset.done $0x0  }
0x7a: {  	[sflag:s2] =	ssyncadd.s32 $0xFFFFEC00  }
0x7b: {  	[bflag:$0x0] =	sbarrier.arrive $0xFFFF  }
0x7c: {  	s10 =	simm.s32 @!p2 $0x100000;
	_ =	strace @!p2 $0x8000004B  }
0x7d: {  	[smem:s10], [sflag:$0x0] =	smem.add.s32 @!p2 $0x0;
	s10 =	simm.s32 @!p2 $0x0  }
0x7e: {  	_ =	swait.done @!p2 [sflag:s10]  }
0x7f: {  	s11 =	ssyncread @!p2 [sflag:$0x0];
	_ =	sdelay $0x2  }
0x80: {  	s11 =	sadd.s32 @!p2 s26, s11  }
0x81: {  	s11 =	sshll.u32 @!p2 s11, $0x11  }
0x82: {  	[sflag:s10] =	ssyncset.s32 @!p2 $0x0;
	s11 =	sor.u32 @!p2 s11, s22  }
0x83: {  	[sflag:s10] =	ssyncset.done @!p2 $0x0;
	s10 =	sor.u32 @!p2 $0x1C02, s11  }
0x84: {  	[sflag:s10] =	ssyncadd.remote.s32 @!p2 $0x1;
	s10 =	simm.s32 @!p2 $0x2  }
0x85: {  	p4 =	seq.s32 s9, $0x9;
	_ =	swait.ge @!p2 [sflag:s10], $0x1  }
.Ltmp4:
0x86: {  	[sflag:s10] =	ssyncset.done @!p2 $0x0;
	(pc) =	sbr.rel @p4 .LBB2_20-.Ltmp4, $3  }
0x87: {  	[sflag:s10] =	ssyncadd.s32 @!p2 $0xFFFFFFFF  }
0x88: {  	_ =	strace @!p2 $0x9000004B  }
0x89: {  	[bflag:$0x0] =	sbarrier.arrive $0xFFFF;
	_ =	sdelay $0x1  }
0x8a: {  	s10 =	simm.s32 $0x0;
	s11 =	rddreg [dreg:$0x5]  }
0x8b: {  	[tilespmem:s28], [sflag:$0x1] =	stream.linear.gather [hbm4b:s11+s10], $0x2000, $0x38;
	[tilespmem:$0x1FD00] =	vst v63  }
0x8c: {  	s17 =	rddreg [dreg:$0x6]  }
0x8d: {  	[tilespmem:s4], [sflag:$0x1] =	stream.linear.gather [hbm4b:s17+s10], $0x2000, $0x38;
	[tilespmem:$0x1FD00] =	vst v63  }
0x8e: {  	s19 =	rddreg [dreg:$0x7]  }
0x8f: {  	[tilespmem:s29], [sflag:$0x1] =	stream.linear.gather [hbm4b:s19+s10], $0x2000, $0x38;
	[tilespmem:$0x1FD00] =	vst v63  }
0x90: {  	s21 =	rddreg [dreg:$0x8]  }
0x91: {  	[tilespmem:s5], [sflag:$0x1] =	stream.linear.gather [hbm4b:s21+s10], $0x2000, $0x38;
	[tilespmem:$0x1FD00] =	vst v63  }
0x92: {  	_ = 	snop  }
0x93: {  	[tilespmem:s25], [sflag:$0x3] =	stream.linear.gather [spmem:s23], $0x2000, $0x38;
	[tilespmem:$0x1FD00] =	vst v63  }
0x94: {  	_ =	swait.ge [sflag:s2], $0x2000  }
0x95: {  	[sflag:s2] =	ssyncset.done $0x0  }
0x96: {  	[sflag:s2] =	ssyncadd.s32 $0xFFFFE000  }
0x97: {  	_ =	swait.ge [sflag:s3], $0x2000  }
0x98: {  	[sflag:s3] =	ssyncset.done $0x0  }
0x99: {  	[sflag:s3] =	ssyncadd.s32 $0xFFFFE000  }
0x9a: {  	_ =	swait.ge [sflag:s3], $0x2000  }
0x9b: {  	[sflag:s3] =	ssyncset.done $0x0  }
0x9c: {  	s10 =	simm.s32 $0x0;
	[sflag:s3] =	ssyncadd.s32 $0xFFFFE000  }
0x9d: {  	v0 =	vld [tilespmem:s10+$0xDD70]  }
0x9e: {  	v1 =	vld [tilespmem:s10+$0x9D70]  }
0x9f: {  	v2 =	vld [tilespmem:s10+$0xDD00]  }
0xa0: {  	v3 =	vld [tilespmem:s10+$0x11D70]  }
0xa1: {  	v4 =	vld [tilespmem:s10+$0x9D00]  }
0xa2: {  	v5 =	vld [tilespmem:s10+$0xDD10]  }
0xa3: {  	v7 =	vld [tilespmem:s10+$0x9D10]  }
0xa4: {  	v9 =	vld [tilespmem:s10+$0x9D20]  }
0xa5: {  	v10 =	vld [tilespmem:s10+$0x9D30]  }
0xa6: {  	v11 =	vld [tilespmem:s10+$0xDD40]  }
0xa7: {  	v12 =	vld [tilespmem:s10+$0x9D40]  }
0xa8: {  	v13 =	vld [tilespmem:s10+$0xDD50]  }
0xa9: {  	v14 =	vld [tilespmem:s10+$0x9D50]  }
0xaa: {  	v15 =	vld [tilespmem:s10+$0xDD60]  }
0xab: {  	v16 =	vld [tilespmem:s10+$0x9D60]  }
0xac: {  	v17 =	vld [tilespmem:s10+$0x11D00];
	v0 =	vadd.f32 v1, v0  }
0xad: {  	v1 =	vld [tilespmem:s10+$0xDD20]  }
0xae: {  	v0 =	vmul.f32 v0, v3;
	v3 =	vld [tilespmem:s10+$0xDD30]  }
0xaf: {  	v18 =	vld [tilespmem:s10+$0x11D10]  }
0xb0: {  	v19 =	vld [tilespmem:s10+$0x11D20]  }
0xb1: {  	v8 =	vld [tilespmem:s10+$0x11D30];
	v2 =	vadd.f32 v4, v2  }
0xb2: {  	v6 =	vld [tilespmem:s10+$0x11D40];
	v20 =	vadd.f32 v7, v5  }
0xb3: {  	v5 =	vld [tilespmem:s10+$0x11D50];
	[tilespmem:s10+$0xFD70] =	vst v0;
	v21 =	vadd.f32 v9, v1;
	v0 =	vadd.f32 v10, v3;
	v10 =	vmul.f32 v2, v17  }
0xb4: {  	s11 =	simm.s32 $0x80;
	v7 =	vld [tilespmem:s10+$0x11D60];
	v4 =	vadd.f32 v12, v11;
	v9 =	vmul.f32 v20, v18  }
0xb5: {  	s12 =	simm.s32 $0x400;
	v1 =	vld [tilespmem:s11+$0xDD70];
	v2 =	vadd.f32 v14, v13;
	v3 =	vadd.f32 v16, v15;
	[tilespmem:s10+$0xFD00] =	vst v10;
	v10 =	vmul.f32 v21, v19  }
.LBB2_6:
0xb6: {  	p4 =	sne.s32 s12, $0x7E00;
	v11 =	vld [tilespmem:s11+$0x9D70];
	[tilespmem:s10+$0xFD10] =	vst v9;
	v0 =	vmul.f32 v0, v8  }
0xb7: {  	v8 =	vld [tilespmem:s11+$0xDD00];
	[tilespmem:s10+$0xFD20] =	vst v10;
	v4 =	vmul.f32 v4, v6  }
0xb8: {  	v6 =	vld [tilespmem:s11+$0x11D70];
	[tilespmem:s10+$0xFD30] =	vst v0;
	v0 =	vmul.f32 v2, v5  }
0xb9: {  	v2 =	vld [tilespmem:s11+$0x9D00];
	[tilespmem:s10+$0xFD40] =	vst v4;
	v3 =	vmul.f32 v3, v7  }
0xba: {  	v4 =	vld [tilespmem:s11+$0xDD10];
	[tilespmem:s10+$0xFD50] =	vst v0  }
0xbb: {  	v0 =	vld [tilespmem:s11+$0x9D10];
	v1 =	vadd.f32 v11, v1;
	[tilespmem:s10+$0xFD60] =	vst v3;
	s10 =	smov.u32 s11  }
0xbc: {  	v3 =	vld [tilespmem:s10+$0xDD20]  }
0xbd: {  	v5 =	vld [tilespmem:s10+$0x9D20];
	v1 =	vmul.f32 v1, v6  }
0xbe: {  	v7 =	vadd.f32 v2, v8;
	v2 =	vld [tilespmem:s10+$0xDD30]  }
0xbf: {  	v6 =	vld [tilespmem:s10+$0x9D30];
	[tilespmem:s10+$0xFD70] =	vst v1  }
0xc0: {  	v1 =	vadd.f32 v0, v4;
	v4 =	vld [tilespmem:s10+$0xDD40]  }
0xc1: {  	v8 =	vld [tilespmem:s10+$0x9D40]  }
0xc2: {  	v10 =	vadd.f32 v5, v3;
	v3 =	vld [tilespmem:s10+$0xDD50]  }
0xc3: {  	v5 =	vld [tilespmem:s10+$0x9D50]  }
0xc4: {  	v0 =	vadd.f32 v6, v2;
	v9 =	vld [tilespmem:s10+$0xDD60]  }
0xc5: {  	v11 =	vld [tilespmem:s10+$0x9D60]  }
0xc6: {  	v12 =	vld [tilespmem:s10+$0x11D00];
	v4 =	vadd.f32 v8, v4  }
0xc7: {  	v13 =	vld [tilespmem:s10+$0x11D10]  }
0xc8: {  	v14 =	vld [tilespmem:s10+$0x11D20];
	v2 =	vadd.f32 v5, v3  }
.Ltmp5:
0xc9: {  	v8 =	vld [tilespmem:s10+$0x11D30];
	(pc) =	sbr.rel @p4 .LBB2_6-.Ltmp5, $4  }
0xca: {  	v6 =	vld [tilespmem:s10+$0x11D40];
	v3 =	vadd.f32 v11, v9  }
0xcb: {  	v11 =	vmul.f32 v7, v12;
	v5 =	vld [tilespmem:s10+$0x11D50]  }
0xcc: {  	s11 =	sshra.s32 s12, $0x2;
	v9 =	vmul.f32 v1, v13;
	v7 =	vld [tilespmem:s10+$0x11D60]  }
0xcd: {  	s12 =	sadd.s32 $0x200, s12;
	v1 =	vld [tilespmem:s11+$0xDD70];
	[tilespmem:s10+$0xFD00] =	vst v11;
	v10 =	vmul.f32 v10, v14  }
0xce: {  	v11 =	vld [tilespmem:s11+$0x9D70];
	[tilespmem:s10+$0xFD10] =	vst v9;
	v0 =	vmul.f32 v0, v8  }
0xcf: {  	v9 =	vld [tilespmem:s11+$0xDD00];
	[tilespmem:s10+$0xFD20] =	vst v10;
	v4 =	vmul.f32 v4, v6  }
0xd0: {  	v8 =	vld [tilespmem:s11+$0x11D70];
	[tilespmem:s10+$0xFD30] =	vst v0;
	v2 =	vmul.f32 v2, v5  }
0xd1: {  	v0 =	vld [tilespmem:s11+$0x9D00];
	[tilespmem:s10+$0xFD40] =	vst v4;
	v3 =	vmul.f32 v3, v7  }
0xd2: {  	v4 =	vld [tilespmem:s11+$0xDD10];
	[tilespmem:s10+$0xFD50] =	vst v2  }
0xd3: {  	v2 =	vld [tilespmem:s11+$0x9D10];
	[tilespmem:s10+$0xFD60] =	vst v3  }
0xd4: {  	v3 =	vld [tilespmem:s11+$0xDD20]  }
0xd5: {  	v5 =	vld [tilespmem:s11+$0x9D20]  }
0xd6: {  	v6 =	vld [tilespmem:s11+$0xDD30]  }
0xd7: {  	v7 =	vld [tilespmem:s11+$0x9D30]  }
0xd8: {  	v10 =	vld [tilespmem:s11+$0xDD50]  }
0xd9: {  	v1 =	vadd.f32 v11, v1;
	v11 =	vld [tilespmem:s11+$0x9D50]  }
0xda: {  	v12 =	vld [tilespmem:s11+$0xDD60]  }
0xdb: {  	v13 =	vld [tilespmem:s11+$0x9D60]  }
0xdc: {  	v14 =	vld [tilespmem:s11+$0x11D00]  }
0xdd: {  	v15 =	vld [tilespmem:s11+$0x11D10]  }
0xde: {  	v16 =	vld [tilespmem:s11+$0x11D20];
	v1 =	vmul.f32 v1, v8  }
0xdf: {  	v8 =	vld [tilespmem:s11+$0x9D40]  }
0xe0: {  	[tilespmem:s11+$0xFD70] =	vst v1;
	v1 =	vld [tilespmem:s11+$0xDD40]  }
0xe1: {  	v0 =	vadd.f32 v0, v9;
	v9 =	vld [tilespmem:s11+$0x11D30]  }
0xe2: {  	v2 =	vadd.f32 v2, v4;
	v4 =	vld [tilespmem:s11+$0x11D40]  }
0xe3: {  	v3 =	vadd.f32 v5, v3;
	v0 =	vmul.f32 v0, v14;
	v5 =	vld [tilespmem:s11+$0x11D50]  }
0xe4: {  	v6 =	vadd.f32 v7, v6;
	v7 =	vld [tilespmem:s11+$0x11D60];
	v2 =	vmul.f32 v2, v15  }
0xe5: {  	[tilespmem:s11+$0xFD00] =	vst v0;
	v0 =	vmul.f32 v3, v16;
	v1 =	vadd.f32 v8, v1  }
0xe6: {  	v3 =	vadd.f32 v11, v10;
	[tilespmem:s11+$0xFD10] =	vst v2;
	v2 =	vmul.f32 v6, v9  }
0xe7: {  	v6 =	vadd.f32 v13, v12;
	[tilespmem:s11+$0xFD20] =	vst v0;
	v0 =	vmul.f32 v1, v4  }
0xe8: {  	[tilespmem:s11+$0xFD30] =	vst v2;
	v1 =	vmul.f32 v3, v5  }
0xe9: {  	[tilespmem:s11+$0xFD40] =	vst v0;
	v0 =	vmul.f32 v6, v7  }
0xea: {  	[tilespmem:s11+$0xFD50] =	vst v1  }
0xeb: {  	[tilespmem:s11+$0xFD60] =	vst v0  }
0xec: {  	[hbm4b:s14+s1] =	stream.linear.scatter [tilespmem:s6], [sflag:$0x3], $0x2000, $0x38;
	[tilespmem:$0x1FD00] =	vst v63  }
0xed: {  	_ =	swait.ge [sflag:s2], $0x2000  }
0xee: {  	[sflag:s2] =	ssyncset.done $0x0  }
0xef: {  	s10 =	simm.s32 @!p1 $0xFD00;
	[sflag:s2] =	ssyncadd.s32 $0xFFFFE000  }
0xf0: {  	[spmem:s23] =	stream.linear.scatter @!p1 [tilespmem:s10], [sflag:$0x3], $0x2000, $0x38;
	[tilespmem:$0x1FD00] =	vst v63  }
0xf1: {  	s10 =	simm.s32 @!p1 $0x3  }
0xf2: {  	_ =	swait.ge @!p1 [sflag:s10], $0x2000  }
0xf3: {  	[sflag:s10] =	ssyncset.done @!p1 $0x0  }
0xf4: {  	s17 =	simm.s32 $0x0;
	s19 =	rddreg [dreg:$0xc];
	[sflag:s10] =	ssyncadd.s32 @!p1 $0xFFFFE000  }
0xf5: {  	[tilespmem:s28], [sflag:$0x1] =	stream.linear.gather [hbm4b:s19+s17], $0x2000, $0x38;
	[tilespmem:$0x1FD00] =	vst v63  }
0xf6: {  	s21 =	rddreg [dreg:$0x9]  }
0xf7: {  	[tilespmem:s4], [sflag:$0x1] =	stream.linear.gather [hbm4b:s21+s17], $0x2000, $0x38;
	[tilespmem:$0x1FD00] =	vst v63  }
0xf8: {  	_ = 	snop  }
0xf9: {  	[tilespmem:s25], [sflag:$0x3] =	stream.linear.gather [spmem:s30], $0x2000, $0x38;
	[tilespmem:$0x1FD00] =	vst v63  }
0xfa: {  	_ =	swait.ge [sflag:s2], $0x2000  }
0xfb: {  	[sflag:s2] =	ssyncset.done $0x0  }
0xfc: {  	[sflag:s2] =	ssyncadd.s32 $0xFFFFE000  }
0xfd: {  	_ =	swait.ge [sflag:s3], $0x2000  }
0xfe: {  	[sflag:s3] =	ssyncset.done $0x0  }
0xff: {  	[sflag:s3] =	ssyncadd.s32 $0xFFFFE000  }
0x100: {  	_ =	swait.ge [sflag:s3], $0x2000  }
0x101: {  	[sflag:s3] =	ssyncset.done $0x0  }
0x102: {  	s10 =	simm.s32 $0x0;
	[sflag:s3] =	ssyncadd.s32 $0xFFFFE000  }
0x103: {  	v0 =	vld [tilespmem:s10+$0xDD70]  }
0x104: {  	v1 =	vld [tilespmem:s10+$0xBD70]  }
0x105: {  	v2 =	vld [tilespmem:s10+$0xDD00]  }
0x106: {  	v3 =	vld [tilespmem:s10+$0x13D70]  }
0x107: {  	v4 =	vld [tilespmem:s10+$0xBD00]  }
0x108: {  	v5 =	vld [tilespmem:s10+$0xDD10]  }
0x109: {  	v7 =	vld [tilespmem:s10+$0xBD10]  }
0x10a: {  	v9 =	vld [tilespmem:s10+$0xBD20]  }
0x10b: {  	v10 =	vld [tilespmem:s10+$0xBD30]  }
0x10c: {  	v11 =	vld [tilespmem:s10+$0xDD40]  }
0x10d: {  	v59 =	vld [tilespmem:s10+$0xBD40]  }
0x10e: {  	v60 =	vld [tilespmem:s10+$0xDD50]  }
0x10f: {  	v61 =	vld [tilespmem:s10+$0xBD50]  }
0x110: {  	v62 =	vld [tilespmem:s10+$0xDD60]  }
0x111: {  	v63 =	vld [tilespmem:s10+$0xBD60]  }
0x112: {  	v17 =	vld [tilespmem:s10+$0x13D00];
	v0 =	vadd.f32 v1, v0  }
0x113: {  	v1 =	vld [tilespmem:s10+$0xDD20]  }
0x114: {  	v0 =	vmul.f32 v0, v3;
	v3 =	vld [tilespmem:s10+$0xDD30]  }
0x115: {  	v18 =	vld [tilespmem:s10+$0x13D10]  }
0x116: {  	v19 =	vld [tilespmem:s10+$0x13D20]  }
0x117: {  	v8 =	vld [tilespmem:s10+$0x13D30];
	v2 =	vadd.f32 v4, v2  }
0x118: {  	v6 =	vld [tilespmem:s10+$0x13D40];
	v20 =	vadd.f32 v7, v5  }
0x119: {  	v5 =	vld [tilespmem:s10+$0x13D50];
	[tilespmem:s10+$0xFD70] =	vst v0;
	v21 =	vadd.f32 v9, v1;
	v0 =	vadd.f32 v10, v3;
	v10 =	vmul.f32 v2, v17  }
0x11a: {  	s11 =	simm.s32 $0x80;
	v7 =	vld [tilespmem:s10+$0x13D60];
	v4 =	vadd.f32 v59, v11;
	v9 =	vmul.f32 v20, v18  }
0x11b: {  	s12 =	simm.s32 $0x400;
	v1 =	vld [tilespmem:s11+$0xDD70];
	v2 =	vadd.f32 v61, v60;
	v3 =	vadd.f32 v63, v62;
	[tilespmem:s10+$0xFD00] =	vst v10;
	v10 =	vmul.f32 v21, v19  }
.LBB2_8:
0x11c: {  	p4 =	sne.s32 s12, $0x7E00;
	v11 =	vld [tilespmem:s11+$0xBD70];
	[tilespmem:s10+$0xFD10] =	vst v9;
	v0 =	vmul.f32 v0, v8  }
0x11d: {  	v8 =	vld [tilespmem:s11+$0xDD00];
	[tilespmem:s10+$0xFD20] =	vst v10;
	v4 =	vmul.f32 v4, v6  }
0x11e: {  	v6 =	vld [tilespmem:s11+$0x13D70];
	[tilespmem:s10+$0xFD30] =	vst v0;
	v0 =	vmul.f32 v2, v5  }
0x11f: {  	v2 =	vld [tilespmem:s11+$0xBD00];
	[tilespmem:s10+$0xFD40] =	vst v4;
	v3 =	vmul.f32 v3, v7  }
0x120: {  	v4 =	vld [tilespmem:s11+$0xDD10];
	[tilespmem:s10+$0xFD50] =	vst v0  }
0x121: {  	v0 =	vld [tilespmem:s11+$0xBD10];
	v1 =	vadd.f32 v11, v1;
	[tilespmem:s10+$0xFD60] =	vst v3;
	s10 =	smov.u32 s11  }
0x122: {  	v3 =	vld [tilespmem:s10+$0xDD20]  }
0x123: {  	v5 =	vld [tilespmem:s10+$0xBD20];
	v1 =	vmul.f32 v1, v6  }
0x124: {  	v7 =	vadd.f32 v2, v8;
	v2 =	vld [tilespmem:s10+$0xDD30]  }
0x125: {  	v6 =	vld [tilespmem:s10+$0xBD30];
	[tilespmem:s10+$0xFD70] =	vst v1  }
0x126: {  	v1 =	vadd.f32 v0, v4;
	v4 =	vld [tilespmem:s10+$0xDD40]  }
0x127: {  	v8 =	vld [tilespmem:s10+$0xBD40]  }
0x128: {  	v10 =	vadd.f32 v5, v3;
	v3 =	vld [tilespmem:s10+$0xDD50]  }
0x129: {  	v5 =	vld [tilespmem:s10+$0xBD50]  }
0x12a: {  	v0 =	vadd.f32 v6, v2;
	v9 =	vld [tilespmem:s10+$0xDD60]  }
0x12b: {  	v11 =	vld [tilespmem:s10+$0xBD60]  }
0x12c: {  	v12 =	vld [tilespmem:s10+$0x13D00];
	v4 =	vadd.f32 v8, v4  }
0x12d: {  	v13 =	vld [tilespmem:s10+$0x13D10]  }
0x12e: {  	v14 =	vld [tilespmem:s10+$0x13D20];
	v2 =	vadd.f32 v5, v3  }
.Ltmp6:
0x12f: {  	v8 =	vld [tilespmem:s10+$0x13D30];
	(pc) =	sbr.rel @p4 .LBB2_8-.Ltmp6, $4  }
0x130: {  	v6 =	vld [tilespmem:s10+$0x13D40];
	v3 =	vadd.f32 v11, v9  }
0x131: {  	v11 =	vmul.f32 v7, v12;
	v5 =	vld [tilespmem:s10+$0x13D50]  }
0x132: {  	s11 =	sshra.s32 s12, $0x2;
	v9 =	vmul.f32 v1, v13;
	v7 =	vld [tilespmem:s10+$0x13D60]  }
0x133: {  	s12 =	sadd.s32 $0x200, s12;
	v1 =	vld [tilespmem:s11+$0xDD70];
	[tilespmem:s10+$0xFD00] =	vst v11;
	v10 =	vmul.f32 v10, v14  }
0x134: {  	v11 =	vld [tilespmem:s11+$0xBD70];
	[tilespmem:s10+$0xFD10] =	vst v9;
	v0 =	vmul.f32 v0, v8  }
0x135: {  	v9 =	vld [tilespmem:s11+$0xDD00];
	[tilespmem:s10+$0xFD20] =	vst v10;
	v4 =	vmul.f32 v4, v6  }
0x136: {  	v8 =	vld [tilespmem:s11+$0x13D70];
	[tilespmem:s10+$0xFD30] =	vst v0;
	v2 =	vmul.f32 v2, v5  }
0x137: {  	v0 =	vld [tilespmem:s11+$0xBD00];
	[tilespmem:s10+$0xFD40] =	vst v4;
	v3 =	vmul.f32 v3, v7  }
0x138: {  	v4 =	vld [tilespmem:s11+$0xDD10];
	[tilespmem:s10+$0xFD50] =	vst v2  }
0x139: {  	v2 =	vld [tilespmem:s11+$0xBD10];
	[tilespmem:s10+$0xFD60] =	vst v3  }
0x13a: {  	v3 =	vld [tilespmem:s11+$0xDD20]  }
0x13b: {  	v5 =	vld [tilespmem:s11+$0xBD20]  }
0x13c: {  	v6 =	vld [tilespmem:s11+$0xDD30]  }
0x13d: {  	v7 =	vld [tilespmem:s11+$0xBD30]  }
0x13e: {  	v10 =	vld [tilespmem:s11+$0xDD50]  }
0x13f: {  	v1 =	vadd.f32 v11, v1;
	v11 =	vld [tilespmem:s11+$0xBD50]  }
0x140: {  	v12 =	vld [tilespmem:s11+$0xDD60]  }
0x141: {  	v13 =	vld [tilespmem:s11+$0xBD60]  }
0x142: {  	v14 =	vld [tilespmem:s11+$0x13D00]  }
0x143: {  	v15 =	vld [tilespmem:s11+$0x13D10]  }
0x144: {  	v16 =	vld [tilespmem:s11+$0x13D20];
	v1 =	vmul.f32 v1, v8  }
0x145: {  	v8 =	vld [tilespmem:s11+$0xBD40]  }
0x146: {  	[tilespmem:s11+$0xFD70] =	vst v1;
	v1 =	vld [tilespmem:s11+$0xDD40]  }
0x147: {  	v0 =	vadd.f32 v0, v9;
	v9 =	vld [tilespmem:s11+$0x13D30]  }
0x148: {  	v2 =	vadd.f32 v2, v4;
	v4 =	vld [tilespmem:s11+$0x13D40]  }
0x149: {  	v3 =	vadd.f32 v5, v3;
	v0 =	vmul.f32 v0, v14;
	v5 =	vld [tilespmem:s11+$0x13D50]  }
0x14a: {  	v6 =	vadd.f32 v7, v6;
	v7 =	vld [tilespmem:s11+$0x13D60];
	v2 =	vmul.f32 v2, v15  }
0x14b: {  	[tilespmem:s11+$0xFD00] =	vst v0;
	v0 =	vmul.f32 v3, v16;
	v1 =	vadd.f32 v8, v1  }
0x14c: {  	v3 =	vadd.f32 v11, v10;
	[tilespmem:s11+$0xFD10] =	vst v2;
	v2 =	vmul.f32 v6, v9  }
0x14d: {  	v6 =	vadd.f32 v13, v12;
	[tilespmem:s11+$0xFD20] =	vst v0;
	v0 =	vmul.f32 v1, v4  }
0x14e: {  	[tilespmem:s11+$0xFD30] =	vst v2;
	v1 =	vmul.f32 v3, v5  }
0x14f: {  	[tilespmem:s11+$0xFD40] =	vst v0;
	v0 =	vmul.f32 v6, v7  }
0x150: {  	[tilespmem:s11+$0xFD50] =	vst v1  }
0x151: {  	s16 =	rddreg [dreg:$0x10];
	[tilespmem:s11+$0xFD60] =	vst v0  }
0x152: {  	[hbm4b:s16+s1] =	stream.linear.scatter [tilespmem:s6], [sflag:$0x3], $0x2000, $0x38;
	[tilespmem:$0x1FD00] =	vst v63  }
0x153: {  	_ =	swait.ge [sflag:s2], $0x2000  }
0x154: {  	[sflag:s2] =	ssyncset.done $0x0  }
0x155: {  	s10 =	simm.s32 @!p1 $0xFD00;
	[sflag:s2] =	ssyncadd.s32 $0xFFFFE000  }
0x156: {  	[spmem:s30] =	stream.linear.scatter @!p1 [tilespmem:s10], [sflag:$0x3], $0x2000, $0x38;
	[tilespmem:$0x1FD00] =	vst v63  }
0x157: {  	s10 =	simm.s32 @!p1 $0x3  }
0x158: {  	_ =	swait.ge @!p1 [sflag:s10], $0x2000  }
0x159: {  	[sflag:s10] =	ssyncset.done @!p1 $0x0  }
0x15a: {  	s17 =	simm.s32 $0x0;
	s19 =	rddreg [dreg:$0xd];
	[sflag:s10] =	ssyncadd.s32 @!p1 $0xFFFFE000  }
0x15b: {  	[tilespmem:s29], [sflag:$0x1] =	stream.linear.gather [hbm4b:s19+s17], $0x2000, $0x38;
	[tilespmem:$0x1FD00] =	vst v63  }
0x15c: {  	s21 =	rddreg [dreg:$0xa]  }
0x15d: {  	[tilespmem:s5], [sflag:$0x1] =	stream.linear.gather [hbm4b:s21+s17], $0x2000, $0x38;
	[tilespmem:$0x1FD00] =	vst v63  }
0x15e: {  	_ = 	snop  }
0x15f: {  	[tilespmem:s25], [sflag:$0x3] =	stream.linear.gather [spmem:s31], $0x2000, $0x38;
	[tilespmem:$0x1FD00] =	vst v63  }
0x160: {  	_ =	swait.ge [sflag:s2], $0x2000  }
0x161: {  	[sflag:s2] =	ssyncset.done $0x0  }
0x162: {  	[sflag:s2] =	ssyncadd.s32 $0xFFFFE000  }
0x163: {  	_ =	swait.ge [sflag:s3], $0x2000  }
0x164: {  	[sflag:s3] =	ssyncset.done $0x0  }
0x165: {  	[sflag:s3] =	ssyncadd.s32 $0xFFFFE000  }
0x166: {  	_ =	swait.ge [sflag:s3], $0x2000  }
0x167: {  	[sflag:s3] =	ssyncset.done $0x0  }
0x168: {  	s10 =	simm.s32 $0x0;
	[sflag:s3] =	ssyncadd.s32 $0xFFFFE000  }
0x169: {  	v0 =	vld [tilespmem:s10+$0xDD70]  }
0x16a: {  	v1 =	vld [tilespmem:s10+$0x9D70]  }
0x16b: {  	v2 =	vld [tilespmem:s10+$0xDD00]  }
0x16c: {  	v3 =	vld [tilespmem:s10+$0x11D70]  }
0x16d: {  	v4 =	vld [tilespmem:s10+$0x9D00]  }
0x16e: {  	v5 =	vld [tilespmem:s10+$0xDD10]  }
0x16f: {  	v7 =	vld [tilespmem:s10+$0x9D10]  }
0x170: {  	v9 =	vld [tilespmem:s10+$0x9D20]  }
0x171: {  	v10 =	vld [tilespmem:s10+$0x9D30]  }
0x172: {  	v11 =	vld [tilespmem:s10+$0xDD40]  }
0x173: {  	v59 =	vld [tilespmem:s10+$0x9D40]  }
0x174: {  	v60 =	vld [tilespmem:s10+$0xDD50]  }
0x175: {  	v61 =	vld [tilespmem:s10+$0x9D50]  }
0x176: {  	v62 =	vld [tilespmem:s10+$0xDD60]  }
0x177: {  	v63 =	vld [tilespmem:s10+$0x9D60]  }
0x178: {  	v17 =	vld [tilespmem:s10+$0x11D00];
	v0 =	vadd.f32 v1, v0  }
0x179: {  	v1 =	vld [tilespmem:s10+$0xDD20]  }
0x17a: {  	v0 =	vmul.f32 v0, v3;
	v3 =	vld [tilespmem:s10+$0xDD30]  }
0x17b: {  	v18 =	vld [tilespmem:s10+$0x11D10]  }
0x17c: {  	v19 =	vld [tilespmem:s10+$0x11D20]  }
0x17d: {  	v8 =	vld [tilespmem:s10+$0x11D30];
	v2 =	vadd.f32 v4, v2  }
0x17e: {  	v6 =	vld [tilespmem:s10+$0x11D40];
	v20 =	vadd.f32 v7, v5  }
0x17f: {  	v5 =	vld [tilespmem:s10+$0x11D50];
	[tilespmem:s10+$0xFD70] =	vst v0;
	v21 =	vadd.f32 v9, v1;
	v0 =	vadd.f32 v10, v3;
	v10 =	vmul.f32 v2, v17  }
0x180: {  	s11 =	simm.s32 $0x80;
	v7 =	vld [tilespmem:s10+$0x11D60];
	v4 =	vadd.f32 v59, v11;
	v9 =	vmul.f32 v20, v18  }
0x181: {  	s12 =	simm.s32 $0x400;
	v1 =	vld [tilespmem:s11+$0xDD70];
	v2 =	vadd.f32 v61, v60;
	v3 =	vadd.f32 v63, v62;
	[tilespmem:s10+$0xFD00] =	vst v10;
	v10 =	vmul.f32 v21, v19  }
.LBB2_10:
0x182: {  	p4 =	sne.s32 s12, $0x7E00;
	v11 =	vld [tilespmem:s11+$0x9D70];
	[tilespmem:s10+$0xFD10] =	vst v9;
	v0 =	vmul.f32 v0, v8  }
0x183: {  	v8 =	vld [tilespmem:s11+$0xDD00];
	[tilespmem:s10+$0xFD20] =	vst v10;
	v4 =	vmul.f32 v4, v6  }
0x184: {  	v6 =	vld [tilespmem:s11+$0x11D70];
	[tilespmem:s10+$0xFD30] =	vst v0;
	v0 =	vmul.f32 v2, v5  }
0x185: {  	v2 =	vld [tilespmem:s11+$0x9D00];
	[tilespmem:s10+$0xFD40] =	vst v4;
	v3 =	vmul.f32 v3, v7  }
0x186: {  	v4 =	vld [tilespmem:s11+$0xDD10];
	[tilespmem:s10+$0xFD50] =	vst v0  }
0x187: {  	v0 =	vld [tilespmem:s11+$0x9D10];
	v1 =	vadd.f32 v11, v1;
	[tilespmem:s10+$0xFD60] =	vst v3;
	s10 =	smov.u32 s11  }
0x188: {  	v3 =	vld [tilespmem:s10+$0xDD20]  }
0x189: {  	v5 =	vld [tilespmem:s10+$0x9D20];
	v1 =	vmul.f32 v1, v6  }
0x18a: {  	v7 =	vadd.f32 v2, v8;
	v2 =	vld [tilespmem:s10+$0xDD30]  }
0x18b: {  	v6 =	vld [tilespmem:s10+$0x9D30];
	[tilespmem:s10+$0xFD70] =	vst v1  }
0x18c: {  	v1 =	vadd.f32 v0, v4;
	v4 =	vld [tilespmem:s10+$0xDD40]  }
0x18d: {  	v8 =	vld [tilespmem:s10+$0x9D40]  }
0x18e: {  	v10 =	vadd.f32 v5, v3;
	v3 =	vld [tilespmem:s10+$0xDD50]  }
0x18f: {  	v5 =	vld [tilespmem:s10+$0x9D50]  }
0x190: {  	v0 =	vadd.f32 v6, v2;
	v9 =	vld [tilespmem:s10+$0xDD60]  }
0x191: {  	v11 =	vld [tilespmem:s10+$0x9D60]  }
0x192: {  	v12 =	vld [tilespmem:s10+$0x11D00];
	v4 =	vadd.f32 v8, v4  }
0x193: {  	v13 =	vld [tilespmem:s10+$0x11D10]  }
0x194: {  	v14 =	vld [tilespmem:s10+$0x11D20];
	v2 =	vadd.f32 v5, v3  }
.Ltmp7:
0x195: {  	v8 =	vld [tilespmem:s10+$0x11D30];
	(pc) =	sbr.rel @p4 .LBB2_10-.Ltmp7, $4  }
0x196: {  	v6 =	vld [tilespmem:s10+$0x11D40];
	v3 =	vadd.f32 v11, v9  }
0x197: {  	v11 =	vmul.f32 v7, v12;
	v5 =	vld [tilespmem:s10+$0x11D50]  }
0x198: {  	s11 =	sshra.s32 s12, $0x2;
	v9 =	vmul.f32 v1, v13;
	v7 =	vld [tilespmem:s10+$0x11D60]  }
0x199: {  	s12 =	sadd.s32 $0x200, s12;
	v1 =	vld [tilespmem:s11+$0xDD70];
	[tilespmem:s10+$0xFD00] =	vst v11;
	v10 =	vmul.f32 v10, v14  }
0x19a: {  	v11 =	vld [tilespmem:s11+$0x9D70];
	[tilespmem:s10+$0xFD10] =	vst v9;
	v0 =	vmul.f32 v0, v8  }
0x19b: {  	v9 =	vld [tilespmem:s11+$0xDD00];
	[tilespmem:s10+$0xFD20] =	vst v10;
	v4 =	vmul.f32 v4, v6  }
0x19c: {  	v8 =	vld [tilespmem:s11+$0x11D70];
	[tilespmem:s10+$0xFD30] =	vst v0;
	v2 =	vmul.f32 v2, v5  }
0x19d: {  	v0 =	vld [tilespmem:s11+$0x9D00];
	[tilespmem:s10+$0xFD40] =	vst v4;
	v3 =	vmul.f32 v3, v7  }
0x19e: {  	v4 =	vld [tilespmem:s11+$0xDD10];
	[tilespmem:s10+$0xFD50] =	vst v2  }
0x19f: {  	v2 =	vld [tilespmem:s11+$0x9D10];
	[tilespmem:s10+$0xFD60] =	vst v3  }
0x1a0: {  	v3 =	vld [tilespmem:s11+$0xDD20]  }
0x1a1: {  	v5 =	vld [tilespmem:s11+$0x9D20]  }
0x1a2: {  	v6 =	vld [tilespmem:s11+$0xDD30]  }
0x1a3: {  	v7 =	vld [tilespmem:s11+$0x9D30]  }
0x1a4: {  	v10 =	vld [tilespmem:s11+$0xDD50]  }
0x1a5: {  	v1 =	vadd.f32 v11, v1;
	v11 =	vld [tilespmem:s11+$0x9D50]  }
0x1a6: {  	v12 =	vld [tilespmem:s11+$0xDD60]  }
0x1a7: {  	v13 =	vld [tilespmem:s11+$0x9D60]  }
0x1a8: {  	v14 =	vld [tilespmem:s11+$0x11D00]  }
0x1a9: {  	v15 =	vld [tilespmem:s11+$0x11D10]  }
0x1aa: {  	v16 =	vld [tilespmem:s11+$0x11D20];
	v1 =	vmul.f32 v1, v8  }
0x1ab: {  	v8 =	vld [tilespmem:s11+$0x9D40]  }
0x1ac: {  	[tilespmem:s11+$0xFD70] =	vst v1;
	v1 =	vld [tilespmem:s11+$0xDD40]  }
0x1ad: {  	v0 =	vadd.f32 v0, v9;
	v9 =	vld [tilespmem:s11+$0x11D30]  }
0x1ae: {  	v2 =	vadd.f32 v2, v4;
	v4 =	vld [tilespmem:s11+$0x11D40]  }
0x1af: {  	v3 =	vadd.f32 v5, v3;
	v0 =	vmul.f32 v0, v14;
	v5 =	vld [tilespmem:s11+$0x11D50]  }
0x1b0: {  	v6 =	vadd.f32 v7, v6;
	v7 =	vld [tilespmem:s11+$0x11D60];
	v2 =	vmul.f32 v2, v15  }
0x1b1: {  	[tilespmem:s11+$0xFD00] =	vst v0;
	v0 =	vmul.f32 v3, v16;
	v1 =	vadd.f32 v8, v1  }
0x1b2: {  	v3 =	vadd.f32 v11, v10;
	[tilespmem:s11+$0xFD10] =	vst v2;
	v2 =	vmul.f32 v6, v9  }
0x1b3: {  	v6 =	vadd.f32 v13, v12;
	[tilespmem:s11+$0xFD20] =	vst v0;
	v0 =	vmul.f32 v1, v4  }
0x1b4: {  	[tilespmem:s11+$0xFD30] =	vst v2;
	v1 =	vmul.f32 v3, v5  }
0x1b5: {  	[tilespmem:s11+$0xFD40] =	vst v0;
	v0 =	vmul.f32 v6, v7  }
0x1b6: {  	[tilespmem:s11+$0xFD50] =	vst v1  }
0x1b7: {  	s16 =	rddreg [dreg:$0x11];
	[tilespmem:s11+$0xFD60] =	vst v0  }
0x1b8: {  	[hbm4b:s16+s1] =	stream.linear.scatter [tilespmem:s6], [sflag:$0x3], $0x2000, $0x38;
	[tilespmem:$0x1FD00] =	vst v63  }
0x1b9: {  	_ =	swait.ge [sflag:s2], $0x2000  }
0x1ba: {  	[sflag:s2] =	ssyncset.done $0x0  }
0x1bb: {  	s10 =	simm.s32 @!p1 $0xFD00;
	[sflag:s2] =	ssyncadd.s32 $0xFFFFE000  }
0x1bc: {  	[spmem:s31] =	stream.linear.scatter @!p1 [tilespmem:s10], [sflag:$0x3], $0x2000, $0x38;
	[tilespmem:$0x1FD00] =	vst v63  }
0x1bd: {  	s10 =	simm.s32 @!p1 $0x3  }
0x1be: {  	_ =	swait.ge @!p1 [sflag:s10], $0x2000  }
0x1bf: {  	[sflag:s10] =	ssyncset.done @!p1 $0x0  }
0x1c0: {  	s17 =	simm.s32 $0x0;
	s19 =	rddreg [dreg:$0xe];
	[sflag:s10] =	ssyncadd.s32 @!p1 $0xFFFFE000  }
0x1c1: {  	[tilespmem:s28], [sflag:$0x1] =	stream.linear.gather [hbm4b:s19+s17], $0x2000, $0x38;
	[tilespmem:$0x1FD00] =	vst v63  }
0x1c2: {  	s21 =	rddreg [dreg:$0xb]  }
0x1c3: {  	[tilespmem:s4], [sflag:$0x1] =	stream.linear.gather [hbm4b:s21+s17], $0x2000, $0x38;
	[tilespmem:$0x1FD00] =	vst v63  }
0x1c4: {  	_ = 	snop  }
0x1c5: {  	[tilespmem:s25], [sflag:$0x3] =	stream.linear.gather [spmem:s18], $0x2000, $0x38;
	[tilespmem:$0x1FD00] =	vst v63  }
0x1c6: {  	_ =	swait.ge [sflag:s2], $0x2000  }
0x1c7: {  	[sflag:s2] =	ssyncset.done $0x0  }
0x1c8: {  	[sflag:s2] =	ssyncadd.s32 $0xFFFFE000  }
0x1c9: {  	_ =	swait.ge [sflag:s3], $0x2000  }
0x1ca: {  	[sflag:s3] =	ssyncset.done $0x0  }
0x1cb: {  	[sflag:s3] =	ssyncadd.s32 $0xFFFFE000  }
0x1cc: {  	_ =	swait.ge [sflag:s3], $0x2000  }
0x1cd: {  	[sflag:s3] =	ssyncset.done $0x0  }
0x1ce: {  	s10 =	simm.s32 $0x0;
	[sflag:s3] =	ssyncadd.s32 $0xFFFFE000  }
0x1cf: {  	v0 =	vld [tilespmem:s10+$0xDD70]  }
0x1d0: {  	v1 =	vld [tilespmem:s10+$0xBD70]  }
0x1d1: {  	v2 =	vld [tilespmem:s10+$0xDD00]  }
0x1d2: {  	v3 =	vld [tilespmem:s10+$0x13D70]  }
0x1d3: {  	v4 =	vld [tilespmem:s10+$0xBD00]  }
0x1d4: {  	v5 =	vld [tilespmem:s10+$0xDD10]  }
0x1d5: {  	v7 =	vld [tilespmem:s10+$0xBD10]  }
0x1d6: {  	v9 =	vld [tilespmem:s10+$0xBD20]  }
0x1d7: {  	v10 =	vld [tilespmem:s10+$0xBD30]  }
0x1d8: {  	v11 =	vld [tilespmem:s10+$0xDD40]  }
0x1d9: {  	v59 =	vld [tilespmem:s10+$0xBD40]  }
0x1da: {  	v60 =	vld [tilespmem:s10+$0xDD50]  }
0x1db: {  	v61 =	vld [tilespmem:s10+$0xBD50]  }
0x1dc: {  	v62 =	vld [tilespmem:s10+$0xDD60]  }
0x1dd: {  	v63 =	vld [tilespmem:s10+$0xBD60]  }
0x1de: {  	v17 =	vld [tilespmem:s10+$0x13D00];
	v0 =	vadd.f32 v1, v0  }
0x1df: {  	v1 =	vld [tilespmem:s10+$0xDD20]  }
0x1e0: {  	v0 =	vmul.f32 v0, v3;
	v3 =	vld [tilespmem:s10+$0xDD30]  }
0x1e1: {  	v18 =	vld [tilespmem:s10+$0x13D10]  }
0x1e2: {  	v19 =	vld [tilespmem:s10+$0x13D20]  }
0x1e3: {  	v8 =	vld [tilespmem:s10+$0x13D30];
	v2 =	vadd.f32 v4, v2  }
0x1e4: {  	v6 =	vld [tilespmem:s10+$0x13D40];
	v20 =	vadd.f32 v7, v5  }
0x1e5: {  	v5 =	vld [tilespmem:s10+$0x13D50];
	[tilespmem:s10+$0xFD70] =	vst v0;
	v21 =	vadd.f32 v9, v1;
	v0 =	vadd.f32 v10, v3;
	v10 =	vmul.f32 v2, v17  }
0x1e6: {  	s11 =	simm.s32 $0x80;
	v7 =	vld [tilespmem:s10+$0x13D60];
	v4 =	vadd.f32 v59, v11;
	v9 =	vmul.f32 v20, v18  }
0x1e7: {  	s12 =	simm.s32 $0x400;
	v1 =	vld [tilespmem:s11+$0xDD70];
	v2 =	vadd.f32 v61, v60;
	v3 =	vadd.f32 v63, v62;
	[tilespmem:s10+$0xFD00] =	vst v10;
	v10 =	vmul.f32 v21, v19  }
.LBB2_12:
0x1e8: {  	p4 =	sne.s32 s12, $0x7E00;
	v11 =	vld [tilespmem:s11+$0xBD70];
	[tilespmem:s10+$0xFD10] =	vst v9;
	v0 =	vmul.f32 v0, v8  }
0x1e9: {  	v8 =	vld [tilespmem:s11+$0xDD00];
	[tilespmem:s10+$0xFD20] =	vst v10;
	v4 =	vmul.f32 v4, v6  }
0x1ea: {  	v6 =	vld [tilespmem:s11+$0x13D70];
	[tilespmem:s10+$0xFD30] =	vst v0;
	v0 =	vmul.f32 v2, v5  }
0x1eb: {  	v2 =	vld [tilespmem:s11+$0xBD00];
	[tilespmem:s10+$0xFD40] =	vst v4;
	v3 =	vmul.f32 v3, v7  }
0x1ec: {  	v4 =	vld [tilespmem:s11+$0xDD10];
	[tilespmem:s10+$0xFD50] =	vst v0  }
0x1ed: {  	v0 =	vld [tilespmem:s11+$0xBD10];
	v1 =	vadd.f32 v11, v1;
	[tilespmem:s10+$0xFD60] =	vst v3;
	s10 =	smov.u32 s11  }
0x1ee: {  	v3 =	vld [tilespmem:s10+$0xDD20]  }
0x1ef: {  	v5 =	vld [tilespmem:s10+$0xBD20];
	v1 =	vmul.f32 v1, v6  }
0x1f0: {  	v7 =	vadd.f32 v2, v8;
	v2 =	vld [tilespmem:s10+$0xDD30]  }
0x1f1: {  	v6 =	vld [tilespmem:s10+$0xBD30];
	[tilespmem:s10+$0xFD70] =	vst v1  }
0x1f2: {  	v1 =	vadd.f32 v0, v4;
	v4 =	vld [tilespmem:s10+$0xDD40]  }
0x1f3: {  	v8 =	vld [tilespmem:s10+$0xBD40]  }
0x1f4: {  	v10 =	vadd.f32 v5, v3;
	v3 =	vld [tilespmem:s10+$0xDD50]  }
0x1f5: {  	v5 =	vld [tilespmem:s10+$0xBD50]  }
0x1f6: {  	v0 =	vadd.f32 v6, v2;
	v9 =	vld [tilespmem:s10+$0xDD60]  }
0x1f7: {  	v11 =	vld [tilespmem:s10+$0xBD60]  }
0x1f8: {  	v12 =	vld [tilespmem:s10+$0x13D00];
	v4 =	vadd.f32 v8, v4  }
0x1f9: {  	v13 =	vld [tilespmem:s10+$0x13D10]  }
0x1fa: {  	v14 =	vld [tilespmem:s10+$0x13D20];
	v2 =	vadd.f32 v5, v3  }
.Ltmp8:
0x1fb: {  	v8 =	vld [tilespmem:s10+$0x13D30];
	(pc) =	sbr.rel @p4 .LBB2_12-.Ltmp8, $4  }
0x1fc: {  	v6 =	vld [tilespmem:s10+$0x13D40];
	v3 =	vadd.f32 v11, v9  }
0x1fd: {  	v11 =	vmul.f32 v7, v12;
	v5 =	vld [tilespmem:s10+$0x13D50]  }
0x1fe: {  	s11 =	sshra.s32 s12, $0x2;
	v9 =	vmul.f32 v1, v13;
	v7 =	vld [tilespmem:s10+$0x13D60]  }
0x1ff: {  	s12 =	sadd.s32 $0x200, s12;
	v1 =	vld [tilespmem:s11+$0xDD70];
	[tilespmem:s10+$0xFD00] =	vst v11;
	v10 =	vmul.f32 v10, v14  }
0x200: {  	v11 =	vld [tilespmem:s11+$0xBD70];
	[tilespmem:s10+$0xFD10] =	vst v9;
	v0 =	vmul.f32 v0, v8  }
0x201: {  	v9 =	vld [tilespmem:s11+$0xDD00];
	[tilespmem:s10+$0xFD20] =	vst v10;
	v4 =	vmul.f32 v4, v6  }
0x202: {  	v8 =	vld [tilespmem:s11+$0x13D70];
	[tilespmem:s10+$0xFD30] =	vst v0;
	v2 =	vmul.f32 v2, v5  }
0x203: {  	v0 =	vld [tilespmem:s11+$0xBD00];
	[tilespmem:s10+$0xFD40] =	vst v4;
	v3 =	vmul.f32 v3, v7  }
0x204: {  	v4 =	vld [tilespmem:s11+$0xDD10];
	[tilespmem:s10+$0xFD50] =	vst v2  }
0x205: {  	v2 =	vld [tilespmem:s11+$0xBD10];
	[tilespmem:s10+$0xFD60] =	vst v3  }
0x206: {  	v3 =	vld [tilespmem:s11+$0xDD20]  }
0x207: {  	v5 =	vld [tilespmem:s11+$0xBD20]  }
0x208: {  	v6 =	vld [tilespmem:s11+$0xDD30]  }
0x209: {  	v7 =	vld [tilespmem:s11+$0xBD30]  }
0x20a: {  	v10 =	vld [tilespmem:s11+$0xDD50]  }
0x20b: {  	v1 =	vadd.f32 v11, v1;
	v11 =	vld [tilespmem:s11+$0xBD50]  }
0x20c: {  	v12 =	vld [tilespmem:s11+$0xDD60]  }
0x20d: {  	v13 =	vld [tilespmem:s11+$0xBD60]  }
0x20e: {  	v14 =	vld [tilespmem:s11+$0x13D00]  }
0x20f: {  	v15 =	vld [tilespmem:s11+$0x13D10]  }
0x210: {  	v16 =	vld [tilespmem:s11+$0x13D20];
	v1 =	vmul.f32 v1, v8  }
0x211: {  	v8 =	vld [tilespmem:s11+$0xBD40]  }
0x212: {  	[tilespmem:s11+$0xFD70] =	vst v1;
	v1 =	vld [tilespmem:s11+$0xDD40]  }
0x213: {  	v0 =	vadd.f32 v0, v9;
	v9 =	vld [tilespmem:s11+$0x13D30]  }
0x214: {  	v2 =	vadd.f32 v2, v4;
	v4 =	vld [tilespmem:s11+$0x13D40]  }
0x215: {  	v3 =	vadd.f32 v5, v3;
	v0 =	vmul.f32 v0, v14;
	v5 =	vld [tilespmem:s11+$0x13D50]  }
0x216: {  	v6 =	vadd.f32 v7, v6;
	v7 =	vld [tilespmem:s11+$0x13D60];
	v2 =	vmul.f32 v2, v15  }
0x217: {  	[tilespmem:s11+$0xFD00] =	vst v0;
	v0 =	vmul.f32 v3, v16;
	v1 =	vadd.f32 v8, v1  }
0x218: {  	v3 =	vadd.f32 v11, v10;
	[tilespmem:s11+$0xFD10] =	vst v2;
	v2 =	vmul.f32 v6, v9  }
0x219: {  	v6 =	vadd.f32 v13, v12;
	[tilespmem:s11+$0xFD20] =	vst v0;
	v0 =	vmul.f32 v1, v4  }
0x21a: {  	[tilespmem:s11+$0xFD30] =	vst v2;
	v1 =	vmul.f32 v3, v5  }
0x21b: {  	[tilespmem:s11+$0xFD40] =	vst v0;
	v0 =	vmul.f32 v6, v7  }
0x21c: {  	[tilespmem:s11+$0xFD50] =	vst v1  }
0x21d: {  	s21 =	rddreg [dreg:$0x12];
	[tilespmem:s11+$0xFD60] =	vst v0  }
0x21e: {  	[hbm4b:s21+s1] =	stream.linear.scatter [tilespmem:s6], [sflag:$0x3], $0x2000, $0x38;
	[tilespmem:$0x1FD00] =	vst v63  }
0x21f: {  	_ =	swait.ge [sflag:s2], $0x2000  }
0x220: {  	[sflag:s2] =	ssyncset.done $0x0  }
0x221: {  	s10 =	simm.s32 @!p1 $0xFD00;
	[sflag:s2] =	ssyncadd.s32 $0xFFFFE000  }
0x222: {  	[spmem:s18] =	stream.linear.scatter @!p1 [tilespmem:s10], [sflag:$0x3], $0x2000, $0x38;
	[tilespmem:$0x1FD00] =	vst v63  }
0x223: {  	s10 =	simm.s32 @!p1 $0x3  }
0x224: {  	_ =	swait.ge @!p1 [sflag:s10], $0x2000  }
0x225: {  	[sflag:s10] =	ssyncset.done @!p1 $0x0  }
0x226: {  	[sflag:s10] =	ssyncadd.s32 @!p1 $0xFFFFE000  }
0x227: {  	[tilespmem:s25], [sflag:$0x3] =	stream.linear.gather [spmem:s0], $0x2000, $0x38;
	[tilespmem:$0x1FD00] =	vst v63  }
0x228: {  	_ =	swait.ge [sflag:s2], $0x2000  }
0x229: {  	[sflag:s2] =	ssyncset.done $0x0  }
0x22a: {  	[sflag:s2] =	ssyncadd.s32 $0xFFFFE000  }
0x22b: {  	_ =	swait.ge [sflag:s3], $0x2000  }
0x22c: {  	[sflag:s3] =	ssyncset.done $0x0  }
0x22d: {  	[sflag:s3] =	ssyncadd.s32 $0xFFFFE000  }
0x22e: {  	_ =	swait.ge [sflag:s3], $0x2000  }
0x22f: {  	[sflag:s3] =	ssyncset.done $0x0  }
0x230: {  	s10 =	simm.s32 $0x0;
	[sflag:s3] =	ssyncadd.s32 $0xFFFFE000  }
0x231: {  	v0 =	vld [tilespmem:s10+$0xDD70]  }
0x232: {  	v1 =	vld [tilespmem:s10+$0x9D70]  }
0x233: {  	v2 =	vld [tilespmem:s10+$0xDD00]  }
0x234: {  	v3 =	vld [tilespmem:s10+$0x11D70]  }
0x235: {  	v4 =	vld [tilespmem:s10+$0x9D00]  }
0x236: {  	v5 =	vld [tilespmem:s10+$0xDD10]  }
0x237: {  	v7 =	vld [tilespmem:s10+$0x9D10]  }
0x238: {  	v9 =	vld [tilespmem:s10+$0x9D20]  }
0x239: {  	v10 =	vld [tilespmem:s10+$0x9D30]  }
0x23a: {  	v11 =	vld [tilespmem:s10+$0xDD40]  }
0x23b: {  	v59 =	vld [tilespmem:s10+$0x9D40]  }
0x23c: {  	v60 =	vld [tilespmem:s10+$0xDD50]  }
0x23d: {  	v61 =	vld [tilespmem:s10+$0x9D50]  }
0x23e: {  	v62 =	vld [tilespmem:s10+$0xDD60]  }
0x23f: {  	v63 =	vld [tilespmem:s10+$0x9D60]  }
0x240: {  	v17 =	vld [tilespmem:s10+$0x11D00];
	v0 =	vadd.f32 v1, v0  }
0x241: {  	v1 =	vld [tilespmem:s10+$0xDD20]  }
0x242: {  	v0 =	vmul.f32 v0, v3;
	v3 =	vld [tilespmem:s10+$0xDD30]  }
0x243: {  	v18 =	vld [tilespmem:s10+$0x11D10]  }
0x244: {  	v19 =	vld [tilespmem:s10+$0x11D20]  }
0x245: {  	v8 =	vld [tilespmem:s10+$0x11D30];
	v2 =	vadd.f32 v4, v2  }
0x246: {  	v6 =	vld [tilespmem:s10+$0x11D40];
	v20 =	vadd.f32 v7, v5  }
0x247: {  	v5 =	vld [tilespmem:s10+$0x11D50];
	[tilespmem:s10+$0xFD70] =	vst v0;
	v21 =	vadd.f32 v9, v1;
	v0 =	vadd.f32 v10, v3;
	v10 =	vmul.f32 v2, v17  }
0x248: {  	s11 =	simm.s32 $0x80;
	v7 =	vld [tilespmem:s10+$0x11D60];
	v4 =	vadd.f32 v59, v11;
	v9 =	vmul.f32 v20, v18  }
0x249: {  	s12 =	simm.s32 $0x400;
	v1 =	vld [tilespmem:s11+$0xDD70];
	v2 =	vadd.f32 v61, v60;
	v3 =	vadd.f32 v63, v62;
	[tilespmem:s10+$0xFD00] =	vst v10;
	v10 =	vmul.f32 v21, v19  }
.LBB2_14:
0x24a: {  	p4 =	sne.s32 s12, $0x7E00;
	v11 =	vld [tilespmem:s11+$0x9D70];
	[tilespmem:s10+$0xFD10] =	vst v9;
	v0 =	vmul.f32 v0, v8  }
0x24b: {  	v8 =	vld [tilespmem:s11+$0xDD00];
	[tilespmem:s10+$0xFD20] =	vst v10;
	v4 =	vmul.f32 v4, v6  }
0x24c: {  	v6 =	vld [tilespmem:s11+$0x11D70];
	[tilespmem:s10+$0xFD30] =	vst v0;
	v0 =	vmul.f32 v2, v5  }
0x24d: {  	v2 =	vld [tilespmem:s11+$0x9D00];
	[tilespmem:s10+$0xFD40] =	vst v4;
	v3 =	vmul.f32 v3, v7  }
0x24e: {  	v4 =	vld [tilespmem:s11+$0xDD10];
	[tilespmem:s10+$0xFD50] =	vst v0  }
0x24f: {  	v0 =	vld [tilespmem:s11+$0x9D10];
	v1 =	vadd.f32 v11, v1;
	[tilespmem:s10+$0xFD60] =	vst v3;
	s10 =	smov.u32 s11  }
0x250: {  	v3 =	vld [tilespmem:s10+$0xDD20]  }
0x251: {  	v5 =	vld [tilespmem:s10+$0x9D20];
	v1 =	vmul.f32 v1, v6  }
0x252: {  	v7 =	vadd.f32 v2, v8;
	v2 =	vld [tilespmem:s10+$0xDD30]  }
0x253: {  	v6 =	vld [tilespmem:s10+$0x9D30];
	[tilespmem:s10+$0xFD70] =	vst v1  }
0x254: {  	v1 =	vadd.f32 v0, v4;
	v4 =	vld [tilespmem:s10+$0xDD40]  }
0x255: {  	v8 =	vld [tilespmem:s10+$0x9D40]  }
0x256: {  	v10 =	vadd.f32 v5, v3;
	v3 =	vld [tilespmem:s10+$0xDD50]  }
0x257: {  	v5 =	vld [tilespmem:s10+$0x9D50]  }
0x258: {  	v0 =	vadd.f32 v6, v2;
	v9 =	vld [tilespmem:s10+$0xDD60]  }
0x259: {  	v11 =	vld [tilespmem:s10+$0x9D60]  }
0x25a: {  	v12 =	vld [tilespmem:s10+$0x11D00];
	v4 =	vadd.f32 v8, v4  }
0x25b: {  	v13 =	vld [tilespmem:s10+$0x11D10]  }
0x25c: {  	v14 =	vld [tilespmem:s10+$0x11D20];
	v2 =	vadd.f32 v5, v3  }
.Ltmp9:
0x25d: {  	v8 =	vld [tilespmem:s10+$0x11D30];
	(pc) =	sbr.rel @p4 .LBB2_14-.Ltmp9, $4  }
0x25e: {  	v6 =	vld [tilespmem:s10+$0x11D40];
	v3 =	vadd.f32 v11, v9  }
0x25f: {  	v11 =	vmul.f32 v7, v12;
	v5 =	vld [tilespmem:s10+$0x11D50]  }
0x260: {  	s11 =	sshra.s32 s12, $0x2;
	v9 =	vmul.f32 v1, v13;
	v7 =	vld [tilespmem:s10+$0x11D60]  }
0x261: {  	s12 =	sadd.s32 $0x200, s12;
	v1 =	vld [tilespmem:s11+$0xDD70];
	[tilespmem:s10+$0xFD00] =	vst v11;
	v10 =	vmul.f32 v10, v14  }
0x262: {  	v11 =	vld [tilespmem:s11+$0x9D70];
	[tilespmem:s10+$0xFD10] =	vst v9;
	v0 =	vmul.f32 v0, v8  }
0x263: {  	v9 =	vld [tilespmem:s11+$0xDD00];
	[tilespmem:s10+$0xFD20] =	vst v10;
	v4 =	vmul.f32 v4, v6  }
0x264: {  	v46 =	vld [tilespmem:s11+$0x11D70];
	[tilespmem:s10+$0xFD30] =	vst v0;
	v2 =	vmul.f32 v2, v5  }
0x265: {  	v0 =	vld [tilespmem:s11+$0x9D00];
	[tilespmem:s10+$0xFD40] =	vst v4;
	v3 =	vmul.f32 v3, v7  }
0x266: {  	v4 =	vld [tilespmem:s11+$0xDD10];
	[tilespmem:s10+$0xFD50] =	vst v2  }
0x267: {  	v2 =	vld [tilespmem:s11+$0x9D10];
	[tilespmem:s10+$0xFD60] =	vst v3  }
0x268: {  	v3 =	vld [tilespmem:s11+$0xDD20]  }
0x269: {  	v47 =	vld [tilespmem:s11+$0x9D20]  }
0x26a: {  	v48 =	vld [tilespmem:s11+$0xDD30]  }
0x26b: {  	v49 =	vld [tilespmem:s11+$0x9D30]  }
0x26c: {  	v50 =	vld [tilespmem:s11+$0xDD40]  }
0x26d: {  	v51 =	vld [tilespmem:s11+$0x9D40]  }
0x26e: {  	v10 =	vld [tilespmem:s11+$0xDD50]  }
0x26f: {  	v52 =	vld [tilespmem:s11+$0x9D50]  }
0x270: {  	v12 =	vld [tilespmem:s11+$0xDD60]  }
0x271: {  	v13 =	vld [tilespmem:s11+$0x9D60]  }
0x272: {  	v14 =	vld [tilespmem:s11+$0x11D00]  }
0x273: {  	v15 =	vld [tilespmem:s11+$0x11D10]  }
0x274: {  	v1 =	vadd.f32 v11, v1;
	v16 =	vld [tilespmem:s11+$0x11D20]  }
0x275: {  	v53 =	vld [tilespmem:s11+$0x11D30];
	v0 =	vadd.f32 v0, v9  }
0x276: {  	v54 =	vld [tilespmem:s11+$0x11D40];
	v1 =	vmul.f32 v1, v46;
	v2 =	vadd.f32 v2, v4  }
0x277: {  	v55 =	vld [tilespmem:s11+$0x11D50];
	v3 =	vadd.f32 v47, v3;
	v0 =	vmul.f32 v0, v14  }
0x278: {  	v56 =	vld [tilespmem:s11+$0x11D60];
	[tilespmem:s11+$0xFD70] =	vst v1;
	v6 =	vadd.f32 v49, v48;
	v2 =	vmul.f32 v2, v15  }
0x279: {  	v1 =	vadd.f32 v51, v50;
	[tilespmem:s11+$0xFD00] =	vst v0;
	v57 =	vmul.f32 v3, v16  }
0x27a: {  	v58 =	vadd.f32 v52, v10;
	v59 =	vmul.f32 v6, v53;
	[tilespmem:s11+$0xFD10] =	vst v2  }
0x27b: {  	v60 =	vadd.f32 v13, v12;
	v61 =	vmul.f32 v1, v54;
	[tilespmem:s11+$0xFD20] =	vst v57  }
0x27c: {  	v62 =	vmul.f32 v58, v55;
	[tilespmem:s11+$0xFD30] =	vst v59  }
0x27d: {  	v63 =	vmul.f32 v60, v56;
	[tilespmem:s11+$0xFD40] =	vst v61  }
0x27e: {  	[tilespmem:s11+$0xFD50] =	vst v62  }
.Ltmp10:
0x27f: {  	s21 =	rddreg [dreg:$0x13];
	[tilespmem:s11+$0xFD60] =	vst v63;
	(pc) =	sbr.rel @p1 .LBB2_17-.Ltmp10, $4  }
0x280: {  	[hbm4b:s21+s1] =	stream.linear.scatter [tilespmem:s6], [sflag:$0x3], $0x2000, $0x38;
	[tilespmem:$0x1FD00] =	vst v63  }
0x281: {  	_ =	swait.ge [sflag:s2], $0x2000  }
0x282: {  	[sflag:s2] =	ssyncset.done $0x0  }
0x283: {  	[sflag:s2] =	ssyncadd.s32 $0xFFFFE000  }
0x284: {  	[spmem:s0] =	stream.linear.scatter [tilespmem:s6], [sflag:$0x3], $0x2000, $0x38;
	[tilespmem:$0x1FD00] =	vst v63  }
.Ltmp11:
0x285: {  	_ =	swait.ge [sflag:s2], $0x2000;
	(pc) =	sbr.rel @!p3 .LBB2_19-.Ltmp11, $4  }
.Ltmp12:
0x286: {  	[sflag:s2] =	ssyncset.done $0x0;
	(pc) =	sbr.rel @p3 .LBB2_18-.Ltmp12, $4  }
0x287: {  	[sflag:s2] =	ssyncadd.s32 $0xFFFFE000  }
0x288: {  	[bflag:$0x0] =	sbarrier.arrive $0xFFFF  }
0x289: {  	s10 =	rddreg [dreg:$0x18]  }
0x28a: {  	_ = 	snop  }
.LBB2_17:
0x28b: {  	s10 =	rddreg [dreg:$0x16]  }
0x28c: {  	[spmem:s8], [sflag:s7] =	dma.local [hbm:s10], $0x1400  }
.Ltmp13:
0x28d: {  	_ =	swait.ge [sflag:s2], $0x1400;
	(pc) =	sbr.rel @p2 .LBB2_19-.Ltmp13, $4  }
.Ltmp14:
0x28e: {  	[sflag:s2] =	ssyncset.done $0x0;
	(pc) =	sbr.rel @!p2 .LBB2_18-.Ltmp14, $4  }
0x28f: {  	[sflag:s2] =	ssyncadd.s32 $0xFFFFEC00  }
0x290: {  	[bflag:$0x0] =	sbarrier.arrive $0xFFFF  }
0x291: {  	s10 =	rddreg [dreg:$0x17]  }
0x292: {  	_ = 	snop  }
.LBB2_21:
0x293: {  	_ =	sfence.sel $0x180000  }
0x294: {  	[bflag:$0x0] =	sbarrier.arrive $0xFFFF  }
0x295: {  	_ =	strace $0x9000004A  }
0x296: {  	[bflag:$0x2] =	sbarrier.arrive $0xFFFF  }
0x297: {  	s0 =	rddreg [dreg:$0x3]  }
0x298: {  	s0 =	sadd.s32 @!p2 $0x100000, s0  }
0x299: {  	[sflag:s0] =	ssyncadd.tile.s32 @!p2 $0x1;
	_ =	shalt  }
.Lfunc_end2:
_tile_overlayer_lowered:
.L_overlay_start_2:
0x29a: {  	(tag) =	ssettag $0x2  }
0x29b: {  	s0 =	rddreg [dreg:$0x0];
	s2 =	stileid.u32  }
0x29c: {  	s1 =	rddreg [dreg:$0x1];
	p0 =	sne.s32 s2, $0x0  }
0x29d: {  	s3 =	rddreg [dreg:$0x2];
	[bflag:$0x3] =	sbarrier.arrive $0xFFFF;
	s2 =	simm.s32 @!p0 $0x1C03  }
0x29e: {  	[timem:s3], [sflag:s2] =	dma.local @!p0 [hbm:s0], s1  }
0x29f: {  	s0 =	simm.s32 @!p0 $0x3  }
0x2a0: {  	_ =	swait.ge @!p0 [sflag:s0], s1  }
0x2a1: {  	s1 =	ssub.s32 @!p0 $0x0, s1;
	[sflag:s0] =	ssyncset.done @!p0 $0x0  }
0x2a2: {  	[sflag:s0] =	ssyncadd.s32 @!p0 s1  }
0x2a3: {  	[bflag:$0x3] =	sbarrier.arrive $0xFFFF  }
0x2a4: {  	_ =	shalt  }

// kernel: kernel.7.cloned.1.call-start
scs
__scs_entry_jumppad:
0x0: {  	(pc) =	sbr.rel $0x88, $3  }
0x1: {  	(tag) =	ssettag $0x0;
	lr =	simm.s32 $0x1  }
0x2: {  	[smem:$0x3F9B] =	sst lr;
	_ =	strace $0xD0000000  }
0x3: {  	_ = 	snop  }
0x4: {  	_ = 	snop  }
0x5: {  	_ = 	snop  }
0x6: {  	_ = 	snop  }
0x7: {  	_ = 	snop  }
__scs_overlays_trampoline_lowered:
0x8: {  	[smem:$0x3FAA] =	sst s0  }
0x9: {  	[smem:$0x3FAB] =	sst s1  }
0xa: {  	[smem:$0x3FAC] =	sst s2  }
0xb: {  	[smem:$0x3FAD] =	sst s3  }
0xc: {  	[smem:$0x3FAE] =	sst s4  }
0xd: {  	[smem:$0x3FAF] =	sst s5  }
0xe: {  	[smem:$0x3FB0] =	sst s6  }
0xf: {  	[smem:$0x3FB1] =	sst s7  }
0x10: {  	[smem:$0x3FB2] =	sst s8  }
0x11: {  	[smem:$0x3FB3] =	sst s9;
	s0 =	simm.s32 @!p0 $0x0  }
0x12: {  	s1 =	sld [smem:$0x3F99];
	s0 =	simm.s32 @p0 $0x1  }
0x13: {  	[smem:$0x3FB4] =	sst s0;
	s0 =	simm.s32 @!p1 $0x0  }
0x14: {  	s2 =	sld [smem:$0x3F98];
	s0 =	simm.s32 @p1 $0x1  }
0x15: {  	[smem:$0x3FB5] =	sst s0;
	s0 =	simm.s32 @!p2 $0x0  }
0x16: {  	s3 =	sld [smem:$0x3FDB];
	s0 =	simm.s32 @p2 $0x1  }
0x17: {  	s4 =	simm.s32 $0x1BF5;
	[smem:$0x3FB7] =	sst s0  }
0x18: {  	s0 =	sld [smem:$0x3F9A];
	_ =	swait.ge [sflag:s4], $0x0  }
0x19: {  	s7 =	sld [smem:$0x3F9B]  }
0x1a: {  	s8 =	sadd.s32 $0xFFFFE003, lr  }
0x1b: {  	s9 =	sadd.s32 $0xFFFFFEF7, lr;
	s5 =	simm.s32 $0xFFFFFFFF;
	p2 =	slt.u32 s8, $0xFFFFF086  }
0x1c: {  	p1 =	slt.u32 s9, $0xF7A;
	s5 =	simm.s32 @!p2 $0x0  }
0x1d: {  	s5 =	simm.s32 @p1 $0x1;
	p0 =	seq.s32 s7, s2  }
0x1e: {  	s7 =	smul.u32 @!p0 $0xF7A, s2;
	p2 =	seq.s32 @!p0 s5, $0x0  }
0x1f: {  	s9 =	smul.u32 $0xF7A, s1;
	s8 =	simm.s32 @!p0 $0x1BF5;
	p2 =	por !p2, p0  }
0x20: {  	[sflag:s8] =	ssyncset.s32 @!p0 $0xFFFFF086;
	s6 =	sadd.s32 @!p0 s3, s7;
	s7 =	simm.s32 @!p0 $0x108  }
0x21: {  	s3 =	sadd.s32 s3, s9;
	s6 =	sadd.s32 @!p0 $0x88, s6;
	s7 =	simm.s32 @p2 $0x1082  }
0x22: {  	[simem:s7], [sflag:s8] =	dma.local @!p0 [hbm:s6], $0xF7A  }
0x23: {  	s9 =	sor.u32 $0xD0000000, s2;
	s6 =	simm.s32 $0x108;
	_ =	swait.ge @!p0 [sflag:s8], $0x0  }
0x24: {  	s3 =	sadd.s32 $0x88, s3;
	s6 =	simm.s32 @!p1 $0x1082;
	[sflag:s4] =	ssyncset.s32 $0xFFFFF086  }
0x25: {  	[simem:s6], [sflag:s4] =	dma.local [hbm:s3], $0xF7A  }
0x26: {  	[smem:$0x3F9B] =	sst s1;
	(tag) =	ssettag s2;
	_ =	strace s9  }
0x27: {  	s1 =	sld [smem:$0x3FAB]  }
0x28: {  	s2 =	sld [smem:$0x3FAC]  }
0x29: {  	s4 =	sld [smem:$0x3FAE]  }
0x2a: {  	p0 =	seq.s32 s5, $0x0;
	s5 =	sld [smem:$0x3FAF]  }
0x2b: {  	s6 =	sld [smem:$0x3FB0]  }
0x2c: {  	s7 =	sld [smem:$0x3FB1]  }
0x2d: {  	s3 =	simm.s32 $0x108;
	s8 =	sld [smem:$0x3FB2]  }
0x2e: {  	s3 =	simm.s32 @!p0 $0x1082;
	s9 =	sld [smem:$0x3FB3]  }
0x2f: {  	lr =	sadd.s32 s0, s3;
	s0 =	sld [smem:$0x3FAA]  }
0x30: {  	s3 =	sld [smem:$0x3FAD]  }
0x31: {  	[smem:$0x3FB6] =	sst s10  }
0x32: {  	s10 =	sld [smem:$0x3FB4];
	_ =	sdelay $0x3  }
0x33: {  	p0 =	seq.s32 s10, $0x1;
	s10 =	sld [smem:$0x3FB6];
	_ =	sdelay $0x3  }
0x34: {  	[smem:$0x3FB6] =	sst s10  }
0x35: {  	s10 =	sld [smem:$0x3FB5];
	_ =	sdelay $0x3  }
0x36: {  	p1 =	seq.s32 s10, $0x1;
	s10 =	sld [smem:$0x3FB6];
	_ =	sdelay $0x3  }
0x37: {  	[smem:$0x3FB6] =	sst s10  }
0x38: {  	s10 =	sld [smem:$0x3FB7]  }
0x39: {  	_ = 	snop;
	(pc) =	sbr.ind lr, $3  }
0x3a: {  	_ = 	snop  }
0x3b: {  	_ = 	snop  }
0x3c: {  	p2 =	seq.s32 s10, $0x1;
	s10 =	sld [smem:$0x3FB6]  }
0x3d: {  	_ =	shalt  }
0x3e: {  	_ =	shalt  }
0x3f: {  	_ =	shalt  }
0x40: {  	_ =	shalt  }
0x41: {  	_ =	shalt  }
0x42: {  	_ =	shalt  }
0x43: {  	_ =	shalt  }
0x44: {  	_ =	shalt  }
0x45: {  	_ =	shalt  }
0x46: {  	_ =	shalt  }
0x47: {  	_ =	shalt  }
0x48: {  	_ =	shalt  }
0x49: {  	_ =	shalt  }
0x4a: {  	_ =	shalt  }
0x4b: {  	_ =	shalt  }
0x4c: {  	_ =	shalt  }
0x4d: {  	_ =	shalt  }
0x4e: {  	_ =	shalt  }
0x4f: {  	_ =	shalt  }
0x50: {  	_ =	shalt  }
0x51: {  	_ =	shalt  }
0x52: {  	_ =	shalt  }
0x53: {  	_ =	shalt  }
0x54: {  	_ =	shalt  }
0x55: {  	_ =	shalt  }
0x56: {  	_ =	shalt  }
0x57: {  	_ =	shalt  }
0x58: {  	_ =	shalt  }
0x59: {  	_ =	shalt  }
0x5a: {  	_ =	shalt  }
0x5b: {  	_ =	shalt  }
0x5c: {  	_ =	shalt  }
0x5d: {  	_ =	shalt  }
0x5e: {  	_ =	shalt  }
0x5f: {  	_ =	shalt  }
0x60: {  	_ =	shalt  }
0x61: {  	_ =	shalt  }
0x62: {  	_ =	shalt  }
0x63: {  	_ =	shalt  }
0x64: {  	_ =	shalt  }
0x65: {  	_ =	shalt  }
0x66: {  	_ =	shalt  }
0x67: {  	_ =	shalt  }
0x68: {  	_ =	shalt  }
0x69: {  	_ =	shalt  }
0x6a: {  	_ =	shalt  }
0x6b: {  	_ =	shalt  }
0x6c: {  	_ =	shalt  }
0x6d: {  	_ =	shalt  }
0x6e: {  	_ =	shalt  }
0x6f: {  	_ =	shalt  }
0x70: {  	_ =	shalt  }
0x71: {  	_ =	shalt  }
0x72: {  	_ =	shalt  }
0x73: {  	_ =	shalt  }
0x74: {  	_ =	shalt  }
0x75: {  	_ =	shalt  }
0x76: {  	_ =	shalt  }
0x77: {  	_ =	shalt  }
0x78: {  	_ =	shalt  }
0x79: {  	_ =	shalt  }
0x7a: {  	_ =	shalt  }
0x7b: {  	_ =	shalt  }
0x7c: {  	_ =	shalt  }
0x7d: {  	_ =	shalt  }
0x7e: {  	_ =	shalt  }
0x7f: {  	_ =	shalt  }
0x80: {  	_ =	shalt  }
0x81: {  	_ =	shalt  }
0x82: {  	_ =	shalt  }
0x83: {  	_ =	shalt  }
0x84: {  	_ =	shalt  }
0x85: {  	_ =	shalt  }
0x86: {  	_ =	shalt  }
0x87: {  	_ =	shalt  }
.Lfunc_end0:
.L_simem_size_0:
called_computation_lowered:
.L_overlay_start_0:
0x88: {  	s2 =	sld [smem:$0x3FD9]  }
0x89: {  	s3 =	sld [smem:$0x3FFE];
	_ =	sdelay $0x1  }
0x8a: {  	s1 =	srdreg.scid  }
0x8b: {  	s0 =	sand.u32 $0x1, s1  }
0x8c: {  	s17 =	sshll.u32 s0, $0xA;
	s2 =	sadd.s32 s3, s2  }
0x8d: {  	s2 =	sadd.s32 s2, s17  }
0x8e: {  	[smem:$0x3FC2] =	sst s2  }
0x8f: {  	_ = 	snop  }
0x90: {  	s2 =	sld [smem:$0x3FD0];
	(tm) =	ssettm $0x1  }
0x91: {  	s18 =	sld [smem:$0x3FFB];
	_ =	sdelay $0x3  }
0x92: {  	_ =	strace s18  }
0x93: {  	s3 =	sld [smem:$0x3FFC];
	_ =	sdelay $0x3  }
0x94: {  	_ =	strace s3  }
0x95: {  	s3 =	sld [smem:$0x3FFD];
	_ =	sdelay $0x3  }
0x96: {  	_ =	strace s3  }
0x97: {  	_ =	strace $0x8FFFFFFF  }
0x98: {  	s19 =	sld [smem:$0x3FDB];
	_ =	sdelay $0x1  }
0x99: {  	s4 =	simm.s32 $_scs_section_size  }
0x9a: {  	s5 =	simm.s32 $_size__tile_overlayer_lowered;
	s6 =	simm.s32 $_tile_overlayer_lowered  }
0x9b: {  	s22 =	simm.s32 $0x1BFF;
	s21 =	sshll.u32 s6, $0x1;
	s3 =	sadd.s32 s4, s19  }
0x9c: {  	s7 =	simm.s32 $0x0;
	s20 =	sshll.u32 s5, $0x1;
	s5 =	sadd.s32 s21, s3  }
0x9d: {  	[timem:s7], [sflag:s22] =	dma.local [hbm:s5], s20  }
0x9e: {  	_ =	swait.ge [sflag:s22], s20  }
0x9f: {  	s4 =	ssub.s32 $0x0, s20;
	[sflag:s22] =	ssyncset.done $0x0  }
0xa0: {  	[sflag:s22] =	ssyncadd.s32 s4;
	_ =	sdelay $0x1  }
0xa1: {  	s23 =	simm.s32 $0x1B8B  }
0xa2: {  	_ =	swait.ge [sflag:s23], $0x1  }
0xa3: {  	[sflag:s23] =	ssyncset.done $0x0  }
0xa4: {  	s25 =	simm.s32 $0x1B8E;
	s24 =	sld [smem:$0x3FFE];
	[sflag:s23] =	ssyncadd.s32 $0xFFFFFFFF  }
0xa5: {  	s26 =	simm.s32 $execute0_lowered;
	[smem:$0x3FD2] =	sst s25  }
0xa6: {  	s5 =	sshll.u32 s26, $0x1;
	_ =	strace $0x80000046;
	[dreg:$0x1] =	wrdreg $0xFFFFFFFF  }
0xa7: {  	s28 =	simm.s32 $_size_execute0_lowered;
	s3 =	sadd.s32 s3, s5;
	[dreg:$0x0] =	wrdreg $0x0  }
0xa8: {  	s5 =	sshll.u32 s28, $0x1;
	[dreg:$0x2] =	wrdreg s3  }
0xa9: {  	[dreg:$0x3] =	wrdreg s5  }
0xaa: {  	[dreg:$0x4] =	wrdreg $0xC0  }
0xab: {  	_ =	task [dreg:s7], $0x5FFFF  }
0xac: {  	[dreg:$0x1] =	wrdreg $0xFFFFFFFF  }
0xad: {  	[dreg:$0x0] =	wrdreg $0x60  }
0xae: {  	[dreg:$0x2] =	wrdreg s2  }
0xaf: {  	[dreg:$0x3] =	wrdreg s24  }
0xb0: {  	[dreg:$0x4] =	wrdreg $0x4F000  }
0xb1: {  	[dreg:$0x5] =	wrdreg $0x9  }
0xb2: {  	_ =	task.clear_ibuf [dreg:s7], $0x6FFFF;
	_ =	strace $0x90000046  }
0xb3: {  	s29 =	simm.s32 $0x9;
	_ =	strace $0x80000048  }
0xb4: {  	_ =	swait.ge [sflag:s29], $0x1  }
0xb5: {  	[sflag:s29] =	ssyncadd.s32 $0xFFFFFFFF  }
0xb6: {  	_ =	strace $0x90000048  }
0xb7: {  	_ =	sfence  }
0xb8: {  	s30 =	sld [smem:$0x0];
	_ =	sdelay $0x2  }
0xb9: {  	s31 =	sshll.u32 s1, $0xD;
	s1 =	sshrl.u32 s1, $0x2  }
0xba: {  	s3 =	sand.u32 $0x4000, s31;
	s1 =	sadd.s32 s1, s30  }
0xbb: {  	s0 =	sor.u32 s3, s0;
	s1 =	sshll.u32 s1, $0x11  }
0xbc: {  	s0 =	sor.u32 s1, s0  }
0xbd: {  	s0 =	sadd.s32 $0x8F2B, s0  }
0xbe: {  	[sflag:s0] =	ssyncadd.remote.s32 $0x1  }
0xbf: {  	_ =	sfence.sel $0xFFFF  }
0xc0: {  	[dreg:$0x0] =	wrdreg $0xFFFFFFFF;
	(pc) =	sbr.abs _section_cstart, $3  }
0xc1: {  	[dreg:$0x1] =	wrdreg $0xFFFFFFFF  }
0xc2: {  	_ =	task.clear_ibuf [dreg:s7], $0x2FFFF;
	_ =	strace $0x9FFFFFFF  }
0xc3: {  	(tm) =	ssettm $0x7FFFFFFF  }
tec
execute0_lowered:
.L_overlay_start_1:
0x0: {  	(tag) =	ssettag $0x1  }
0x1: {  	s5 =	rddreg [dreg:$0x0]  }
0x2: {  	s6 =	rddreg [dreg:$0x1]  }
0x3: {  	s2 =	rddreg [dreg:$0x2]  }
0x4: {  	s0 =	rddreg [dreg:$0x3];
	s1 =	stileid.u32  }
0x5: {  	s4 =	srdreg.scid;
	s3 =	simm.s32 $0x0;
	s13 =	simm.s32 $0x80  }
0x6: {  	s14 =	simm.s32 $0x100;
	s15 =	simm.s32 $0x1;
	s16 =	simm.s32 $0x0  }
0x7: {  	s7 =	smul.u32 $0x280, s1;
	s4 =	sand.u32 $0x1, s4;
	[smem:$0x7FF] =	sst s3  }
0x8: {  	s31 =	sshll.u32 s1, $0x6;
	s8 =	smul.u32 $0x2800, s4;
	_ =	strace $0x80000047  }
0x9: {  	s10 =	sshll.u32 s4, $0x4;
	s11 =	ssub.s32 $0x2, s4;
	s4 =	sadd.s32 $0x2800, s6  }
0xa: {  	s9 =	sshrl.u32 s7, $0x3;
	s10 =	sor.u32 s1, s10;
	s30 =	sshrl.u32 s11, $0x1  }
0xb: {  	s12 =	sadd.s32 s7, s2;
	s8 =	sadd.s32 s7, s8;
	s10 =	smul.u32 $0x9D0, s10  }
0xc: {  	s9 =	sadd.s32 s9, s6;
	s11 =	ssub.s32 s11, s30;
	s8 =	sshrl.u32 s8, $0x3  }
0xd: {  	s12 =	sshrl.u32 s12, $0x3;
	s8 =	sadd.s32 s8, s6;
	s5 =	sadd.s32 s5, s10  }
0xe: {  	s6 =	sadd.s32 $0x2200, s9;
	s9 =	simm.s32 $0x2;
	s10 =	simm.s32 $0x4E80  }
0xf: {  	s7 =	sadd.s32 $0x2A00, s8;
	s8 =	smax.u32 s11, $0x1;
	s11 =	sor.u32 $0x1C02, s31  }
.LBB2_1:
0x10: {  	[tilespmem:s3], [sflag:$0x2] =	stream.linear.gather [hbm4b:s5+s3], $0x4E80, $0x38;
	[tilespmem:$0x5180] =	vst v63  }
0x11: {  	_ =	swait.ge [sflag:s9], $0x4E80  }
0x12: {  	[sflag:s9] =	ssyncset.done $0x0  }
0x13: {  	[sflag:s9] =	ssyncadd.s32 $0xFFFFB180  }
0x14: {  	[tilespmem:s10], [sflag:$0x2] =	stream.linear.gather [hbm4b:s4+s3], $0x80, $0x38;
	[tilespmem:$0x5180] =	vst v63  }
0x15: {  	_ =	swait.ge [sflag:s9], $0x80  }
0x16: {  	[sflag:s9] =	ssyncset.done $0x0  }
0x17: {  	[sflag:s9] =	ssyncadd.s32 $0xFFFFFF80  }
0x18: {  	[spmem:s12], [sflag:s11] =	dma.local [hbm:s6], $0x50  }
0x19: {  	_ =	swait.ge [sflag:s9], $0x50  }
0x1a: {  	[sflag:s9] =	ssyncset.done $0x0  }
0x1b: {  	[sflag:s9] =	ssyncadd.s32 $0xFFFFFFB0  }
0x1c: {  	[bflag:$0x0] =	sbarrier.arrive $0xFFFF  }
0x1d: {  	[spmem:s2] =	stream.indirect.scatter.add.f32 [tilespmem:s10], [sflag:$0x1], $0x1, s3, s13, $0xb8;
	[tilespmem:$0x5180] =	vst v63  }
0x1e: {  	_ = 	snop  }
0x1f: {  	[spmem:s2] =	stream.indirect.scatter.add.f32 [tilespmem:s10], [sflag:$0x1], $0x1, s13, s13, $0xb8;
	[tilespmem:$0x5180] =	vst v63  }
0x20: {  	p0 =	por $0x0, $0x0  }
0x21: {  	[spmem:s2] =	stream.indirect.scatter.add.f32 [tilespmem:s10], [sflag:$0x1], $0x1, s14, s13, $0xb8;
	[tilespmem:$0x5180] =	vst v63  }
0x22: {  	s17 =	simm.s32 $0x180;
	s18 =	simm.s32 @!p0 $0x80;
	s19 =	simm.s32 @!p0 $0x4E80  }
0x23: {  	[spmem:s2] =	stream.indirect.scatter.add.f32 @!p0 [tilespmem:s19], [sflag:$0x1], $0x1, s17, s18, $0xb8;
	[tilespmem:$0x5180] =	vst v63  }
0x24: {  	_ =	swait.ge [sflag:s15], $0x80  }
0x25: {  	s18 =	simm.s32 $0x1;
	[sflag:s15] =	ssyncset.done $0x0  }
.LBB2_2:
0x26: {  	s19 =	smov.u32 s18;
	s18 =	sadd.s32 $0x1, s18  }
0x27: {  	[sflag:s15] =	ssyncadd.s32 $0xFFFFFF80;
	s17 =	sadd.s32 $0x80, s17;
	p1 =	sne.s32 s18, $0x9D  }
.Ltmp0:
0x28: {  	p0 =	sgt.u32 s19, $0x99;
	(pc) =	sbr.rel @p1 .LBB2_2-.Ltmp0, $4  }
0x29: {  	s19 =	simm.s32 @!p0 $0x80;
	s20 =	simm.s32 @!p0 $0x4E80  }
0x2a: {  	[spmem:s2] =	stream.indirect.scatter.add.f32 @!p0 [tilespmem:s20], [sflag:$0x1], $0x1, s17, s19, $0xb8;
	[tilespmem:$0x5180] =	vst v63  }
0x2b: {  	_ =	swait.ge [sflag:s15], $0x80  }
0x2c: {  	[sflag:s15] =	ssyncset.done $0x0  }
0x2d: {  	s16 =	sadd.s32 $0x1, s16  }
0x2e: {  	[sflag:s15] =	ssyncadd.s32 $0xFFFFFF80;
	p0 =	sne.s32 s16, s8  }
.Ltmp1:
0x2f: {  	[bflag:$0x0] =	sbarrier.arrive $0xFFFF;
	(pc) =	sbr.rel @p0 .LBB2_1-.Ltmp1, $4  }
0x30: {  	[hbm:s7], [sflag:s11] =	dma.local [spmem:s12], $0x50  }
0x31: {  	_ =	swait.ge [sflag:s9], $0x50  }
0x32: {  	[sflag:s9] =	ssyncset.done $0x0  }
0x33: {  	[sflag:s9] =	ssyncadd.s32 $0xFFFFFFB0  }
0x34: {  	_ =	sfence.sel $0x180000  }
0x35: {  	[bflag:$0x0] =	sbarrier.arrive $0xFFFF  }
0x36: {  	p0 =	sne.s32 s1, $0x0;
	_ =	strace $0x90000047  }
0x37: {  	s0 =	sadd.s32 @!p0 $0x100000, s0;
	[bflag:$0x2] =	sbarrier.arrive $0xFFFF  }
0x38: {  	[sflag:s0] =	ssyncadd.tile.s32 @!p0 $0x1;
	_ =	shalt  }
.Lfunc_end2:
_tile_overlayer_lowered:
.L_overlay_start_2:
0x39: {  	(tag) =	ssettag $0x2  }
0x3a: {  	s0 =	rddreg [dreg:$0x0];
	s2 =	stileid.u32  }
0x3b: {  	s1 =	rddreg [dreg:$0x1];
	p0 =	sne.s32 s2, $0x0  }
0x3c: {  	s3 =	rddreg [dreg:$0x2];
	[bflag:$0x3] =	sbarrier.arrive $0xFFFF;
	s2 =	simm.s32 @!p0 $0x1C02  }
0x3d: {  	[timem:s3], [sflag:s2] =	dma.local @!p0 [hbm:s0], s1  }
0x3e: {  	s0 =	simm.s32 @!p0 $0x2  }
0x3f: {  	_ =	swait.ge @!p0 [sflag:s0], s1  }
0x40: {  	s1 =	ssub.s32 @!p0 $0x0, s1;
	[sflag:s0] =	ssyncset.done @!p0 $0x0  }
0x41: {  	[sflag:s0] =	ssyncadd.s32 @!p0 s1  }
0x42: {  	[bflag:$0x3] =	sbarrier.arrive $0xFFFF  }
0x43: {  	_ =	shalt  }

</sc_bundles>
